<compile_context>
chip_gen: v7x
topology: tpu7x:2x2x1
jax: 0.10.2.dev20260603
libtpu: 0.0.44.dev20260713+nightly
codegen_flags: <defaults>
</compile_context>

<pallas_src>
import functools

import jax
import jax.numpy as jnp
from jax import lax
from jax.experimental import pallas as pl
from jax.experimental.pallas import tpu as pltpu
from jax.experimental.pallas import tpu_sc as plsc

_N = 10000
_E = 320000
_D = 128
_G = 64

_NCORES = 2
_NSUB = 16
_NW = _NCORES * _NSUB
_CH = 128
_NCHUNK = 80
_EPW = _CH * _NCHUNK
_EPAD = _EPW * _NW
_NB = 2
_SB = 8
_NSB = _NCHUNK // _SB
_NC0 = 120
_NC1 = 40
_E0 = _NSUB * _NC0 * _CH
_E1 = _NSUB * _NC1 * _CH
_NPAD = 10112
_RPT = _NPAD // _NSUB

_BN = 1000
_NBLK = _N // _BN



def _edge_agg_body(m0_hbm, m1_hbm, src_hbm, dst_hbm, z128, agg_out,
                   src_v, dst_v, rows_v, agg_sh, gsem, ssem, isem):
    cid = lax.axis_index("c")
    sid = lax.axis_index("s")
    wid = sid * _NCORES + cid

    rbase = sid * _RPT
    pltpu.sync_copy(z128.at[pl.ds(rbase, _RPT)], agg_sh.at[pl.ds(rbase, _RPT)])
    pltpu.sync_copy(src_hbm.at[wid], src_v)
    plsc.subcore_barrier()

    def run(m_hbm, nsb):
        def superblock(s, carry):
            c0 = s * _SB
            dd = pltpu.async_copy(
                dst_hbm.at[wid, pl.ds(pl.multiple_of(c0, _SB), _SB)],
                dst_v, isem)
            pend = []
            for k in range(_SB // _NB):
                for d in pend:
                    d.wait()
                pend = []
                gds = []
                for b in range(_NB):
                    gds.append(pltpu.async_copy(
                        m_hbm.at[src_v.at[c0 + k * _NB + b]],
                        rows_v.at[b], gsem))
                if k == 0:
                    dd.wait()
                for b in range(_NB):
                    gds[b].wait()
                    pend.append(pltpu.async_copy(
                        rows_v.at[b], agg_sh.at[dst_v.at[k * _NB + b]],
                        ssem, add=True))
            for d in pend:
                d.wait()
            return carry

        lax.fori_loop(0, nsb, superblock, 0)

    @pl.when(cid == 0)
    def _():
        run(m0_hbm, _NC0 // _SB)

    @pl.when(cid == 1)
    def _():
        run(m1_hbm, _NC1 // _SB)

    plsc.subcore_barrier()

    pltpu.sync_copy(agg_sh.at[pl.ds(rbase, _RPT)],
                    agg_out.at[cid, pl.ds(rbase, _RPT)])


def _make_edge_agg():
    mesh = plsc.VectorSubcoreMesh(core_axis_name="c", subcore_axis_name="s")
    return pl.kernel(
        _edge_agg_body,
        out_type=jax.ShapeDtypeStruct((_NCORES, _NPAD, _D), jnp.float32),
        mesh=mesh,
        scratch_types=[
            pltpu.VMEM((_NC0, _CH), jnp.int32),
            pltpu.VMEM((_SB, _CH), jnp.int32),
            pltpu.VMEM((_NB, _CH, _D), jnp.float32),
            pltpu.VMEM_SHARED((_NPAD, _D), jnp.float32),
            pltpu.SemaphoreType.DMA,
            pltpu.SemaphoreType.DMA,
            pltpu.SemaphoreType.DMA,
        ],
    )


def _deg_body(dst_hbm, z128, ones_hbm, deg_out,
              dst_full_v, dst_v, rows_v, deg_sh, gsem, ssem, isem):
    cid = lax.axis_index("c")
    sid = lax.axis_index("s")
    wid = sid * _NCORES + cid
    rbase = sid * _RPT
    pltpu.sync_copy(z128.at[pl.ds(rbase, _RPT)], deg_sh.at[pl.ds(rbase, _RPT)])
    pltpu.sync_copy(ones_hbm, rows_v.at[0])
    pltpu.sync_copy(dst_hbm.at[wid], dst_full_v)
    plsc.subcore_barrier()

    def superblock(s, carry):
        c0 = s * _SB
        pend = []
        for k in range(_SB // _NB):
            for d in pend:
                d.wait()
            pend = []
            for b in range(_NB):
                pend.append(pltpu.async_copy(
                    rows_v.at[0], deg_sh.at[dst_full_v.at[c0 + k * _NB + b]],
                    ssem, add=True))
        for d in pend:
            d.wait()
        return carry

    lax.fori_loop(0, _NSB, superblock, 0)
    plsc.subcore_barrier()
    pltpu.sync_copy(deg_sh.at[pl.ds(rbase, _RPT)],
                    deg_out.at[cid, pl.ds(rbase, _RPT)])


def _make_deg():
    mesh = plsc.VectorSubcoreMesh(core_axis_name="c", subcore_axis_name="s")
    return pl.kernel(
        _deg_body,
        out_type=jax.ShapeDtypeStruct((_NCORES, _NPAD, _D), jnp.float32),
        mesh=mesh,
        scratch_types=[
            pltpu.VMEM((_NCHUNK, _CH), jnp.int32),
            pltpu.VMEM((_SB, _CH), jnp.int32),
            pltpu.VMEM((_NB, _CH, _D), jnp.float32),
            pltpu.VMEM_SHARED((_NPAD, _D), jnp.float32),
            pltpu.SemaphoreType.DMA,
            pltpu.SemaphoreType.DMA,
            pltpu.SemaphoreType.DMA,
        ],
    )



def _mm_body(h_ref, w_ref, o_ref, o2_ref):
    m = jnp.dot(h_ref[...], w_ref[...], preferred_element_type=jnp.float32)
    o_ref[...] = m
    o2_ref[...] = m


def _matmul(h, w):
    return pl.pallas_call(
        _mm_body,
        grid=(_NBLK,),
        in_specs=[pl.BlockSpec((_BN, _D), lambda i: (i, 0)),
                  pl.BlockSpec((_D, _D), lambda i: (0, 0))],
        out_specs=[pl.BlockSpec((_BN, _D), lambda i: (i, 0)),
                   pl.BlockSpec((_BN, _D), lambda i: (i, 0))],
        out_shape=[jax.ShapeDtypeStruct((_N, _D), jnp.float32),
                   jax.ShapeDtypeStruct((_N, _D), jnp.float32)],
    )(h, w)


def _gru_math(parts, degp, h, wih_t, whh_t, bih, bhh):
    deg = jnp.maximum(degp[0, :, 0:1] + degp[1, :, 0:1], 1.0)
    agg = (parts[0] + parts[1]) / deg
    gi = jnp.dot(agg, wih_t, preferred_element_type=jnp.float32) + bih
    gh = jnp.dot(h, whh_t, preferred_element_type=jnp.float32) + bhh
    r = jax.nn.sigmoid(gi[:, :_D] + gh[:, :_D])
    z = jax.nn.sigmoid(gi[:, _D:2 * _D] + gh[:, _D:2 * _D])
    n = jnp.tanh(gi[:, 2 * _D:] + r * gh[:, 2 * _D:])
    return (1.0 - z) * n + z * h


def _gru_mm_body(parts_ref, deg_ref, h_ref, wih_ref, whh_ref, bih_ref,
                 bhh_ref, wnext_ref, h_out, m_out, m2_out):
    h_new = _gru_math(parts_ref[...], deg_ref[...], h_ref[...],
                      wih_ref[...], whh_ref[...], bih_ref[...], bhh_ref[...])
    h_out[...] = h_new
    m = jnp.dot(h_new, wnext_ref[...], preferred_element_type=jnp.float32)
    m_out[...] = m
    m2_out[...] = m


def _gru_and_next_m(parts, degp, h, wih_t, whh_t, bih, bhh, w_next):
    return pl.pallas_call(
        _gru_mm_body,
        grid=(_NBLK,),
        in_specs=[
            pl.BlockSpec((_NCORES, _BN, _D), lambda i: (0, i, 0)),
            pl.BlockSpec((_NCORES, _BN, _D), lambda i: (0, i, 0)),
            pl.BlockSpec((_BN, _D), lambda i: (i, 0)),
            pl.BlockSpec((_D, 3 * _D), lambda i: (0, 0)),
            pl.BlockSpec((_D, 3 * _D), lambda i: (0, 0)),
            pl.BlockSpec((1, 3 * _D), lambda i: (0, 0)),
            pl.BlockSpec((1, 3 * _D), lambda i: (0, 0)),
            pl.BlockSpec((_D, _D), lambda i: (0, 0)),
        ],
        out_specs=[pl.BlockSpec((_BN, _D), lambda i: (i, 0)),
                   pl.BlockSpec((_BN, _D), lambda i: (i, 0)),
                   pl.BlockSpec((_BN, _D), lambda i: (i, 0))],
        out_shape=[jax.ShapeDtypeStruct((_N, _D), jnp.float32),
                   jax.ShapeDtypeStruct((_N, _D), jnp.float32),
                   jax.ShapeDtypeStruct((_N, _D), jnp.float32)],
    )(parts, degp, h, wih_t, whh_t, bih, bhh, w_next)


def _gru_pool_body(parts_ref, deg_ref, h_ref, wih_ref, whh_ref, bih_ref,
                   bhh_ref, batch_ref, pooled_ref, cnt_ref):
    i = pl.program_id(0)
    h_new = _gru_math(parts_ref[...], deg_ref[...], h_ref[...],
                      wih_ref[...], whh_ref[...], bih_ref[...], bhh_ref[...])
    hr = jnp.maximum(h_new, 0.0)
    b = batch_ref[...]
    oh = (lax.broadcasted_iota(jnp.int32, (_BN, _G), 1) == b)
    oh = oh.astype(jnp.float32)
    pb = lax.dot_general(oh, hr, (((0,), (0,)), ((), ())),
                         preferred_element_type=jnp.float32)
    cb = jnp.sum(oh, axis=0)

    @pl.when(i == 0)
    def _():
        pooled_ref[...] = jnp.zeros_like(pooled_ref)
        cnt_ref[...] = jnp.zeros_like(cnt_ref)

    pooled_ref[...] += pb
    cnt_ref[...] += cb[:, None]


def _gru_and_pool(parts, degp, h, wih_t, whh_t, bih, bhh, batch2d):
    return pl.pallas_call(
        _gru_pool_body,
        grid=(_NBLK,),
        in_specs=[
            pl.BlockSpec((_NCORES, _BN, _D), lambda i: (0, i, 0)),
            pl.BlockSpec((_NCORES, _BN, _D), lambda i: (0, i, 0)),
            pl.BlockSpec((_BN, _D), lambda i: (i, 0)),
            pl.BlockSpec((_D, 3 * _D), lambda i: (0, 0)),
            pl.BlockSpec((_D, 3 * _D), lambda i: (0, 0)),
            pl.BlockSpec((1, 3 * _D), lambda i: (0, 0)),
            pl.BlockSpec((1, 3 * _D), lambda i: (0, 0)),
            pl.BlockSpec((_BN, 1), lambda i: (i, 0)),
        ],
        out_specs=[pl.BlockSpec((_G, _D), lambda i: (0, 0)),
                   pl.BlockSpec((_G, _D), lambda i: (0, 0))],
        out_shape=[jax.ShapeDtypeStruct((_G, _D), jnp.float32),
                   jax.ShapeDtypeStruct((_G, _D), jnp.float32)],
    )(parts, degp, h, wih_t, whh_t, bih, bhh, batch2d)


def _head_body(pooled_ref, cnt_ref, w1_ref, b1_ref, w2_ref, b2_ref,
               w3_ref, b3_ref, w4_ref, b4_ref, o_ref):
    mean = pooled_ref[...] / jnp.maximum(cnt_ref[...], 1.0)
    y = jnp.maximum(jnp.dot(mean, w1_ref[...],
                            preferred_element_type=jnp.float32) + b1_ref[...], 0.0)
    y = jnp.maximum(jnp.dot(y, w2_ref[...],
                            preferred_element_type=jnp.float32) + b2_ref[...], 0.0)
    y = jnp.maximum(jnp.dot(y, w3_ref[...],
                            preferred_element_type=jnp.float32) + b3_ref[...], 0.0)
    y = jnp.dot(y, w4_ref[...], preferred_element_type=jnp.float32) + b4_ref[...]
    m = jnp.max(y, axis=1, keepdims=True)
    lse = jnp.log(jnp.sum(jnp.exp(y - m), axis=1, keepdims=True)) + m
    o_ref[...] = y - lse


def _head(pooled, cnt, w1, b1, w2, b2, w3, b3, w4, b4):
    nc = 6
    args = (pooled, cnt, w1, b1, w2, b2, w3, b3, w4, b4)
    return pl.pallas_call(
        _head_body,
        in_specs=[pl.BlockSpec(a.shape, lambda: (0, 0)) for a in args],
        out_specs=pl.BlockSpec((_G, nc), lambda: (0, 0)),
        out_shape=jax.ShapeDtypeStruct((_G, nc), jnp.float32),
    )(*args)



def kernel(x, edge_index, batch, ggnn_weight, gru_w_ih, gru_w_hh, gru_b_ih,
           gru_b_hh, fc1_w, fc1_b, bn1_g, bn1_b, fc2_w, fc2_b, bn2_g, bn2_b,
           fc3_w, fc3_b, fc4_w, fc4_b):
    pad = _EPAD - _E
    srcp = jnp.concatenate([edge_index[0], jnp.zeros((pad,), jnp.int32)])
    junk = _N + (jnp.arange(pad, dtype=jnp.int32) % (_NPAD - _N))
    dstp = jnp.concatenate([edge_index[1], junk])

    dstb = dstp.reshape(_NW, _NCHUNK, _CH)

    def skew(flat, filler):
        ev = flat[:_E0].reshape(_NSUB, _NC0, _CH)
        od = jnp.concatenate(
            [flat[_E0:].reshape(_NSUB, _NC1, _CH),
             jnp.full((_NSUB, _NC0 - _NC1, _CH), filler, jnp.int32)], axis=1)
        return jnp.stack([ev, od], axis=1).reshape(_NW, _NC0, _CH)

    srcs = skew(srcp, 0)
    dsts = skew(dstp, _N)
    z128 = jnp.zeros((_NPAD, _D), jnp.float32)
    ones_rows = jnp.ones((_CH, _D), jnp.float32)

    wih_t = gru_w_ih.T
    whh_t = gru_w_hh.T
    bih = gru_b_ih[None, :]
    bhh = gru_b_hh[None, :]
    batch2d = batch[:, None]

    inv = 1.0 / jnp.sqrt(1.0 + 1e-5)
    w1 = fc1_w.T * (bn1_g * inv)[None, :]
    b1 = (fc1_b * bn1_g * inv + bn1_b)[None, :]
    w2 = fc2_w.T * (bn2_g * inv)[None, :]
    b2 = (fc2_b * bn2_g * inv + bn2_b)[None, :]
    w3 = fc3_w.T
    b3 = fc3_b[None, :]
    w4 = fc4_w.T
    b4 = fc4_b[None, :]

    agg_fn = _make_edge_agg()
    deg_fn = _make_deg()

    m1a, m1b = _matmul(x, ggnn_weight[0])
    degp = deg_fn(dstb, z128, ones_rows)
    parts1 = agg_fn(m1a, m1b, srcs, dsts, z128)
    h1, m2a, m2b = _gru_and_next_m(parts1, degp, x, wih_t, whh_t, bih, bhh,
                                   ggnn_weight[1])

    parts2 = agg_fn(m2a, m2b, srcs, dsts, z128)
    pooled, cnt = _gru_and_pool(parts2, degp, h1, wih_t, whh_t, bih, bhh,
                                batch2d)

    return _head(pooled, cnt, w1, b1, w2, b2, w3, b3, w4, b4)

# --- scband reference (transcript-rebuilt; emitter-appended) ---
"""Pipeline reference for scband-ggnn5-77764677862205 (READ-ONLY COPY).

The authoritative reference and input builder live on the scoring server;
editing this copy changes nothing except your own understanding.
"""

import jax, jax.numpy as jnp
import numpy as np

N = 10000
E = 320000
D = 128
G = 64
D2, D3, D4, NC = 64, 32, 32, 6
NUM_LAYERS = 2


def setup_inputs(seed: int = 0) -> dict:
    key = jax.random.key(seed)
    ks = jax.random.split(key, 24)
    x = jax.random.normal(ks[0], (N, D), dtype=jnp.float32)
    edge_index = jax.random.randint(ks[1], (2, E), 0, N, dtype=jnp.int32)
    batch = jnp.sort(jax.random.randint(ks[2], (N,), 0, G, dtype=jnp.int32))
    s = 0.05
    ggnn_weight = jax.random.normal(ks[3], (NUM_LAYERS, D, D), dtype=jnp.float32) * s
    gru_w_ih = jax.random.normal(ks[4], (3 * D, D), dtype=jnp.float32) * s
    gru_w_hh = jax.random.normal(ks[5], (3 * D, D), dtype=jnp.float32) * s
    gru_b_ih = jax.random.normal(ks[6], (3 * D,), dtype=jnp.float32) * s
    gru_b_hh = jax.random.normal(ks[7], (3 * D,), dtype=jnp.float32) * s
    fc1_w = jax.random.normal(ks[8], (D2, D), dtype=jnp.float32) * s
    fc1_b = jax.random.normal(ks[9], (D2,), dtype=jnp.float32) * s
    bn1_g = jnp.ones((D2,), dtype=jnp.float32)
    bn1_b = jnp.zeros((D2,), dtype=jnp.float32)
    fc2_w = jax.random.normal(ks[10], (D3, D2), dtype=jnp.float32) * s
    fc2_b = jax.random.normal(ks[11], (D3,), dtype=jnp.float32) * s
    bn2_g = jnp.ones((D3,), dtype=jnp.float32)
    bn2_b = jnp.zeros((D3,), dtype=jnp.float32)
    fc3_w = jax.random.normal(ks[12], (D4, D3), dtype=jnp.float32) * s
    fc3_b = jax.random.normal(ks[13], (D4,), dtype=jnp.float32) * s
    fc4_w = jax.random.normal(ks[14], (NC, D4), dtype=jnp.float32) * s
    fc4_b = jax.random.normal(ks[15], (NC,), dtype=jnp.float32) * s
    return {"x": x, "edge_index": edge_index, "batch": batch,
            "ggnn_weight": ggnn_weight, "gru_w_ih": gru_w_ih, "gru_w_hh": gru_w_hh,
            "gru_b_ih": gru_b_ih, "gru_b_hh": gru_b_hh,
            "fc1_w": fc1_w, "fc1_b": fc1_b, "bn1_g": bn1_g, "bn1_b": bn1_b,
            "fc2_w": fc2_w, "fc2_b": fc2_b, "bn2_g": bn2_g, "bn2_b": bn2_b,
            "fc3_w": fc3_w, "fc3_b": fc3_b, "fc4_w": fc4_w, "fc4_b": fc4_b}


def reference(x, edge_index, batch, ggnn_weight, gru_w_ih, gru_w_hh, gru_b_ih, gru_b_hh,
              fc1_w, fc1_b, bn1_g, bn1_b, fc2_w, fc2_b, bn2_g, bn2_b,
              fc3_w, fc3_b, fc4_w, fc4_b):
    src = edge_index[0]
    dst = edge_index[1]
    h = x
    deg = jax.ops.segment_sum(jnp.ones((E,), jnp.float32), dst, num_segments=N)
    deg = jnp.clip(deg, 1.0)[:, None]
    for i in range(NUM_LAYERS):
        m = h @ ggnn_weight[i]
        agg = jax.ops.segment_sum(m[src], dst, num_segments=N) / deg
        gi = agg @ gru_w_ih.T + gru_b_ih
        gh = h @ gru_w_hh.T + gru_b_hh
        i_r, i_z, i_n = jnp.split(gi, 3, axis=1)
        h_r, h_z, h_n = jnp.split(gh, 3, axis=1)
        r = jax.nn.sigmoid(i_r + h_r)
        z = jax.nn.sigmoid(i_z + h_z)
        n = jnp.tanh(i_n + r * h_n)
        h = (1.0 - z) * n + z * h
    h = jax.nn.relu(h)
    # dropout is identity in eval mode
    counts = jax.ops.segment_sum(jnp.ones((N,), jnp.float32), batch, num_segments=G)
    pooled = jax.ops.segment_sum(h, batch, num_segments=G) / jnp.clip(counts, 1.0)[:, None]

    def bn_eval(y, g, b):
        # eval-mode BatchNorm1d with running_mean=0, running_var=1
        return (y / jnp.sqrt(1.0 + 1e-5)) * g + b

    y = jax.nn.relu(bn_eval(pooled @ fc1_w.T + fc1_b, bn1_g, bn1_b))
    y = jax.nn.relu(bn_eval(y @ fc2_w.T + fc2_b, bn2_g, bn2_b))
    y = jax.nn.relu(y @ fc3_w.T + fc3_b)
    y = y @ fc4_w.T + fc4_b
    return jax.nn.log_softmax(y, axis=1)

if __name__ == "__main__":
    import jax
    _d = setup_inputs()
    print(jax.jit(kernel)(*tuple(_d.values())))

</pallas_src>

<mosaic_0001>
#map = affine_map<(d0, d1) -> (0, 0)>
#map1 = affine_map<(d0, d1) -> (0, 0, 0)>
module attributes {stable_mosaic.version = 14 : i64} {
  func.func @_edge_agg_body(%arg0: i32, %arg1: i32, %arg2: memref<10000x128xf32, #tpu.memory_space<hbm>>, %arg3: memref<10000x128xf32, #tpu.memory_space<hbm>>, %arg4: memref<32x120x128xi32, #tpu.memory_space<hbm>>, %arg5: memref<32x120x128xi32, #tpu.memory_space<hbm>>, %arg6: memref<10112x128xf32, #tpu.memory_space<hbm>>, %arg7: memref<2x10112x128xf32, #tpu.memory_space<hbm>>, %arg8: memref<120x128xi32, #tpu.memory_space<vmem>>, %arg9: memref<8x128xi32, #tpu.memory_space<vmem>>, %arg10: memref<2x128x128xf32, #tpu.memory_space<vmem>>, %arg11: memref<10112x128xf32, #tpu.memory_space<vmem_shared>>, %arg12: memref<!tpu.dma_semaphore, #tpu.memory_space<semaphore_mem>>, %arg13: memref<!tpu.dma_semaphore, #tpu.memory_space<semaphore_mem>>, %arg14: memref<!tpu.dma_semaphore, #tpu.memory_space<semaphore_mem>>) attributes {dimension_semantics = [#tpu.dimension_semantics<core_parallel>, #tpu.dimension_semantics<subcore_parallel>], iteration_bounds = array<i64: 2, 16>, scalar_prefetch = 0 : i64, scratch_operands = 7 : i64, tpu.core_type = #tpu.core_type<sc_vector_subcore>, window_params = [{transform_indices = #map}, {transform_indices = #map}, {transform_indices = #map1}, {transform_indices = #map1}, {transform_indices = #map}, {transform_indices = #map1}]} {
    %mul3A = arith.constant 2 : i32
    %mul3A_0 = arith.muli %arg1, %mul3A : i32
    %add3A = arith.addi %mul3A_0, %arg0 : i32
    %mul3A_1 = arith.constant 632 : i32
    %mul3A_2 = arith.muli %arg1, %mul3A_1 : i32
    "tpu.region"() ({
      %run_scoped3A = tpu.sem_alloc : memref<!tpu.dma_semaphore, #tpu.memory_space<semaphore_mem>>
      %dma_start3A = arith.constant 0 : i32
      %dma_start3A_11 = tpu.memref_slice %arg11[%mul3A_2, %dma_start3A] : memref<10112x128xf32, #tpu.memory_space<vmem_shared>> -> memref<632x128xf32, #tpu.memory_space<vmem_shared>>
      %dma_start3A_12 = arith.constant 0 : i32
      %dma_start3A_13 = tpu.memref_slice %arg6[%mul3A_2, %dma_start3A_12] : memref<10112x128xf32, #tpu.memory_space<hbm>> -> memref<632x128xf32, #tpu.memory_space<hbm>>
      tpu.enqueue_dma source(%dma_start3A_13 : memref<632x128xf32, #tpu.memory_space<hbm>>) target(%dma_start3A_11 : memref<632x128xf32, #tpu.memory_space<vmem_shared>>) target_semaphore(%run_scoped3A : memref<!tpu.dma_semaphore, #tpu.memory_space<semaphore_mem>>)
      %dma_wait3A = arith.constant 0 : i32
      %dma_wait3A_14 = tpu.memref_slice %arg11[%mul3A_2, %dma_wait3A] : memref<10112x128xf32, #tpu.memory_space<vmem_shared>> -> memref<632x128xf32, #tpu.memory_space<vmem_shared>>
      %dma_wait3A_15 = arith.constant 0 : i32
      %dma_wait3A_16 = tpu.memref_slice %arg6[%mul3A_2, %dma_wait3A_15] : memref<10112x128xf32, #tpu.memory_space<hbm>> -> memref<632x128xf32, #tpu.memory_space<hbm>>
      tpu.wait_dma2 semaphore(%run_scoped3A : memref<!tpu.dma_semaphore, #tpu.memory_space<semaphore_mem>>) src(%dma_wait3A_16 : memref<632x128xf32, #tpu.memory_space<hbm>>) dst(%dma_wait3A_14 : memref<632x128xf32, #tpu.memory_space<vmem_shared>>)
      tpu.yield
    }) : () -> ()
    "tpu.region"() ({
      %run_scoped3A = tpu.sem_alloc : memref<!tpu.dma_semaphore, #tpu.memory_space<semaphore_mem>>
      %dma_start3A = arith.constant 0 : i32
      %dma_start3A_11 = arith.constant 0 : i32
      %dma_start3A_12 = tpu.memref_slice %arg4[%add3A, %dma_start3A, %dma_start3A_11] : memref<32x120x128xi32, #tpu.memory_space<hbm>> -> memref<1x120x128xi32, #tpu.memory_space<hbm>>
      %dma_start3A_13 = tpu.memref_squeeze %dma_start3A_12 : memref<1x120x128xi32, #tpu.memory_space<hbm>> -> memref<120x128xi32, #tpu.memory_space<hbm>>
      %dma_start3A_14 = arith.constant 0 : i32
      %dma_start3A_15 = arith.constant 0 : i32
      %dma_start3A_16 = tpu.memref_slice %arg4[%add3A, %dma_start3A_14, %dma_start3A_15] : memref<32x120x128xi32, #tpu.memory_space<hbm>> -> memref<1x120x128xi32, #tpu.memory_space<hbm>>
      %dma_start3A_17 = tpu.memref_squeeze %dma_start3A_16 : memref<1x120x128xi32, #tpu.memory_space<hbm>> -> memref<120x128xi32, #tpu.memory_space<hbm>>
      tpu.enqueue_dma source(%dma_start3A_17 : memref<120x128xi32, #tpu.memory_space<hbm>>) target(%arg8 : memref<120x128xi32, #tpu.memory_space<vmem>>) target_semaphore(%run_scoped3A : memref<!tpu.dma_semaphore, #tpu.memory_space<semaphore_mem>>)
      %dma_wait3A = arith.constant 0 : i32
      %dma_wait3A_18 = arith.constant 0 : i32
      %dma_wait3A_19 = tpu.memref_slice %arg4[%add3A, %dma_wait3A, %dma_wait3A_18] : memref<32x120x128xi32, #tpu.memory_space<hbm>> -> memref<1x120x128xi32, #tpu.memory_space<hbm>>
      %dma_wait3A_20 = tpu.memref_squeeze %dma_wait3A_19 : memref<1x120x128xi32, #tpu.memory_space<hbm>> -> memref<120x128xi32, #tpu.memory_space<hbm>>
      %dma_wait3A_21 = arith.constant 0 : i32
      %dma_wait3A_22 = arith.constant 0 : i32
      %dma_wait3A_23 = tpu.memref_slice %arg4[%add3A, %dma_wait3A_21, %dma_wait3A_22] : memref<32x120x128xi32, #tpu.memory_space<hbm>> -> memref<1x120x128xi32, #tpu.memory_space<hbm>>
      %dma_wait3A_24 = tpu.memref_squeeze %dma_wait3A_23 : memref<1x120x128xi32, #tpu.memory_space<hbm>> -> memref<120x128xi32, #tpu.memory_space<hbm>>
      tpu.wait_dma2 semaphore(%run_scoped3A : memref<!tpu.dma_semaphore, #tpu.memory_space<semaphore_mem>>) src(%dma_wait3A_24 : memref<120x128xi32, #tpu.memory_space<hbm>>) dst(%arg8 : memref<120x128xi32, #tpu.memory_space<vmem>>)
      tpu.yield
    }) : () -> ()
    %barrier3A = arith.constant 0 : index
    tpu.barrier barrier_id(%barrier3A)
    %eq3A = arith.constant 0 : i32
    %eq3A_3 = arith.cmpi eq, %arg0, %eq3A : i32
    %convert_element_type3A = arith.extui %eq3A_3 : i1 to i32
    %cond3A = arith.constant 0 : i32
    %cond3A_4 = arith.cmpi ne, %convert_element_type3A, %cond3A : i32
    scf.if %cond3A_4 {
      %scan3A = arith.constant 0 : i32
      %scan3A_11 = arith.constant 0 : i32
      %scan3A_12 = arith.constant 15 : i32
      %scan3A_13 = arith.addi %scan3A_11, %scan3A_12 : i32
      %scan3A_14 = arith.constant 1 : i32
      scf.for %scan3A_16 = %scan3A_11 to %scan3A_13 step %scan3A_14  : i32 {
        %mul3A_17 = arith.constant 8 : i32
        %mul3A_18 = arith.muli %scan3A_16, %mul3A_17 : i32
        %multiple_of3A = tpu.assume_multiple %mul3A_18, 8 : i32
        %dma_start3A = arith.constant 0 : i32
        %dma_start3A_19 = tpu.memref_slice %arg5[%add3A, %multiple_of3A, %dma_start3A] : memref<32x120x128xi32, #tpu.memory_space<hbm>> -> memref<1x8x128xi32, #tpu.memory_space<hbm>>
        %dma_start3A_20 = tpu.memref_squeeze %dma_start3A_19 : memref<1x8x128xi32, #tpu.memory_space<hbm>> -> memref<8x128xi32, #tpu.memory_space<hbm>>
        %dma_start3A_21 = arith.constant 0 : i32
        %dma_start3A_22 = tpu.memref_slice %arg5[%add3A, %multiple_of3A, %dma_start3A_21] : memref<32x120x128xi32, #tpu.memory_space<hbm>> -> memref<1x8x128xi32, #tpu.memory_space<hbm>>
        %dma_start3A_23 = tpu.memref_squeeze %dma_start3A_22 : memref<1x8x128xi32, #tpu.memory_space<hbm>> -> memref<8x128xi32, #tpu.memory_space<hbm>>
        tpu.enqueue_dma source(%dma_start3A_23 : memref<8x128xi32, #tpu.memory_space<hbm>>) target(%arg9 : memref<8x128xi32, #tpu.memory_space<vmem>>) target_semaphore(%arg14 : memref<!tpu.dma_semaphore, #tpu.memory_space<semaphore_mem>>)
        %add3A_24 = arith.constant 0 : i32
        %add3A_25 = arith.addi %mul3A_18, %add3A_24 : i32
        %add3A_26 = arith.constant 0 : i32
        %add3A_27 = arith.addi %add3A_25, %add3A_26 : i32
        %dma_start3A_28 = arith.constant 0 : i32
        %dma_start3A_29 = arith.constant 0 : i32
        %dma_start3A_30 = arith.constant 0 : i32
        %dma_start3A_31 = tpu.memref_slice %arg10[%dma_start3A_28, %dma_start3A_29, %dma_start3A_30] : memref<2x128x128xf32, #tpu.memory_space<vmem>> -> memref<1x128x128xf32, #tpu.memory_space<vmem>>
        %dma_start3A_32 = tpu.memref_squeeze %dma_start3A_31 : memref<1x128x128xf32, #tpu.memory_space<vmem>> -> memref<128x128xf32, #tpu.memory_space<vmem>>
        %dma_start3A_33 = arith.constant 0 : i32
        %dma_start3A_34 = tpu.memref_slice %arg8[%add3A_27, %dma_start3A_33] : memref<120x128xi32, #tpu.memory_space<vmem>> -> memref<1x128xi32, #tpu.memory_space<vmem>>
        %dma_start3A_35 = tpu.memref_squeeze %dma_start3A_34 : memref<1x128xi32, #tpu.memory_space<vmem>> -> memref<128xi32, #tpu.memory_space<vmem>>
        %dma_start3A_36 = arith.constant 0 : i32
        %dma_start3A_37 = arith.constant 0 : i32
        %dma_start3A_38 = tpu.memref_slice %arg2[%dma_start3A_36, %dma_start3A_37] : memref<10000x128xf32, #tpu.memory_space<hbm>> -> memref<10000x128xf32, #tpu.memory_space<hbm>>
        tpu.enqueue_indirect_dma source(%dma_start3A_38 : memref<10000x128xf32, #tpu.memory_space<hbm>>) target(%dma_start3A_32 : memref<128x128xf32, #tpu.memory_space<vmem>>) offsets(%dma_start3A_35 : memref<128xi32, #tpu.memory_space<vmem>>) semaphore(%arg12 : memref<!tpu.dma_semaphore, #tpu.memory_space<semaphore_mem>>)
        %add3A_39 = arith.constant 0 : i32
        %add3A_40 = arith.addi %mul3A_18, %add3A_39 : i32
        %add3A_41 = arith.constant 1 : i32
        %add3A_42 = arith.addi %add3A_40, %add3A_41 : i32
        %dma_start3A_43 = arith.constant 1 : i32
        %dma_start3A_44 = arith.constant 0 : i32
        %dma_start3A_45 = arith.constant 0 : i32
        %dma_start3A_46 = tpu.memref_slice %arg10[%dma_start3A_43, %dma_start3A_44, %dma_start3A_45] : memref<2x128x128xf32, #tpu.memory_space<vmem>> -> memref<1x128x128xf32, #tpu.memory_space<vmem>>
        %dma_start3A_47 = tpu.memref_squeeze %dma_start3A_46 : memref<1x128x128xf32, #tpu.memory_space<vmem>> -> memref<128x128xf32, #tpu.memory_space<vmem>>
        %dma_start3A_48 = arith.constant 0 : i32
        %dma_start3A_49 = tpu.memref_slice %arg8[%add3A_42, %dma_start3A_48] : memref<120x128xi32, #tpu.memory_space<vmem>> -> memref<1x128xi32, #tpu.memory_space<vmem>>
        %dma_start3A_50 = tpu.memref_squeeze %dma_start3A_49 : memref<1x128xi32, #tpu.memory_space<vmem>> -> memref<128xi32, #tpu.memory_space<vmem>>
        %dma_start3A_51 = arith.constant 0 : i32
        %dma_start3A_52 = arith.constant 0 : i32
        %dma_start3A_53 = tpu.memref_slice %arg2[%dma_start3A_51, %dma_start3A_52] : memref<10000x128xf32, #tpu.memory_space<hbm>> -> memref<10000x128xf32, #tpu.memory_space<hbm>>
        tpu.enqueue_indirect_dma source(%dma_start3A_53 : memref<10000x128xf32, #tpu.memory_space<hbm>>) target(%dma_start3A_47 : memref<128x128xf32, #tpu.memory_space<vmem>>) offsets(%dma_start3A_50 : memref<128xi32, #tpu.memory_space<vmem>>) semaphore(%arg12 : memref<!tpu.dma_semaphore, #tpu.memory_space<semaphore_mem>>)
        %dma_wait3A = arith.constant 0 : i32
        %dma_wait3A_54 = tpu.memref_slice %arg5[%add3A, %multiple_of3A, %dma_wait3A] : memref<32x120x128xi32, #tpu.memory_space<hbm>> -> memref<1x8x128xi32, #tpu.memory_space<hbm>>
        %dma_wait3A_55 = tpu.memref_squeeze %dma_wait3A_54 : memref<1x8x128xi32, #tpu.memory_space<hbm>> -> memref<8x128xi32, #tpu.memory_space<hbm>>
        %dma_wait3A_56 = arith.constant 0 : i32
        %dma_wait3A_57 = tpu.memref_slice %arg5[%add3A, %multiple_of3A, %dma_wait3A_56] : memref<32x120x128xi32, #tpu.memory_space<hbm>> -> memref<1x8x128xi32, #tpu.memory_space<hbm>>
        %dma_wait3A_58 = tpu.memref_squeeze %dma_wait3A_57 : memref<1x8x128xi32, #tpu.memory_space<hbm>> -> memref<8x128xi32, #tpu.memory_space<hbm>>
        tpu.wait_dma2 semaphore(%arg14 : memref<!tpu.dma_semaphore, #tpu.memory_space<semaphore_mem>>) src(%dma_wait3A_58 : memref<8x128xi32, #tpu.memory_space<hbm>>) dst(%arg9 : memref<8x128xi32, #tpu.memory_space<vmem>>)
        %dma_wait3A_59 = arith.constant 0 : i32
        %dma_wait3A_60 = arith.constant 0 : i32
        %dma_wait3A_61 = arith.constant 0 : i32
        %dma_wait3A_62 = tpu.memref_slice %arg10[%dma_wait3A_59, %dma_wait3A_60, %dma_wait3A_61] : memref<2x128x128xf32, #tpu.memory_space<vmem>> -> memref<1x128x128xf32, #tpu.memory_space<vmem>>
        %dma_wait3A_63 = tpu.memref_squeeze %dma_wait3A_62 : memref<1x128x128xf32, #tpu.memory_space<vmem>> -> memref<128x128xf32, #tpu.memory_space<vmem>>
        %dma_wait3A_64 = arith.constant 0 : i32
        %dma_wait3A_65 = tpu.memref_slice %arg8[%add3A_27, %dma_wait3A_64] : memref<120x128xi32, #tpu.memory_space<vmem>> -> memref<1x128xi32, #tpu.memory_space<vmem>>
        %dma_wait3A_66 = tpu.memref_squeeze %dma_wait3A_65 : memref<1x128xi32, #tpu.memory_space<vmem>> -> memref<128xi32, #tpu.memory_space<vmem>>
        %dma_wait3A_67 = arith.constant 0 : i32
        %dma_wait3A_68 = arith.constant 0 : i32
        %dma_wait3A_69 = tpu.memref_slice %arg2[%dma_wait3A_67, %dma_wait3A_68] : memref<10000x128xf32, #tpu.memory_space<hbm>> -> memref<10000x128xf32, #tpu.memory_space<hbm>>
        tpu.wait_indirect_dma semaphore(%arg12 : memref<!tpu.dma_semaphore, #tpu.memory_space<semaphore_mem>>) src(%dma_wait3A_69 : memref<10000x128xf32, #tpu.memory_space<hbm>>) dst(%dma_wait3A_63 : memref<128x128xf32, #tpu.memory_space<vmem>>)
        %dma_start3A_70 = arith.constant 0 : i32
        %dma_start3A_71 = arith.constant 0 : i32
        %dma_start3A_72 = arith.constant 0 : i32
        %dma_start3A_73 = arith.constant 0 : i32
        %dma_start3A_74 = tpu.memref_slice %arg10[%dma_start3A_70, %dma_start3A_72, %dma_start3A_73] : memref<2x128x128xf32, #tpu.memory_space<vmem>> -> memref<1x128x128xf32, #tpu.memory_space<vmem>>
        %dma_start3A_75 = tpu.memref_squeeze %dma_start3A_74 : memref<1x128x128xf32, #tpu.memory_space<vmem>> -> memref<128x128xf32, #tpu.memory_space<vmem>>
        %dma_start3A_76 = arith.constant 0 : i32
        %dma_start3A_77 = tpu.memref_slice %arg9[%dma_start3A_71, %dma_start3A_76] : memref<8x128xi32, #tpu.memory_space<vmem>> -> memref<1x128xi32, #tpu.memory_space<vmem>>
        %dma_start3A_78 = tpu.memref_squeeze %dma_start3A_77 : memref<1x128xi32, #tpu.memory_space<vmem>> -> memref<128xi32, #tpu.memory_space<vmem>>
        %dma_start3A_79 = arith.constant 0 : i32
        %dma_start3A_80 = arith.constant 0 : i32
        %dma_start3A_81 = tpu.memref_slice %arg11[%dma_start3A_79, %dma_start3A_80] : memref<10112x128xf32, #tpu.memory_space<vmem_shared>> -> memref<10112x128xf32, #tpu.memory_space<vmem_shared>>
        tpu.enqueue_indirect_dma source(%dma_start3A_75 : memref<128x128xf32, #tpu.memory_space<vmem>>) target(%dma_start3A_81 : memref<10112x128xf32, #tpu.memory_space<vmem_shared>>) offsets(%dma_start3A_78 : memref<128xi32, #tpu.memory_space<vmem>>) semaphore(%arg13 : memref<!tpu.dma_semaphore, #tpu.memory_space<semaphore_mem>>) {add = true}
        %dma_wait3A_82 = arith.constant 1 : i32
        %dma_wait3A_83 = arith.constant 0 : i32
        %dma_wait3A_84 = arith.constant 0 : i32
        %dma_wait3A_85 = tpu.memref_slice %arg10[%dma_wait3A_82, %dma_wait3A_83, %dma_wait3A_84] : memref<2x128x128xf32, #tpu.memory_space<vmem>> -> memref<1x128x128xf32, #tpu.memory_space<vmem>>
        %dma_wait3A_86 = tpu.memref_squeeze %dma_wait3A_85 : memref<1x128x128xf32, #tpu.memory_space<vmem>> -> memref<128x128xf32, #tpu.memory_space<vmem>>
        %dma_wait3A_87 = arith.constant 0 : i32
        %dma_wait3A_88 = tpu.memref_slice %arg8[%add3A_42, %dma_wait3A_87] : memref<120x128xi32, #tpu.memory_space<vmem>> -> memref<1x128xi32, #tpu.memory_space<vmem>>
        %dma_wait3A_89 = tpu.memref_squeeze %dma_wait3A_88 : memref<1x128xi32, #tpu.memory_space<vmem>> -> memref<128xi32, #tpu.memory_space<vmem>>
        %dma_wait3A_90 = arith.constant 0 : i32
        %dma_wait3A_91 = arith.constant 0 : i32
        %dma_wait3A_92 = tpu.memref_slice %arg2[%dma_wait3A_90, %dma_wait3A_91] : memref<10000x128xf32, #tpu.memory_space<hbm>> -> memref<10000x128xf32, #tpu.memory_space<hbm>>
        tpu.wait_indirect_dma semaphore(%arg12 : memref<!tpu.dma_semaphore, #tpu.memory_space<semaphore_mem>>) src(%dma_wait3A_92 : memref<10000x128xf32, #tpu.memory_space<hbm>>) dst(%dma_wait3A_86 : memref<128x128xf32, #tpu.memory_space<vmem>>)
        %dma_start3A_93 = arith.constant 1 : i32
        %dma_start3A_94 = arith.constant 1 : i32
        %dma_start3A_95 = arith.constant 0 : i32
        %dma_start3A_96 = arith.constant 0 : i32
        %dma_start3A_97 = tpu.memref_slice %arg10[%dma_start3A_93, %dma_start3A_95, %dma_start3A_96] : memref<2x128x128xf32, #tpu.memory_space<vmem>> -> memref<1x128x128xf32, #tpu.memory_space<vmem>>
        %dma_start3A_98 = tpu.memref_squeeze %dma_start3A_97 : memref<1x128x128xf32, #tpu.memory_space<vmem>> -> memref<128x128xf32, #tpu.memory_space<vmem>>
        %dma_start3A_99 = arith.constant 0 : i32
        %dma_start3A_100 = tpu.memref_slice %arg9[%dma_start3A_94, %dma_start3A_99] : memref<8x128xi32, #tpu.memory_space<vmem>> -> memref<1x128xi32, #tpu.memory_space<vmem>>
        %dma_start3A_101 = tpu.memref_squeeze %dma_start3A_100 : memref<1x128xi32, #tpu.memory_space<vmem>> -> memref<128xi32, #tpu.memory_space<vmem>>
        %dma_start3A_102 = arith.constant 0 : i32
        %dma_start3A_103 = arith.constant 0 : i32
        %dma_start3A_104 = tpu.memref_slice %arg11[%dma_start3A_102, %dma_start3A_103] : memref<10112x128xf32, #tpu.memory_space<vmem_shared>> -> memref<10112x128xf32, #tpu.memory_space<vmem_shared>>
        tpu.enqueue_indirect_dma source(%dma_start3A_98 : memref<128x128xf32, #tpu.memory_space<vmem>>) target(%dma_start3A_104 : memref<10112x128xf32, #tpu.memory_space<vmem_shared>>) offsets(%dma_start3A_101 : memref<128xi32, #tpu.memory_space<vmem>>) semaphore(%arg13 : memref<!tpu.dma_semaphore, #tpu.memory_space<semaphore_mem>>) {add = true}
        %dma_wait3A_105 = arith.constant 0 : i32
        %dma_wait3A_106 = arith.constant 0 : i32
        %dma_wait3A_107 = arith.constant 0 : i32
        %dma_wait3A_108 = arith.constant 0 : i32
        %dma_wait3A_109 = tpu.memref_slice %arg10[%dma_wait3A_105, %dma_wait3A_107, %dma_wait3A_108] : memref<2x128x128xf32, #tpu.memory_space<vmem>> -> memref<1x128x128xf32, #tpu.memory_space<vmem>>
        %dma_wait3A_110 = tpu.memref_squeeze %dma_wait3A_109 : memref<1x128x128xf32, #tpu.memory_space<vmem>> -> memref<128x128xf32, #tpu.memory_space<vmem>>
        %dma_wait3A_111 = arith.constant 0 : i32
        %dma_wait3A_112 = tpu.memref_slice %arg9[%dma_wait3A_106, %dma_wait3A_111] : memref<8x128xi32, #tpu.memory_space<vmem>> -> memref<1x128xi32, #tpu.memory_space<vmem>>
        %dma_wait3A_113 = tpu.memref_squeeze %dma_wait3A_112 : memref<1x128xi32, #tpu.memory_space<vmem>> -> memref<128xi32, #tpu.memory_space<vmem>>
        %dma_wait3A_114 = arith.constant 0 : i32
        %dma_wait3A_115 = arith.constant 0 : i32
        %dma_wait3A_116 = tpu.memref_slice %arg11[%dma_wait3A_114, %dma_wait3A_115] : memref<10112x128xf32, #tpu.memory_space<vmem_shared>> -> memref<10112x128xf32, #tpu.memory_space<vmem_shared>>
        tpu.wait_indirect_dma semaphore(%arg13 : memref<!tpu.dma_semaphore, #tpu.memory_space<semaphore_mem>>) src(%dma_wait3A_110 : memref<128x128xf32, #tpu.memory_space<vmem>>) dst(%dma_wait3A_116 : memref<10112x128xf32, #tpu.memory_space<vmem_shared>>)
        %dma_wait3A_117 = arith.constant 1 : i32
        %dma_wait3A_118 = arith.constant 1 : i32
        %dma_wait3A_119 = arith.constant 0 : i32
        %dma_wait3A_120 = arith.constant 0 : i32
        %dma_wait3A_121 = tpu.memref_slice %arg10[%dma_wait3A_117, %dma_wait3A_119, %dma_wait3A_120] : memref<2x128x128xf32, #tpu.memory_space<vmem>> -> memref<1x128x128xf32, #tpu.memory_space<vmem>>
        %dma_wait3A_122 = tpu.memref_squeeze %dma_wait3A_121 : memref<1x128x128xf32, #tpu.memory_space<vmem>> -> memref<128x128xf32, #tpu.memory_space<vmem>>
        %dma_wait3A_123 = arith.constant 0 : i32
        %dma_wait3A_124 = tpu.memref_slice %arg9[%dma_wait3A_118, %dma_wait3A_123] : memref<8x128xi32, #tpu.memory_space<vmem>> -> memref<1x128xi32, #tpu.memory_space<vmem>>
        %dma_wait3A_125 = tpu.memref_squeeze %dma_wait3A_124 : memref<1x128xi32, #tpu.memory_space<vmem>> -> memref<128xi32, #tpu.memory_space<vmem>>
        %dma_wait3A_126 = arith.constant 0 : i32
        %dma_wait3A_127 = arith.constant 0 : i32
        %dma_wait3A_128 = tpu.memref_slice %arg11[%dma_wait3A_126, %dma_wait3A_127] : memref<10112x128xf32, #tpu.memory_space<vmem_shared>> -> memref<10112x128xf32, #tpu.memory_space<vmem_shared>>
        tpu.wait_indirect_dma semaphore(%arg13 : memref<!tpu.dma_semaphore, #tpu.memory_space<semaphore_mem>>) src(%dma_wait3A_122 : memref<128x128xf32, #tpu.memory_space<vmem>>) dst(%dma_wait3A_128 : memref<10112x128xf32, #tpu.memory_space<vmem_shared>>)
        %add3A_129 = arith.constant 2 : i32
        %add3A_130 = arith.addi %mul3A_18, %add3A_129 : i32
        %add3A_131 = arith.constant 0 : i32
        %add3A_132 = arith.addi %add3A_130, %add3A_131 : i32
        %dma_start3A_133 = arith.constant 0 : i32
        %dma_start3A_134 = arith.constant 0 : i32
        %dma_start3A_135 = arith.constant 0 : i32
        %dma_start3A_136 = tpu.memref_slice %arg10[%dma_start3A_133, %dma_start3A_134, %dma_start3A_135] : memref<2x128x128xf32, #tpu.memory_space<vmem>> -> memref<1x128x128xf32, #tpu.memory_space<vmem>>
        %dma_start3A_137 = tpu.memref_squeeze %dma_start3A_136 : memref<1x128x128xf32, #tpu.memory_space<vmem>> -> memref<128x128xf32, #tpu.memory_space<vmem>>
        %dma_start3A_138 = arith.constant 0 : i32
        %dma_start3A_139 = tpu.memref_slice %arg8[%add3A_132, %dma_start3A_138] : memref<120x128xi32, #tpu.memory_space<vmem>> -> memref<1x128xi32, #tpu.memory_space<vmem>>
        %dma_start3A_140 = tpu.memref_squeeze %dma_start3A_139 : memref<1x128xi32, #tpu.memory_space<vmem>> -> memref<128xi32, #tpu.memory_space<vmem>>
        %dma_start3A_141 = arith.constant 0 : i32
        %dma_start3A_142 = arith.constant 0 : i32
        %dma_start3A_143 = tpu.memref_slice %arg2[%dma_start3A_141, %dma_start3A_142] : memref<10000x128xf32, #tpu.memory_space<hbm>> -> memref<10000x128xf32, #tpu.memory_space<hbm>>
        tpu.enqueue_indirect_dma source(%dma_start3A_143 : memref<10000x128xf32, #tpu.memory_space<hbm>>) target(%dma_start3A_137 : memref<128x128xf32, #tpu.memory_space<vmem>>) offsets(%dma_start3A_140 : memref<128xi32, #tpu.memory_space<vmem>>) semaphore(%arg12 : memref<!tpu.dma_semaphore, #tpu.memory_space<semaphore_mem>>)
        %add3A_144 = arith.constant 2 : i32
        %add3A_145 = arith.addi %mul3A_18, %add3A_144 : i32
        %add3A_146 = arith.constant 1 : i32
        %add3A_147 = arith.addi %add3A_145, %add3A_146 : i32
        %dma_start3A_148 = arith.constant 1 : i32
        %dma_start3A_149 = arith.constant 0 : i32
        %dma_start3A_150 = arith.constant 0 : i32
        %dma_start3A_151 = tpu.memref_slice %arg10[%dma_start3A_148, %dma_start3A_149, %dma_start3A_150] : memref<2x128x128xf32, #tpu.memory_space<vmem>> -> memref<1x128x128xf32, #tpu.memory_space<vmem>>
        %dma_start3A_152 = tpu.memref_squeeze %dma_start3A_151 : memref<1x128x128xf32, #tpu.memory_space<vmem>> -> memref<128x128xf32, #tpu.memory_space<vmem>>
        %dma_start3A_153 = arith.constant 0 : i32
        %dma_start3A_154 = tpu.memref_slice %arg8[%add3A_147, %dma_start3A_153] : memref<120x128xi32, #tpu.memory_space<vmem>> -> memref<1x128xi32, #tpu.memory_space<vmem>>
        %dma_start3A_155 = tpu.memref_squeeze %dma_start3A_154 : memref<1x128xi32, #tpu.memory_space<vmem>> -> memref<128xi32, #tpu.memory_space<vmem>>
        %dma_start3A_156 = arith.constant 0 : i32
        %dma_start3A_157 = arith.constant 0 : i32
        %dma_start3A_158 = tpu.memref_slice %arg2[%dma_start3A_156, %dma_start3A_157] : memref<10000x128xf32, #tpu.memory_space<hbm>> -> memref<10000x128xf32, #tpu.memory_space<hbm>>
        tpu.enqueue_indirect_dma source(%dma_start3A_158 : memref<10000x128xf32, #tpu.memory_space<hbm>>) target(%dma_start3A_152 : memref<128x128xf32, #tpu.memory_space<vmem>>) offsets(%dma_start3A_155 : memref<128xi32, #tpu.memory_space<vmem>>) semaphore(%arg12 : memref<!tpu.dma_semaphore, #tpu.memory_space<semaphore_mem>>)
        %dma_wait3A_159 = arith.constant 0 : i32
        %dma_wait3A_160 = arith.constant 0 : i32
        %dma_wait3A_161 = arith.constant 0 : i32
        %dma_wait3A_162 = tpu.memref_slice %arg10[%dma_wait3A_159, %dma_wait3A_160, %dma_wait3A_161] : memref<2x128x128xf32, #tpu.memory_space<vmem>> -> memref<1x128x128xf32, #tpu.memory_space<vmem>>
        %dma_wait3A_163 = tpu.memref_squeeze %dma_wait3A_162 : memref<1x128x128xf32, #tpu.memory_space<vmem>> -> memref<128x128xf32, #tpu.memory_space<vmem>>
        %dma_wait3A_164 = arith.constant 0 : i32
        %dma_wait3A_165 = tpu.memref_slice %arg8[%add3A_132, %dma_wait3A_164] : memref<120x128xi32, #tpu.memory_space<vmem>> -> memref<1x128xi32, #tpu.memory_space<vmem>>
        %dma_wait3A_166 = tpu.memref_squeeze %dma_wait3A_165 : memref<1x128xi32, #tpu.memory_space<vmem>> -> memref<128xi32, #tpu.memory_space<vmem>>
        %dma_wait3A_167 = arith.constant 0 : i32
        %dma_wait3A_168 = arith.constant 0 : i32
        %dma_wait3A_169 = tpu.memref_slice %arg2[%dma_wait3A_167, %dma_wait3A_168] : memref<10000x128xf32, #tpu.memory_space<hbm>> -> memref<10000x128xf32, #tpu.memory_space<hbm>>
        tpu.wait_indirect_dma semaphore(%arg12 : memref<!tpu.dma_semaphore, #tpu.memory_space<semaphore_mem>>) src(%dma_wait3A_169 : memref<10000x128xf32, #tpu.memory_space<hbm>>) dst(%dma_wait3A_163 : memref<128x128xf32, #tpu.memory_space<vmem>>)
        %dma_start3A_170 = arith.constant 0 : i32
        %dma_start3A_171 = arith.constant 2 : i32
        %dma_start3A_172 = arith.constant 0 : i32
        %dma_start3A_173 = arith.constant 0 : i32
        %dma_start3A_174 = tpu.memref_slice %arg10[%dma_start3A_170, %dma_start3A_172, %dma_start3A_173] : memref<2x128x128xf32, #tpu.memory_space<vmem>> -> memref<1x128x128xf32, #tpu.memory_space<vmem>>
        %dma_start3A_175 = tpu.memref_squeeze %dma_start3A_174 : memref<1x128x128xf32, #tpu.memory_space<vmem>> -> memref<128x128xf32, #tpu.memory_space<vmem>>
        %dma_start3A_176 = arith.constant 0 : i32
        %dma_start3A_177 = tpu.memref_slice %arg9[%dma_start3A_171, %dma_start3A_176] : memref<8x128xi32, #tpu.memory_space<vmem>> -> memref<1x128xi32, #tpu.memory_space<vmem>>
        %dma_start3A_178 = tpu.memref_squeeze %dma_start3A_177 : memref<1x128xi32, #tpu.memory_space<vmem>> -> memref<128xi32, #tpu.memory_space<vmem>>
        %dma_start3A_179 = arith.constant 0 : i32
        %dma_start3A_180 = arith.constant 0 : i32
        %dma_start3A_181 = tpu.memref_slice %arg11[%dma_start3A_179, %dma_start3A_180] : memref<10112x128xf32, #tpu.memory_space<vmem_shared>> -> memref<10112x128xf32, #tpu.memory_space<vmem_shared>>
        tpu.enqueue_indirect_dma source(%dma_start3A_175 : memref<128x128xf32, #tpu.memory_space<vmem>>) target(%dma_start3A_181 : memref<10112x128xf32, #tpu.memory_space<vmem_shared>>) offsets(%dma_start3A_178 : memref<128xi32, #tpu.memory_space<vmem>>) semaphore(%arg13 : memref<!tpu.dma_semaphore, #tpu.memory_space<semaphore_mem>>) {add = true}
        %dma_wait3A_182 = arith.constant 1 : i32
        %dma_wait3A_183 = arith.constant 0 : i32
        %dma_wait3A_184 = arith.constant 0 : i32
        %dma_wait3A_185 = tpu.memref_slice %arg10[%dma_wait3A_182, %dma_wait3A_183, %dma_wait3A_184] : memref<2x128x128xf32, #tpu.memory_space<vmem>> -> memref<1x128x128xf32, #tpu.memory_space<vmem>>
        %dma_wait3A_186 = tpu.memref_squeeze %dma_wait3A_185 : memref<1x128x128xf32, #tpu.memory_space<vmem>> -> memref<128x128xf32, #tpu.memory_space<vmem>>
        %dma_wait3A_187 = arith.constant 0 : i32
        %dma_wait3A_188 = tpu.memref_slice %arg8[%add3A_147, %dma_wait3A_187] : memref<120x128xi32, #tpu.memory_space<vmem>> -> memref<1x128xi32, #tpu.memory_space<vmem>>
        %dma_wait3A_189 = tpu.memref_squeeze %dma_wait3A_188 : memref<1x128xi32, #tpu.memory_space<vmem>> -> memref<128xi32, #tpu.memory_space<vmem>>
        %dma_wait3A_190 = arith.constant 0 : i32
        %dma_wait3A_191 = arith.constant 0 : i32
        %dma_wait3A_192 = tpu.memref_slice %arg2[%dma_wait3A_190, %dma_wait3A_191] : memref<10000x128xf32, #tpu.memory_space<hbm>> -> memref<10000x128xf32, #tpu.memory_space<hbm>>
        tpu.wait_indirect_dma semaphore(%arg12 : memref<!tpu.dma_semaphore, #tpu.memory_space<semaphore_mem>>) src(%dma_wait3A_192 : memref<10000x128xf32, #tpu.memory_space<hbm>>) dst(%dma_wait3A_186 : memref<128x128xf32, #tpu.memory_space<vmem>>)
        %dma_start3A_193 = arith.constant 1 : i32
        %dma_start3A_194 = arith.constant 3 : i32
        %dma_start3A_195 = arith.constant 0 : i32
        %dma_start3A_196 = arith.constant 0 : i32
        %dma_start3A_197 = tpu.memref_slice %arg10[%dma_start3A_193, %dma_start3A_195, %dma_start3A_196] : memref<2x128x128xf32, #tpu.memory_space<vmem>> -> memref<1x128x128xf32, #tpu.memory_space<vmem>>
        %dma_start3A_198 = tpu.memref_squeeze %dma_start3A_197 : memref<1x128x128xf32, #tpu.memory_space<vmem>> -> memref<128x128xf32, #tpu.memory_space<vmem>>
        %dma_start3A_199 = arith.constant 0 : i32
        %dma_start3A_200 = tpu.memref_slice %arg9[%dma_start3A_194, %dma_start3A_199] : memref<8x128xi32, #tpu.memory_space<vmem>> -> memref<1x128xi32, #tpu.memory_space<vmem>>
        %dma_start3A_201 = tpu.memref_squeeze %dma_start3A_200 : memref<1x128xi32, #tpu.memory_space<vmem>> -> memref<128xi32, #tpu.memory_space<vmem>>
        %dma_start3A_202 = arith.constant 0 : i32
        %dma_start3A_203 = arith.constant 0 : i32
        %dma_start3A_204 = tpu.memref_slice %arg11[%dma_start3A_202, %dma_start3A_203] : memref<10112x128xf32, #tpu.memory_space<vmem_shared>> -> memref<10112x128xf32, #tpu.memory_space<vmem_shared>>
        tpu.enqueue_indirect_dma source(%dma_start3A_198 : memref<128x128xf32, #tpu.memory_space<vmem>>) target(%dma_start3A_204 : memref<10112x128xf32, #tpu.memory_space<vmem_shared>>) offsets(%dma_start3A_201 : memref<128xi32, #tpu.memory_space<vmem>>) semaphore(%arg13 : memref<!tpu.dma_semaphore, #tpu.memory_space<semaphore_mem>>) {add = true}
        %dma_wait3A_205 = arith.constant 0 : i32
        %dma_wait3A_206 = arith.constant 2 : i32
        %dma_wait3A_207 = arith.constant 0 : i32
        %dma_wait3A_208 = arith.constant 0 : i32
        %dma_wait3A_209 = tpu.memref_slice %arg10[%dma_wait3A_205, %dma_wait3A_207, %dma_wait3A_208] : memref<2x128x128xf32, #tpu.memory_space<vmem>> -> memref<1x128x128xf32, #tpu.memory_space<vmem>>
        %dma_wait3A_210 = tpu.memref_squeeze %dma_wait3A_209 : memref<1x128x128xf32, #tpu.memory_space<vmem>> -> memref<128x128xf32, #tpu.memory_space<vmem>>
        %dma_wait3A_211 = arith.constant 0 : i32
        %dma_wait3A_212 = tpu.memref_slice %arg9[%dma_wait3A_206, %dma_wait3A_211] : memref<8x128xi32, #tpu.memory_space<vmem>> -> memref<1x128xi32, #tpu.memory_space<vmem>>
        %dma_wait3A_213 = tpu.memref_squeeze %dma_wait3A_212 : memref<1x128xi32, #tpu.memory_space<vmem>> -> memref<128xi32, #tpu.memory_space<vmem>>
        %dma_wait3A_214 = arith.constant 0 : i32
        %dma_wait3A_215 = arith.constant 0 : i32
        %dma_wait3A_216 = tpu.memref_slice %arg11[%dma_wait3A_214, %dma_wait3A_215] : memref<10112x128xf32, #tpu.memory_space<vmem_shared>> -> memref<10112x128xf32, #tpu.memory_space<vmem_shared>>
        tpu.wait_indirect_dma semaphore(%arg13 : memref<!tpu.dma_semaphore, #tpu.memory_space<semaphore_mem>>) src(%dma_wait3A_210 : memref<128x128xf32, #tpu.memory_space<vmem>>) dst(%dma_wait3A_216 : memref<10112x128xf32, #tpu.memory_space<vmem_shared>>)
        %dma_wait3A_217 = arith.constant 1 : i32
        %dma_wait3A_218 = arith.constant 3 : i32
        %dma_wait3A_219 = arith.constant 0 : i32
        %dma_wait3A_220 = arith.constant 0 : i32
        %dma_wait3A_221 = tpu.memref_slice %arg10[%dma_wait3A_217, %dma_wait3A_219, %dma_wait3A_220] : memref<2x128x128xf32, #tpu.memory_space<vmem>> -> memref<1x128x128xf32, #tpu.memory_space<vmem>>
        %dma_wait3A_222 = tpu.memref_squeeze %dma_wait3A_221 : memref<1x128x128xf32, #tpu.memory_space<vmem>> -> memref<128x128xf32, #tpu.memory_space<vmem>>
        %dma_wait3A_223 = arith.constant 0 : i32
        %dma_wait3A_224 = tpu.memref_slice %arg9[%dma_wait3A_218, %dma_wait3A_223] : memref<8x128xi32, #tpu.memory_space<vmem>> -> memref<1x128xi32, #tpu.memory_space<vmem>>
        %dma_wait3A_225 = tpu.memref_squeeze %dma_wait3A_224 : memref<1x128xi32, #tpu.memory_space<vmem>> -> memref<128xi32, #tpu.memory_space<vmem>>
        %dma_wait3A_226 = arith.constant 0 : i32
        %dma_wait3A_227 = arith.constant 0 : i32
        %dma_wait3A_228 = tpu.memref_slice %arg11[%dma_wait3A_226, %dma_wait3A_227] : memref<10112x128xf32, #tpu.memory_space<vmem_shared>> -> memref<10112x128xf32, #tpu.memory_space<vmem_shared>>
        tpu.wait_indirect_dma semaphore(%arg13 : memref<!tpu.dma_semaphore, #tpu.memory_space<semaphore_mem>>) src(%dma_wait3A_222 : memref<128x128xf32, #tpu.memory_space<vmem>>) dst(%dma_wait3A_228 : memref<10112x128xf32, #tpu.memory_space<vmem_shared>>)
        %add3A_229 = arith.constant 4 : i32
        %add3A_230 = arith.addi %mul3A_18, %add3A_229 : i32
        %add3A_231 = arith.constant 0 : i32
        %add3A_232 = arith.addi %add3A_230, %add3A_231 : i32
        %dma_start3A_233 = arith.constant 0 : i32
        %dma_start3A_234 = arith.constant 0 : i32
        %dma_start3A_235 = arith.constant 0 : i32
        %dma_start3A_236 = tpu.memref_slice %arg10[%dma_start3A_233, %dma_start3A_234, %dma_start3A_235] : memref<2x128x128xf32, #tpu.memory_space<vmem>> -> memref<1x128x128xf32, #tpu.memory_space<vmem>>
        %dma_start3A_237 = tpu.memref_squeeze %dma_start3A_236 : memref<1x128x128xf32, #tpu.memory_space<vmem>> -> memref<128x128xf32, #tpu.memory_space<vmem>>
        %dma_start3A_238 = arith.constant 0 : i32
        %dma_start3A_239 = tpu.memref_slice %arg8[%add3A_232, %dma_start3A_238] : memref<120x128xi32, #tpu.memory_space<vmem>> -> memref<1x128xi32, #tpu.memory_space<vmem>>
        %dma_start3A_240 = tpu.memref_squeeze %dma_start3A_239 : memref<1x128xi32, #tpu.memory_space<vmem>> -> memref<128xi32, #tpu.memory_space<vmem>>
        %dma_start3A_241 = arith.constant 0 : i32
        %dma_start3A_242 = arith.constant 0 : i32
        %dma_start3A_243 = tpu.memref_slice %arg2[%dma_start3A_241, %dma_start3A_242] : memref<10000x128xf32, #tpu.memory_space<hbm>> -> memref<10000x128xf32, #tpu.memory_space<hbm>>
        tpu.enqueue_indirect_dma source(%dma_start3A_243 : memref<10000x128xf32, #tpu.memory_space<hbm>>) target(%dma_start3A_237 : memref<128x128xf32, #tpu.memory_space<vmem>>) offsets(%dma_start3A_240 : memref<128xi32, #tpu.memory_space<vmem>>) semaphore(%arg12 : memref<!tpu.dma_semaphore, #tpu.memory_space<semaphore_mem>>)
        %add3A_244 = arith.constant 4 : i32
        %add3A_245 = arith.addi %mul3A_18, %add3A_244 : i32
        %add3A_246 = arith.constant 1 : i32
        %add3A_247 = arith.addi %add3A_245, %add3A_246 : i32
        %dma_start3A_248 = arith.constant 1 : i32
        %dma_start3A_249 = arith.constant 0 : i32
        %dma_start3A_250 = arith.constant 0 : i32
        %dma_start3A_251 = tpu.memref_slice %arg10[%dma_start3A_248, %dma_start3A_249, %dma_start3A_250] : memref<2x128x128xf32, #tpu.memory_space<vmem>> -> memref<1x128x128xf32, #tpu.memory_space<vmem>>
        %dma_start3A_252 = tpu.memref_squeeze %dma_start3A_251 : memref<1x128x128xf32, #tpu.memory_space<vmem>> -> memref<128x128xf32, #tpu.memory_space<vmem>>
        %dma_start3A_253 = arith.constant 0 : i32
        %dma_start3A_254 = tpu.memref_slice %arg8[%add3A_247, %dma_start3A_253] : memref<120x128xi32, #tpu.memory_space<vmem>> -> memref<1x128xi32, #tpu.memory_space<vmem>>
        %dma_start3A_255 = tpu.memref_squeeze %dma_start3A_254 : memref<1x128xi32, #tpu.memory_space<vmem>> -> memref<128xi32, #tpu.memory_space<vmem>>
        %dma_start3A_256 = arith.constant 0 : i32
        %dma_start3A_257 = arith.constant 0 : i32
        %dma_start3A_258 = tpu.memref_slice %arg2[%dma_start3A_256, %dma_start3A_257] : memref<10000x128xf32, #tpu.memory_space<hbm>> -> memref<10000x128xf32, #tpu.memory_space<hbm>>
        tpu.enqueue_indirect_dma source(%dma_start3A_258 : memref<10000x128xf32, #tpu.memory_space<hbm>>) target(%dma_start3A_252 : memref<128x128xf32, #tpu.memory_space<vmem>>) offsets(%dma_start3A_255 : memref<128xi32, #tpu.memory_space<vmem>>) semaphore(%arg12 : memref<!tpu.dma_semaphore, #tpu.memory_space<semaphore_mem>>)
        %dma_wait3A_259 = arith.constant 0 : i32
        %dma_wait3A_260 = arith.constant 0 : i32
        %dma_wait3A_261 = arith.constant 0 : i32
        %dma_wait3A_262 = tpu.memref_slice %arg10[%dma_wait3A_259, %dma_wait3A_260, %dma_wait3A_261] : memref<2x128x128xf32, #tpu.memory_space<vmem>> -> memref<1x128x128xf32, #tpu.memory_space<vmem>>
        %dma_wait3A_263 = tpu.memref_squeeze %dma_wait3A_262 : memref<1x128x128xf32, #tpu.memory_space<vmem>> -> memref<128x128xf32, #tpu.memory_space<vmem>>
        %dma_wait3A_264 = arith.constant 0 : i32
        %dma_wait3A_265 = tpu.memref_slice %arg8[%add3A_232, %dma_wait3A_264] : memref<120x128xi32, #tpu.memory_space<vmem>> -> memref<1x128xi32, #tpu.memory_space<vmem>>
        %dma_wait3A_266 = tpu.memref_squeeze %dma_wait3A_265 : memref<1x128xi32, #tpu.memory_space<vmem>> -> memref<128xi32, #tpu.memory_space<vmem>>
        %dma_wait3A_267 = arith.constant 0 : i32
        %dma_wait3A_268 = arith.constant 0 : i32
        %dma_wait3A_269 = tpu.memref_slice %arg2[%dma_wait3A_267, %dma_wait3A_268] : memref<10000x128xf32, #tpu.memory_space<hbm>> -> memref<10000x128xf32, #tpu.memory_space<hbm>>
        tpu.wait_indirect_dma semaphore(%arg12 : memref<!tpu.dma_semaphore, #tpu.memory_space<semaphore_mem>>) src(%dma_wait3A_269 : memref<10000x128xf32, #tpu.memory_space<hbm>>) dst(%dma_wait3A_263 : memref<128x128xf32, #tpu.memory_space<vmem>>)
        %dma_start3A_270 = arith.constant 0 : i32
        %dma_start3A_271 = arith.constant 4 : i32
        %dma_start3A_272 = arith.constant 0 : i32
        %dma_start3A_273 = arith.constant 0 : i32
        %dma_start3A_274 = tpu.memref_slice %arg10[%dma_start3A_270, %dma_start3A_272, %dma_start3A_273] : memref<2x128x128xf32, #tpu.memory_space<vmem>> -> memref<1x128x128xf32, #tpu.memory_space<vmem>>
        %dma_start3A_275 = tpu.memref_squeeze %dma_start3A_274 : memref<1x128x128xf32, #tpu.memory_space<vmem>> -> memref<128x128xf32, #tpu.memory_space<vmem>>
        %dma_start3A_276 = arith.constant 0 : i32
        %dma_start3A_277 = tpu.memref_slice %arg9[%dma_start3A_271, %dma_start3A_276] : memref<8x128xi32, #tpu.memory_space<vmem>> -> memref<1x128xi32, #tpu.memory_space<vmem>>
        %dma_start3A_278 = tpu.memref_squeeze %dma_start3A_277 : memref<1x128xi32, #tpu.memory_space<vmem>> -> memref<128xi32, #tpu.memory_space<vmem>>
        %dma_start3A_279 = arith.constant 0 : i32
        %dma_start3A_280 = arith.constant 0 : i32
        %dma_start3A_281 = tpu.memref_slice %arg11[%dma_start3A_279, %dma_start3A_280] : memref<10112x128xf32, #tpu.memory_space<vmem_shared>> -> memref<10112x128xf32, #tpu.memory_space<vmem_shared>>
        tpu.enqueue_indirect_dma source(%dma_start3A_275 : memref<128x128xf32, #tpu.memory_space<vmem>>) target(%dma_start3A_281 : memref<10112x128xf32, #tpu.memory_space<vmem_shared>>) offsets(%dma_start3A_278 : memref<128xi32, #tpu.memory_space<vmem>>) semaphore(%arg13 : memref<!tpu.dma_semaphore, #tpu.memory_space<semaphore_mem>>) {add = true}
        %dma_wait3A_282 = arith.constant 1 : i32
        %dma_wait3A_283 = arith.constant 0 : i32
        %dma_wait3A_284 = arith.constant 0 : i32
        %dma_wait3A_285 = tpu.memref_slice %arg10[%dma_wait3A_282, %dma_wait3A_283, %dma_wait3A_284] : memref<2x128x128xf32, #tpu.memory_space<vmem>> -> memref<1x128x128xf32, #tpu.memory_space<vmem>>
        %dma_wait3A_286 = tpu.memref_squeeze %dma_wait3A_285 : memref<1x128x128xf32, #tpu.memory_space<vmem>> -> memref<128x128xf32, #tpu.memory_space<vmem>>
        %dma_wait3A_287 = arith.constant 0 : i32
        %dma_wait3A_288 = tpu.memref_slice %arg8[%add3A_247, %dma_wait3A_287] : memref<120x128xi32, #tpu.memory_space<vmem>> -> memref<1x128xi32, #tpu.memory_space<vmem>>
        %dma_wait3A_289 = tpu.memref_squeeze %dma_wait3A_288 : memref<1x128xi32, #tpu.memory_space<vmem>> -> memref<128xi32, #tpu.memory_space<vmem>>
        %dma_wait3A_290 = arith.constant 0 : i32
        %dma_wait3A_291 = arith.constant 0 : i32
        %dma_wait3A_292 = tpu.memref_slice %arg2[%dma_wait3A_290, %dma_wait3A_291] : memref<10000x128xf32, #tpu.memory_space<hbm>> -> memref<10000x128xf32, #tpu.memory_space<hbm>>
        tpu.wait_indirect_dma semaphore(%arg12 : memref<!tpu.dma_semaphore, #tpu.memory_space<semaphore_mem>>) src(%dma_wait3A_292 : memref<10000x128xf32, #tpu.memory_space<hbm>>) dst(%dma_wait3A_286 : memref<128x128xf32, #tpu.memory_space<vmem>>)
        %dma_start3A_293 = arith.constant 1 : i32
        %dma_start3A_294 = arith.constant 5 : i32
        %dma_start3A_295 = arith.constant 0 : i32
        %dma_start3A_296 = arith.constant 0 : i32
        %dma_start3A_297 = tpu.memref_slice %arg10[%dma_start3A_293, %dma_start3A_295, %dma_start3A_296] : memref<2x128x128xf32, #tpu.memory_space<vmem>> -> memref<1x128x128xf32, #tpu.memory_space<vmem>>
        %dma_start3A_298 = tpu.memref_squeeze %dma_start3A_297 : memref<1x128x128xf32, #tpu.memory_space<vmem>> -> memref<128x128xf32, #tpu.memory_space<vmem>>
        %dma_start3A_299 = arith.constant 0 : i32
        %dma_start3A_300 = tpu.memref_slice %arg9[%dma_start3A_294, %dma_start3A_299] : memref<8x128xi32, #tpu.memory_space<vmem>> -> memref<1x128xi32, #tpu.memory_space<vmem>>
        %dma_start3A_301 = tpu.memref_squeeze %dma_start3A_300 : memref<1x128xi32, #tpu.memory_space<vmem>> -> memref<128xi32, #tpu.memory_space<vmem>>
        %dma_start3A_302 = arith.constant 0 : i32
        %dma_start3A_303 = arith.constant 0 : i32
        %dma_start3A_304 = tpu.memref_slice %arg11[%dma_start3A_302, %dma_start3A_303] : memref<10112x128xf32, #tpu.memory_space<vmem_shared>> -> memref<10112x128xf32, #tpu.memory_space<vmem_shared>>
        tpu.enqueue_indirect_dma source(%dma_start3A_298 : memref<128x128xf32, #tpu.memory_space<vmem>>) target(%dma_start3A_304 : memref<10112x128xf32, #tpu.memory_space<vmem_shared>>) offsets(%dma_start3A_301 : memref<128xi32, #tpu.memory_space<vmem>>) semaphore(%arg13 : memref<!tpu.dma_semaphore, #tpu.memory_space<semaphore_mem>>) {add = true}
        %dma_wait3A_305 = arith.constant 0 : i32
        %dma_wait3A_306 = arith.constant 4 : i32
        %dma_wait3A_307 = arith.constant 0 : i32
        %dma_wait3A_308 = arith.constant 0 : i32
        %dma_wait3A_309 = tpu.memref_slice %arg10[%dma_wait3A_305, %dma_wait3A_307, %dma_wait3A_308] : memref<2x128x128xf32, #tpu.memory_space<vmem>> -> memref<1x128x128xf32, #tpu.memory_space<vmem>>
        %dma_wait3A_310 = tpu.memref_squeeze %dma_wait3A_309 : memref<1x128x128xf32, #tpu.memory_space<vmem>> -> memref<128x128xf32, #tpu.memory_space<vmem>>
        %dma_wait3A_311 = arith.constant 0 : i32
        %dma_wait3A_312 = tpu.memref_slice %arg9[%dma_wait3A_306, %dma_wait3A_311] : memref<8x128xi32, #tpu.memory_space<vmem>> -> memref<1x128xi32, #tpu.memory_space<vmem>>
        %dma_wait3A_313 = tpu.memref_squeeze %dma_wait3A_312 : memref<1x128xi32, #tpu.memory_space<vmem>> -> memref<128xi32, #tpu.memory_space<vmem>>
        %dma_wait3A_314 = arith.constant 0 : i32
        %dma_wait3A_315 = arith.constant 0 : i32
        %dma_wait3A_316 = tpu.memref_slice %arg11[%dma_wait3A_314, %dma_wait3A_315] : memref<10112x128xf32, #tpu.memory_space<vmem_shared>> -> memref<10112x128xf32, #tpu.memory_space<vmem_shared>>
        tpu.wait_indirect_dma semaphore(%arg13 : memref<!tpu.dma_semaphore, #tpu.memory_space<semaphore_mem>>) src(%dma_wait3A_310 : memref<128x128xf32, #tpu.memory_space<vmem>>) dst(%dma_wait3A_316 : memref<10112x128xf32, #tpu.memory_space<vmem_shared>>)
        %dma_wait3A_317 = arith.constant 1 : i32
        %dma_wait3A_318 = arith.constant 5 : i32
        %dma_wait3A_319 = arith.constant 0 : i32
        %dma_wait3A_320 = arith.constant 0 : i32
        %dma_wait3A_321 = tpu.memref_slice %arg10[%dma_wait3A_317, %dma_wait3A_319, %dma_wait3A_320] : memref<2x128x128xf32, #tpu.memory_space<vmem>> -> memref<1x128x128xf32, #tpu.memory_space<vmem>>
        %dma_wait3A_322 = tpu.memref_squeeze %dma_wait3A_321 : memref<1x128x128xf32, #tpu.memory_space<vmem>> -> memref<128x128xf32, #tpu.memory_space<vmem>>
        %dma_wait3A_323 = arith.constant 0 : i32
        %dma_wait3A_324 = tpu.memref_slice %arg9[%dma_wait3A_318, %dma_wait3A_323] : memref<8x128xi32, #tpu.memory_space<vmem>> -> memref<1x128xi32, #tpu.memory_space<vmem>>
        %dma_wait3A_325 = tpu.memref_squeeze %dma_wait3A_324 : memref<1x128xi32, #tpu.memory_space<vmem>> -> memref<128xi32, #tpu.memory_space<vmem>>
        %dma_wait3A_326 = arith.constant 0 : i32
        %dma_wait3A_327 = arith.constant 0 : i32
        %dma_wait3A_328 = tpu.memref_slice %arg11[%dma_wait3A_326, %dma_wait3A_327] : memref<10112x128xf32, #tpu.memory_space<vmem_shared>> -> memref<10112x128xf32, #tpu.memory_space<vmem_shared>>
        tpu.wait_indirect_dma semaphore(%arg13 : memref<!tpu.dma_semaphore, #tpu.memory_space<semaphore_mem>>) src(%dma_wait3A_322 : memref<128x128xf32, #tpu.memory_space<vmem>>) dst(%dma_wait3A_328 : memref<10112x128xf32, #tpu.memory_space<vmem_shared>>)
        %add3A_329 = arith.constant 6 : i32
        %add3A_330 = arith.addi %mul3A_18, %add3A_329 : i32
        %add3A_331 = arith.constant 0 : i32
        %add3A_332 = arith.addi %add3A_330, %add3A_331 : i32
        %dma_start3A_333 = arith.constant 0 : i32
        %dma_start3A_334 = arith.constant 0 : i32
        %dma_start3A_335 = arith.constant 0 : i32
        %dma_start3A_336 = tpu.memref_slice %arg10[%dma_start3A_333, %dma_start3A_334, %dma_start3A_335] : memref<2x128x128xf32, #tpu.memory_space<vmem>> -> memref<1x128x128xf32, #tpu.memory_space<vmem>>
        %dma_start3A_337 = tpu.memref_squeeze %dma_start3A_336 : memref<1x128x128xf32, #tpu.memory_space<vmem>> -> memref<128x128xf32, #tpu.memory_space<vmem>>
        %dma_start3A_338 = arith.constant 0 : i32
        %dma_start3A_339 = tpu.memref_slice %arg8[%add3A_332, %dma_start3A_338] : memref<120x128xi32, #tpu.memory_space<vmem>> -> memref<1x128xi32, #tpu.memory_space<vmem>>
        %dma_start3A_340 = tpu.memref_squeeze %dma_start3A_339 : memref<1x128xi32, #tpu.memory_space<vmem>> -> memref<128xi32, #tpu.memory_space<vmem>>
        %dma_start3A_341 = arith.constant 0 : i32
        %dma_start3A_342 = arith.constant 0 : i32
        %dma_start3A_343 = tpu.memref_slice %arg2[%dma_start3A_341, %dma_start3A_342] : memref<10000x128xf32, #tpu.memory_space<hbm>> -> memref<10000x128xf32, #tpu.memory_space<hbm>>
        tpu.enqueue_indirect_dma source(%dma_start3A_343 : memref<10000x128xf32, #tpu.memory_space<hbm>>) target(%dma_start3A_337 : memref<128x128xf32, #tpu.memory_space<vmem>>) offsets(%dma_start3A_340 : memref<128xi32, #tpu.memory_space<vmem>>) semaphore(%arg12 : memref<!tpu.dma_semaphore, #tpu.memory_space<semaphore_mem>>)
        %add3A_344 = arith.constant 6 : i32
        %add3A_345 = arith.addi %mul3A_18, %add3A_344 : i32
        %add3A_346 = arith.constant 1 : i32
        %add3A_347 = arith.addi %add3A_345, %add3A_346 : i32
        %dma_start3A_348 = arith.constant 1 : i32
        %dma_start3A_349 = arith.constant 0 : i32
        %dma_start3A_350 = arith.constant 0 : i32
        %dma_start3A_351 = tpu.memref_slice %arg10[%dma_start3A_348, %dma_start3A_349, %dma_start3A_350] : memref<2x128x128xf32, #tpu.memory_space<vmem>> -> memref<1x128x128xf32, #tpu.memory_space<vmem>>
        %dma_start3A_352 = tpu.memref_squeeze %dma_start3A_351 : memref<1x128x128xf32, #tpu.memory_space<vmem>> -> memref<128x128xf32, #tpu.memory_space<vmem>>
        %dma_start3A_353 = arith.constant 0 : i32
        %dma_start3A_354 = tpu.memref_slice %arg8[%add3A_347, %dma_start3A_353] : memref<120x128xi32, #tpu.memory_space<vmem>> -> memref<1x128xi32, #tpu.memory_space<vmem>>
        %dma_start3A_355 = tpu.memref_squeeze %dma_start3A_354 : memref<1x128xi32, #tpu.memory_space<vmem>> -> memref<128xi32, #tpu.memory_space<vmem>>
        %dma_start3A_356 = arith.constant 0 : i32
        %dma_start3A_357 = arith.constant 0 : i32
        %dma_start3A_358 = tpu.memref_slice %arg2[%dma_start3A_356, %dma_start3A_357] : memref<10000x128xf32, #tpu.memory_space<hbm>> -> memref<10000x128xf32, #tpu.memory_space<hbm>>
        tpu.enqueue_indirect_dma source(%dma_start3A_358 : memref<10000x128xf32, #tpu.memory_space<hbm>>) target(%dma_start3A_352 : memref<128x128xf32, #tpu.memory_space<vmem>>) offsets(%dma_start3A_355 : memref<128xi32, #tpu.memory_space<vmem>>) semaphore(%arg12 : memref<!tpu.dma_semaphore, #tpu.memory_space<semaphore_mem>>)
        %dma_wait3A_359 = arith.constant 0 : i32
        %dma_wait3A_360 = arith.constant 0 : i32
        %dma_wait3A_361 = arith.constant 0 : i32
        %dma_wait3A_362 = tpu.memref_slice %arg10[%dma_wait3A_359, %dma_wait3A_360, %dma_wait3A_361] : memref<2x128x128xf32, #tpu.memory_space<vmem>> -> memref<1x128x128xf32, #tpu.memory_space<vmem>>
        %dma_wait3A_363 = tpu.memref_squeeze %dma_wait3A_362 : memref<1x128x128xf32, #tpu.memory_space<vmem>> -> memref<128x128xf32, #tpu.memory_space<vmem>>
        %dma_wait3A_364 = arith.constant 0 : i32
        %dma_wait3A_365 = tpu.memref_slice %arg8[%add3A_332, %dma_wait3A_364] : memref<120x128xi32, #tpu.memory_space<vmem>> -> memref<1x128xi32, #tpu.memory_space<vmem>>
        %dma_wait3A_366 = tpu.memref_squeeze %dma_wait3A_365 : memref<1x128xi32, #tpu.memory_space<vmem>> -> memref<128xi32, #tpu.memory_space<vmem>>
        %dma_wait3A_367 = arith.constant 0 : i32
        %dma_wait3A_368 = arith.constant 0 : i32
        %dma_wait3A_369 = tpu.memref_slice %arg2[%dma_wait3A_367, %dma_wait3A_368] : memref<10000x128xf32, #tpu.memory_space<hbm>> -> memref<10000x128xf32, #tpu.memory_space<hbm>>
        tpu.wait_indirect_dma semaphore(%arg12 : memref<!tpu.dma_semaphore, #tpu.memory_space<semaphore_mem>>) src(%dma_wait3A_369 : memref<10000x128xf32, #tpu.memory_space<hbm>>) dst(%dma_wait3A_363 : memref<128x128xf32, #tpu.memory_space<vmem>>)
        %dma_start3A_370 = arith.constant 0 : i32
        %dma_start3A_371 = arith.constant 6 : i32
        %dma_start3A_372 = arith.constant 0 : i32
        %dma_start3A_373 = arith.constant 0 : i32
        %dma_start3A_374 = tpu.memref_slice %arg10[%dma_start3A_370, %dma_start3A_372, %dma_start3A_373] : memref<2x128x128xf32, #tpu.memory_space<vmem>> -> memref<1x128x128xf32, #tpu.memory_space<vmem>>
        %dma_start3A_375 = tpu.memref_squeeze %dma_start3A_374 : memref<1x128x128xf32, #tpu.memory_space<vmem>> -> memref<128x128xf32, #tpu.memory_space<vmem>>
        %dma_start3A_376 = arith.constant 0 : i32
        %dma_start3A_377 = tpu.memref_slice %arg9[%dma_start3A_371, %dma_start3A_376] : memref<8x128xi32, #tpu.memory_space<vmem>> -> memref<1x128xi32, #tpu.memory_space<vmem>>
        %dma_start3A_378 = tpu.memref_squeeze %dma_start3A_377 : memref<1x128xi32, #tpu.memory_space<vmem>> -> memref<128xi32, #tpu.memory_space<vmem>>
        %dma_start3A_379 = arith.constant 0 : i32
        %dma_start3A_380 = arith.constant 0 : i32
        %dma_start3A_381 = tpu.memref_slice %arg11[%dma_start3A_379, %dma_start3A_380] : memref<10112x128xf32, #tpu.memory_space<vmem_shared>> -> memref<10112x128xf32, #tpu.memory_space<vmem_shared>>
        tpu.enqueue_indirect_dma source(%dma_start3A_375 : memref<128x128xf32, #tpu.memory_space<vmem>>) target(%dma_start3A_381 : memref<10112x128xf32, #tpu.memory_space<vmem_shared>>) offsets(%dma_start3A_378 : memref<128xi32, #tpu.memory_space<vmem>>) semaphore(%arg13 : memref<!tpu.dma_semaphore, #tpu.memory_space<semaphore_mem>>) {add = true}
        %dma_wait3A_382 = arith.constant 1 : i32
        %dma_wait3A_383 = arith.constant 0 : i32
        %dma_wait3A_384 = arith.constant 0 : i32
        %dma_wait3A_385 = tpu.memref_slice %arg10[%dma_wait3A_382, %dma_wait3A_383, %dma_wait3A_384] : memref<2x128x128xf32, #tpu.memory_space<vmem>> -> memref<1x128x128xf32, #tpu.memory_space<vmem>>
        %dma_wait3A_386 = tpu.memref_squeeze %dma_wait3A_385 : memref<1x128x128xf32, #tpu.memory_space<vmem>> -> memref<128x128xf32, #tpu.memory_space<vmem>>
        %dma_wait3A_387 = arith.constant 0 : i32
        %dma_wait3A_388 = tpu.memref_slice %arg8[%add3A_347, %dma_wait3A_387] : memref<120x128xi32, #tpu.memory_space<vmem>> -> memref<1x128xi32, #tpu.memory_space<vmem>>
        %dma_wait3A_389 = tpu.memref_squeeze %dma_wait3A_388 : memref<1x128xi32, #tpu.memory_space<vmem>> -> memref<128xi32, #tpu.memory_space<vmem>>
        %dma_wait3A_390 = arith.constant 0 : i32
        %dma_wait3A_391 = arith.constant 0 : i32
        %dma_wait3A_392 = tpu.memref_slice %arg2[%dma_wait3A_390, %dma_wait3A_391] : memref<10000x128xf32, #tpu.memory_space<hbm>> -> memref<10000x128xf32, #tpu.memory_space<hbm>>
        tpu.wait_indirect_dma semaphore(%arg12 : memref<!tpu.dma_semaphore, #tpu.memory_space<semaphore_mem>>) src(%dma_wait3A_392 : memref<10000x128xf32, #tpu.memory_space<hbm>>) dst(%dma_wait3A_386 : memref<128x128xf32, #tpu.memory_space<vmem>>)
        %dma_start3A_393 = arith.constant 1 : i32
        %dma_start3A_394 = arith.constant 7 : i32
        %dma_start3A_395 = arith.constant 0 : i32
        %dma_start3A_396 = arith.constant 0 : i32
        %dma_start3A_397 = tpu.memref_slice %arg10[%dma_start3A_393, %dma_start3A_395, %dma_start3A_396] : memref<2x128x128xf32, #tpu.memory_space<vmem>> -> memref<1x128x128xf32, #tpu.memory_space<vmem>>
        %dma_start3A_398 = tpu.memref_squeeze %dma_start3A_397 : memref<1x128x128xf32, #tpu.memory_space<vmem>> -> memref<128x128xf32, #tpu.memory_space<vmem>>
        %dma_start3A_399 = arith.constant 0 : i32
        %dma_start3A_400 = tpu.memref_slice %arg9[%dma_start3A_394, %dma_start3A_399] : memref<8x128xi32, #tpu.memory_space<vmem>> -> memref<1x128xi32, #tpu.memory_space<vmem>>
        %dma_start3A_401 = tpu.memref_squeeze %dma_start3A_400 : memref<1x128xi32, #tpu.memory_space<vmem>> -> memref<128xi32, #tpu.memory_space<vmem>>
        %dma_start3A_402 = arith.constant 0 : i32
        %dma_start3A_403 = arith.constant 0 : i32
        %dma_start3A_404 = tpu.memref_slice %arg11[%dma_start3A_402, %dma_start3A_403] : memref<10112x128xf32, #tpu.memory_space<vmem_shared>> -> memref<10112x128xf32, #tpu.memory_space<vmem_shared>>
        tpu.enqueue_indirect_dma source(%dma_start3A_398 : memref<128x128xf32, #tpu.memory_space<vmem>>) target(%dma_start3A_404 : memref<10112x128xf32, #tpu.memory_space<vmem_shared>>) offsets(%dma_start3A_401 : memref<128xi32, #tpu.memory_space<vmem>>) semaphore(%arg13 : memref<!tpu.dma_semaphore, #tpu.memory_space<semaphore_mem>>) {add = true}
        %dma_wait3A_405 = arith.constant 0 : i32
        %dma_wait3A_406 = arith.constant 6 : i32
        %dma_wait3A_407 = arith.constant 0 : i32
        %dma_wait3A_408 = arith.constant 0 : i32
        %dma_wait3A_409 = tpu.memref_slice %arg10[%dma_wait3A_405, %dma_wait3A_407, %dma_wait3A_408] : memref<2x128x128xf32, #tpu.memory_space<vmem>> -> memref<1x128x128xf32, #tpu.memory_space<vmem>>
        %dma_wait3A_410 = tpu.memref_squeeze %dma_wait3A_409 : memref<1x128x128xf32, #tpu.memory_space<vmem>> -> memref<128x128xf32, #tpu.memory_space<vmem>>
        %dma_wait3A_411 = arith.constant 0 : i32
        %dma_wait3A_412 = tpu.memref_slice %arg9[%dma_wait3A_406, %dma_wait3A_411] : memref<8x128xi32, #tpu.memory_space<vmem>> -> memref<1x128xi32, #tpu.memory_space<vmem>>
        %dma_wait3A_413 = tpu.memref_squeeze %dma_wait3A_412 : memref<1x128xi32, #tpu.memory_space<vmem>> -> memref<128xi32, #tpu.memory_space<vmem>>
        %dma_wait3A_414 = arith.constant 0 : i32
        %dma_wait3A_415 = arith.constant 0 : i32
        %dma_wait3A_416 = tpu.memref_slice %arg11[%dma_wait3A_414, %dma_wait3A_415] : memref<10112x128xf32, #tpu.memory_space<vmem_shared>> -> memref<10112x128xf32, #tpu.memory_space<vmem_shared>>
        tpu.wait_indirect_dma semaphore(%arg13 : memref<!tpu.dma_semaphore, #tpu.memory_space<semaphore_mem>>) src(%dma_wait3A_410 : memref<128x128xf32, #tpu.memory_space<vmem>>) dst(%dma_wait3A_416 : memref<10112x128xf32, #tpu.memory_space<vmem_shared>>)
        %dma_wait3A_417 = arith.constant 1 : i32
        %dma_wait3A_418 = arith.constant 7 : i32
        %dma_wait3A_419 = arith.constant 0 : i32
        %dma_wait3A_420 = arith.constant 0 : i32
        %dma_wait3A_421 = tpu.memref_slice %arg10[%dma_wait3A_417, %dma_wait3A_419, %dma_wait3A_420] : memref<2x128x128xf32, #tpu.memory_space<vmem>> -> memref<1x128x128xf32, #tpu.memory_space<vmem>>
        %dma_wait3A_422 = tpu.memref_squeeze %dma_wait3A_421 : memref<1x128x128xf32, #tpu.memory_space<vmem>> -> memref<128x128xf32, #tpu.memory_space<vmem>>
        %dma_wait3A_423 = arith.constant 0 : i32
        %dma_wait3A_424 = tpu.memref_slice %arg9[%dma_wait3A_418, %dma_wait3A_423] : memref<8x128xi32, #tpu.memory_space<vmem>> -> memref<1x128xi32, #tpu.memory_space<vmem>>
        %dma_wait3A_425 = tpu.memref_squeeze %dma_wait3A_424 : memref<1x128xi32, #tpu.memory_space<vmem>> -> memref<128xi32, #tpu.memory_space<vmem>>
        %dma_wait3A_426 = arith.constant 0 : i32
        %dma_wait3A_427 = arith.constant 0 : i32
        %dma_wait3A_428 = tpu.memref_slice %arg11[%dma_wait3A_426, %dma_wait3A_427] : memref<10112x128xf32, #tpu.memory_space<vmem_shared>> -> memref<10112x128xf32, #tpu.memory_space<vmem_shared>>
        tpu.wait_indirect_dma semaphore(%arg13 : memref<!tpu.dma_semaphore, #tpu.memory_space<semaphore_mem>>) src(%dma_wait3A_422 : memref<128x128xf32, #tpu.memory_space<vmem>>) dst(%dma_wait3A_428 : memref<10112x128xf32, #tpu.memory_space<vmem_shared>>)
      }
      %scan3A_15 = arith.constant 15 : i32
    } else {
    }
    %eq3A_5 = arith.constant 1 : i32
    %eq3A_6 = arith.cmpi eq, %arg0, %eq3A_5 : i32
    %convert_element_type3A_7 = arith.extui %eq3A_6 : i1 to i32
    %cond3A_8 = arith.constant 0 : i32
    %cond3A_9 = arith.cmpi ne, %convert_element_type3A_7, %cond3A_8 : i32
    scf.if %cond3A_9 {
      %scan3A = arith.constant 0 : i32
      %scan3A_11 = arith.constant 0 : i32
      %scan3A_12 = arith.constant 5 : i32
      %scan3A_13 = arith.addi %scan3A_11, %scan3A_12 : i32
      %scan3A_14 = arith.constant 1 : i32
      scf.for %scan3A_16 = %scan3A_11 to %scan3A_13 step %scan3A_14  : i32 {
        %mul3A_17 = arith.constant 8 : i32
        %mul3A_18 = arith.muli %scan3A_16, %mul3A_17 : i32
        %multiple_of3A = tpu.assume_multiple %mul3A_18, 8 : i32
        %dma_start3A = arith.constant 0 : i32
        %dma_start3A_19 = tpu.memref_slice %arg5[%add3A, %multiple_of3A, %dma_start3A] : memref<32x120x128xi32, #tpu.memory_space<hbm>> -> memref<1x8x128xi32, #tpu.memory_space<hbm>>
        %dma_start3A_20 = tpu.memref_squeeze %dma_start3A_19 : memref<1x8x128xi32, #tpu.memory_space<hbm>> -> memref<8x128xi32, #tpu.memory_space<hbm>>
        %dma_start3A_21 = arith.constant 0 : i32
        %dma_start3A_22 = tpu.memref_slice %arg5[%add3A, %multiple_of3A, %dma_start3A_21] : memref<32x120x128xi32, #tpu.memory_space<hbm>> -> memref<1x8x128xi32, #tpu.memory_space<hbm>>
        %dma_start3A_23 = tpu.memref_squeeze %dma_start3A_22 : memref<1x8x128xi32, #tpu.memory_space<hbm>> -> memref<8x128xi32, #tpu.memory_space<hbm>>
        tpu.enqueue_dma source(%dma_start3A_23 : memref<8x128xi32, #tpu.memory_space<hbm>>) target(%arg9 : memref<8x128xi32, #tpu.memory_space<vmem>>) target_semaphore(%arg14 : memref<!tpu.dma_semaphore, #tpu.memory_space<semaphore_mem>>)
        %add3A_24 = arith.constant 0 : i32
        %add3A_25 = arith.addi %mul3A_18, %add3A_24 : i32
        %add3A_26 = arith.constant 0 : i32
        %add3A_27 = arith.addi %add3A_25, %add3A_26 : i32
        %dma_start3A_28 = arith.constant 0 : i32
        %dma_start3A_29 = arith.constant 0 : i32
        %dma_start3A_30 = arith.constant 0 : i32
        %dma_start3A_31 = tpu.memref_slice %arg10[%dma_start3A_28, %dma_start3A_29, %dma_start3A_30] : memref<2x128x128xf32, #tpu.memory_space<vmem>> -> memref<1x128x128xf32, #tpu.memory_space<vmem>>
        %dma_start3A_32 = tpu.memref_squeeze %dma_start3A_31 : memref<1x128x128xf32, #tpu.memory_space<vmem>> -> memref<128x128xf32, #tpu.memory_space<vmem>>
        %dma_start3A_33 = arith.constant 0 : i32
        %dma_start3A_34 = tpu.memref_slice %arg8[%add3A_27, %dma_start3A_33] : memref<120x128xi32, #tpu.memory_space<vmem>> -> memref<1x128xi32, #tpu.memory_space<vmem>>
        %dma_start3A_35 = tpu.memref_squeeze %dma_start3A_34 : memref<1x128xi32, #tpu.memory_space<vmem>> -> memref<128xi32, #tpu.memory_space<vmem>>
        %dma_start3A_36 = arith.constant 0 : i32
        %dma_start3A_37 = arith.constant 0 : i32
        %dma_start3A_38 = tpu.memref_slice %arg3[%dma_start3A_36, %dma_start3A_37] : memref<10000x128xf32, #tpu.memory_space<hbm>> -> memref<10000x128xf32, #tpu.memory_space<hbm>>
        tpu.enqueue_indirect_dma source(%dma_start3A_38 : memref<10000x128xf32, #tpu.memory_space<hbm>>) target(%dma_start3A_32 : memref<128x128xf32, #tpu.memory_space<vmem>>) offsets(%dma_start3A_35 : memref<128xi32, #tpu.memory_space<vmem>>) semaphore(%arg12 : memref<!tpu.dma_semaphore, #tpu.memory_space<semaphore_mem>>)
        %add3A_39 = arith.constant 0 : i32
        %add3A_40 = arith.addi %mul3A_18, %add3A_39 : i32
        %add3A_41 = arith.constant 1 : i32
        %add3A_42 = arith.addi %add3A_40, %add3A_41 : i32
        %dma_start3A_43 = arith.constant 1 : i32
        %dma_start3A_44 = arith.constant 0 : i32
        %dma_start3A_45 = arith.constant 0 : i32
        %dma_start3A_46 = tpu.memref_slice %arg10[%dma_start3A_43, %dma_start3A_44, %dma_start3A_45] : memref<2x128x128xf32, #tpu.memory_space<vmem>> -> memref<1x128x128xf32, #tpu.memory_space<vmem>>
        %dma_start3A_47 = tpu.memref_squeeze %dma_start3A_46 : memref<1x128x128xf32, #tpu.memory_space<vmem>> -> memref<128x128xf32, #tpu.memory_space<vmem>>
        %dma_start3A_48 = arith.constant 0 : i32
        %dma_start3A_49 = tpu.memref_slice %arg8[%add3A_42, %dma_start3A_48] : memref<120x128xi32, #tpu.memory_space<vmem>> -> memref<1x128xi32, #tpu.memory_space<vmem>>
        %dma_start3A_50 = tpu.memref_squeeze %dma_start3A_49 : memref<1x128xi32, #tpu.memory_space<vmem>> -> memref<128xi32, #tpu.memory_space<vmem>>
        %dma_start3A_51 = arith.constant 0 : i32
        %dma_start3A_52 = arith.constant 0 : i32
        %dma_start3A_53 = tpu.memref_slice %arg3[%dma_start3A_51, %dma_start3A_52] : memref<10000x128xf32, #tpu.memory_space<hbm>> -> memref<10000x128xf32, #tpu.memory_space<hbm>>
        tpu.enqueue_indirect_dma source(%dma_start3A_53 : memref<10000x128xf32, #tpu.memory_space<hbm>>) target(%dma_start3A_47 : memref<128x128xf32, #tpu.memory_space<vmem>>) offsets(%dma_start3A_50 : memref<128xi32, #tpu.memory_space<vmem>>) semaphore(%arg12 : memref<!tpu.dma_semaphore, #tpu.memory_space<semaphore_mem>>)
        %dma_wait3A = arith.constant 0 : i32
        %dma_wait3A_54 = tpu.memref_slice %arg5[%add3A, %multiple_of3A, %dma_wait3A] : memref<32x120x128xi32, #tpu.memory_space<hbm>> -> memref<1x8x128xi32, #tpu.memory_space<hbm>>
        %dma_wait3A_55 = tpu.memref_squeeze %dma_wait3A_54 : memref<1x8x128xi32, #tpu.memory_space<hbm>> -> memref<8x128xi32, #tpu.memory_space<hbm>>
        %dma_wait3A_56 = arith.constant 0 : i32
        %dma_wait3A_57 = tpu.memref_slice %arg5[%add3A, %multiple_of3A, %dma_wait3A_56] : memref<32x120x128xi32, #tpu.memory_space<hbm>> -> memref<1x8x128xi32, #tpu.memory_space<hbm>>
        %dma_wait3A_58 = tpu.memref_squeeze %dma_wait3A_57 : memref<1x8x128xi32, #tpu.memory_space<hbm>> -> memref<8x128xi32, #tpu.memory_space<hbm>>
        tpu.wait_dma2 semaphore(%arg14 : memref<!tpu.dma_semaphore, #tpu.memory_space<semaphore_mem>>) src(%dma_wait3A_58 : memref<8x128xi32, #tpu.memory_space<hbm>>) dst(%arg9 : memref<8x128xi32, #tpu.memory_space<vmem>>)
        %dma_wait3A_59 = arith.constant 0 : i32
        %dma_wait3A_60 = arith.constant 0 : i32
        %dma_wait3A_61 = arith.constant 0 : i32
        %dma_wait3A_62 = tpu.memref_slice %arg10[%dma_wait3A_59, %dma_wait3A_60, %dma_wait3A_61] : memref<2x128x128xf32, #tpu.memory_space<vmem>> -> memref<1x128x128xf32, #tpu.memory_space<vmem>>
        %dma_wait3A_63 = tpu.memref_squeeze %dma_wait3A_62 : memref<1x128x128xf32, #tpu.memory_space<vmem>> -> memref<128x128xf32, #tpu.memory_space<vmem>>
        %dma_wait3A_64 = arith.constant 0 : i32
        %dma_wait3A_65 = tpu.memref_slice %arg8[%add3A_27, %dma_wait3A_64] : memref<120x128xi32, #tpu.memory_space<vmem>> -> memref<1x128xi32, #tpu.memory_space<vmem>>
        %dma_wait3A_66 = tpu.memref_squeeze %dma_wait3A_65 : memref<1x128xi32, #tpu.memory_space<vmem>> -> memref<128xi32, #tpu.memory_space<vmem>>
        %dma_wait3A_67 = arith.constant 0 : i32
        %dma_wait3A_68 = arith.constant 0 : i32
        %dma_wait3A_69 = tpu.memref_slice %arg3[%dma_wait3A_67, %dma_wait3A_68] : memref<10000x128xf32, #tpu.memory_space<hbm>> -> memref<10000x128xf32, #tpu.memory_space<hbm>>
        tpu.wait_indirect_dma semaphore(%arg12 : memref<!tpu.dma_semaphore, #tpu.memory_space<semaphore_mem>>) src(%dma_wait3A_69 : memref<10000x128xf32, #tpu.memory_space<hbm>>) dst(%dma_wait3A_63 : memref<128x128xf32, #tpu.memory_space<vmem>>)
        %dma_start3A_70 = arith.constant 0 : i32
        %dma_start3A_71 = arith.constant 0 : i32
        %dma_start3A_72 = arith.constant 0 : i32
        %dma_start3A_73 = arith.constant 0 : i32
        %dma_start3A_74 = tpu.memref_slice %arg10[%dma_start3A_70, %dma_start3A_72, %dma_start3A_73] : memref<2x128x128xf32, #tpu.memory_space<vmem>> -> memref<1x128x128xf32, #tpu.memory_space<vmem>>
        %dma_start3A_75 = tpu.memref_squeeze %dma_start3A_74 : memref<1x128x128xf32, #tpu.memory_space<vmem>> -> memref<128x128xf32, #tpu.memory_space<vmem>>
        %dma_start3A_76 = arith.constant 0 : i32
        %dma_start3A_77 = tpu.memref_slice %arg9[%dma_start3A_71, %dma_start3A_76] : memref<8x128xi32, #tpu.memory_space<vmem>> -> memref<1x128xi32, #tpu.memory_space<vmem>>
        %dma_start3A_78 = tpu.memref_squeeze %dma_start3A_77 : memref<1x128xi32, #tpu.memory_space<vmem>> -> memref<128xi32, #tpu.memory_space<vmem>>
        %dma_start3A_79 = arith.constant 0 : i32
        %dma_start3A_80 = arith.constant 0 : i32
        %dma_start3A_81 = tpu.memref_slice %arg11[%dma_start3A_79, %dma_start3A_80] : memref<10112x128xf32, #tpu.memory_space<vmem_shared>> -> memref<10112x128xf32, #tpu.memory_space<vmem_shared>>
        tpu.enqueue_indirect_dma source(%dma_start3A_75 : memref<128x128xf32, #tpu.memory_space<vmem>>) target(%dma_start3A_81 : memref<10112x128xf32, #tpu.memory_space<vmem_shared>>) offsets(%dma_start3A_78 : memref<128xi32, #tpu.memory_space<vmem>>) semaphore(%arg13 : memref<!tpu.dma_semaphore, #tpu.memory_space<semaphore_mem>>) {add = true}
        %dma_wait3A_82 = arith.constant 1 : i32
        %dma_wait3A_83 = arith.constant 0 : i32
        %dma_wait3A_84 = arith.constant 0 : i32
        %dma_wait3A_85 = tpu.memref_slice %arg10[%dma_wait3A_82, %dma_wait3A_83, %dma_wait3A_84] : memref<2x128x128xf32, #tpu.memory_space<vmem>> -> memref<1x128x128xf32, #tpu.memory_space<vmem>>
        %dma_wait3A_86 = tpu.memref_squeeze %dma_wait3A_85 : memref<1x128x128xf32, #tpu.memory_space<vmem>> -> memref<128x128xf32, #tpu.memory_space<vmem>>
        %dma_wait3A_87 = arith.constant 0 : i32
        %dma_wait3A_88 = tpu.memref_slice %arg8[%add3A_42, %dma_wait3A_87] : memref<120x128xi32, #tpu.memory_space<vmem>> -> memref<1x128xi32, #tpu.memory_space<vmem>>
        %dma_wait3A_89 = tpu.memref_squeeze %dma_wait3A_88 : memref<1x128xi32, #tpu.memory_space<vmem>> -> memref<128xi32, #tpu.memory_space<vmem>>
        %dma_wait3A_90 = arith.constant 0 : i32
        %dma_wait3A_91 = arith.constant 0 : i32
        %dma_wait3A_92 = tpu.memref_slice %arg3[%dma_wait3A_90, %dma_wait3A_91] : memref<10000x128xf32, #tpu.memory_space<hbm>> -> memref<10000x128xf32, #tpu.memory_space<hbm>>
        tpu.wait_indirect_dma semaphore(%arg12 : memref<!tpu.dma_semaphore, #tpu.memory_space<semaphore_mem>>) src(%dma_wait3A_92 : memref<10000x128xf32, #tpu.memory_space<hbm>>) dst(%dma_wait3A_86 : memref<128x128xf32, #tpu.memory_space<vmem>>)
        %dma_start3A_93 = arith.constant 1 : i32
        %dma_start3A_94 = arith.constant 1 : i32
        %dma_start3A_95 = arith.constant 0 : i32
        %dma_start3A_96 = arith.constant 0 : i32
        %dma_start3A_97 = tpu.memref_slice %arg10[%dma_start3A_93, %dma_start3A_95, %dma_start3A_96] : memref<2x128x128xf32, #tpu.memory_space<vmem>> -> memref<1x128x128xf32, #tpu.memory_space<vmem>>
        %dma_start3A_98 = tpu.memref_squeeze %dma_start3A_97 : memref<1x128x128xf32, #tpu.memory_space<vmem>> -> memref<128x128xf32, #tpu.memory_space<vmem>>
        %dma_start3A_99 = arith.constant 0 : i32
        %dma_start3A_100 = tpu.memref_slice %arg9[%dma_start3A_94, %dma_start3A_99] : memref<8x128xi32, #tpu.memory_space<vmem>> -> memref<1x128xi32, #tpu.memory_space<vmem>>
        %dma_start3A_101 = tpu.memref_squeeze %dma_start3A_100 : memref<1x128xi32, #tpu.memory_space<vmem>> -> memref<128xi32, #tpu.memory_space<vmem>>
        %dma_start3A_102 = arith.constant 0 : i32
        %dma_start3A_103 = arith.constant 0 : i32
        %dma_start3A_104 = tpu.memref_slice %arg11[%dma_start3A_102, %dma_start3A_103] : memref<10112x128xf32, #tpu.memory_space<vmem_shared>> -> memref<10112x128xf32, #tpu.memory_space<vmem_shared>>
        tpu.enqueue_indirect_dma source(%dma_start3A_98 : memref<128x128xf32, #tpu.memory_space<vmem>>) target(%dma_start3A_104 : memref<10112x128xf32, #tpu.memory_space<vmem_shared>>) offsets(%dma_start3A_101 : memref<128xi32, #tpu.memory_space<vmem>>) semaphore(%arg13 : memref<!tpu.dma_semaphore, #tpu.memory_space<semaphore_mem>>) {add = true}
        %dma_wait3A_105 = arith.constant 0 : i32
        %dma_wait3A_106 = arith.constant 0 : i32
        %dma_wait3A_107 = arith.constant 0 : i32
        %dma_wait3A_108 = arith.constant 0 : i32
        %dma_wait3A_109 = tpu.memref_slice %arg10[%dma_wait3A_105, %dma_wait3A_107, %dma_wait3A_108] : memref<2x128x128xf32, #tpu.memory_space<vmem>> -> memref<1x128x128xf32, #tpu.memory_space<vmem>>
        %dma_wait3A_110 = tpu.memref_squeeze %dma_wait3A_109 : memref<1x128x128xf32, #tpu.memory_space<vmem>> -> memref<128x128xf32, #tpu.memory_space<vmem>>
        %dma_wait3A_111 = arith.constant 0 : i32
        %dma_wait3A_112 = tpu.memref_slice %arg9[%dma_wait3A_106, %dma_wait3A_111] : memref<8x128xi32, #tpu.memory_space<vmem>> -> memref<1x128xi32, #tpu.memory_space<vmem>>
        %dma_wait3A_113 = tpu.memref_squeeze %dma_wait3A_112 : memref<1x128xi32, #tpu.memory_space<vmem>> -> memref<128xi32, #tpu.memory_space<vmem>>
        %dma_wait3A_114 = arith.constant 0 : i32
        %dma_wait3A_115 = arith.constant 0 : i32
        %dma_wait3A_116 = tpu.memref_slice %arg11[%dma_wait3A_114, %dma_wait3A_115] : memref<10112x128xf32, #tpu.memory_space<vmem_shared>> -> memref<10112x128xf32, #tpu.memory_space<vmem_shared>>
        tpu.wait_indirect_dma semaphore(%arg13 : memref<!tpu.dma_semaphore, #tpu.memory_space<semaphore_mem>>) src(%dma_wait3A_110 : memref<128x128xf32, #tpu.memory_space<vmem>>) dst(%dma_wait3A_116 : memref<10112x128xf32, #tpu.memory_space<vmem_shared>>)
        %dma_wait3A_117 = arith.constant 1 : i32
        %dma_wait3A_118 = arith.constant 1 : i32
        %dma_wait3A_119 = arith.constant 0 : i32
        %dma_wait3A_120 = arith.constant 0 : i32
        %dma_wait3A_121 = tpu.memref_slice %arg10[%dma_wait3A_117, %dma_wait3A_119, %dma_wait3A_120] : memref<2x128x128xf32, #tpu.memory_space<vmem>> -> memref<1x128x128xf32, #tpu.memory_space<vmem>>
        %dma_wait3A_122 = tpu.memref_squeeze %dma_wait3A_121 : memref<1x128x128xf32, #tpu.memory_space<vmem>> -> memref<128x128xf32, #tpu.memory_space<vmem>>
        %dma_wait3A_123 = arith.constant 0 : i32
        %dma_wait3A_124 = tpu.memref_slice %arg9[%dma_wait3A_118, %dma_wait3A_123] : memref<8x128xi32, #tpu.memory_space<vmem>> -> memref<1x128xi32, #tpu.memory_space<vmem>>
        %dma_wait3A_125 = tpu.memref_squeeze %dma_wait3A_124 : memref<1x128xi32, #tpu.memory_space<vmem>> -> memref<128xi32, #tpu.memory_space<vmem>>
        %dma_wait3A_126 = arith.constant 0 : i32
        %dma_wait3A_127 = arith.constant 0 : i32
        %dma_wait3A_128 = tpu.memref_slice %arg11[%dma_wait3A_126, %dma_wait3A_127] : memref<10112x128xf32, #tpu.memory_space<vmem_shared>> -> memref<10112x128xf32, #tpu.memory_space<vmem_shared>>
        tpu.wait_indirect_dma semaphore(%arg13 : memref<!tpu.dma_semaphore, #tpu.memory_space<semaphore_mem>>) src(%dma_wait3A_122 : memref<128x128xf32, #tpu.memory_space<vmem>>) dst(%dma_wait3A_128 : memref<10112x128xf32, #tpu.memory_space<vmem_shared>>)
        %add3A_129 = arith.constant 2 : i32
        %add3A_130 = arith.addi %mul3A_18, %add3A_129 : i32
        %add3A_131 = arith.constant 0 : i32
        %add3A_132 = arith.addi %add3A_130, %add3A_131 : i32
        %dma_start3A_133 = arith.constant 0 : i32
        %dma_start3A_134 = arith.constant 0 : i32
        %dma_start3A_135 = arith.constant 0 : i32
        %dma_start3A_136 = tpu.memref_slice %arg10[%dma_start3A_133, %dma_start3A_134, %dma_start3A_135] : memref<2x128x128xf32, #tpu.memory_space<vmem>> -> memref<1x128x128xf32, #tpu.memory_space<vmem>>
        %dma_start3A_137 = tpu.memref_squeeze %dma_start3A_136 : memref<1x128x128xf32, #tpu.memory_space<vmem>> -> memref<128x128xf32, #tpu.memory_space<vmem>>
        %dma_start3A_138 = arith.constant 0 : i32
        %dma_start3A_139 = tpu.memref_slice %arg8[%add3A_132, %dma_start3A_138] : memref<120x128xi32, #tpu.memory_space<vmem>> -> memref<1x128xi32, #tpu.memory_space<vmem>>
        %dma_start3A_140 = tpu.memref_squeeze %dma_start3A_139 : memref<1x128xi32, #tpu.memory_space<vmem>> -> memref<128xi32, #tpu.memory_space<vmem>>
        %dma_start3A_141 = arith.constant 0 : i32
        %dma_start3A_142 = arith.constant 0 : i32
        %dma_start3A_143 = tpu.memref_slice %arg3[%dma_start3A_141, %dma_start3A_142] : memref<10000x128xf32, #tpu.memory_space<hbm>> -> memref<10000x128xf32, #tpu.memory_space<hbm>>
        tpu.enqueue_indirect_dma source(%dma_start3A_143 : memref<10000x128xf32, #tpu.memory_space<hbm>>) target(%dma_start3A_137 : memref<128x128xf32, #tpu.memory_space<vmem>>) offsets(%dma_start3A_140 : memref<128xi32, #tpu.memory_space<vmem>>) semaphore(%arg12 : memref<!tpu.dma_semaphore, #tpu.memory_space<semaphore_mem>>)
        %add3A_144 = arith.constant 2 : i32
        %add3A_145 = arith.addi %mul3A_18, %add3A_144 : i32
        %add3A_146 = arith.constant 1 : i32
        %add3A_147 = arith.addi %add3A_145, %add3A_146 : i32
        %dma_start3A_148 = arith.constant 1 : i32
        %dma_start3A_149 = arith.constant 0 : i32
        %dma_start3A_150 = arith.constant 0 : i32
        %dma_start3A_151 = tpu.memref_slice %arg10[%dma_start3A_148, %dma_start3A_149, %dma_start3A_150] : memref<2x128x128xf32, #tpu.memory_space<vmem>> -> memref<1x128x128xf32, #tpu.memory_space<vmem>>
        %dma_start3A_152 = tpu.memref_squeeze %dma_start3A_151 : memref<1x128x128xf32, #tpu.memory_space<vmem>> -> memref<128x128xf32, #tpu.memory_space<vmem>>
        %dma_start3A_153 = arith.constant 0 : i32
        %dma_start3A_154 = tpu.memref_slice %arg8[%add3A_147, %dma_start3A_153] : memref<120x128xi32, #tpu.memory_space<vmem>> -> memref<1x128xi32, #tpu.memory_space<vmem>>
        %dma_start3A_155 = tpu.memref_squeeze %dma_start3A_154 : memref<1x128xi32, #tpu.memory_space<vmem>> -> memref<128xi32, #tpu.memory_space<vmem>>
        %dma_start3A_156 = arith.constant 0 : i32
        %dma_start3A_157 = arith.constant 0 : i32
        %dma_start3A_158 = tpu.memref_slice %arg3[%dma_start3A_156, %dma_start3A_157] : memref<10000x128xf32, #tpu.memory_space<hbm>> -> memref<10000x128xf32, #tpu.memory_space<hbm>>
        tpu.enqueue_indirect_dma source(%dma_start3A_158 : memref<10000x128xf32, #tpu.memory_space<hbm>>) target(%dma_start3A_152 : memref<128x128xf32, #tpu.memory_space<vmem>>) offsets(%dma_start3A_155 : memref<128xi32, #tpu.memory_space<vmem>>) semaphore(%arg12 : memref<!tpu.dma_semaphore, #tpu.memory_space<semaphore_mem>>)
        %dma_wait3A_159 = arith.constant 0 : i32
        %dma_wait3A_160 = arith.constant 0 : i32
        %dma_wait3A_161 = arith.constant 0 : i32
        %dma_wait3A_162 = tpu.memref_slice %arg10[%dma_wait3A_159, %dma_wait3A_160, %dma_wait3A_161] : memref<2x128x128xf32, #tpu.memory_space<vmem>> -> memref<1x128x128xf32, #tpu.memory_space<vmem>>
        %dma_wait3A_163 = tpu.memref_squeeze %dma_wait3A_162 : memref<1x128x128xf32, #tpu.memory_space<vmem>> -> memref<128x128xf32, #tpu.memory_space<vmem>>
        %dma_wait3A_164 = arith.constant 0 : i32
        %dma_wait3A_165 = tpu.memref_slice %arg8[%add3A_132, %dma_wait3A_164] : memref<120x128xi32, #tpu.memory_space<vmem>> -> memref<1x128xi32, #tpu.memory_space<vmem>>
        %dma_wait3A_166 = tpu.memref_squeeze %dma_wait3A_165 : memref<1x128xi32, #tpu.memory_space<vmem>> -> memref<128xi32, #tpu.memory_space<vmem>>
        %dma_wait3A_167 = arith.constant 0 : i32
        %dma_wait3A_168 = arith.constant 0 : i32
        %dma_wait3A_169 = tpu.memref_slice %arg3[%dma_wait3A_167, %dma_wait3A_168] : memref<10000x128xf32, #tpu.memory_space<hbm>> -> memref<10000x128xf32, #tpu.memory_space<hbm>>
        tpu.wait_indirect_dma semaphore(%arg12 : memref<!tpu.dma_semaphore, #tpu.memory_space<semaphore_mem>>) src(%dma_wait3A_169 : memref<10000x128xf32, #tpu.memory_space<hbm>>) dst(%dma_wait3A_163 : memref<128x128xf32, #tpu.memory_space<vmem>>)
        %dma_start3A_170 = arith.constant 0 : i32
        %dma_start3A_171 = arith.constant 2 : i32
        %dma_start3A_172 = arith.constant 0 : i32
        %dma_start3A_173 = arith.constant 0 : i32
        %dma_start3A_174 = tpu.memref_slice %arg10[%dma_start3A_170, %dma_start3A_172, %dma_start3A_173] : memref<2x128x128xf32, #tpu.memory_space<vmem>> -> memref<1x128x128xf32, #tpu.memory_space<vmem>>
        %dma_start3A_175 = tpu.memref_squeeze %dma_start3A_174 : memref<1x128x128xf32, #tpu.memory_space<vmem>> -> memref<128x128xf32, #tpu.memory_space<vmem>>
        %dma_start3A_176 = arith.constant 0 : i32
        %dma_start3A_177 = tpu.memref_slice %arg9[%dma_start3A_171, %dma_start3A_176] : memref<8x128xi32, #tpu.memory_space<vmem>> -> memref<1x128xi32, #tpu.memory_space<vmem>>
        %dma_start3A_178 = tpu.memref_squeeze %dma_start3A_177 : memref<1x128xi32, #tpu.memory_space<vmem>> -> memref<128xi32, #tpu.memory_space<vmem>>
        %dma_start3A_179 = arith.constant 0 : i32
        %dma_start3A_180 = arith.constant 0 : i32
        %dma_start3A_181 = tpu.memref_slice %arg11[%dma_start3A_179, %dma_start3A_180] : memref<10112x128xf32, #tpu.memory_space<vmem_shared>> -> memref<10112x128xf32, #tpu.memory_space<vmem_shared>>
        tpu.enqueue_indirect_dma source(%dma_start3A_175 : memref<128x128xf32, #tpu.memory_space<vmem>>) target(%dma_start3A_181 : memref<10112x128xf32, #tpu.memory_space<vmem_shared>>) offsets(%dma_start3A_178 : memref<128xi32, #tpu.memory_space<vmem>>) semaphore(%arg13 : memref<!tpu.dma_semaphore, #tpu.memory_space<semaphore_mem>>) {add = true}
        %dma_wait3A_182 = arith.constant 1 : i32
        %dma_wait3A_183 = arith.constant 0 : i32
        %dma_wait3A_184 = arith.constant 0 : i32
        %dma_wait3A_185 = tpu.memref_slice %arg10[%dma_wait3A_182, %dma_wait3A_183, %dma_wait3A_184] : memref<2x128x128xf32, #tpu.memory_space<vmem>> -> memref<1x128x128xf32, #tpu.memory_space<vmem>>
        %dma_wait3A_186 = tpu.memref_squeeze %dma_wait3A_185 : memref<1x128x128xf32, #tpu.memory_space<vmem>> -> memref<128x128xf32, #tpu.memory_space<vmem>>
        %dma_wait3A_187 = arith.constant 0 : i32
        %dma_wait3A_188 = tpu.memref_slice %arg8[%add3A_147, %dma_wait3A_187] : memref<120x128xi32, #tpu.memory_space<vmem>> -> memref<1x128xi32, #tpu.memory_space<vmem>>
        %dma_wait3A_189 = tpu.memref_squeeze %dma_wait3A_188 : memref<1x128xi32, #tpu.memory_space<vmem>> -> memref<128xi32, #tpu.memory_space<vmem>>
        %dma_wait3A_190 = arith.constant 0 : i32
        %dma_wait3A_191 = arith.constant 0 : i32
        %dma_wait3A_192 = tpu.memref_slice %arg3[%dma_wait3A_190, %dma_wait3A_191] : memref<10000x128xf32, #tpu.memory_space<hbm>> -> memref<10000x128xf32, #tpu.memory_space<hbm>>
        tpu.wait_indirect_dma semaphore(%arg12 : memref<!tpu.dma_semaphore, #tpu.memory_space<semaphore_mem>>) src(%dma_wait3A_192 : memref<10000x128xf32, #tpu.memory_space<hbm>>) dst(%dma_wait3A_186 : memref<128x128xf32, #tpu.memory_space<vmem>>)
        %dma_start3A_193 = arith.constant 1 : i32
        %dma_start3A_194 = arith.constant 3 : i32
        %dma_start3A_195 = arith.constant 0 : i32
        %dma_start3A_196 = arith.constant 0 : i32
        %dma_start3A_197 = tpu.memref_slice %arg10[%dma_start3A_193, %dma_start3A_195, %dma_start3A_196] : memref<2x128x128xf32, #tpu.memory_space<vmem>> -> memref<1x128x128xf32, #tpu.memory_space<vmem>>
        %dma_start3A_198 = tpu.memref_squeeze %dma_start3A_197 : memref<1x128x128xf32, #tpu.memory_space<vmem>> -> memref<128x128xf32, #tpu.memory_space<vmem>>
        %dma_start3A_199 = arith.constant 0 : i32
        %dma_start3A_200 = tpu.memref_slice %arg9[%dma_start3A_194, %dma_start3A_199] : memref<8x128xi32, #tpu.memory_space<vmem>> -> memref<1x128xi32, #tpu.memory_space<vmem>>
        %dma_start3A_201 = tpu.memref_squeeze %dma_start3A_200 : memref<1x128xi32, #tpu.memory_space<vmem>> -> memref<128xi32, #tpu.memory_space<vmem>>
        %dma_start3A_202 = arith.constant 0 : i32
        %dma_start3A_203 = arith.constant 0 : i32
        %dma_start3A_204 = tpu.memref_slice %arg11[%dma_start3A_202, %dma_start3A_203] : memref<10112x128xf32, #tpu.memory_space<vmem_shared>> -> memref<10112x128xf32, #tpu.memory_space<vmem_shared>>
        tpu.enqueue_indirect_dma source(%dma_start3A_198 : memref<128x128xf32, #tpu.memory_space<vmem>>) target(%dma_start3A_204 : memref<10112x128xf32, #tpu.memory_space<vmem_shared>>) offsets(%dma_start3A_201 : memref<128xi32, #tpu.memory_space<vmem>>) semaphore(%arg13 : memref<!tpu.dma_semaphore, #tpu.memory_space<semaphore_mem>>) {add = true}
        %dma_wait3A_205 = arith.constant 0 : i32
        %dma_wait3A_206 = arith.constant 2 : i32
        %dma_wait3A_207 = arith.constant 0 : i32
        %dma_wait3A_208 = arith.constant 0 : i32
        %dma_wait3A_209 = tpu.memref_slice %arg10[%dma_wait3A_205, %dma_wait3A_207, %dma_wait3A_208] : memref<2x128x128xf32, #tpu.memory_space<vmem>> -> memref<1x128x128xf32, #tpu.memory_space<vmem>>
        %dma_wait3A_210 = tpu.memref_squeeze %dma_wait3A_209 : memref<1x128x128xf32, #tpu.memory_space<vmem>> -> memref<128x128xf32, #tpu.memory_space<vmem>>
        %dma_wait3A_211 = arith.constant 0 : i32
        %dma_wait3A_212 = tpu.memref_slice %arg9[%dma_wait3A_206, %dma_wait3A_211] : memref<8x128xi32, #tpu.memory_space<vmem>> -> memref<1x128xi32, #tpu.memory_space<vmem>>
        %dma_wait3A_213 = tpu.memref_squeeze %dma_wait3A_212 : memref<1x128xi32, #tpu.memory_space<vmem>> -> memref<128xi32, #tpu.memory_space<vmem>>
        %dma_wait3A_214 = arith.constant 0 : i32
        %dma_wait3A_215 = arith.constant 0 : i32
        %dma_wait3A_216 = tpu.memref_slice %arg11[%dma_wait3A_214, %dma_wait3A_215] : memref<10112x128xf32, #tpu.memory_space<vmem_shared>> -> memref<10112x128xf32, #tpu.memory_space<vmem_shared>>
        tpu.wait_indirect_dma semaphore(%arg13 : memref<!tpu.dma_semaphore, #tpu.memory_space<semaphore_mem>>) src(%dma_wait3A_210 : memref<128x128xf32, #tpu.memory_space<vmem>>) dst(%dma_wait3A_216 : memref<10112x128xf32, #tpu.memory_space<vmem_shared>>)
        %dma_wait3A_217 = arith.constant 1 : i32
        %dma_wait3A_218 = arith.constant 3 : i32
        %dma_wait3A_219 = arith.constant 0 : i32
        %dma_wait3A_220 = arith.constant 0 : i32
        %dma_wait3A_221 = tpu.memref_slice %arg10[%dma_wait3A_217, %dma_wait3A_219, %dma_wait3A_220] : memref<2x128x128xf32, #tpu.memory_space<vmem>> -> memref<1x128x128xf32, #tpu.memory_space<vmem>>
        %dma_wait3A_222 = tpu.memref_squeeze %dma_wait3A_221 : memref<1x128x128xf32, #tpu.memory_space<vmem>> -> memref<128x128xf32, #tpu.memory_space<vmem>>
        %dma_wait3A_223 = arith.constant 0 : i32
        %dma_wait3A_224 = tpu.memref_slice %arg9[%dma_wait3A_218, %dma_wait3A_223] : memref<8x128xi32, #tpu.memory_space<vmem>> -> memref<1x128xi32, #tpu.memory_space<vmem>>
        %dma_wait3A_225 = tpu.memref_squeeze %dma_wait3A_224 : memref<1x128xi32, #tpu.memory_space<vmem>> -> memref<128xi32, #tpu.memory_space<vmem>>
        %dma_wait3A_226 = arith.constant 0 : i32
        %dma_wait3A_227 = arith.constant 0 : i32
        %dma_wait3A_228 = tpu.memref_slice %arg11[%dma_wait3A_226, %dma_wait3A_227] : memref<10112x128xf32, #tpu.memory_space<vmem_shared>> -> memref<10112x128xf32, #tpu.memory_space<vmem_shared>>
        tpu.wait_indirect_dma semaphore(%arg13 : memref<!tpu.dma_semaphore, #tpu.memory_space<semaphore_mem>>) src(%dma_wait3A_222 : memref<128x128xf32, #tpu.memory_space<vmem>>) dst(%dma_wait3A_228 : memref<10112x128xf32, #tpu.memory_space<vmem_shared>>)
        %add3A_229 = arith.constant 4 : i32
        %add3A_230 = arith.addi %mul3A_18, %add3A_229 : i32
        %add3A_231 = arith.constant 0 : i32
        %add3A_232 = arith.addi %add3A_230, %add3A_231 : i32
        %dma_start3A_233 = arith.constant 0 : i32
        %dma_start3A_234 = arith.constant 0 : i32
        %dma_start3A_235 = arith.constant 0 : i32
        %dma_start3A_236 = tpu.memref_slice %arg10[%dma_start3A_233, %dma_start3A_234, %dma_start3A_235] : memref<2x128x128xf32, #tpu.memory_space<vmem>> -> memref<1x128x128xf32, #tpu.memory_space<vmem>>
        %dma_start3A_237 = tpu.memref_squeeze %dma_start3A_236 : memref<1x128x128xf32, #tpu.memory_space<vmem>> -> memref<128x128xf32, #tpu.memory_space<vmem>>
        %dma_start3A_238 = arith.constant 0 : i32
        %dma_start3A_239 = tpu.memref_slice %arg8[%add3A_232, %dma_start3A_238] : memref<120x128xi32, #tpu.memory_space<vmem>> -> memref<1x128xi32, #tpu.memory_space<vmem>>
        %dma_start3A_240 = tpu.memref_squeeze %dma_start3A_239 : memref<1x128xi32, #tpu.memory_space<vmem>> -> memref<128xi32, #tpu.memory_space<vmem>>
        %dma_start3A_241 = arith.constant 0 : i32
        %dma_start3A_242 = arith.constant 0 : i32
        %dma_start3A_243 = tpu.memref_slice %arg3[%dma_start3A_241, %dma_start3A_242] : memref<10000x128xf32, #tpu.memory_space<hbm>> -> memref<10000x128xf32, #tpu.memory_space<hbm>>
        tpu.enqueue_indirect_dma source(%dma_start3A_243 : memref<10000x128xf32, #tpu.memory_space<hbm>>) target(%dma_start3A_237 : memref<128x128xf32, #tpu.memory_space<vmem>>) offsets(%dma_start3A_240 : memref<128xi32, #tpu.memory_space<vmem>>) semaphore(%arg12 : memref<!tpu.dma_semaphore, #tpu.memory_space<semaphore_mem>>)
        %add3A_244 = arith.constant 4 : i32
        %add3A_245 = arith.addi %mul3A_18, %add3A_244 : i32
        %add3A_246 = arith.constant 1 : i32
        %add3A_247 = arith.addi %add3A_245, %add3A_246 : i32
        %dma_start3A_248 = arith.constant 1 : i32
        %dma_start3A_249 = arith.constant 0 : i32
        %dma_start3A_250 = arith.constant 0 : i32
        %dma_start3A_251 = tpu.memref_slice %arg10[%dma_start3A_248, %dma_start3A_249, %dma_start3A_250] : memref<2x128x128xf32, #tpu.memory_space<vmem>> -> memref<1x128x128xf32, #tpu.memory_space<vmem>>
        %dma_start3A_252 = tpu.memref_squeeze %dma_start3A_251 : memref<1x128x128xf32, #tpu.memory_space<vmem>> -> memref<128x128xf32, #tpu.memory_space<vmem>>
        %dma_start3A_253 = arith.constant 0 : i32
        %dma_start3A_254 = tpu.memref_slice %arg8[%add3A_247, %dma_start3A_253] : memref<120x128xi32, #tpu.memory_space<vmem>> -> memref<1x128xi32, #tpu.memory_space<vmem>>
        %dma_start3A_255 = tpu.memref_squeeze %dma_start3A_254 : memref<1x128xi32, #tpu.memory_space<vmem>> -> memref<128xi32, #tpu.memory_space<vmem>>
        %dma_start3A_256 = arith.constant 0 : i32
        %dma_start3A_257 = arith.constant 0 : i32
        %dma_start3A_258 = tpu.memref_slice %arg3[%dma_start3A_256, %dma_start3A_257] : memref<10000x128xf32, #tpu.memory_space<hbm>> -> memref<10000x128xf32, #tpu.memory_space<hbm>>
        tpu.enqueue_indirect_dma source(%dma_start3A_258 : memref<10000x128xf32, #tpu.memory_space<hbm>>) target(%dma_start3A_252 : memref<128x128xf32, #tpu.memory_space<vmem>>) offsets(%dma_start3A_255 : memref<128xi32, #tpu.memory_space<vmem>>) semaphore(%arg12 : memref<!tpu.dma_semaphore, #tpu.memory_space<semaphore_mem>>)
        %dma_wait3A_259 = arith.constant 0 : i32
        %dma_wait3A_260 = arith.constant 0 : i32
        %dma_wait3A_261 = arith.constant 0 : i32
        %dma_wait3A_262 = tpu.memref_slice %arg10[%dma_wait3A_259, %dma_wait3A_260, %dma_wait3A_261] : memref<2x128x128xf32, #tpu.memory_space<vmem>> -> memref<1x128x128xf32, #tpu.memory_space<vmem>>
        %dma_wait3A_263 = tpu.memref_squeeze %dma_wait3A_262 : memref<1x128x128xf32, #tpu.memory_space<vmem>> -> memref<128x128xf32, #tpu.memory_space<vmem>>
        %dma_wait3A_264 = arith.constant 0 : i32
        %dma_wait3A_265 = tpu.memref_slice %arg8[%add3A_232, %dma_wait3A_264] : memref<120x128xi32, #tpu.memory_space<vmem>> -> memref<1x128xi32, #tpu.memory_space<vmem>>
        %dma_wait3A_266 = tpu.memref_squeeze %dma_wait3A_265 : memref<1x128xi32, #tpu.memory_space<vmem>> -> memref<128xi32, #tpu.memory_space<vmem>>
        %dma_wait3A_267 = arith.constant 0 : i32
        %dma_wait3A_268 = arith.constant 0 : i32
        %dma_wait3A_269 = tpu.memref_slice %arg3[%dma_wait3A_267, %dma_wait3A_268] : memref<10000x128xf32, #tpu.memory_space<hbm>> -> memref<10000x128xf32, #tpu.memory_space<hbm>>
        tpu.wait_indirect_dma semaphore(%arg12 : memref<!tpu.dma_semaphore, #tpu.memory_space<semaphore_mem>>) src(%dma_wait3A_269 : memref<10000x128xf32, #tpu.memory_space<hbm>>) dst(%dma_wait3A_263 : memref<128x128xf32, #tpu.memory_space<vmem>>)
        %dma_start3A_270 = arith.constant 0 : i32
        %dma_start3A_271 = arith.constant 4 : i32
        %dma_start3A_272 = arith.constant 0 : i32
        %dma_start3A_273 = arith.constant 0 : i32
        %dma_start3A_274 = tpu.memref_slice %arg10[%dma_start3A_270, %dma_start3A_272, %dma_start3A_273] : memref<2x128x128xf32, #tpu.memory_space<vmem>> -> memref<1x128x128xf32, #tpu.memory_space<vmem>>
        %dma_start3A_275 = tpu.memref_squeeze %dma_start3A_274 : memref<1x128x128xf32, #tpu.memory_space<vmem>> -> memref<128x128xf32, #tpu.memory_space<vmem>>
        %dma_start3A_276 = arith.constant 0 : i32
        %dma_start3A_277 = tpu.memref_slice %arg9[%dma_start3A_271, %dma_start3A_276] : memref<8x128xi32, #tpu.memory_space<vmem>> -> memref<1x128xi32, #tpu.memory_space<vmem>>
        %dma_start3A_278 = tpu.memref_squeeze %dma_start3A_277 : memref<1x128xi32, #tpu.memory_space<vmem>> -> memref<128xi32, #tpu.memory_space<vmem>>
        %dma_start3A_279 = arith.constant 0 : i32
        %dma_start3A_280 = arith.constant 0 : i32
        %dma_start3A_281 = tpu.memref_slice %arg11[%dma_start3A_279, %dma_start3A_280] : memref<10112x128xf32, #tpu.memory_space<vmem_shared>> -> memref<10112x128xf32, #tpu.memory_space<vmem_shared>>
        tpu.enqueue_indirect_dma source(%dma_start3A_275 : memref<128x128xf32, #tpu.memory_space<vmem>>) target(%dma_start3A_281 : memref<10112x128xf32, #tpu.memory_space<vmem_shared>>) offsets(%dma_start3A_278 : memref<128xi32, #tpu.memory_space<vmem>>) semaphore(%arg13 : memref<!tpu.dma_semaphore, #tpu.memory_space<semaphore_mem>>) {add = true}
        %dma_wait3A_282 = arith.constant 1 : i32
        %dma_wait3A_283 = arith.constant 0 : i32
        %dma_wait3A_284 = arith.constant 0 : i32
        %dma_wait3A_285 = tpu.memref_slice %arg10[%dma_wait3A_282, %dma_wait3A_283, %dma_wait3A_284] : memref<2x128x128xf32, #tpu.memory_space<vmem>> -> memref<1x128x128xf32, #tpu.memory_space<vmem>>
        %dma_wait3A_286 = tpu.memref_squeeze %dma_wait3A_285 : memref<1x128x128xf32, #tpu.memory_space<vmem>> -> memref<128x128xf32, #tpu.memory_space<vmem>>
        %dma_wait3A_287 = arith.constant 0 : i32
        %dma_wait3A_288 = tpu.memref_slice %arg8[%add3A_247, %dma_wait3A_287] : memref<120x128xi32, #tpu.memory_space<vmem>> -> memref<1x128xi32, #tpu.memory_space<vmem>>
        %dma_wait3A_289 = tpu.memref_squeeze %dma_wait3A_288 : memref<1x128xi32, #tpu.memory_space<vmem>> -> memref<128xi32, #tpu.memory_space<vmem>>
        %dma_wait3A_290 = arith.constant 0 : i32
        %dma_wait3A_291 = arith.constant 0 : i32
        %dma_wait3A_292 = tpu.memref_slice %arg3[%dma_wait3A_290, %dma_wait3A_291] : memref<10000x128xf32, #tpu.memory_space<hbm>> -> memref<10000x128xf32, #tpu.memory_space<hbm>>
        tpu.wait_indirect_dma semaphore(%arg12 : memref<!tpu.dma_semaphore, #tpu.memory_space<semaphore_mem>>) src(%dma_wait3A_292 : memref<10000x128xf32, #tpu.memory_space<hbm>>) dst(%dma_wait3A_286 : memref<128x128xf32, #tpu.memory_space<vmem>>)
        %dma_start3A_293 = arith.constant 1 : i32
        %dma_start3A_294 = arith.constant 5 : i32
        %dma_start3A_295 = arith.constant 0 : i32
        %dma_start3A_296 = arith.constant 0 : i32
        %dma_start3A_297 = tpu.memref_slice %arg10[%dma_start3A_293, %dma_start3A_295, %dma_start3A_296] : memref<2x128x128xf32, #tpu.memory_space<vmem>> -> memref<1x128x128xf32, #tpu.memory_space<vmem>>
        %dma_start3A_298 = tpu.memref_squeeze %dma_start3A_297 : memref<1x128x128xf32, #tpu.memory_space<vmem>> -> memref<128x128xf32, #tpu.memory_space<vmem>>
        %dma_start3A_299 = arith.constant 0 : i32
        %dma_start3A_300 = tpu.memref_slice %arg9[%dma_start3A_294, %dma_start3A_299] : memref<8x128xi32, #tpu.memory_space<vmem>> -> memref<1x128xi32, #tpu.memory_space<vmem>>
        %dma_start3A_301 = tpu.memref_squeeze %dma_start3A_300 : memref<1x128xi32, #tpu.memory_space<vmem>> -> memref<128xi32, #tpu.memory_space<vmem>>
        %dma_start3A_302 = arith.constant 0 : i32
        %dma_start3A_303 = arith.constant 0 : i32
        %dma_start3A_304 = tpu.memref_slice %arg11[%dma_start3A_302, %dma_start3A_303] : memref<10112x128xf32, #tpu.memory_space<vmem_shared>> -> memref<10112x128xf32, #tpu.memory_space<vmem_shared>>
        tpu.enqueue_indirect_dma source(%dma_start3A_298 : memref<128x128xf32, #tpu.memory_space<vmem>>) target(%dma_start3A_304 : memref<10112x128xf32, #tpu.memory_space<vmem_shared>>) offsets(%dma_start3A_301 : memref<128xi32, #tpu.memory_space<vmem>>) semaphore(%arg13 : memref<!tpu.dma_semaphore, #tpu.memory_space<semaphore_mem>>) {add = true}
        %dma_wait3A_305 = arith.constant 0 : i32
        %dma_wait3A_306 = arith.constant 4 : i32
        %dma_wait3A_307 = arith.constant 0 : i32
        %dma_wait3A_308 = arith.constant 0 : i32
        %dma_wait3A_309 = tpu.memref_slice %arg10[%dma_wait3A_305, %dma_wait3A_307, %dma_wait3A_308] : memref<2x128x128xf32, #tpu.memory_space<vmem>> -> memref<1x128x128xf32, #tpu.memory_space<vmem>>
        %dma_wait3A_310 = tpu.memref_squeeze %dma_wait3A_309 : memref<1x128x128xf32, #tpu.memory_space<vmem>> -> memref<128x128xf32, #tpu.memory_space<vmem>>
        %dma_wait3A_311 = arith.constant 0 : i32
        %dma_wait3A_312 = tpu.memref_slice %arg9[%dma_wait3A_306, %dma_wait3A_311] : memref<8x128xi32, #tpu.memory_space<vmem>> -> memref<1x128xi32, #tpu.memory_space<vmem>>
        %dma_wait3A_313 = tpu.memref_squeeze %dma_wait3A_312 : memref<1x128xi32, #tpu.memory_space<vmem>> -> memref<128xi32, #tpu.memory_space<vmem>>
        %dma_wait3A_314 = arith.constant 0 : i32
        %dma_wait3A_315 = arith.constant 0 : i32
        %dma_wait3A_316 = tpu.memref_slice %arg11[%dma_wait3A_314, %dma_wait3A_315] : memref<10112x128xf32, #tpu.memory_space<vmem_shared>> -> memref<10112x128xf32, #tpu.memory_space<vmem_shared>>
        tpu.wait_indirect_dma semaphore(%arg13 : memref<!tpu.dma_semaphore, #tpu.memory_space<semaphore_mem>>) src(%dma_wait3A_310 : memref<128x128xf32, #tpu.memory_space<vmem>>) dst(%dma_wait3A_316 : memref<10112x128xf32, #tpu.memory_space<vmem_shared>>)
        %dma_wait3A_317 = arith.constant 1 : i32
        %dma_wait3A_318 = arith.constant 5 : i32
        %dma_wait3A_319 = arith.constant 0 : i32
        %dma_wait3A_320 = arith.constant 0 : i32
        %dma_wait3A_321 = tpu.memref_slice %arg10[%dma_wait3A_317, %dma_wait3A_319, %dma_wait3A_320] : memref<2x128x128xf32, #tpu.memory_space<vmem>> -> memref<1x128x128xf32, #tpu.memory_space<vmem>>
        %dma_wait3A_322 = tpu.memref_squeeze %dma_wait3A_321 : memref<1x128x128xf32, #tpu.memory_space<vmem>> -> memref<128x128xf32, #tpu.memory_space<vmem>>
        %dma_wait3A_323 = arith.constant 0 : i32
        %dma_wait3A_324 = tpu.memref_slice %arg9[%dma_wait3A_318, %dma_wait3A_323] : memref<8x128xi32, #tpu.memory_space<vmem>> -> memref<1x128xi32, #tpu.memory_space<vmem>>
        %dma_wait3A_325 = tpu.memref_squeeze %dma_wait3A_324 : memref<1x128xi32, #tpu.memory_space<vmem>> -> memref<128xi32, #tpu.memory_space<vmem>>
        %dma_wait3A_326 = arith.constant 0 : i32
        %dma_wait3A_327 = arith.constant 0 : i32
        %dma_wait3A_328 = tpu.memref_slice %arg11[%dma_wait3A_326, %dma_wait3A_327] : memref<10112x128xf32, #tpu.memory_space<vmem_shared>> -> memref<10112x128xf32, #tpu.memory_space<vmem_shared>>
        tpu.wait_indirect_dma semaphore(%arg13 : memref<!tpu.dma_semaphore, #tpu.memory_space<semaphore_mem>>) src(%dma_wait3A_322 : memref<128x128xf32, #tpu.memory_space<vmem>>) dst(%dma_wait3A_328 : memref<10112x128xf32, #tpu.memory_space<vmem_shared>>)
        %add3A_329 = arith.constant 6 : i32
        %add3A_330 = arith.addi %mul3A_18, %add3A_329 : i32
        %add3A_331 = arith.constant 0 : i32
        %add3A_332 = arith.addi %add3A_330, %add3A_331 : i32
        %dma_start3A_333 = arith.constant 0 : i32
        %dma_start3A_334 = arith.constant 0 : i32
        %dma_start3A_335 = arith.constant 0 : i32
        %dma_start3A_336 = tpu.memref_slice %arg10[%dma_start3A_333, %dma_start3A_334, %dma_start3A_335] : memref<2x128x128xf32, #tpu.memory_space<vmem>> -> memref<1x128x128xf32, #tpu.memory_space<vmem>>
        %dma_start3A_337 = tpu.memref_squeeze %dma_start3A_336 : memref<1x128x128xf32, #tpu.memory_space<vmem>> -> memref<128x128xf32, #tpu.memory_space<vmem>>
        %dma_start3A_338 = arith.constant 0 : i32
        %dma_start3A_339 = tpu.memref_slice %arg8[%add3A_332, %dma_start3A_338] : memref<120x128xi32, #tpu.memory_space<vmem>> -> memref<1x128xi32, #tpu.memory_space<vmem>>
        %dma_start3A_340 = tpu.memref_squeeze %dma_start3A_339 : memref<1x128xi32, #tpu.memory_space<vmem>> -> memref<128xi32, #tpu.memory_space<vmem>>
        %dma_start3A_341 = arith.constant 0 : i32
        %dma_start3A_342 = arith.constant 0 : i32
        %dma_start3A_343 = tpu.memref_slice %arg3[%dma_start3A_341, %dma_start3A_342] : memref<10000x128xf32, #tpu.memory_space<hbm>> -> memref<10000x128xf32, #tpu.memory_space<hbm>>
        tpu.enqueue_indirect_dma source(%dma_start3A_343 : memref<10000x128xf32, #tpu.memory_space<hbm>>) target(%dma_start3A_337 : memref<128x128xf32, #tpu.memory_space<vmem>>) offsets(%dma_start3A_340 : memref<128xi32, #tpu.memory_space<vmem>>) semaphore(%arg12 : memref<!tpu.dma_semaphore, #tpu.memory_space<semaphore_mem>>)
        %add3A_344 = arith.constant 6 : i32
        %add3A_345 = arith.addi %mul3A_18, %add3A_344 : i32
        %add3A_346 = arith.constant 1 : i32
        %add3A_347 = arith.addi %add3A_345, %add3A_346 : i32
        %dma_start3A_348 = arith.constant 1 : i32
        %dma_start3A_349 = arith.constant 0 : i32
        %dma_start3A_350 = arith.constant 0 : i32
        %dma_start3A_351 = tpu.memref_slice %arg10[%dma_start3A_348, %dma_start3A_349, %dma_start3A_350] : memref<2x128x128xf32, #tpu.memory_space<vmem>> -> memref<1x128x128xf32, #tpu.memory_space<vmem>>
        %dma_start3A_352 = tpu.memref_squeeze %dma_start3A_351 : memref<1x128x128xf32, #tpu.memory_space<vmem>> -> memref<128x128xf32, #tpu.memory_space<vmem>>
        %dma_start3A_353 = arith.constant 0 : i32
        %dma_start3A_354 = tpu.memref_slice %arg8[%add3A_347, %dma_start3A_353] : memref<120x128xi32, #tpu.memory_space<vmem>> -> memref<1x128xi32, #tpu.memory_space<vmem>>
        %dma_start3A_355 = tpu.memref_squeeze %dma_start3A_354 : memref<1x128xi32, #tpu.memory_space<vmem>> -> memref<128xi32, #tpu.memory_space<vmem>>
        %dma_start3A_356 = arith.constant 0 : i32
        %dma_start3A_357 = arith.constant 0 : i32
        %dma_start3A_358 = tpu.memref_slice %arg3[%dma_start3A_356, %dma_start3A_357] : memref<10000x128xf32, #tpu.memory_space<hbm>> -> memref<10000x128xf32, #tpu.memory_space<hbm>>
        tpu.enqueue_indirect_dma source(%dma_start3A_358 : memref<10000x128xf32, #tpu.memory_space<hbm>>) target(%dma_start3A_352 : memref<128x128xf32, #tpu.memory_space<vmem>>) offsets(%dma_start3A_355 : memref<128xi32, #tpu.memory_space<vmem>>) semaphore(%arg12 : memref<!tpu.dma_semaphore, #tpu.memory_space<semaphore_mem>>)
        %dma_wait3A_359 = arith.constant 0 : i32
        %dma_wait3A_360 = arith.constant 0 : i32
        %dma_wait3A_361 = arith.constant 0 : i32
        %dma_wait3A_362 = tpu.memref_slice %arg10[%dma_wait3A_359, %dma_wait3A_360, %dma_wait3A_361] : memref<2x128x128xf32, #tpu.memory_space<vmem>> -> memref<1x128x128xf32, #tpu.memory_space<vmem>>
        %dma_wait3A_363 = tpu.memref_squeeze %dma_wait3A_362 : memref<1x128x128xf32, #tpu.memory_space<vmem>> -> memref<128x128xf32, #tpu.memory_space<vmem>>
        %dma_wait3A_364 = arith.constant 0 : i32
        %dma_wait3A_365 = tpu.memref_slice %arg8[%add3A_332, %dma_wait3A_364] : memref<120x128xi32, #tpu.memory_space<vmem>> -> memref<1x128xi32, #tpu.memory_space<vmem>>
        %dma_wait3A_366 = tpu.memref_squeeze %dma_wait3A_365 : memref<1x128xi32, #tpu.memory_space<vmem>> -> memref<128xi32, #tpu.memory_space<vmem>>
        %dma_wait3A_367 = arith.constant 0 : i32
        %dma_wait3A_368 = arith.constant 0 : i32
        %dma_wait3A_369 = tpu.memref_slice %arg3[%dma_wait3A_367, %dma_wait3A_368] : memref<10000x128xf32, #tpu.memory_space<hbm>> -> memref<10000x128xf32, #tpu.memory_space<hbm>>
        tpu.wait_indirect_dma semaphore(%arg12 : memref<!tpu.dma_semaphore, #tpu.memory_space<semaphore_mem>>) src(%dma_wait3A_369 : memref<10000x128xf32, #tpu.memory_space<hbm>>) dst(%dma_wait3A_363 : memref<128x128xf32, #tpu.memory_space<vmem>>)
        %dma_start3A_370 = arith.constant 0 : i32
        %dma_start3A_371 = arith.constant 6 : i32
        %dma_start3A_372 = arith.constant 0 : i32
        %dma_start3A_373 = arith.constant 0 : i32
        %dma_start3A_374 = tpu.memref_slice %arg10[%dma_start3A_370, %dma_start3A_372, %dma_start3A_373] : memref<2x128x128xf32, #tpu.memory_space<vmem>> -> memref<1x128x128xf32, #tpu.memory_space<vmem>>
        %dma_start3A_375 = tpu.memref_squeeze %dma_start3A_374 : memref<1x128x128xf32, #tpu.memory_space<vmem>> -> memref<128x128xf32, #tpu.memory_space<vmem>>
        %dma_start3A_376 = arith.constant 0 : i32
        %dma_start3A_377 = tpu.memref_slice %arg9[%dma_start3A_371, %dma_start3A_376] : memref<8x128xi32, #tpu.memory_space<vmem>> -> memref<1x128xi32, #tpu.memory_space<vmem>>
        %dma_start3A_378 = tpu.memref_squeeze %dma_start3A_377 : memref<1x128xi32, #tpu.memory_space<vmem>> -> memref<128xi32, #tpu.memory_space<vmem>>
        %dma_start3A_379 = arith.constant 0 : i32
        %dma_start3A_380 = arith.constant 0 : i32
        %dma_start3A_381 = tpu.memref_slice %arg11[%dma_start3A_379, %dma_start3A_380] : memref<10112x128xf32, #tpu.memory_space<vmem_shared>> -> memref<10112x128xf32, #tpu.memory_space<vmem_shared>>
        tpu.enqueue_indirect_dma source(%dma_start3A_375 : memref<128x128xf32, #tpu.memory_space<vmem>>) target(%dma_start3A_381 : memref<10112x128xf32, #tpu.memory_space<vmem_shared>>) offsets(%dma_start3A_378 : memref<128xi32, #tpu.memory_space<vmem>>) semaphore(%arg13 : memref<!tpu.dma_semaphore, #tpu.memory_space<semaphore_mem>>) {add = true}
        %dma_wait3A_382 = arith.constant 1 : i32
        %dma_wait3A_383 = arith.constant 0 : i32
        %dma_wait3A_384 = arith.constant 0 : i32
        %dma_wait3A_385 = tpu.memref_slice %arg10[%dma_wait3A_382, %dma_wait3A_383, %dma_wait3A_384] : memref<2x128x128xf32, #tpu.memory_space<vmem>> -> memref<1x128x128xf32, #tpu.memory_space<vmem>>
        %dma_wait3A_386 = tpu.memref_squeeze %dma_wait3A_385 : memref<1x128x128xf32, #tpu.memory_space<vmem>> -> memref<128x128xf32, #tpu.memory_space<vmem>>
        %dma_wait3A_387 = arith.constant 0 : i32
        %dma_wait3A_388 = tpu.memref_slice %arg8[%add3A_347, %dma_wait3A_387] : memref<120x128xi32, #tpu.memory_space<vmem>> -> memref<1x128xi32, #tpu.memory_space<vmem>>
        %dma_wait3A_389 = tpu.memref_squeeze %dma_wait3A_388 : memref<1x128xi32, #tpu.memory_space<vmem>> -> memref<128xi32, #tpu.memory_space<vmem>>
        %dma_wait3A_390 = arith.constant 0 : i32
        %dma_wait3A_391 = arith.constant 0 : i32
        %dma_wait3A_392 = tpu.memref_slice %arg3[%dma_wait3A_390, %dma_wait3A_391] : memref<10000x128xf32, #tpu.memory_space<hbm>> -> memref<10000x128xf32, #tpu.memory_space<hbm>>
        tpu.wait_indirect_dma semaphore(%arg12 : memref<!tpu.dma_semaphore, #tpu.memory_space<semaphore_mem>>) src(%dma_wait3A_392 : memref<10000x128xf32, #tpu.memory_space<hbm>>) dst(%dma_wait3A_386 : memref<128x128xf32, #tpu.memory_space<vmem>>)
        %dma_start3A_393 = arith.constant 1 : i32
        %dma_start3A_394 = arith.constant 7 : i32
        %dma_start3A_395 = arith.constant 0 : i32
        %dma_start3A_396 = arith.constant 0 : i32
        %dma_start3A_397 = tpu.memref_slice %arg10[%dma_start3A_393, %dma_start3A_395, %dma_start3A_396] : memref<2x128x128xf32, #tpu.memory_space<vmem>> -> memref<1x128x128xf32, #tpu.memory_space<vmem>>
        %dma_start3A_398 = tpu.memref_squeeze %dma_start3A_397 : memref<1x128x128xf32, #tpu.memory_space<vmem>> -> memref<128x128xf32, #tpu.memory_space<vmem>>
        %dma_start3A_399 = arith.constant 0 : i32
        %dma_start3A_400 = tpu.memref_slice %arg9[%dma_start3A_394, %dma_start3A_399] : memref<8x128xi32, #tpu.memory_space<vmem>> -> memref<1x128xi32, #tpu.memory_space<vmem>>
        %dma_start3A_401 = tpu.memref_squeeze %dma_start3A_400 : memref<1x128xi32, #tpu.memory_space<vmem>> -> memref<128xi32, #tpu.memory_space<vmem>>
        %dma_start3A_402 = arith.constant 0 : i32
        %dma_start3A_403 = arith.constant 0 : i32
        %dma_start3A_404 = tpu.memref_slice %arg11[%dma_start3A_402, %dma_start3A_403] : memref<10112x128xf32, #tpu.memory_space<vmem_shared>> -> memref<10112x128xf32, #tpu.memory_space<vmem_shared>>
        tpu.enqueue_indirect_dma source(%dma_start3A_398 : memref<128x128xf32, #tpu.memory_space<vmem>>) target(%dma_start3A_404 : memref<10112x128xf32, #tpu.memory_space<vmem_shared>>) offsets(%dma_start3A_401 : memref<128xi32, #tpu.memory_space<vmem>>) semaphore(%arg13 : memref<!tpu.dma_semaphore, #tpu.memory_space<semaphore_mem>>) {add = true}
        %dma_wait3A_405 = arith.constant 0 : i32
        %dma_wait3A_406 = arith.constant 6 : i32
        %dma_wait3A_407 = arith.constant 0 : i32
        %dma_wait3A_408 = arith.constant 0 : i32
        %dma_wait3A_409 = tpu.memref_slice %arg10[%dma_wait3A_405, %dma_wait3A_407, %dma_wait3A_408] : memref<2x128x128xf32, #tpu.memory_space<vmem>> -> memref<1x128x128xf32, #tpu.memory_space<vmem>>
        %dma_wait3A_410 = tpu.memref_squeeze %dma_wait3A_409 : memref<1x128x128xf32, #tpu.memory_space<vmem>> -> memref<128x128xf32, #tpu.memory_space<vmem>>
        %dma_wait3A_411 = arith.constant 0 : i32
        %dma_wait3A_412 = tpu.memref_slice %arg9[%dma_wait3A_406, %dma_wait3A_411] : memref<8x128xi32, #tpu.memory_space<vmem>> -> memref<1x128xi32, #tpu.memory_space<vmem>>
        %dma_wait3A_413 = tpu.memref_squeeze %dma_wait3A_412 : memref<1x128xi32, #tpu.memory_space<vmem>> -> memref<128xi32, #tpu.memory_space<vmem>>
        %dma_wait3A_414 = arith.constant 0 : i32
        %dma_wait3A_415 = arith.constant 0 : i32
        %dma_wait3A_416 = tpu.memref_slice %arg11[%dma_wait3A_414, %dma_wait3A_415] : memref<10112x128xf32, #tpu.memory_space<vmem_shared>> -> memref<10112x128xf32, #tpu.memory_space<vmem_shared>>
        tpu.wait_indirect_dma semaphore(%arg13 : memref<!tpu.dma_semaphore, #tpu.memory_space<semaphore_mem>>) src(%dma_wait3A_410 : memref<128x128xf32, #tpu.memory_space<vmem>>) dst(%dma_wait3A_416 : memref<10112x128xf32, #tpu.memory_space<vmem_shared>>)
        %dma_wait3A_417 = arith.constant 1 : i32
        %dma_wait3A_418 = arith.constant 7 : i32
        %dma_wait3A_419 = arith.constant 0 : i32
        %dma_wait3A_420 = arith.constant 0 : i32
        %dma_wait3A_421 = tpu.memref_slice %arg10[%dma_wait3A_417, %dma_wait3A_419, %dma_wait3A_420] : memref<2x128x128xf32, #tpu.memory_space<vmem>> -> memref<1x128x128xf32, #tpu.memory_space<vmem>>
        %dma_wait3A_422 = tpu.memref_squeeze %dma_wait3A_421 : memref<1x128x128xf32, #tpu.memory_space<vmem>> -> memref<128x128xf32, #tpu.memory_space<vmem>>
        %dma_wait3A_423 = arith.constant 0 : i32
        %dma_wait3A_424 = tpu.memref_slice %arg9[%dma_wait3A_418, %dma_wait3A_423] : memref<8x128xi32, #tpu.memory_space<vmem>> -> memref<1x128xi32, #tpu.memory_space<vmem>>
        %dma_wait3A_425 = tpu.memref_squeeze %dma_wait3A_424 : memref<1x128xi32, #tpu.memory_space<vmem>> -> memref<128xi32, #tpu.memory_space<vmem>>
        %dma_wait3A_426 = arith.constant 0 : i32
        %dma_wait3A_427 = arith.constant 0 : i32
        %dma_wait3A_428 = tpu.memref_slice %arg11[%dma_wait3A_426, %dma_wait3A_427] : memref<10112x128xf32, #tpu.memory_space<vmem_shared>> -> memref<10112x128xf32, #tpu.memory_space<vmem_shared>>
        tpu.wait_indirect_dma semaphore(%arg13 : memref<!tpu.dma_semaphore, #tpu.memory_space<semaphore_mem>>) src(%dma_wait3A_422 : memref<128x128xf32, #tpu.memory_space<vmem>>) dst(%dma_wait3A_428 : memref<10112x128xf32, #tpu.memory_space<vmem_shared>>)
      }
      %scan3A_15 = arith.constant 5 : i32
    } else {
    }
    %barrier3A_10 = arith.constant 0 : index
    tpu.barrier barrier_id(%barrier3A_10)
    "tpu.region"() ({
      %run_scoped3A = tpu.sem_alloc : memref<!tpu.dma_semaphore, #tpu.memory_space<semaphore_mem>>
      %dma_start3A = arith.constant 0 : i32
      %dma_start3A_11 = tpu.memref_slice %arg7[%arg0, %mul3A_2, %dma_start3A] : memref<2x10112x128xf32, #tpu.memory_space<hbm>> -> memref<1x632x128xf32, #tpu.memory_space<hbm>>
      %dma_start3A_12 = tpu.memref_squeeze %dma_start3A_11 : memref<1x632x128xf32, #tpu.memory_space<hbm>> -> memref<632x128xf32, #tpu.memory_space<hbm>>
      %dma_start3A_13 = arith.constant 0 : i32
      %dma_start3A_14 = tpu.memref_slice %arg11[%mul3A_2, %dma_start3A_13] : memref<10112x128xf32, #tpu.memory_space<vmem_shared>> -> memref<632x128xf32, #tpu.memory_space<vmem_shared>>
      tpu.enqueue_dma source(%dma_start3A_14 : memref<632x128xf32, #tpu.memory_space<vmem_shared>>) target(%dma_start3A_12 : memref<632x128xf32, #tpu.memory_space<hbm>>) target_semaphore(%run_scoped3A : memref<!tpu.dma_semaphore, #tpu.memory_space<semaphore_mem>>)
      %dma_wait3A = arith.constant 0 : i32
      %dma_wait3A_15 = tpu.memref_slice %arg7[%arg0, %mul3A_2, %dma_wait3A] : memref<2x10112x128xf32, #tpu.memory_space<hbm>> -> memref<1x632x128xf32, #tpu.memory_space<hbm>>
      %dma_wait3A_16 = tpu.memref_squeeze %dma_wait3A_15 : memref<1x632x128xf32, #tpu.memory_space<hbm>> -> memref<632x128xf32, #tpu.memory_space<hbm>>
      %dma_wait3A_17 = arith.constant 0 : i32
      %dma_wait3A_18 = tpu.memref_slice %arg11[%mul3A_2, %dma_wait3A_17] : memref<10112x128xf32, #tpu.memory_space<vmem_shared>> -> memref<632x128xf32, #tpu.memory_space<vmem_shared>>
      tpu.wait_dma2 semaphore(%run_scoped3A : memref<!tpu.dma_semaphore, #tpu.memory_space<semaphore_mem>>) src(%dma_wait3A_18 : memref<632x128xf32, #tpu.memory_space<vmem_shared>>) dst(%dma_wait3A_16 : memref<632x128xf32, #tpu.memory_space<hbm>>)
      tpu.yield
    }) : () -> ()
    return
  }
}

#map = affine_map<(d0, d1) -> (0, 0, 0)>
#map1 = affine_map<(d0, d1) -> (0, 0)>
module attributes {stable_mosaic.version = 14 : i64} {
  func.func @_deg_body(%arg0: i32, %arg1: i32, %arg2: memref<32x80x128xi32, #tpu.memory_space<hbm>>, %arg3: memref<10112x128xf32, #tpu.memory_space<hbm>>, %arg4: memref<128x128xf32, #tpu.memory_space<hbm>>, %arg5: memref<2x10112x128xf32, #tpu.memory_space<hbm>>, %arg6: memref<80x128xi32, #tpu.memory_space<vmem>>, %arg7: memref<8x128xi32, #tpu.memory_space<vmem>>, %arg8: memref<2x128x128xf32, #tpu.memory_space<vmem>>, %arg9: memref<10112x128xf32, #tpu.memory_space<vmem_shared>>, %arg10: memref<!tpu.dma_semaphore, #tpu.memory_space<semaphore_mem>>, %arg11: memref<!tpu.dma_semaphore, #tpu.memory_space<semaphore_mem>>, %arg12: memref<!tpu.dma_semaphore, #tpu.memory_space<semaphore_mem>>) attributes {dimension_semantics = [#tpu.dimension_semantics<core_parallel>, #tpu.dimension_semantics<subcore_parallel>], iteration_bounds = array<i64: 2, 16>, scalar_prefetch = 0 : i64, scratch_operands = 7 : i64, tpu.core_type = #tpu.core_type<sc_vector_subcore>, window_params = [{transform_indices = #map}, {transform_indices = #map1}, {transform_indices = #map1}, {transform_indices = #map}]} {
    %mul3A = arith.constant 2 : i32
    %mul3A_0 = arith.muli %arg1, %mul3A : i32
    %add3A = arith.addi %mul3A_0, %arg0 : i32
    %mul3A_1 = arith.constant 632 : i32
    %mul3A_2 = arith.muli %arg1, %mul3A_1 : i32
    "tpu.region"() ({
      %run_scoped3A_9 = tpu.sem_alloc : memref<!tpu.dma_semaphore, #tpu.memory_space<semaphore_mem>>
      %dma_start3A = arith.constant 0 : i32
      %dma_start3A_10 = tpu.memref_slice %arg9[%mul3A_2, %dma_start3A] : memref<10112x128xf32, #tpu.memory_space<vmem_shared>> -> memref<632x128xf32, #tpu.memory_space<vmem_shared>>
      %dma_start3A_11 = arith.constant 0 : i32
      %dma_start3A_12 = tpu.memref_slice %arg3[%mul3A_2, %dma_start3A_11] : memref<10112x128xf32, #tpu.memory_space<hbm>> -> memref<632x128xf32, #tpu.memory_space<hbm>>
      tpu.enqueue_dma source(%dma_start3A_12 : memref<632x128xf32, #tpu.memory_space<hbm>>) target(%dma_start3A_10 : memref<632x128xf32, #tpu.memory_space<vmem_shared>>) target_semaphore(%run_scoped3A_9 : memref<!tpu.dma_semaphore, #tpu.memory_space<semaphore_mem>>)
      %dma_wait3A = arith.constant 0 : i32
      %dma_wait3A_13 = tpu.memref_slice %arg9[%mul3A_2, %dma_wait3A] : memref<10112x128xf32, #tpu.memory_space<vmem_shared>> -> memref<632x128xf32, #tpu.memory_space<vmem_shared>>
      %dma_wait3A_14 = arith.constant 0 : i32
      %dma_wait3A_15 = tpu.memref_slice %arg3[%mul3A_2, %dma_wait3A_14] : memref<10112x128xf32, #tpu.memory_space<hbm>> -> memref<632x128xf32, #tpu.memory_space<hbm>>
      tpu.wait_dma2 semaphore(%run_scoped3A_9 : memref<!tpu.dma_semaphore, #tpu.memory_space<semaphore_mem>>) src(%dma_wait3A_15 : memref<632x128xf32, #tpu.memory_space<hbm>>) dst(%dma_wait3A_13 : memref<632x128xf32, #tpu.memory_space<vmem_shared>>)
      tpu.yield
    }) : () -> ()
    %run_scoped3A = arith.constant 0 : i32
    "tpu.region"() ({
      %run_scoped3A_9 = tpu.sem_alloc : memref<!tpu.dma_semaphore, #tpu.memory_space<semaphore_mem>>
      %dma_start3A = arith.constant 0 : i32
      %dma_start3A_10 = arith.constant 0 : i32
      %dma_start3A_11 = tpu.memref_slice %arg8[%run_scoped3A, %dma_start3A, %dma_start3A_10] : memref<2x128x128xf32, #tpu.memory_space<vmem>> -> memref<1x128x128xf32, #tpu.memory_space<vmem>>
      %dma_start3A_12 = tpu.memref_squeeze %dma_start3A_11 : memref<1x128x128xf32, #tpu.memory_space<vmem>> -> memref<128x128xf32, #tpu.memory_space<vmem>>
      %dma_start3A_13 = arith.constant 0 : i32
      %dma_start3A_14 = arith.constant 0 : i32
      %dma_start3A_15 = tpu.memref_slice %arg8[%run_scoped3A, %dma_start3A_13, %dma_start3A_14] : memref<2x128x128xf32, #tpu.memory_space<vmem>> -> memref<1x128x128xf32, #tpu.memory_space<vmem>>
      %dma_start3A_16 = tpu.memref_squeeze %dma_start3A_15 : memref<1x128x128xf32, #tpu.memory_space<vmem>> -> memref<128x128xf32, #tpu.memory_space<vmem>>
      tpu.enqueue_dma source(%arg4 : memref<128x128xf32, #tpu.memory_space<hbm>>) target(%dma_start3A_16 : memref<128x128xf32, #tpu.memory_space<vmem>>) target_semaphore(%run_scoped3A_9 : memref<!tpu.dma_semaphore, #tpu.memory_space<semaphore_mem>>)
      %dma_wait3A = arith.constant 0 : i32
      %dma_wait3A_17 = arith.constant 0 : i32
      %dma_wait3A_18 = tpu.memref_slice %arg8[%run_scoped3A, %dma_wait3A, %dma_wait3A_17] : memref<2x128x128xf32, #tpu.memory_space<vmem>> -> memref<1x128x128xf32, #tpu.memory_space<vmem>>
      %dma_wait3A_19 = tpu.memref_squeeze %dma_wait3A_18 : memref<1x128x128xf32, #tpu.memory_space<vmem>> -> memref<128x128xf32, #tpu.memory_space<vmem>>
      %dma_wait3A_20 = arith.constant 0 : i32
      %dma_wait3A_21 = arith.constant 0 : i32
      %dma_wait3A_22 = tpu.memref_slice %arg8[%run_scoped3A, %dma_wait3A_20, %dma_wait3A_21] : memref<2x128x128xf32, #tpu.memory_space<vmem>> -> memref<1x128x128xf32, #tpu.memory_space<vmem>>
      %dma_wait3A_23 = tpu.memref_squeeze %dma_wait3A_22 : memref<1x128x128xf32, #tpu.memory_space<vmem>> -> memref<128x128xf32, #tpu.memory_space<vmem>>
      tpu.wait_dma2 semaphore(%run_scoped3A_9 : memref<!tpu.dma_semaphore, #tpu.memory_space<semaphore_mem>>) src(%arg4 : memref<128x128xf32, #tpu.memory_space<hbm>>) dst(%dma_wait3A_23 : memref<128x128xf32, #tpu.memory_space<vmem>>)
      tpu.yield
    }) : () -> ()
    "tpu.region"() ({
      %run_scoped3A_9 = tpu.sem_alloc : memref<!tpu.dma_semaphore, #tpu.memory_space<semaphore_mem>>
      %dma_start3A = arith.constant 0 : i32
      %dma_start3A_10 = arith.constant 0 : i32
      %dma_start3A_11 = tpu.memref_slice %arg2[%add3A, %dma_start3A, %dma_start3A_10] : memref<32x80x128xi32, #tpu.memory_space<hbm>> -> memref<1x80x128xi32, #tpu.memory_space<hbm>>
      %dma_start3A_12 = tpu.memref_squeeze %dma_start3A_11 : memref<1x80x128xi32, #tpu.memory_space<hbm>> -> memref<80x128xi32, #tpu.memory_space<hbm>>
      %dma_start3A_13 = arith.constant 0 : i32
      %dma_start3A_14 = arith.constant 0 : i32
      %dma_start3A_15 = tpu.memref_slice %arg2[%add3A, %dma_start3A_13, %dma_start3A_14] : memref<32x80x128xi32, #tpu.memory_space<hbm>> -> memref<1x80x128xi32, #tpu.memory_space<hbm>>
      %dma_start3A_16 = tpu.memref_squeeze %dma_start3A_15 : memref<1x80x128xi32, #tpu.memory_space<hbm>> -> memref<80x128xi32, #tpu.memory_space<hbm>>
      tpu.enqueue_dma source(%dma_start3A_16 : memref<80x128xi32, #tpu.memory_space<hbm>>) target(%arg6 : memref<80x128xi32, #tpu.memory_space<vmem>>) target_semaphore(%run_scoped3A_9 : memref<!tpu.dma_semaphore, #tpu.memory_space<semaphore_mem>>)
      %dma_wait3A = arith.constant 0 : i32
      %dma_wait3A_17 = arith.constant 0 : i32
      %dma_wait3A_18 = tpu.memref_slice %arg2[%add3A, %dma_wait3A, %dma_wait3A_17] : memref<32x80x128xi32, #tpu.memory_space<hbm>> -> memref<1x80x128xi32, #tpu.memory_space<hbm>>
      %dma_wait3A_19 = tpu.memref_squeeze %dma_wait3A_18 : memref<1x80x128xi32, #tpu.memory_space<hbm>> -> memref<80x128xi32, #tpu.memory_space<hbm>>
      %dma_wait3A_20 = arith.constant 0 : i32
      %dma_wait3A_21 = arith.constant 0 : i32
      %dma_wait3A_22 = tpu.memref_slice %arg2[%add3A, %dma_wait3A_20, %dma_wait3A_21] : memref<32x80x128xi32, #tpu.memory_space<hbm>> -> memref<1x80x128xi32, #tpu.memory_space<hbm>>
      %dma_wait3A_23 = tpu.memref_squeeze %dma_wait3A_22 : memref<1x80x128xi32, #tpu.memory_space<hbm>> -> memref<80x128xi32, #tpu.memory_space<hbm>>
      tpu.wait_dma2 semaphore(%run_scoped3A_9 : memref<!tpu.dma_semaphore, #tpu.memory_space<semaphore_mem>>) src(%dma_wait3A_23 : memref<80x128xi32, #tpu.memory_space<hbm>>) dst(%arg6 : memref<80x128xi32, #tpu.memory_space<vmem>>)
      tpu.yield
    }) : () -> ()
    %barrier3A = arith.constant 0 : index
    tpu.barrier barrier_id(%barrier3A)
    %scan3A = arith.constant 0 : i32
    %scan3A_3 = arith.constant 0 : i32
    %scan3A_4 = arith.constant 10 : i32
    %scan3A_5 = arith.addi %scan3A_3, %scan3A_4 : i32
    %scan3A_6 = arith.constant 1 : i32
    scf.for %scan3A_9 = %scan3A_3 to %scan3A_5 step %scan3A_6  : i32 {
      %mul3A_10 = arith.constant 8 : i32
      %mul3A_11 = arith.muli %scan3A_9, %mul3A_10 : i32
      %add3A_12 = arith.constant 0 : i32
      %add3A_13 = arith.addi %mul3A_11, %add3A_12 : i32
      %add3A_14 = arith.constant 0 : i32
      %add3A_15 = arith.addi %add3A_13, %add3A_14 : i32
      %dma_start3A = arith.constant 0 : i32
      %dma_start3A_16 = arith.constant 0 : i32
      %dma_start3A_17 = arith.constant 0 : i32
      %dma_start3A_18 = tpu.memref_slice %arg8[%dma_start3A, %dma_start3A_16, %dma_start3A_17] : memref<2x128x128xf32, #tpu.memory_space<vmem>> -> memref<1x128x128xf32, #tpu.memory_space<vmem>>
      %dma_start3A_19 = tpu.memref_squeeze %dma_start3A_18 : memref<1x128x128xf32, #tpu.memory_space<vmem>> -> memref<128x128xf32, #tpu.memory_space<vmem>>
      %dma_start3A_20 = arith.constant 0 : i32
      %dma_start3A_21 = tpu.memref_slice %arg6[%add3A_15, %dma_start3A_20] : memref<80x128xi32, #tpu.memory_space<vmem>> -> memref<1x128xi32, #tpu.memory_space<vmem>>
      %dma_start3A_22 = tpu.memref_squeeze %dma_start3A_21 : memref<1x128xi32, #tpu.memory_space<vmem>> -> memref<128xi32, #tpu.memory_space<vmem>>
      %dma_start3A_23 = arith.constant 0 : i32
      %dma_start3A_24 = arith.constant 0 : i32
      %dma_start3A_25 = tpu.memref_slice %arg9[%dma_start3A_23, %dma_start3A_24] : memref<10112x128xf32, #tpu.memory_space<vmem_shared>> -> memref<10112x128xf32, #tpu.memory_space<vmem_shared>>
      tpu.enqueue_indirect_dma source(%dma_start3A_19 : memref<128x128xf32, #tpu.memory_space<vmem>>) target(%dma_start3A_25 : memref<10112x128xf32, #tpu.memory_space<vmem_shared>>) offsets(%dma_start3A_22 : memref<128xi32, #tpu.memory_space<vmem>>) semaphore(%arg11 : memref<!tpu.dma_semaphore, #tpu.memory_space<semaphore_mem>>) {add = true}
      %add3A_26 = arith.constant 0 : i32
      %add3A_27 = arith.addi %mul3A_11, %add3A_26 : i32
      %add3A_28 = arith.constant 1 : i32
      %add3A_29 = arith.addi %add3A_27, %add3A_28 : i32
      %dma_start3A_30 = arith.constant 0 : i32
      %dma_start3A_31 = arith.constant 0 : i32
      %dma_start3A_32 = arith.constant 0 : i32
      %dma_start3A_33 = tpu.memref_slice %arg8[%dma_start3A_30, %dma_start3A_31, %dma_start3A_32] : memref<2x128x128xf32, #tpu.memory_space<vmem>> -> memref<1x128x128xf32, #tpu.memory_space<vmem>>
      %dma_start3A_34 = tpu.memref_squeeze %dma_start3A_33 : memref<1x128x128xf32, #tpu.memory_space<vmem>> -> memref<128x128xf32, #tpu.memory_space<vmem>>
      %dma_start3A_35 = arith.constant 0 : i32
      %dma_start3A_36 = tpu.memref_slice %arg6[%add3A_29, %dma_start3A_35] : memref<80x128xi32, #tpu.memory_space<vmem>> -> memref<1x128xi32, #tpu.memory_space<vmem>>
      %dma_start3A_37 = tpu.memref_squeeze %dma_start3A_36 : memref<1x128xi32, #tpu.memory_space<vmem>> -> memref<128xi32, #tpu.memory_space<vmem>>
      %dma_start3A_38 = arith.constant 0 : i32
      %dma_start3A_39 = arith.constant 0 : i32
      %dma_start3A_40 = tpu.memref_slice %arg9[%dma_start3A_38, %dma_start3A_39] : memref<10112x128xf32, #tpu.memory_space<vmem_shared>> -> memref<10112x128xf32, #tpu.memory_space<vmem_shared>>
      tpu.enqueue_indirect_dma source(%dma_start3A_34 : memref<128x128xf32, #tpu.memory_space<vmem>>) target(%dma_start3A_40 : memref<10112x128xf32, #tpu.memory_space<vmem_shared>>) offsets(%dma_start3A_37 : memref<128xi32, #tpu.memory_space<vmem>>) semaphore(%arg11 : memref<!tpu.dma_semaphore, #tpu.memory_space<semaphore_mem>>) {add = true}
      %dma_wait3A = arith.constant 0 : i32
      %dma_wait3A_41 = arith.constant 0 : i32
      %dma_wait3A_42 = arith.constant 0 : i32
      %dma_wait3A_43 = tpu.memref_slice %arg8[%dma_wait3A, %dma_wait3A_41, %dma_wait3A_42] : memref<2x128x128xf32, #tpu.memory_space<vmem>> -> memref<1x128x128xf32, #tpu.memory_space<vmem>>
      %dma_wait3A_44 = tpu.memref_squeeze %dma_wait3A_43 : memref<1x128x128xf32, #tpu.memory_space<vmem>> -> memref<128x128xf32, #tpu.memory_space<vmem>>
      %dma_wait3A_45 = arith.constant 0 : i32
      %dma_wait3A_46 = tpu.memref_slice %arg6[%add3A_15, %dma_wait3A_45] : memref<80x128xi32, #tpu.memory_space<vmem>> -> memref<1x128xi32, #tpu.memory_space<vmem>>
      %dma_wait3A_47 = tpu.memref_squeeze %dma_wait3A_46 : memref<1x128xi32, #tpu.memory_space<vmem>> -> memref<128xi32, #tpu.memory_space<vmem>>
      %dma_wait3A_48 = arith.constant 0 : i32
      %dma_wait3A_49 = arith.constant 0 : i32
      %dma_wait3A_50 = tpu.memref_slice %arg9[%dma_wait3A_48, %dma_wait3A_49] : memref<10112x128xf32, #tpu.memory_space<vmem_shared>> -> memref<10112x128xf32, #tpu.memory_space<vmem_shared>>
      tpu.wait_indirect_dma semaphore(%arg11 : memref<!tpu.dma_semaphore, #tpu.memory_space<semaphore_mem>>) src(%dma_wait3A_44 : memref<128x128xf32, #tpu.memory_space<vmem>>) dst(%dma_wait3A_50 : memref<10112x128xf32, #tpu.memory_space<vmem_shared>>)
      %dma_wait3A_51 = arith.constant 0 : i32
      %dma_wait3A_52 = arith.constant 0 : i32
      %dma_wait3A_53 = arith.constant 0 : i32
      %dma_wait3A_54 = tpu.memref_slice %arg8[%dma_wait3A_51, %dma_wait3A_52, %dma_wait3A_53] : memref<2x128x128xf32, #tpu.memory_space<vmem>> -> memref<1x128x128xf32, #tpu.memory_space<vmem>>
      %dma_wait3A_55 = tpu.memref_squeeze %dma_wait3A_54 : memref<1x128x128xf32, #tpu.memory_space<vmem>> -> memref<128x128xf32, #tpu.memory_space<vmem>>
      %dma_wait3A_56 = arith.constant 0 : i32
      %dma_wait3A_57 = tpu.memref_slice %arg6[%add3A_29, %dma_wait3A_56] : memref<80x128xi32, #tpu.memory_space<vmem>> -> memref<1x128xi32, #tpu.memory_space<vmem>>
      %dma_wait3A_58 = tpu.memref_squeeze %dma_wait3A_57 : memref<1x128xi32, #tpu.memory_space<vmem>> -> memref<128xi32, #tpu.memory_space<vmem>>
      %dma_wait3A_59 = arith.constant 0 : i32
      %dma_wait3A_60 = arith.constant 0 : i32
      %dma_wait3A_61 = tpu.memref_slice %arg9[%dma_wait3A_59, %dma_wait3A_60] : memref<10112x128xf32, #tpu.memory_space<vmem_shared>> -> memref<10112x128xf32, #tpu.memory_space<vmem_shared>>
      tpu.wait_indirect_dma semaphore(%arg11 : memref<!tpu.dma_semaphore, #tpu.memory_space<semaphore_mem>>) src(%dma_wait3A_55 : memref<128x128xf32, #tpu.memory_space<vmem>>) dst(%dma_wait3A_61 : memref<10112x128xf32, #tpu.memory_space<vmem_shared>>)
      %add3A_62 = arith.constant 2 : i32
      %add3A_63 = arith.addi %mul3A_11, %add3A_62 : i32
      %add3A_64 = arith.constant 0 : i32
      %add3A_65 = arith.addi %add3A_63, %add3A_64 : i32
      %dma_start3A_66 = arith.constant 0 : i32
      %dma_start3A_67 = arith.constant 0 : i32
      %dma_start3A_68 = arith.constant 0 : i32
      %dma_start3A_69 = tpu.memref_slice %arg8[%dma_start3A_66, %dma_start3A_67, %dma_start3A_68] : memref<2x128x128xf32, #tpu.memory_space<vmem>> -> memref<1x128x128xf32, #tpu.memory_space<vmem>>
      %dma_start3A_70 = tpu.memref_squeeze %dma_start3A_69 : memref<1x128x128xf32, #tpu.memory_space<vmem>> -> memref<128x128xf32, #tpu.memory_space<vmem>>
      %dma_start3A_71 = arith.constant 0 : i32
      %dma_start3A_72 = tpu.memref_slice %arg6[%add3A_65, %dma_start3A_71] : memref<80x128xi32, #tpu.memory_space<vmem>> -> memref<1x128xi32, #tpu.memory_space<vmem>>
      %dma_start3A_73 = tpu.memref_squeeze %dma_start3A_72 : memref<1x128xi32, #tpu.memory_space<vmem>> -> memref<128xi32, #tpu.memory_space<vmem>>
      %dma_start3A_74 = arith.constant 0 : i32
      %dma_start3A_75 = arith.constant 0 : i32
      %dma_start3A_76 = tpu.memref_slice %arg9[%dma_start3A_74, %dma_start3A_75] : memref<10112x128xf32, #tpu.memory_space<vmem_shared>> -> memref<10112x128xf32, #tpu.memory_space<vmem_shared>>
      tpu.enqueue_indirect_dma source(%dma_start3A_70 : memref<128x128xf32, #tpu.memory_space<vmem>>) target(%dma_start3A_76 : memref<10112x128xf32, #tpu.memory_space<vmem_shared>>) offsets(%dma_start3A_73 : memref<128xi32, #tpu.memory_space<vmem>>) semaphore(%arg11 : memref<!tpu.dma_semaphore, #tpu.memory_space<semaphore_mem>>) {add = true}
      %add3A_77 = arith.constant 2 : i32
      %add3A_78 = arith.addi %mul3A_11, %add3A_77 : i32
      %add3A_79 = arith.constant 1 : i32
      %add3A_80 = arith.addi %add3A_78, %add3A_79 : i32
      %dma_start3A_81 = arith.constant 0 : i32
      %dma_start3A_82 = arith.constant 0 : i32
      %dma_start3A_83 = arith.constant 0 : i32
      %dma_start3A_84 = tpu.memref_slice %arg8[%dma_start3A_81, %dma_start3A_82, %dma_start3A_83] : memref<2x128x128xf32, #tpu.memory_space<vmem>> -> memref<1x128x128xf32, #tpu.memory_space<vmem>>
      %dma_start3A_85 = tpu.memref_squeeze %dma_start3A_84 : memref<1x128x128xf32, #tpu.memory_space<vmem>> -> memref<128x128xf32, #tpu.memory_space<vmem>>
      %dma_start3A_86 = arith.constant 0 : i32
      %dma_start3A_87 = tpu.memref_slice %arg6[%add3A_80, %dma_start3A_86] : memref<80x128xi32, #tpu.memory_space<vmem>> -> memref<1x128xi32, #tpu.memory_space<vmem>>
      %dma_start3A_88 = tpu.memref_squeeze %dma_start3A_87 : memref<1x128xi32, #tpu.memory_space<vmem>> -> memref<128xi32, #tpu.memory_space<vmem>>
      %dma_start3A_89 = arith.constant 0 : i32
      %dma_start3A_90 = arith.constant 0 : i32
      %dma_start3A_91 = tpu.memref_slice %arg9[%dma_start3A_89, %dma_start3A_90] : memref<10112x128xf32, #tpu.memory_space<vmem_shared>> -> memref<10112x128xf32, #tpu.memory_space<vmem_shared>>
      tpu.enqueue_indirect_dma source(%dma_start3A_85 : memref<128x128xf32, #tpu.memory_space<vmem>>) target(%dma_start3A_91 : memref<10112x128xf32, #tpu.memory_space<vmem_shared>>) offsets(%dma_start3A_88 : memref<128xi32, #tpu.memory_space<vmem>>) semaphore(%arg11 : memref<!tpu.dma_semaphore, #tpu.memory_space<semaphore_mem>>) {add = true}
      %dma_wait3A_92 = arith.constant 0 : i32
      %dma_wait3A_93 = arith.constant 0 : i32
      %dma_wait3A_94 = arith.constant 0 : i32
      %dma_wait3A_95 = tpu.memref_slice %arg8[%dma_wait3A_92, %dma_wait3A_93, %dma_wait3A_94] : memref<2x128x128xf32, #tpu.memory_space<vmem>> -> memref<1x128x128xf32, #tpu.memory_space<vmem>>
      %dma_wait3A_96 = tpu.memref_squeeze %dma_wait3A_95 : memref<1x128x128xf32, #tpu.memory_space<vmem>> -> memref<128x128xf32, #tpu.memory_space<vmem>>
      %dma_wait3A_97 = arith.constant 0 : i32
      %dma_wait3A_98 = tpu.memref_slice %arg6[%add3A_65, %dma_wait3A_97] : memref<80x128xi32, #tpu.memory_space<vmem>> -> memref<1x128xi32, #tpu.memory_space<vmem>>
      %dma_wait3A_99 = tpu.memref_squeeze %dma_wait3A_98 : memref<1x128xi32, #tpu.memory_space<vmem>> -> memref<128xi32, #tpu.memory_space<vmem>>
      %dma_wait3A_100 = arith.constant 0 : i32
      %dma_wait3A_101 = arith.constant 0 : i32
      %dma_wait3A_102 = tpu.memref_slice %arg9[%dma_wait3A_100, %dma_wait3A_101] : memref<10112x128xf32, #tpu.memory_space<vmem_shared>> -> memref<10112x128xf32, #tpu.memory_space<vmem_shared>>
      tpu.wait_indirect_dma semaphore(%arg11 : memref<!tpu.dma_semaphore, #tpu.memory_space<semaphore_mem>>) src(%dma_wait3A_96 : memref<128x128xf32, #tpu.memory_space<vmem>>) dst(%dma_wait3A_102 : memref<10112x128xf32, #tpu.memory_space<vmem_shared>>)
      %dma_wait3A_103 = arith.constant 0 : i32
      %dma_wait3A_104 = arith.constant 0 : i32
      %dma_wait3A_105 = arith.constant 0 : i32
      %dma_wait3A_106 = tpu.memref_slice %arg8[%dma_wait3A_103, %dma_wait3A_104, %dma_wait3A_105] : memref<2x128x128xf32, #tpu.memory_space<vmem>> -> memref<1x128x128xf32, #tpu.memory_space<vmem>>
      %dma_wait3A_107 = tpu.memref_squeeze %dma_wait3A_106 : memref<1x128x128xf32, #tpu.memory_space<vmem>> -> memref<128x128xf32, #tpu.memory_space<vmem>>
      %dma_wait3A_108 = arith.constant 0 : i32
      %dma_wait3A_109 = tpu.memref_slice %arg6[%add3A_80, %dma_wait3A_108] : memref<80x128xi32, #tpu.memory_space<vmem>> -> memref<1x128xi32, #tpu.memory_space<vmem>>
      %dma_wait3A_110 = tpu.memref_squeeze %dma_wait3A_109 : memref<1x128xi32, #tpu.memory_space<vmem>> -> memref<128xi32, #tpu.memory_space<vmem>>
      %dma_wait3A_111 = arith.constant 0 : i32
      %dma_wait3A_112 = arith.constant 0 : i32
      %dma_wait3A_113 = tpu.memref_slice %arg9[%dma_wait3A_111, %dma_wait3A_112] : memref<10112x128xf32, #tpu.memory_space<vmem_shared>> -> memref<10112x128xf32, #tpu.memory_space<vmem_shared>>
      tpu.wait_indirect_dma semaphore(%arg11 : memref<!tpu.dma_semaphore, #tpu.memory_space<semaphore_mem>>) src(%dma_wait3A_107 : memref<128x128xf32, #tpu.memory_space<vmem>>) dst(%dma_wait3A_113 : memref<10112x128xf32, #tpu.memory_space<vmem_shared>>)
      %add3A_114 = arith.constant 4 : i32
      %add3A_115 = arith.addi %mul3A_11, %add3A_114 : i32
      %add3A_116 = arith.constant 0 : i32
      %add3A_117 = arith.addi %add3A_115, %add3A_116 : i32
      %dma_start3A_118 = arith.constant 0 : i32
      %dma_start3A_119 = arith.constant 0 : i32
      %dma_start3A_120 = arith.constant 0 : i32
      %dma_start3A_121 = tpu.memref_slice %arg8[%dma_start3A_118, %dma_start3A_119, %dma_start3A_120] : memref<2x128x128xf32, #tpu.memory_space<vmem>> -> memref<1x128x128xf32, #tpu.memory_space<vmem>>
      %dma_start3A_122 = tpu.memref_squeeze %dma_start3A_121 : memref<1x128x128xf32, #tpu.memory_space<vmem>> -> memref<128x128xf32, #tpu.memory_space<vmem>>
      %dma_start3A_123 = arith.constant 0 : i32
      %dma_start3A_124 = tpu.memref_slice %arg6[%add3A_117, %dma_start3A_123] : memref<80x128xi32, #tpu.memory_space<vmem>> -> memref<1x128xi32, #tpu.memory_space<vmem>>
      %dma_start3A_125 = tpu.memref_squeeze %dma_start3A_124 : memref<1x128xi32, #tpu.memory_space<vmem>> -> memref<128xi32, #tpu.memory_space<vmem>>
      %dma_start3A_126 = arith.constant 0 : i32
      %dma_start3A_127 = arith.constant 0 : i32
      %dma_start3A_128 = tpu.memref_slice %arg9[%dma_start3A_126, %dma_start3A_127] : memref<10112x128xf32, #tpu.memory_space<vmem_shared>> -> memref<10112x128xf32, #tpu.memory_space<vmem_shared>>
      tpu.enqueue_indirect_dma source(%dma_start3A_122 : memref<128x128xf32, #tpu.memory_space<vmem>>) target(%dma_start3A_128 : memref<10112x128xf32, #tpu.memory_space<vmem_shared>>) offsets(%dma_start3A_125 : memref<128xi32, #tpu.memory_space<vmem>>) semaphore(%arg11 : memref<!tpu.dma_semaphore, #tpu.memory_space<semaphore_mem>>) {add = true}
      %add3A_129 = arith.constant 4 : i32
      %add3A_130 = arith.addi %mul3A_11, %add3A_129 : i32
      %add3A_131 = arith.constant 1 : i32
      %add3A_132 = arith.addi %add3A_130, %add3A_131 : i32
      %dma_start3A_133 = arith.constant 0 : i32
      %dma_start3A_134 = arith.constant 0 : i32
      %dma_start3A_135 = arith.constant 0 : i32
      %dma_start3A_136 = tpu.memref_slice %arg8[%dma_start3A_133, %dma_start3A_134, %dma_start3A_135] : memref<2x128x128xf32, #tpu.memory_space<vmem>> -> memref<1x128x128xf32, #tpu.memory_space<vmem>>
      %dma_start3A_137 = tpu.memref_squeeze %dma_start3A_136 : memref<1x128x128xf32, #tpu.memory_space<vmem>> -> memref<128x128xf32, #tpu.memory_space<vmem>>
      %dma_start3A_138 = arith.constant 0 : i32
      %dma_start3A_139 = tpu.memref_slice %arg6[%add3A_132, %dma_start3A_138] : memref<80x128xi32, #tpu.memory_space<vmem>> -> memref<1x128xi32, #tpu.memory_space<vmem>>
      %dma_start3A_140 = tpu.memref_squeeze %dma_start3A_139 : memref<1x128xi32, #tpu.memory_space<vmem>> -> memref<128xi32, #tpu.memory_space<vmem>>
      %dma_start3A_141 = arith.constant 0 : i32
      %dma_start3A_142 = arith.constant 0 : i32
      %dma_start3A_143 = tpu.memref_slice %arg9[%dma_start3A_141, %dma_start3A_142] : memref<10112x128xf32, #tpu.memory_space<vmem_shared>> -> memref<10112x128xf32, #tpu.memory_space<vmem_shared>>
      tpu.enqueue_indirect_dma source(%dma_start3A_137 : memref<128x128xf32, #tpu.memory_space<vmem>>) target(%dma_start3A_143 : memref<10112x128xf32, #tpu.memory_space<vmem_shared>>) offsets(%dma_start3A_140 : memref<128xi32, #tpu.memory_space<vmem>>) semaphore(%arg11 : memref<!tpu.dma_semaphore, #tpu.memory_space<semaphore_mem>>) {add = true}
      %dma_wait3A_144 = arith.constant 0 : i32
      %dma_wait3A_145 = arith.constant 0 : i32
      %dma_wait3A_146 = arith.constant 0 : i32
      %dma_wait3A_147 = tpu.memref_slice %arg8[%dma_wait3A_144, %dma_wait3A_145, %dma_wait3A_146] : memref<2x128x128xf32, #tpu.memory_space<vmem>> -> memref<1x128x128xf32, #tpu.memory_space<vmem>>
      %dma_wait3A_148 = tpu.memref_squeeze %dma_wait3A_147 : memref<1x128x128xf32, #tpu.memory_space<vmem>> -> memref<128x128xf32, #tpu.memory_space<vmem>>
      %dma_wait3A_149 = arith.constant 0 : i32
      %dma_wait3A_150 = tpu.memref_slice %arg6[%add3A_117, %dma_wait3A_149] : memref<80x128xi32, #tpu.memory_space<vmem>> -> memref<1x128xi32, #tpu.memory_space<vmem>>
      %dma_wait3A_151 = tpu.memref_squeeze %dma_wait3A_150 : memref<1x128xi32, #tpu.memory_space<vmem>> -> memref<128xi32, #tpu.memory_space<vmem>>
      %dma_wait3A_152 = arith.constant 0 : i32
      %dma_wait3A_153 = arith.constant 0 : i32
      %dma_wait3A_154 = tpu.memref_slice %arg9[%dma_wait3A_152, %dma_wait3A_153] : memref<10112x128xf32, #tpu.memory_space<vmem_shared>> -> memref<10112x128xf32, #tpu.memory_space<vmem_shared>>
      tpu.wait_indirect_dma semaphore(%arg11 : memref<!tpu.dma_semaphore, #tpu.memory_space<semaphore_mem>>) src(%dma_wait3A_148 : memref<128x128xf32, #tpu.memory_space<vmem>>) dst(%dma_wait3A_154 : memref<10112x128xf32, #tpu.memory_space<vmem_shared>>)
      %dma_wait3A_155 = arith.constant 0 : i32
      %dma_wait3A_156 = arith.constant 0 : i32
      %dma_wait3A_157 = arith.constant 0 : i32
      %dma_wait3A_158 = tpu.memref_slice %arg8[%dma_wait3A_155, %dma_wait3A_156, %dma_wait3A_157] : memref<2x128x128xf32, #tpu.memory_space<vmem>> -> memref<1x128x128xf32, #tpu.memory_space<vmem>>
      %dma_wait3A_159 = tpu.memref_squeeze %dma_wait3A_158 : memref<1x128x128xf32, #tpu.memory_space<vmem>> -> memref<128x128xf32, #tpu.memory_space<vmem>>
      %dma_wait3A_160 = arith.constant 0 : i32
      %dma_wait3A_161 = tpu.memref_slice %arg6[%add3A_132, %dma_wait3A_160] : memref<80x128xi32, #tpu.memory_space<vmem>> -> memref<1x128xi32, #tpu.memory_space<vmem>>
      %dma_wait3A_162 = tpu.memref_squeeze %dma_wait3A_161 : memref<1x128xi32, #tpu.memory_space<vmem>> -> memref<128xi32, #tpu.memory_space<vmem>>
      %dma_wait3A_163 = arith.constant 0 : i32
      %dma_wait3A_164 = arith.constant 0 : i32
      %dma_wait3A_165 = tpu.memref_slice %arg9[%dma_wait3A_163, %dma_wait3A_164] : memref<10112x128xf32, #tpu.memory_space<vmem_shared>> -> memref<10112x128xf32, #tpu.memory_space<vmem_shared>>
      tpu.wait_indirect_dma semaphore(%arg11 : memref<!tpu.dma_semaphore, #tpu.memory_space<semaphore_mem>>) src(%dma_wait3A_159 : memref<128x128xf32, #tpu.memory_space<vmem>>) dst(%dma_wait3A_165 : memref<10112x128xf32, #tpu.memory_space<vmem_shared>>)
      %add3A_166 = arith.constant 6 : i32
      %add3A_167 = arith.addi %mul3A_11, %add3A_166 : i32
      %add3A_168 = arith.constant 0 : i32
      %add3A_169 = arith.addi %add3A_167, %add3A_168 : i32
      %dma_start3A_170 = arith.constant 0 : i32
      %dma_start3A_171 = arith.constant 0 : i32
      %dma_start3A_172 = arith.constant 0 : i32
      %dma_start3A_173 = tpu.memref_slice %arg8[%dma_start3A_170, %dma_start3A_171, %dma_start3A_172] : memref<2x128x128xf32, #tpu.memory_space<vmem>> -> memref<1x128x128xf32, #tpu.memory_space<vmem>>
      %dma_start3A_174 = tpu.memref_squeeze %dma_start3A_173 : memref<1x128x128xf32, #tpu.memory_space<vmem>> -> memref<128x128xf32, #tpu.memory_space<vmem>>
      %dma_start3A_175 = arith.constant 0 : i32
      %dma_start3A_176 = tpu.memref_slice %arg6[%add3A_169, %dma_start3A_175] : memref<80x128xi32, #tpu.memory_space<vmem>> -> memref<1x128xi32, #tpu.memory_space<vmem>>
      %dma_start3A_177 = tpu.memref_squeeze %dma_start3A_176 : memref<1x128xi32, #tpu.memory_space<vmem>> -> memref<128xi32, #tpu.memory_space<vmem>>
      %dma_start3A_178 = arith.constant 0 : i32
      %dma_start3A_179 = arith.constant 0 : i32
      %dma_start3A_180 = tpu.memref_slice %arg9[%dma_start3A_178, %dma_start3A_179] : memref<10112x128xf32, #tpu.memory_space<vmem_shared>> -> memref<10112x128xf32, #tpu.memory_space<vmem_shared>>
      tpu.enqueue_indirect_dma source(%dma_start3A_174 : memref<128x128xf32, #tpu.memory_space<vmem>>) target(%dma_start3A_180 : memref<10112x128xf32, #tpu.memory_space<vmem_shared>>) offsets(%dma_start3A_177 : memref<128xi32, #tpu.memory_space<vmem>>) semaphore(%arg11 : memref<!tpu.dma_semaphore, #tpu.memory_space<semaphore_mem>>) {add = true}
      %add3A_181 = arith.constant 6 : i32
      %add3A_182 = arith.addi %mul3A_11, %add3A_181 : i32
      %add3A_183 = arith.constant 1 : i32
      %add3A_184 = arith.addi %add3A_182, %add3A_183 : i32
      %dma_start3A_185 = arith.constant 0 : i32
      %dma_start3A_186 = arith.constant 0 : i32
      %dma_start3A_187 = arith.constant 0 : i32
      %dma_start3A_188 = tpu.memref_slice %arg8[%dma_start3A_185, %dma_start3A_186, %dma_start3A_187] : memref<2x128x128xf32, #tpu.memory_space<vmem>> -> memref<1x128x128xf32, #tpu.memory_space<vmem>>
      %dma_start3A_189 = tpu.memref_squeeze %dma_start3A_188 : memref<1x128x128xf32, #tpu.memory_space<vmem>> -> memref<128x128xf32, #tpu.memory_space<vmem>>
      %dma_start3A_190 = arith.constant 0 : i32
      %dma_start3A_191 = tpu.memref_slice %arg6[%add3A_184, %dma_start3A_190] : memref<80x128xi32, #tpu.memory_space<vmem>> -> memref<1x128xi32, #tpu.memory_space<vmem>>
      %dma_start3A_192 = tpu.memref_squeeze %dma_start3A_191 : memref<1x128xi32, #tpu.memory_space<vmem>> -> memref<128xi32, #tpu.memory_space<vmem>>
      %dma_start3A_193 = arith.constant 0 : i32
      %dma_start3A_194 = arith.constant 0 : i32
      %dma_start3A_195 = tpu.memref_slice %arg9[%dma_start3A_193, %dma_start3A_194] : memref<10112x128xf32, #tpu.memory_space<vmem_shared>> -> memref<10112x128xf32, #tpu.memory_space<vmem_shared>>
      tpu.enqueue_indirect_dma source(%dma_start3A_189 : memref<128x128xf32, #tpu.memory_space<vmem>>) target(%dma_start3A_195 : memref<10112x128xf32, #tpu.memory_space<vmem_shared>>) offsets(%dma_start3A_192 : memref<128xi32, #tpu.memory_space<vmem>>) semaphore(%arg11 : memref<!tpu.dma_semaphore, #tpu.memory_space<semaphore_mem>>) {add = true}
      %dma_wait3A_196 = arith.constant 0 : i32
      %dma_wait3A_197 = arith.constant 0 : i32
      %dma_wait3A_198 = arith.constant 0 : i32
      %dma_wait3A_199 = tpu.memref_slice %arg8[%dma_wait3A_196, %dma_wait3A_197, %dma_wait3A_198] : memref<2x128x128xf32, #tpu.memory_space<vmem>> -> memref<1x128x128xf32, #tpu.memory_space<vmem>>
      %dma_wait3A_200 = tpu.memref_squeeze %dma_wait3A_199 : memref<1x128x128xf32, #tpu.memory_space<vmem>> -> memref<128x128xf32, #tpu.memory_space<vmem>>
      %dma_wait3A_201 = arith.constant 0 : i32
      %dma_wait3A_202 = tpu.memref_slice %arg6[%add3A_169, %dma_wait3A_201] : memref<80x128xi32, #tpu.memory_space<vmem>> -> memref<1x128xi32, #tpu.memory_space<vmem>>
      %dma_wait3A_203 = tpu.memref_squeeze %dma_wait3A_202 : memref<1x128xi32, #tpu.memory_space<vmem>> -> memref<128xi32, #tpu.memory_space<vmem>>
      %dma_wait3A_204 = arith.constant 0 : i32
      %dma_wait3A_205 = arith.constant 0 : i32
      %dma_wait3A_206 = tpu.memref_slice %arg9[%dma_wait3A_204, %dma_wait3A_205] : memref<10112x128xf32, #tpu.memory_space<vmem_shared>> -> memref<10112x128xf32, #tpu.memory_space<vmem_shared>>
      tpu.wait_indirect_dma semaphore(%arg11 : memref<!tpu.dma_semaphore, #tpu.memory_space<semaphore_mem>>) src(%dma_wait3A_200 : memref<128x128xf32, #tpu.memory_space<vmem>>) dst(%dma_wait3A_206 : memref<10112x128xf32, #tpu.memory_space<vmem_shared>>)
      %dma_wait3A_207 = arith.constant 0 : i32
      %dma_wait3A_208 = arith.constant 0 : i32
      %dma_wait3A_209 = arith.constant 0 : i32
      %dma_wait3A_210 = tpu.memref_slice %arg8[%dma_wait3A_207, %dma_wait3A_208, %dma_wait3A_209] : memref<2x128x128xf32, #tpu.memory_space<vmem>> -> memref<1x128x128xf32, #tpu.memory_space<vmem>>
      %dma_wait3A_211 = tpu.memref_squeeze %dma_wait3A_210 : memref<1x128x128xf32, #tpu.memory_space<vmem>> -> memref<128x128xf32, #tpu.memory_space<vmem>>
      %dma_wait3A_212 = arith.constant 0 : i32
      %dma_wait3A_213 = tpu.memref_slice %arg6[%add3A_184, %dma_wait3A_212] : memref<80x128xi32, #tpu.memory_space<vmem>> -> memref<1x128xi32, #tpu.memory_space<vmem>>
      %dma_wait3A_214 = tpu.memref_squeeze %dma_wait3A_213 : memref<1x128xi32, #tpu.memory_space<vmem>> -> memref<128xi32, #tpu.memory_space<vmem>>
      %dma_wait3A_215 = arith.constant 0 : i32
      %dma_wait3A_216 = arith.constant 0 : i32
      %dma_wait3A_217 = tpu.memref_slice %arg9[%dma_wait3A_215, %dma_wait3A_216] : memref<10112x128xf32, #tpu.memory_space<vmem_shared>> -> memref<10112x128xf32, #tpu.memory_space<vmem_shared>>
      tpu.wait_indirect_dma semaphore(%arg11 : memref<!tpu.dma_semaphore, #tpu.memory_space<semaphore_mem>>) src(%dma_wait3A_211 : memref<128x128xf32, #tpu.memory_space<vmem>>) dst(%dma_wait3A_217 : memref<10112x128xf32, #tpu.memory_space<vmem_shared>>)
    }
    %scan3A_7 = arith.constant 10 : i32
    %barrier3A_8 = arith.constant 0 : index
    tpu.barrier barrier_id(%barrier3A_8)
    "tpu.region"() ({
      %run_scoped3A_9 = tpu.sem_alloc : memref<!tpu.dma_semaphore, #tpu.memory_space<semaphore_mem>>
      %dma_start3A = arith.constant 0 : i32
      %dma_start3A_10 = tpu.memref_slice %arg5[%arg0, %mul3A_2, %dma_start3A] : memref<2x10112x128xf32, #tpu.memory_space<hbm>> -> memref<1x632x128xf32, #tpu.memory_space<hbm>>
      %dma_start3A_11 = tpu.memref_squeeze %dma_start3A_10 : memref<1x632x128xf32, #tpu.memory_space<hbm>> -> memref<632x128xf32, #tpu.memory_space<hbm>>
      %dma_start3A_12 = arith.constant 0 : i32
      %dma_start3A_13 = tpu.memref_slice %arg9[%mul3A_2, %dma_start3A_12] : memref<10112x128xf32, #tpu.memory_space<vmem_shared>> -> memref<632x128xf32, #tpu.memory_space<vmem_shared>>
      tpu.enqueue_dma source(%dma_start3A_13 : memref<632x128xf32, #tpu.memory_space<vmem_shared>>) target(%dma_start3A_11 : memref<632x128xf32, #tpu.memory_space<hbm>>) target_semaphore(%run_scoped3A_9 : memref<!tpu.dma_semaphore, #tpu.memory_space<semaphore_mem>>)
      %dma_wait3A = arith.constant 0 : i32
      %dma_wait3A_14 = tpu.memref_slice %arg5[%arg0, %mul3A_2, %dma_wait3A] : memref<2x10112x128xf32, #tpu.memory_space<hbm>> -> memref<1x632x128xf32, #tpu.memory_space<hbm>>
      %dma_wait3A_15 = tpu.memref_squeeze %dma_wait3A_14 : memref<1x632x128xf32, #tpu.memory_space<hbm>> -> memref<632x128xf32, #tpu.memory_space<hbm>>
      %dma_wait3A_16 = arith.constant 0 : i32
      %dma_wait3A_17 = tpu.memref_slice %arg9[%mul3A_2, %dma_wait3A_16] : memref<10112x128xf32, #tpu.memory_space<vmem_shared>> -> memref<632x128xf32, #tpu.memory_space<vmem_shared>>
      tpu.wait_dma2 semaphore(%run_scoped3A_9 : memref<!tpu.dma_semaphore, #tpu.memory_space<semaphore_mem>>) src(%dma_wait3A_17 : memref<632x128xf32, #tpu.memory_space<vmem_shared>>) dst(%dma_wait3A_15 : memref<632x128xf32, #tpu.memory_space<hbm>>)
      tpu.yield
    }) : () -> ()
    return
  }
}

#map = affine_map<(d0, d1) -> (0, 0)>
#map1 = affine_map<(d0, d1) -> (0, 0, 0)>
module attributes {stable_mosaic.version = 14 : i64} {
  func.func @_edge_agg_body(%arg0: i32, %arg1: i32, %arg2: memref<10000x128xf32, #tpu.memory_space<hbm>>, %arg3: memref<10000x128xf32, #tpu.memory_space<hbm>>, %arg4: memref<32x120x128xi32, #tpu.memory_space<hbm>>, %arg5: memref<32x120x128xi32, #tpu.memory_space<hbm>>, %arg6: memref<10112x128xf32, #tpu.memory_space<hbm>>, %arg7: memref<2x10112x128xf32, #tpu.memory_space<hbm>>, %arg8: memref<120x128xi32, #tpu.memory_space<vmem>>, %arg9: memref<8x128xi32, #tpu.memory_space<vmem>>, %arg10: memref<2x128x128xf32, #tpu.memory_space<vmem>>, %arg11: memref<10112x128xf32, #tpu.memory_space<vmem_shared>>, %arg12: memref<!tpu.dma_semaphore, #tpu.memory_space<semaphore_mem>>, %arg13: memref<!tpu.dma_semaphore, #tpu.memory_space<semaphore_mem>>, %arg14: memref<!tpu.dma_semaphore, #tpu.memory_space<semaphore_mem>>) attributes {dimension_semantics = [#tpu.dimension_semantics<core_parallel>, #tpu.dimension_semantics<subcore_parallel>], iteration_bounds = array<i64: 2, 16>, scalar_prefetch = 0 : i64, scratch_operands = 7 : i64, tpu.core_type = #tpu.core_type<sc_vector_subcore>, window_params = [{transform_indices = #map}, {transform_indices = #map}, {transform_indices = #map1}, {transform_indices = #map1}, {transform_indices = #map}, {transform_indices = #map1}]} {
    %mul3A = arith.constant 2 : i32
    %mul3A_0 = arith.muli %arg1, %mul3A : i32
    %add3A = arith.addi %mul3A_0, %arg0 : i32
    %mul3A_1 = arith.constant 632 : i32
    %mul3A_2 = arith.muli %arg1, %mul3A_1 : i32
    "tpu.region"() ({
      %run_scoped3A = tpu.sem_alloc : memref<!tpu.dma_semaphore, #tpu.memory_space<semaphore_mem>>
      %dma_start3A = arith.constant 0 : i32
      %dma_start3A_11 = tpu.memref_slice %arg11[%mul3A_2, %dma_start3A] : memref<10112x128xf32, #tpu.memory_space<vmem_shared>> -> memref<632x128xf32, #tpu.memory_space<vmem_shared>>
      %dma_start3A_12 = arith.constant 0 : i32
      %dma_start3A_13 = tpu.memref_slice %arg6[%mul3A_2, %dma_start3A_12] : memref<10112x128xf32, #tpu.memory_space<hbm>> -> memref<632x128xf32, #tpu.memory_space<hbm>>
      tpu.enqueue_dma source(%dma_start3A_13 : memref<632x128xf32, #tpu.memory_space<hbm>>) target(%dma_start3A_11 : memref<632x128xf32, #tpu.memory_space<vmem_shared>>) target_semaphore(%run_scoped3A : memref<!tpu.dma_semaphore, #tpu.memory_space<semaphore_mem>>)
      %dma_wait3A = arith.constant 0 : i32
      %dma_wait3A_14 = tpu.memref_slice %arg11[%mul3A_2, %dma_wait3A] : memref<10112x128xf32, #tpu.memory_space<vmem_shared>> -> memref<632x128xf32, #tpu.memory_space<vmem_shared>>
      %dma_wait3A_15 = arith.constant 0 : i32
      %dma_wait3A_16 = tpu.memref_slice %arg6[%mul3A_2, %dma_wait3A_15] : memref<10112x128xf32, #tpu.memory_space<hbm>> -> memref<632x128xf32, #tpu.memory_space<hbm>>
      tpu.wait_dma2 semaphore(%run_scoped3A : memref<!tpu.dma_semaphore, #tpu.memory_space<semaphore_mem>>) src(%dma_wait3A_16 : memref<632x128xf32, #tpu.memory_space<hbm>>) dst(%dma_wait3A_14 : memref<632x128xf32, #tpu.memory_space<vmem_shared>>)
      tpu.yield
    }) : () -> ()
    "tpu.region"() ({
      %run_scoped3A = tpu.sem_alloc : memref<!tpu.dma_semaphore, #tpu.memory_space<semaphore_mem>>
      %dma_start3A = arith.constant 0 : i32
      %dma_start3A_11 = arith.constant 0 : i32
      %dma_start3A_12 = tpu.memref_slice %arg4[%add3A, %dma_start3A, %dma_start3A_11] : memref<32x120x128xi32, #tpu.memory_space<hbm>> -> memref<1x120x128xi32, #tpu.memory_space<hbm>>
      %dma_start3A_13 = tpu.memref_squeeze %dma_start3A_12 : memref<1x120x128xi32, #tpu.memory_space<hbm>> -> memref<120x128xi32, #tpu.memory_space<hbm>>
      %dma_start3A_14 = arith.constant 0 : i32
      %dma_start3A_15 = arith.constant 0 : i32
      %dma_start3A_16 = tpu.memref_slice %arg4[%add3A, %dma_start3A_14, %dma_start3A_15] : memref<32x120x128xi32, #tpu.memory_space<hbm>> -> memref<1x120x128xi32, #tpu.memory_space<hbm>>
      %dma_start3A_17 = tpu.memref_squeeze %dma_start3A_16 : memref<1x120x128xi32, #tpu.memory_space<hbm>> -> memref<120x128xi32, #tpu.memory_space<hbm>>
      tpu.enqueue_dma source(%dma_start3A_17 : memref<120x128xi32, #tpu.memory_space<hbm>>) target(%arg8 : memref<120x128xi32, #tpu.memory_space<vmem>>) target_semaphore(%run_scoped3A : memref<!tpu.dma_semaphore, #tpu.memory_space<semaphore_mem>>)
      %dma_wait3A = arith.constant 0 : i32
      %dma_wait3A_18 = arith.constant 0 : i32
      %dma_wait3A_19 = tpu.memref_slice %arg4[%add3A, %dma_wait3A, %dma_wait3A_18] : memref<32x120x128xi32, #tpu.memory_space<hbm>> -> memref<1x120x128xi32, #tpu.memory_space<hbm>>
      %dma_wait3A_20 = tpu.memref_squeeze %dma_wait3A_19 : memref<1x120x128xi32, #tpu.memory_space<hbm>> -> memref<120x128xi32, #tpu.memory_space<hbm>>
      %dma_wait3A_21 = arith.constant 0 : i32
      %dma_wait3A_22 = arith.constant 0 : i32
      %dma_wait3A_23 = tpu.memref_slice %arg4[%add3A, %dma_wait3A_21, %dma_wait3A_22] : memref<32x120x128xi32, #tpu.memory_space<hbm>> -> memref<1x120x128xi32, #tpu.memory_space<hbm>>
      %dma_wait3A_24 = tpu.memref_squeeze %dma_wait3A_23 : memref<1x120x128xi32, #tpu.memory_space<hbm>> -> memref<120x128xi32, #tpu.memory_space<hbm>>
      tpu.wait_dma2 semaphore(%run_scoped3A : memref<!tpu.dma_semaphore, #tpu.memory_space<semaphore_mem>>) src(%dma_wait3A_24 : memref<120x128xi32, #tpu.memory_space<hbm>>) dst(%arg8 : memref<120x128xi32, #tpu.memory_space<vmem>>)
      tpu.yield
    }) : () -> ()
    %barrier3A = arith.constant 0 : index
    tpu.barrier barrier_id(%barrier3A)
    %eq3A = arith.constant 0 : i32
    %eq3A_3 = arith.cmpi eq, %arg0, %eq3A : i32
    %convert_element_type3A = arith.extui %eq3A_3 : i1 to i32
    %cond3A = arith.constant 0 : i32
    %cond3A_4 = arith.cmpi ne, %convert_element_type3A, %cond3A : i32
    scf.if %cond3A_4 {
      %scan3A = arith.constant 0 : i32
      %scan3A_11 = arith.constant 0 : i32
      %scan3A_12 = arith.constant 15 : i32
      %scan3A_13 = arith.addi %scan3A_11, %scan3A_12 : i32
      %scan3A_14 = arith.constant 1 : i32
      scf.for %scan3A_16 = %scan3A_11 to %scan3A_13 step %scan3A_14  : i32 {
        %mul3A_17 = arith.constant 8 : i32
        %mul3A_18 = arith.muli %scan3A_16, %mul3A_17 : i32
        %multiple_of3A = tpu.assume_multiple %mul3A_18, 8 : i32
        %dma_start3A = arith.constant 0 : i32
        %dma_start3A_19 = tpu.memref_slice %arg5[%add3A, %multiple_of3A, %dma_start3A] : memref<32x120x128xi32, #tpu.memory_space<hbm>> -> memref<1x8x128xi32, #tpu.memory_space<hbm>>
        %dma_start3A_20 = tpu.memref_squeeze %dma_start3A_19 : memref<1x8x128xi32, #tpu.memory_space<hbm>> -> memref<8x128xi32, #tpu.memory_space<hbm>>
        %dma_start3A_21 = arith.constant 0 : i32
        %dma_start3A_22 = tpu.memref_slice %arg5[%add3A, %multiple_of3A, %dma_start3A_21] : memref<32x120x128xi32, #tpu.memory_space<hbm>> -> memref<1x8x128xi32, #tpu.memory_space<hbm>>
        %dma_start3A_23 = tpu.memref_squeeze %dma_start3A_22 : memref<1x8x128xi32, #tpu.memory_space<hbm>> -> memref<8x128xi32, #tpu.memory_space<hbm>>
        tpu.enqueue_dma source(%dma_start3A_23 : memref<8x128xi32, #tpu.memory_space<hbm>>) target(%arg9 : memref<8x128xi32, #tpu.memory_space<vmem>>) target_semaphore(%arg14 : memref<!tpu.dma_semaphore, #tpu.memory_space<semaphore_mem>>)
        %add3A_24 = arith.constant 0 : i32
        %add3A_25 = arith.addi %mul3A_18, %add3A_24 : i32
        %add3A_26 = arith.constant 0 : i32
        %add3A_27 = arith.addi %add3A_25, %add3A_26 : i32
        %dma_start3A_28 = arith.constant 0 : i32
        %dma_start3A_29 = arith.constant 0 : i32
        %dma_start3A_30 = arith.constant 0 : i32
        %dma_start3A_31 = tpu.memref_slice %arg10[%dma_start3A_28, %dma_start3A_29, %dma_start3A_30] : memref<2x128x128xf32, #tpu.memory_space<vmem>> -> memref<1x128x128xf32, #tpu.memory_space<vmem>>
        %dma_start3A_32 = tpu.memref_squeeze %dma_start3A_31 : memref<1x128x128xf32, #tpu.memory_space<vmem>> -> memref<128x128xf32, #tpu.memory_space<vmem>>
        %dma_start3A_33 = arith.constant 0 : i32
        %dma_start3A_34 = tpu.memref_slice %arg8[%add3A_27, %dma_start3A_33] : memref<120x128xi32, #tpu.memory_space<vmem>> -> memref<1x128xi32, #tpu.memory_space<vmem>>
        %dma_start3A_35 = tpu.memref_squeeze %dma_start3A_34 : memref<1x128xi32, #tpu.memory_space<vmem>> -> memref<128xi32, #tpu.memory_space<vmem>>
        %dma_start3A_36 = arith.constant 0 : i32
        %dma_start3A_37 = arith.constant 0 : i32
        %dma_start3A_38 = tpu.memref_slice %arg2[%dma_start3A_36, %dma_start3A_37] : memref<10000x128xf32, #tpu.memory_space<hbm>> -> memref<10000x128xf32, #tpu.memory_space<hbm>>
        tpu.enqueue_indirect_dma source(%dma_start3A_38 : memref<10000x128xf32, #tpu.memory_space<hbm>>) target(%dma_start3A_32 : memref<128x128xf32, #tpu.memory_space<vmem>>) offsets(%dma_start3A_35 : memref<128xi32, #tpu.memory_space<vmem>>) semaphore(%arg12 : memref<!tpu.dma_semaphore, #tpu.memory_space<semaphore_mem>>)
        %add3A_39 = arith.constant 0 : i32
        %add3A_40 = arith.addi %mul3A_18, %add3A_39 : i32
        %add3A_41 = arith.constant 1 : i32
        %add3A_42 = arith.addi %add3A_40, %add3A_41 : i32
        %dma_start3A_43 = arith.constant 1 : i32
        %dma_start3A_44 = arith.constant 0 : i32
        %dma_start3A_45 = arith.constant 0 : i32
        %dma_start3A_46 = tpu.memref_slice %arg10[%dma_start3A_43, %dma_start3A_44, %dma_start3A_45] : memref<2x128x128xf32, #tpu.memory_space<vmem>> -> memref<1x128x128xf32, #tpu.memory_space<vmem>>
        %dma_start3A_47 = tpu.memref_squeeze %dma_start3A_46 : memref<1x128x128xf32, #tpu.memory_space<vmem>> -> memref<128x128xf32, #tpu.memory_space<vmem>>
        %dma_start3A_48 = arith.constant 0 : i32
        %dma_start3A_49 = tpu.memref_slice %arg8[%add3A_42, %dma_start3A_48] : memref<120x128xi32, #tpu.memory_space<vmem>> -> memref<1x128xi32, #tpu.memory_space<vmem>>
        %dma_start3A_50 = tpu.memref_squeeze %dma_start3A_49 : memref<1x128xi32, #tpu.memory_space<vmem>> -> memref<128xi32, #tpu.memory_space<vmem>>
        %dma_start3A_51 = arith.constant 0 : i32
        %dma_start3A_52 = arith.constant 0 : i32
        %dma_start3A_53 = tpu.memref_slice %arg2[%dma_start3A_51, %dma_start3A_52] : memref<10000x128xf32, #tpu.memory_space<hbm>> -> memref<10000x128xf32, #tpu.memory_space<hbm>>
        tpu.enqueue_indirect_dma source(%dma_start3A_53 : memref<10000x128xf32, #tpu.memory_space<hbm>>) target(%dma_start3A_47 : memref<128x128xf32, #tpu.memory_space<vmem>>) offsets(%dma_start3A_50 : memref<128xi32, #tpu.memory_space<vmem>>) semaphore(%arg12 : memref<!tpu.dma_semaphore, #tpu.memory_space<semaphore_mem>>)
        %dma_wait3A = arith.constant 0 : i32
        %dma_wait3A_54 = tpu.memref_slice %arg5[%add3A, %multiple_of3A, %dma_wait3A] : memref<32x120x128xi32, #tpu.memory_space<hbm>> -> memref<1x8x128xi32, #tpu.memory_space<hbm>>
        %dma_wait3A_55 = tpu.memref_squeeze %dma_wait3A_54 : memref<1x8x128xi32, #tpu.memory_space<hbm>> -> memref<8x128xi32, #tpu.memory_space<hbm>>
        %dma_wait3A_56 = arith.constant 0 : i32
        %dma_wait3A_57 = tpu.memref_slice %arg5[%add3A, %multiple_of3A, %dma_wait3A_56] : memref<32x120x128xi32, #tpu.memory_space<hbm>> -> memref<1x8x128xi32, #tpu.memory_space<hbm>>
        %dma_wait3A_58 = tpu.memref_squeeze %dma_wait3A_57 : memref<1x8x128xi32, #tpu.memory_space<hbm>> -> memref<8x128xi32, #tpu.memory_space<hbm>>
        tpu.wait_dma2 semaphore(%arg14 : memref<!tpu.dma_semaphore, #tpu.memory_space<semaphore_mem>>) src(%dma_wait3A_58 : memref<8x128xi32, #tpu.memory_space<hbm>>) dst(%arg9 : memref<8x128xi32, #tpu.memory_space<vmem>>)
        %dma_wait3A_59 = arith.constant 0 : i32
        %dma_wait3A_60 = arith.constant 0 : i32
        %dma_wait3A_61 = arith.constant 0 : i32
        %dma_wait3A_62 = tpu.memref_slice %arg10[%dma_wait3A_59, %dma_wait3A_60, %dma_wait3A_61] : memref<2x128x128xf32, #tpu.memory_space<vmem>> -> memref<1x128x128xf32, #tpu.memory_space<vmem>>
        %dma_wait3A_63 = tpu.memref_squeeze %dma_wait3A_62 : memref<1x128x128xf32, #tpu.memory_space<vmem>> -> memref<128x128xf32, #tpu.memory_space<vmem>>
        %dma_wait3A_64 = arith.constant 0 : i32
        %dma_wait3A_65 = tpu.memref_slice %arg8[%add3A_27, %dma_wait3A_64] : memref<120x128xi32, #tpu.memory_space<vmem>> -> memref<1x128xi32, #tpu.memory_space<vmem>>
        %dma_wait3A_66 = tpu.memref_squeeze %dma_wait3A_65 : memref<1x128xi32, #tpu.memory_space<vmem>> -> memref<128xi32, #tpu.memory_space<vmem>>
        %dma_wait3A_67 = arith.constant 0 : i32
        %dma_wait3A_68 = arith.constant 0 : i32
        %dma_wait3A_69 = tpu.memref_slice %arg2[%dma_wait3A_67, %dma_wait3A_68] : memref<10000x128xf32, #tpu.memory_space<hbm>> -> memref<10000x128xf32, #tpu.memory_space<hbm>>
        tpu.wait_indirect_dma semaphore(%arg12 : memref<!tpu.dma_semaphore, #tpu.memory_space<semaphore_mem>>) src(%dma_wait3A_69 : memref<10000x128xf32, #tpu.memory_space<hbm>>) dst(%dma_wait3A_63 : memref<128x128xf32, #tpu.memory_space<vmem>>)
        %dma_start3A_70 = arith.constant 0 : i32
        %dma_start3A_71 = arith.constant 0 : i32
        %dma_start3A_72 = arith.constant 0 : i32
        %dma_start3A_73 = arith.constant 0 : i32
        %dma_start3A_74 = tpu.memref_slice %arg10[%dma_start3A_70, %dma_start3A_72, %dma_start3A_73] : memref<2x128x128xf32, #tpu.memory_space<vmem>> -> memref<1x128x128xf32, #tpu.memory_space<vmem>>
        %dma_start3A_75 = tpu.memref_squeeze %dma_start3A_74 : memref<1x128x128xf32, #tpu.memory_space<vmem>> -> memref<128x128xf32, #tpu.memory_space<vmem>>
        %dma_start3A_76 = arith.constant 0 : i32
        %dma_start3A_77 = tpu.memref_slice %arg9[%dma_start3A_71, %dma_start3A_76] : memref<8x128xi32, #tpu.memory_space<vmem>> -> memref<1x128xi32, #tpu.memory_space<vmem>>
        %dma_start3A_78 = tpu.memref_squeeze %dma_start3A_77 : memref<1x128xi32, #tpu.memory_space<vmem>> -> memref<128xi32, #tpu.memory_space<vmem>>
        %dma_start3A_79 = arith.constant 0 : i32
        %dma_start3A_80 = arith.constant 0 : i32
        %dma_start3A_81 = tpu.memref_slice %arg11[%dma_start3A_79, %dma_start3A_80] : memref<10112x128xf32, #tpu.memory_space<vmem_shared>> -> memref<10112x128xf32, #tpu.memory_space<vmem_shared>>
        tpu.enqueue_indirect_dma source(%dma_start3A_75 : memref<128x128xf32, #tpu.memory_space<vmem>>) target(%dma_start3A_81 : memref<10112x128xf32, #tpu.memory_space<vmem_shared>>) offsets(%dma_start3A_78 : memref<128xi32, #tpu.memory_space<vmem>>) semaphore(%arg13 : memref<!tpu.dma_semaphore, #tpu.memory_space<semaphore_mem>>) {add = true}
        %dma_wait3A_82 = arith.constant 1 : i32
        %dma_wait3A_83 = arith.constant 0 : i32
        %dma_wait3A_84 = arith.constant 0 : i32
        %dma_wait3A_85 = tpu.memref_slice %arg10[%dma_wait3A_82, %dma_wait3A_83, %dma_wait3A_84] : memref<2x128x128xf32, #tpu.memory_space<vmem>> -> memref<1x128x128xf32, #tpu.memory_space<vmem>>
        %dma_wait3A_86 = tpu.memref_squeeze %dma_wait3A_85 : memref<1x128x128xf32, #tpu.memory_space<vmem>> -> memref<128x128xf32, #tpu.memory_space<vmem>>
        %dma_wait3A_87 = arith.constant 0 : i32
        %dma_wait3A_88 = tpu.memref_slice %arg8[%add3A_42, %dma_wait3A_87] : memref<120x128xi32, #tpu.memory_space<vmem>> -> memref<1x128xi32, #tpu.memory_space<vmem>>
        %dma_wait3A_89 = tpu.memref_squeeze %dma_wait3A_88 : memref<1x128xi32, #tpu.memory_space<vmem>> -> memref<128xi32, #tpu.memory_space<vmem>>
        %dma_wait3A_90 = arith.constant 0 : i32
        %dma_wait3A_91 = arith.constant 0 : i32
        %dma_wait3A_92 = tpu.memref_slice %arg2[%dma_wait3A_90, %dma_wait3A_91] : memref<10000x128xf32, #tpu.memory_space<hbm>> -> memref<10000x128xf32, #tpu.memory_space<hbm>>
        tpu.wait_indirect_dma semaphore(%arg12 : memref<!tpu.dma_semaphore, #tpu.memory_space<semaphore_mem>>) src(%dma_wait3A_92 : memref<10000x128xf32, #tpu.memory_space<hbm>>) dst(%dma_wait3A_86 : memref<128x128xf32, #tpu.memory_space<vmem>>)
        %dma_start3A_93 = arith.constant 1 : i32
        %dma_start3A_94 = arith.constant 1 : i32
        %dma_start3A_95 = arith.constant 0 : i32
        %dma_start3A_96 = arith.constant 0 : i32
        %dma_start3A_97 = tpu.memref_slice %arg10[%dma_start3A_93, %dma_start3A_95, %dma_start3A_96] : memref<2x128x128xf32, #tpu.memory_space<vmem>> -> memref<1x128x128xf32, #tpu.memory_space<vmem>>
        %dma_start3A_98 = tpu.memref_squeeze %dma_start3A_97 : memref<1x128x128xf32, #tpu.memory_space<vmem>> -> memref<128x128xf32, #tpu.memory_space<vmem>>
        %dma_start3A_99 = arith.constant 0 : i32
        %dma_start3A_100 = tpu.memref_slice %arg9[%dma_start3A_94, %dma_start3A_99] : memref<8x128xi32, #tpu.memory_space<vmem>> -> memref<1x128xi32, #tpu.memory_space<vmem>>
        %dma_start3A_101 = tpu.memref_squeeze %dma_start3A_100 : memref<1x128xi32, #tpu.memory_space<vmem>> -> memref<128xi32, #tpu.memory_space<vmem>>
        %dma_start3A_102 = arith.constant 0 : i32
        %dma_start3A_103 = arith.constant 0 : i32
        %dma_start3A_104 = tpu.memref_slice %arg11[%dma_start3A_102, %dma_start3A_103] : memref<10112x128xf32, #tpu.memory_space<vmem_shared>> -> memref<10112x128xf32, #tpu.memory_space<vmem_shared>>
        tpu.enqueue_indirect_dma source(%dma_start3A_98 : memref<128x128xf32, #tpu.memory_space<vmem>>) target(%dma_start3A_104 : memref<10112x128xf32, #tpu.memory_space<vmem_shared>>) offsets(%dma_start3A_101 : memref<128xi32, #tpu.memory_space<vmem>>) semaphore(%arg13 : memref<!tpu.dma_semaphore, #tpu.memory_space<semaphore_mem>>) {add = true}
        %dma_wait3A_105 = arith.constant 0 : i32
        %dma_wait3A_106 = arith.constant 0 : i32
        %dma_wait3A_107 = arith.constant 0 : i32
        %dma_wait3A_108 = arith.constant 0 : i32
        %dma_wait3A_109 = tpu.memref_slice %arg10[%dma_wait3A_105, %dma_wait3A_107, %dma_wait3A_108] : memref<2x128x128xf32, #tpu.memory_space<vmem>> -> memref<1x128x128xf32, #tpu.memory_space<vmem>>
        %dma_wait3A_110 = tpu.memref_squeeze %dma_wait3A_109 : memref<1x128x128xf32, #tpu.memory_space<vmem>> -> memref<128x128xf32, #tpu.memory_space<vmem>>
        %dma_wait3A_111 = arith.constant 0 : i32
        %dma_wait3A_112 = tpu.memref_slice %arg9[%dma_wait3A_106, %dma_wait3A_111] : memref<8x128xi32, #tpu.memory_space<vmem>> -> memref<1x128xi32, #tpu.memory_space<vmem>>
        %dma_wait3A_113 = tpu.memref_squeeze %dma_wait3A_112 : memref<1x128xi32, #tpu.memory_space<vmem>> -> memref<128xi32, #tpu.memory_space<vmem>>
        %dma_wait3A_114 = arith.constant 0 : i32
        %dma_wait3A_115 = arith.constant 0 : i32
        %dma_wait3A_116 = tpu.memref_slice %arg11[%dma_wait3A_114, %dma_wait3A_115] : memref<10112x128xf32, #tpu.memory_space<vmem_shared>> -> memref<10112x128xf32, #tpu.memory_space<vmem_shared>>
        tpu.wait_indirect_dma semaphore(%arg13 : memref<!tpu.dma_semaphore, #tpu.memory_space<semaphore_mem>>) src(%dma_wait3A_110 : memref<128x128xf32, #tpu.memory_space<vmem>>) dst(%dma_wait3A_116 : memref<10112x128xf32, #tpu.memory_space<vmem_shared>>)
        %dma_wait3A_117 = arith.constant 1 : i32
        %dma_wait3A_118 = arith.constant 1 : i32
        %dma_wait3A_119 = arith.constant 0 : i32
        %dma_wait3A_120 = arith.constant 0 : i32
        %dma_wait3A_121 = tpu.memref_slice %arg10[%dma_wait3A_117, %dma_wait3A_119, %dma_wait3A_120] : memref<2x128x128xf32, #tpu.memory_space<vmem>> -> memref<1x128x128xf32, #tpu.memory_space<vmem>>
        %dma_wait3A_122 = tpu.memref_squeeze %dma_wait3A_121 : memref<1x128x128xf32, #tpu.memory_space<vmem>> -> memref<128x128xf32, #tpu.memory_space<vmem>>
        %dma_wait3A_123 = arith.constant 0 : i32
        %dma_wait3A_124 = tpu.memref_slice %arg9[%dma_wait3A_118, %dma_wait3A_123] : memref<8x128xi32, #tpu.memory_space<vmem>> -> memref<1x128xi32, #tpu.memory_space<vmem>>
        %dma_wait3A_125 = tpu.memref_squeeze %dma_wait3A_124 : memref<1x128xi32, #tpu.memory_space<vmem>> -> memref<128xi32, #tpu.memory_space<vmem>>
        %dma_wait3A_126 = arith.constant 0 : i32
        %dma_wait3A_127 = arith.constant 0 : i32
        %dma_wait3A_128 = tpu.memref_slice %arg11[%dma_wait3A_126, %dma_wait3A_127] : memref<10112x128xf32, #tpu.memory_space<vmem_shared>> -> memref<10112x128xf32, #tpu.memory_space<vmem_shared>>
        tpu.wait_indirect_dma semaphore(%arg13 : memref<!tpu.dma_semaphore, #tpu.memory_space<semaphore_mem>>) src(%dma_wait3A_122 : memref<128x128xf32, #tpu.memory_space<vmem>>) dst(%dma_wait3A_128 : memref<10112x128xf32, #tpu.memory_space<vmem_shared>>)
        %add3A_129 = arith.constant 2 : i32
        %add3A_130 = arith.addi %mul3A_18, %add3A_129 : i32
        %add3A_131 = arith.constant 0 : i32
        %add3A_132 = arith.addi %add3A_130, %add3A_131 : i32
        %dma_start3A_133 = arith.constant 0 : i32
        %dma_start3A_134 = arith.constant 0 : i32
        %dma_start3A_135 = arith.constant 0 : i32
        %dma_start3A_136 = tpu.memref_slice %arg10[%dma_start3A_133, %dma_start3A_134, %dma_start3A_135] : memref<2x128x128xf32, #tpu.memory_space<vmem>> -> memref<1x128x128xf32, #tpu.memory_space<vmem>>
        %dma_start3A_137 = tpu.memref_squeeze %dma_start3A_136 : memref<1x128x128xf32, #tpu.memory_space<vmem>> -> memref<128x128xf32, #tpu.memory_space<vmem>>
        %dma_start3A_138 = arith.constant 0 : i32
        %dma_start3A_139 = tpu.memref_slice %arg8[%add3A_132, %dma_start3A_138] : memref<120x128xi32, #tpu.memory_space<vmem>> -> memref<1x128xi32, #tpu.memory_space<vmem>>
        %dma_start3A_140 = tpu.memref_squeeze %dma_start3A_139 : memref<1x128xi32, #tpu.memory_space<vmem>> -> memref<128xi32, #tpu.memory_space<vmem>>
        %dma_start3A_141 = arith.constant 0 : i32
        %dma_start3A_142 = arith.constant 0 : i32
        %dma_start3A_143 = tpu.memref_slice %arg2[%dma_start3A_141, %dma_start3A_142] : memref<10000x128xf32, #tpu.memory_space<hbm>> -> memref<10000x128xf32, #tpu.memory_space<hbm>>
        tpu.enqueue_indirect_dma source(%dma_start3A_143 : memref<10000x128xf32, #tpu.memory_space<hbm>>) target(%dma_start3A_137 : memref<128x128xf32, #tpu.memory_space<vmem>>) offsets(%dma_start3A_140 : memref<128xi32, #tpu.memory_space<vmem>>) semaphore(%arg12 : memref<!tpu.dma_semaphore, #tpu.memory_space<semaphore_mem>>)
        %add3A_144 = arith.constant 2 : i32
        %add3A_145 = arith.addi %mul3A_18, %add3A_144 : i32
        %add3A_146 = arith.constant 1 : i32
        %add3A_147 = arith.addi %add3A_145, %add3A_146 : i32
        %dma_start3A_148 = arith.constant 1 : i32
        %dma_start3A_149 = arith.constant 0 : i32
        %dma_start3A_150 = arith.constant 0 : i32
        %dma_start3A_151 = tpu.memref_slice %arg10[%dma_start3A_148, %dma_start3A_149, %dma_start3A_150] : memref<2x128x128xf32, #tpu.memory_space<vmem>> -> memref<1x128x128xf32, #tpu.memory_space<vmem>>
        %dma_start3A_152 = tpu.memref_squeeze %dma_start3A_151 : memref<1x128x128xf32, #tpu.memory_space<vmem>> -> memref<128x128xf32, #tpu.memory_space<vmem>>
        %dma_start3A_153 = arith.constant 0 : i32
        %dma_start3A_154 = tpu.memref_slice %arg8[%add3A_147, %dma_start3A_153] : memref<120x128xi32, #tpu.memory_space<vmem>> -> memref<1x128xi32, #tpu.memory_space<vmem>>
        %dma_start3A_155 = tpu.memref_squeeze %dma_start3A_154 : memref<1x128xi32, #tpu.memory_space<vmem>> -> memref<128xi32, #tpu.memory_space<vmem>>
        %dma_start3A_156 = arith.constant 0 : i32
        %dma_start3A_157 = arith.constant 0 : i32
        %dma_start3A_158 = tpu.memref_slice %arg2[%dma_start3A_156, %dma_start3A_157] : memref<10000x128xf32, #tpu.memory_space<hbm>> -> memref<10000x128xf32, #tpu.memory_space<hbm>>
        tpu.enqueue_indirect_dma source(%dma_start3A_158 : memref<10000x128xf32, #tpu.memory_space<hbm>>) target(%dma_start3A_152 : memref<128x128xf32, #tpu.memory_space<vmem>>) offsets(%dma_start3A_155 : memref<128xi32, #tpu.memory_space<vmem>>) semaphore(%arg12 : memref<!tpu.dma_semaphore, #tpu.memory_space<semaphore_mem>>)
        %dma_wait3A_159 = arith.constant 0 : i32
        %dma_wait3A_160 = arith.constant 0 : i32
        %dma_wait3A_161 = arith.constant 0 : i32
        %dma_wait3A_162 = tpu.memref_slice %arg10[%dma_wait3A_159, %dma_wait3A_160, %dma_wait3A_161] : memref<2x128x128xf32, #tpu.memory_space<vmem>> -> memref<1x128x128xf32, #tpu.memory_space<vmem>>
        %dma_wait3A_163 = tpu.memref_squeeze %dma_wait3A_162 : memref<1x128x128xf32, #tpu.memory_space<vmem>> -> memref<128x128xf32, #tpu.memory_space<vmem>>
        %dma_wait3A_164 = arith.constant 0 : i32
        %dma_wait3A_165 = tpu.memref_slice %arg8[%add3A_132, %dma_wait3A_164] : memref<120x128xi32, #tpu.memory_space<vmem>> -> memref<1x128xi32, #tpu.memory_space<vmem>>
        %dma_wait3A_166 = tpu.memref_squeeze %dma_wait3A_165 : memref<1x128xi32, #tpu.memory_space<vmem>> -> memref<128xi32, #tpu.memory_space<vmem>>
        %dma_wait3A_167 = arith.constant 0 : i32
        %dma_wait3A_168 = arith.constant 0 : i32
        %dma_wait3A_169 = tpu.memref_slice %arg2[%dma_wait3A_167, %dma_wait3A_168] : memref<10000x128xf32, #tpu.memory_space<hbm>> -> memref<10000x128xf32, #tpu.memory_space<hbm>>
        tpu.wait_indirect_dma semaphore(%arg12 : memref<!tpu.dma_semaphore, #tpu.memory_space<semaphore_mem>>) src(%dma_wait3A_169 : memref<10000x128xf32, #tpu.memory_space<hbm>>) dst(%dma_wait3A_163 : memref<128x128xf32, #tpu.memory_space<vmem>>)
        %dma_start3A_170 = arith.constant 0 : i32
        %dma_start3A_171 = arith.constant 2 : i32
        %dma_start3A_172 = arith.constant 0 : i32
        %dma_start3A_173 = arith.constant 0 : i32
        %dma_start3A_174 = tpu.memref_slice %arg10[%dma_start3A_170, %dma_start3A_172, %dma_start3A_173] : memref<2x128x128xf32, #tpu.memory_space<vmem>> -> memref<1x128x128xf32, #tpu.memory_space<vmem>>
        %dma_start3A_175 = tpu.memref_squeeze %dma_start3A_174 : memref<1x128x128xf32, #tpu.memory_space<vmem>> -> memref<128x128xf32, #tpu.memory_space<vmem>>
        %dma_start3A_176 = arith.constant 0 : i32
        %dma_start3A_177 = tpu.memref_slice %arg9[%dma_start3A_171, %dma_start3A_176] : memref<8x128xi32, #tpu.memory_space<vmem>> -> memref<1x128xi32, #tpu.memory_space<vmem>>
        %dma_start3A_178 = tpu.memref_squeeze %dma_start3A_177 : memref<1x128xi32, #tpu.memory_space<vmem>> -> memref<128xi32, #tpu.memory_space<vmem>>
        %dma_start3A_179 = arith.constant 0 : i32
        %dma_start3A_180 = arith.constant 0 : i32
        %dma_start3A_181 = tpu.memref_slice %arg11[%dma_start3A_179, %dma_start3A_180] : memref<10112x128xf32, #tpu.memory_space<vmem_shared>> -> memref<10112x128xf32, #tpu.memory_space<vmem_shared>>
        tpu.enqueue_indirect_dma source(%dma_start3A_175 : memref<128x128xf32, #tpu.memory_space<vmem>>) target(%dma_start3A_181 : memref<10112x128xf32, #tpu.memory_space<vmem_shared>>) offsets(%dma_start3A_178 : memref<128xi32, #tpu.memory_space<vmem>>) semaphore(%arg13 : memref<!tpu.dma_semaphore, #tpu.memory_space<semaphore_mem>>) {add = true}
        %dma_wait3A_182 = arith.constant 1 : i32
        %dma_wait3A_183 = arith.constant 0 : i32
        %dma_wait3A_184 = arith.constant 0 : i32
        %dma_wait3A_185 = tpu.memref_slice %arg10[%dma_wait3A_182, %dma_wait3A_183, %dma_wait3A_184] : memref<2x128x128xf32, #tpu.memory_space<vmem>> -> memref<1x128x128xf32, #tpu.memory_space<vmem>>
        %dma_wait3A_186 = tpu.memref_squeeze %dma_wait3A_185 : memref<1x128x128xf32, #tpu.memory_space<vmem>> -> memref<128x128xf32, #tpu.memory_space<vmem>>
        %dma_wait3A_187 = arith.constant 0 : i32
        %dma_wait3A_188 = tpu.memref_slice %arg8[%add3A_147, %dma_wait3A_187] : memref<120x128xi32, #tpu.memory_space<vmem>> -> memref<1x128xi32, #tpu.memory_space<vmem>>
        %dma_wait3A_189 = tpu.memref_squeeze %dma_wait3A_188 : memref<1x128xi32, #tpu.memory_space<vmem>> -> memref<128xi32, #tpu.memory_space<vmem>>
        %dma_wait3A_190 = arith.constant 0 : i32
        %dma_wait3A_191 = arith.constant 0 : i32
        %dma_wait3A_192 = tpu.memref_slice %arg2[%dma_wait3A_190, %dma_wait3A_191] : memref<10000x128xf32, #tpu.memory_space<hbm>> -> memref<10000x128xf32, #tpu.memory_space<hbm>>
        tpu.wait_indirect_dma semaphore(%arg12 : memref<!tpu.dma_semaphore, #tpu.memory_space<semaphore_mem>>) src(%dma_wait3A_192 : memref<10000x128xf32, #tpu.memory_space<hbm>>) dst(%dma_wait3A_186 : memref<128x128xf32, #tpu.memory_space<vmem>>)
        %dma_start3A_193 = arith.constant 1 : i32
        %dma_start3A_194 = arith.constant 3 : i32
        %dma_start3A_195 = arith.constant 0 : i32
        %dma_start3A_196 = arith.constant 0 : i32
        %dma_start3A_197 = tpu.memref_slice %arg10[%dma_start3A_193, %dma_start3A_195, %dma_start3A_196] : memref<2x128x128xf32, #tpu.memory_space<vmem>> -> memref<1x128x128xf32, #tpu.memory_space<vmem>>
        %dma_start3A_198 = tpu.memref_squeeze %dma_start3A_197 : memref<1x128x128xf32, #tpu.memory_space<vmem>> -> memref<128x128xf32, #tpu.memory_space<vmem>>
        %dma_start3A_199 = arith.constant 0 : i32
        %dma_start3A_200 = tpu.memref_slice %arg9[%dma_start3A_194, %dma_start3A_199] : memref<8x128xi32, #tpu.memory_space<vmem>> -> memref<1x128xi32, #tpu.memory_space<vmem>>
        %dma_start3A_201 = tpu.memref_squeeze %dma_start3A_200 : memref<1x128xi32, #tpu.memory_space<vmem>> -> memref<128xi32, #tpu.memory_space<vmem>>
        %dma_start3A_202 = arith.constant 0 : i32
        %dma_start3A_203 = arith.constant 0 : i32
        %dma_start3A_204 = tpu.memref_slice %arg11[%dma_start3A_202, %dma_start3A_203] : memref<10112x128xf32, #tpu.memory_space<vmem_shared>> -> memref<10112x128xf32, #tpu.memory_space<vmem_shared>>
        tpu.enqueue_indirect_dma source(%dma_start3A_198 : memref<128x128xf32, #tpu.memory_space<vmem>>) target(%dma_start3A_204 : memref<10112x128xf32, #tpu.memory_space<vmem_shared>>) offsets(%dma_start3A_201 : memref<128xi32, #tpu.memory_space<vmem>>) semaphore(%arg13 : memref<!tpu.dma_semaphore, #tpu.memory_space<semaphore_mem>>) {add = true}
        %dma_wait3A_205 = arith.constant 0 : i32
        %dma_wait3A_206 = arith.constant 2 : i32
        %dma_wait3A_207 = arith.constant 0 : i32
        %dma_wait3A_208 = arith.constant 0 : i32
        %dma_wait3A_209 = tpu.memref_slice %arg10[%dma_wait3A_205, %dma_wait3A_207, %dma_wait3A_208] : memref<2x128x128xf32, #tpu.memory_space<vmem>> -> memref<1x128x128xf32, #tpu.memory_space<vmem>>
        %dma_wait3A_210 = tpu.memref_squeeze %dma_wait3A_209 : memref<1x128x128xf32, #tpu.memory_space<vmem>> -> memref<128x128xf32, #tpu.memory_space<vmem>>
        %dma_wait3A_211 = arith.constant 0 : i32
        %dma_wait3A_212 = tpu.memref_slice %arg9[%dma_wait3A_206, %dma_wait3A_211] : memref<8x128xi32, #tpu.memory_space<vmem>> -> memref<1x128xi32, #tpu.memory_space<vmem>>
        %dma_wait3A_213 = tpu.memref_squeeze %dma_wait3A_212 : memref<1x128xi32, #tpu.memory_space<vmem>> -> memref<128xi32, #tpu.memory_space<vmem>>
        %dma_wait3A_214 = arith.constant 0 : i32
        %dma_wait3A_215 = arith.constant 0 : i32
        %dma_wait3A_216 = tpu.memref_slice %arg11[%dma_wait3A_214, %dma_wait3A_215] : memref<10112x128xf32, #tpu.memory_space<vmem_shared>> -> memref<10112x128xf32, #tpu.memory_space<vmem_shared>>
        tpu.wait_indirect_dma semaphore(%arg13 : memref<!tpu.dma_semaphore, #tpu.memory_space<semaphore_mem>>) src(%dma_wait3A_210 : memref<128x128xf32, #tpu.memory_space<vmem>>) dst(%dma_wait3A_216 : memref<10112x128xf32, #tpu.memory_space<vmem_shared>>)
        %dma_wait3A_217 = arith.constant 1 : i32
        %dma_wait3A_218 = arith.constant 3 : i32
        %dma_wait3A_219 = arith.constant 0 : i32
        %dma_wait3A_220 = arith.constant 0 : i32
        %dma_wait3A_221 = tpu.memref_slice %arg10[%dma_wait3A_217, %dma_wait3A_219, %dma_wait3A_220] : memref<2x128x128xf32, #tpu.memory_space<vmem>> -> memref<1x128x128xf32, #tpu.memory_space<vmem>>
        %dma_wait3A_222 = tpu.memref_squeeze %dma_wait3A_221 : memref<1x128x128xf32, #tpu.memory_space<vmem>> -> memref<128x128xf32, #tpu.memory_space<vmem>>
        %dma_wait3A_223 = arith.constant 0 : i32
        %dma_wait3A_224 = tpu.memref_slice %arg9[%dma_wait3A_218, %dma_wait3A_223] : memref<8x128xi32, #tpu.memory_space<vmem>> -> memref<1x128xi32, #tpu.memory_space<vmem>>
        %dma_wait3A_225 = tpu.memref_squeeze %dma_wait3A_224 : memref<1x128xi32, #tpu.memory_space<vmem>> -> memref<128xi32, #tpu.memory_space<vmem>>
        %dma_wait3A_226 = arith.constant 0 : i32
        %dma_wait3A_227 = arith.constant 0 : i32
        %dma_wait3A_228 = tpu.memref_slice %arg11[%dma_wait3A_226, %dma_wait3A_227] : memref<10112x128xf32, #tpu.memory_space<vmem_shared>> -> memref<10112x128xf32, #tpu.memory_space<vmem_shared>>
        tpu.wait_indirect_dma semaphore(%arg13 : memref<!tpu.dma_semaphore, #tpu.memory_space<semaphore_mem>>) src(%dma_wait3A_222 : memref<128x128xf32, #tpu.memory_space<vmem>>) dst(%dma_wait3A_228 : memref<10112x128xf32, #tpu.memory_space<vmem_shared>>)
        %add3A_229 = arith.constant 4 : i32
        %add3A_230 = arith.addi %mul3A_18, %add3A_229 : i32
        %add3A_231 = arith.constant 0 : i32
        %add3A_232 = arith.addi %add3A_230, %add3A_231 : i32
        %dma_start3A_233 = arith.constant 0 : i32
        %dma_start3A_234 = arith.constant 0 : i32
        %dma_start3A_235 = arith.constant 0 : i32
        %dma_start3A_236 = tpu.memref_slice %arg10[%dma_start3A_233, %dma_start3A_234, %dma_start3A_235] : memref<2x128x128xf32, #tpu.memory_space<vmem>> -> memref<1x128x128xf32, #tpu.memory_space<vmem>>
        %dma_start3A_237 = tpu.memref_squeeze %dma_start3A_236 : memref<1x128x128xf32, #tpu.memory_space<vmem>> -> memref<128x128xf32, #tpu.memory_space<vmem>>
        %dma_start3A_238 = arith.constant 0 : i32
        %dma_start3A_239 = tpu.memref_slice %arg8[%add3A_232, %dma_start3A_238] : memref<120x128xi32, #tpu.memory_space<vmem>> -> memref<1x128xi32, #tpu.memory_space<vmem>>
        %dma_start3A_240 = tpu.memref_squeeze %dma_start3A_239 : memref<1x128xi32, #tpu.memory_space<vmem>> -> memref<128xi32, #tpu.memory_space<vmem>>
        %dma_start3A_241 = arith.constant 0 : i32
        %dma_start3A_242 = arith.constant 0 : i32
        %dma_start3A_243 = tpu.memref_slice %arg2[%dma_start3A_241, %dma_start3A_242] : memref<10000x128xf32, #tpu.memory_space<hbm>> -> memref<10000x128xf32, #tpu.memory_space<hbm>>
        tpu.enqueue_indirect_dma source(%dma_start3A_243 : memref<10000x128xf32, #tpu.memory_space<hbm>>) target(%dma_start3A_237 : memref<128x128xf32, #tpu.memory_space<vmem>>) offsets(%dma_start3A_240 : memref<128xi32, #tpu.memory_space<vmem>>) semaphore(%arg12 : memref<!tpu.dma_semaphore, #tpu.memory_space<semaphore_mem>>)
        %add3A_244 = arith.constant 4 : i32
        %add3A_245 = arith.addi %mul3A_18, %add3A_244 : i32
        %add3A_246 = arith.constant 1 : i32
        %add3A_247 = arith.addi %add3A_245, %add3A_246 : i32
        %dma_start3A_248 = arith.constant 1 : i32
        %dma_start3A_249 = arith.constant 0 : i32
        %dma_start3A_250 = arith.constant 0 : i32
        %dma_start3A_251 = tpu.memref_slice %arg10[%dma_start3A_248, %dma_start3A_249, %dma_start3A_250] : memref<2x128x128xf32, #tpu.memory_space<vmem>> -> memref<1x128x128xf32, #tpu.memory_space<vmem>>
        %dma_start3A_252 = tpu.memref_squeeze %dma_start3A_251 : memref<1x128x128xf32, #tpu.memory_space<vmem>> -> memref<128x128xf32, #tpu.memory_space<vmem>>
        %dma_start3A_253 = arith.constant 0 : i32
        %dma_start3A_254 = tpu.memref_slice %arg8[%add3A_247, %dma_start3A_253] : memref<120x128xi32, #tpu.memory_space<vmem>> -> memref<1x128xi32, #tpu.memory_space<vmem>>
        %dma_start3A_255 = tpu.memref_squeeze %dma_start3A_254 : memref<1x128xi32, #tpu.memory_space<vmem>> -> memref<128xi32, #tpu.memory_space<vmem>>
        %dma_start3A_256 = arith.constant 0 : i32
        %dma_start3A_257 = arith.constant 0 : i32
        %dma_start3A_258 = tpu.memref_slice %arg2[%dma_start3A_256, %dma_start3A_257] : memref<10000x128xf32, #tpu.memory_space<hbm>> -> memref<10000x128xf32, #tpu.memory_space<hbm>>
        tpu.enqueue_indirect_dma source(%dma_start3A_258 : memref<10000x128xf32, #tpu.memory_space<hbm>>) target(%dma_start3A_252 : memref<128x128xf32, #tpu.memory_space<vmem>>) offsets(%dma_start3A_255 : memref<128xi32, #tpu.memory_space<vmem>>) semaphore(%arg12 : memref<!tpu.dma_semaphore, #tpu.memory_space<semaphore_mem>>)
        %dma_wait3A_259 = arith.constant 0 : i32
        %dma_wait3A_260 = arith.constant 0 : i32
        %dma_wait3A_261 = arith.constant 0 : i32
        %dma_wait3A_262 = tpu.memref_slice %arg10[%dma_wait3A_259, %dma_wait3A_260, %dma_wait3A_261] : memref<2x128x128xf32, #tpu.memory_space<vmem>> -> memref<1x128x128xf32, #tpu.memory_space<vmem>>
        %dma_wait3A_263 = tpu.memref_squeeze %dma_wait3A_262 : memref<1x128x128xf32, #tpu.memory_space<vmem>> -> memref<128x128xf32, #tpu.memory_space<vmem>>
        %dma_wait3A_264 = arith.constant 0 : i32
        %dma_wait3A_265 = tpu.memref_slice %arg8[%add3A_232, %dma_wait3A_264] : memref<120x128xi32, #tpu.memory_space<vmem>> -> memref<1x128xi32, #tpu.memory_space<vmem>>
        %dma_wait3A_266 = tpu.memref_squeeze %dma_wait3A_265 : memref<1x128xi32, #tpu.memory_space<vmem>> -> memref<128xi32, #tpu.memory_space<vmem>>
        %dma_wait3A_267 = arith.constant 0 : i32
        %dma_wait3A_268 = arith.constant 0 : i32
        %dma_wait3A_269 = tpu.memref_slice %arg2[%dma_wait3A_267, %dma_wait3A_268] : memref<10000x128xf32, #tpu.memory_space<hbm>> -> memref<10000x128xf32, #tpu.memory_space<hbm>>
        tpu.wait_indirect_dma semaphore(%arg12 : memref<!tpu.dma_semaphore, #tpu.memory_space<semaphore_mem>>) src(%dma_wait3A_269 : memref<10000x128xf32, #tpu.memory_space<hbm>>) dst(%dma_wait3A_263 : memref<128x128xf32, #tpu.memory_space<vmem>>)
        %dma_start3A_270 = arith.constant 0 : i32
        %dma_start3A_271 = arith.constant 4 : i32
        %dma_start3A_272 = arith.constant 0 : i32
        %dma_start3A_273 = arith.constant 0 : i32
        %dma_start3A_274 = tpu.memref_slice %arg10[%dma_start3A_270, %dma_start3A_272, %dma_start3A_273] : memref<2x128x128xf32, #tpu.memory_space<vmem>> -> memref<1x128x128xf32, #tpu.memory_space<vmem>>
        %dma_start3A_275 = tpu.memref_squeeze %dma_start3A_274 : memref<1x128x128xf32, #tpu.memory_space<vmem>> -> memref<128x128xf32, #tpu.memory_space<vmem>>
        %dma_start3A_276 = arith.constant 0 : i32
        %dma_start3A_277 = tpu.memref_slice %arg9[%dma_start3A_271, %dma_start3A_276] : memref<8x128xi32, #tpu.memory_space<vmem>> -> memref<1x128xi32, #tpu.memory_space<vmem>>
        %dma_start3A_278 = tpu.memref_squeeze %dma_start3A_277 : memref<1x128xi32, #tpu.memory_space<vmem>> -> memref<128xi32, #tpu.memory_space<vmem>>
        %dma_start3A_279 = arith.constant 0 : i32
        %dma_start3A_280 = arith.constant 0 : i32
        %dma_start3A_281 = tpu.memref_slice %arg11[%dma_start3A_279, %dma_start3A_280] : memref<10112x128xf32, #tpu.memory_space<vmem_shared>> -> memref<10112x128xf32, #tpu.memory_space<vmem_shared>>
        tpu.enqueue_indirect_dma source(%dma_start3A_275 : memref<128x128xf32, #tpu.memory_space<vmem>>) target(%dma_start3A_281 : memref<10112x128xf32, #tpu.memory_space<vmem_shared>>) offsets(%dma_start3A_278 : memref<128xi32, #tpu.memory_space<vmem>>) semaphore(%arg13 : memref<!tpu.dma_semaphore, #tpu.memory_space<semaphore_mem>>) {add = true}
        %dma_wait3A_282 = arith.constant 1 : i32
        %dma_wait3A_283 = arith.constant 0 : i32
        %dma_wait3A_284 = arith.constant 0 : i32
        %dma_wait3A_285 = tpu.memref_slice %arg10[%dma_wait3A_282, %dma_wait3A_283, %dma_wait3A_284] : memref<2x128x128xf32, #tpu.memory_space<vmem>> -> memref<1x128x128xf32, #tpu.memory_space<vmem>>
        %dma_wait3A_286 = tpu.memref_squeeze %dma_wait3A_285 : memref<1x128x128xf32, #tpu.memory_space<vmem>> -> memref<128x128xf32, #tpu.memory_space<vmem>>
        %dma_wait3A_287 = arith.constant 0 : i32
        %dma_wait3A_288 = tpu.memref_slice %arg8[%add3A_247, %dma_wait3A_287] : memref<120x128xi32, #tpu.memory_space<vmem>> -> memref<1x128xi32, #tpu.memory_space<vmem>>
        %dma_wait3A_289 = tpu.memref_squeeze %dma_wait3A_288 : memref<1x128xi32, #tpu.memory_space<vmem>> -> memref<128xi32, #tpu.memory_space<vmem>>
        %dma_wait3A_290 = arith.constant 0 : i32
        %dma_wait3A_291 = arith.constant 0 : i32
        %dma_wait3A_292 = tpu.memref_slice %arg2[%dma_wait3A_290, %dma_wait3A_291] : memref<10000x128xf32, #tpu.memory_space<hbm>> -> memref<10000x128xf32, #tpu.memory_space<hbm>>
        tpu.wait_indirect_dma semaphore(%arg12 : memref<!tpu.dma_semaphore, #tpu.memory_space<semaphore_mem>>) src(%dma_wait3A_292 : memref<10000x128xf32, #tpu.memory_space<hbm>>) dst(%dma_wait3A_286 : memref<128x128xf32, #tpu.memory_space<vmem>>)
        %dma_start3A_293 = arith.constant 1 : i32
        %dma_start3A_294 = arith.constant 5 : i32
        %dma_start3A_295 = arith.constant 0 : i32
        %dma_start3A_296 = arith.constant 0 : i32
        %dma_start3A_297 = tpu.memref_slice %arg10[%dma_start3A_293, %dma_start3A_295, %dma_start3A_296] : memref<2x128x128xf32, #tpu.memory_space<vmem>> -> memref<1x128x128xf32, #tpu.memory_space<vmem>>
        %dma_start3A_298 = tpu.memref_squeeze %dma_start3A_297 : memref<1x128x128xf32, #tpu.memory_space<vmem>> -> memref<128x128xf32, #tpu.memory_space<vmem>>
        %dma_start3A_299 = arith.constant 0 : i32
        %dma_start3A_300 = tpu.memref_slice %arg9[%dma_start3A_294, %dma_start3A_299] : memref<8x128xi32, #tpu.memory_space<vmem>> -> memref<1x128xi32, #tpu.memory_space<vmem>>
        %dma_start3A_301 = tpu.memref_squeeze %dma_start3A_300 : memref<1x128xi32, #tpu.memory_space<vmem>> -> memref<128xi32, #tpu.memory_space<vmem>>
        %dma_start3A_302 = arith.constant 0 : i32
        %dma_start3A_303 = arith.constant 0 : i32
        %dma_start3A_304 = tpu.memref_slice %arg11[%dma_start3A_302, %dma_start3A_303] : memref<10112x128xf32, #tpu.memory_space<vmem_shared>> -> memref<10112x128xf32, #tpu.memory_space<vmem_shared>>
        tpu.enqueue_indirect_dma source(%dma_start3A_298 : memref<128x128xf32, #tpu.memory_space<vmem>>) target(%dma_start3A_304 : memref<10112x128xf32, #tpu.memory_space<vmem_shared>>) offsets(%dma_start3A_301 : memref<128xi32, #tpu.memory_space<vmem>>) semaphore(%arg13 : memref<!tpu.dma_semaphore, #tpu.memory_space<semaphore_mem>>) {add = true}
        %dma_wait3A_305 = arith.constant 0 : i32
        %dma_wait3A_306 = arith.constant 4 : i32
        %dma_wait3A_307 = arith.constant 0 : i32
        %dma_wait3A_308 = arith.constant 0 : i32
        %dma_wait3A_309 = tpu.memref_slice %arg10[%dma_wait3A_305, %dma_wait3A_307, %dma_wait3A_308] : memref<2x128x128xf32, #tpu.memory_space<vmem>> -> memref<1x128x128xf32, #tpu.memory_space<vmem>>
        %dma_wait3A_310 = tpu.memref_squeeze %dma_wait3A_309 : memref<1x128x128xf32, #tpu.memory_space<vmem>> -> memref<128x128xf32, #tpu.memory_space<vmem>>
        %dma_wait3A_311 = arith.constant 0 : i32
        %dma_wait3A_312 = tpu.memref_slice %arg9[%dma_wait3A_306, %dma_wait3A_311] : memref<8x128xi32, #tpu.memory_space<vmem>> -> memref<1x128xi32, #tpu.memory_space<vmem>>
        %dma_wait3A_313 = tpu.memref_squeeze %dma_wait3A_312 : memref<1x128xi32, #tpu.memory_space<vmem>> -> memref<128xi32, #tpu.memory_space<vmem>>
        %dma_wait3A_314 = arith.constant 0 : i32
        %dma_wait3A_315 = arith.constant 0 : i32
        %dma_wait3A_316 = tpu.memref_slice %arg11[%dma_wait3A_314, %dma_wait3A_315] : memref<10112x128xf32, #tpu.memory_space<vmem_shared>> -> memref<10112x128xf32, #tpu.memory_space<vmem_shared>>
        tpu.wait_indirect_dma semaphore(%arg13 : memref<!tpu.dma_semaphore, #tpu.memory_space<semaphore_mem>>) src(%dma_wait3A_310 : memref<128x128xf32, #tpu.memory_space<vmem>>) dst(%dma_wait3A_316 : memref<10112x128xf32, #tpu.memory_space<vmem_shared>>)
        %dma_wait3A_317 = arith.constant 1 : i32
        %dma_wait3A_318 = arith.constant 5 : i32
        %dma_wait3A_319 = arith.constant 0 : i32
        %dma_wait3A_320 = arith.constant 0 : i32
        %dma_wait3A_321 = tpu.memref_slice %arg10[%dma_wait3A_317, %dma_wait3A_319, %dma_wait3A_320] : memref<2x128x128xf32, #tpu.memory_space<vmem>> -> memref<1x128x128xf32, #tpu.memory_space<vmem>>
        %dma_wait3A_322 = tpu.memref_squeeze %dma_wait3A_321 : memref<1x128x128xf32, #tpu.memory_space<vmem>> -> memref<128x128xf32, #tpu.memory_space<vmem>>
        %dma_wait3A_323 = arith.constant 0 : i32
        %dma_wait3A_324 = tpu.memref_slice %arg9[%dma_wait3A_318, %dma_wait3A_323] : memref<8x128xi32, #tpu.memory_space<vmem>> -> memref<1x128xi32, #tpu.memory_space<vmem>>
        %dma_wait3A_325 = tpu.memref_squeeze %dma_wait3A_324 : memref<1x128xi32, #tpu.memory_space<vmem>> -> memref<128xi32, #tpu.memory_space<vmem>>
        %dma_wait3A_326 = arith.constant 0 : i32
        %dma_wait3A_327 = arith.constant 0 : i32
        %dma_wait3A_328 = tpu.memref_slice %arg11[%dma_wait3A_326, %dma_wait3A_327] : memref<10112x128xf32, #tpu.memory_space<vmem_shared>> -> memref<10112x128xf32, #tpu.memory_space<vmem_shared>>
        tpu.wait_indirect_dma semaphore(%arg13 : memref<!tpu.dma_semaphore, #tpu.memory_space<semaphore_mem>>) src(%dma_wait3A_322 : memref<128x128xf32, #tpu.memory_space<vmem>>) dst(%dma_wait3A_328 : memref<10112x128xf32, #tpu.memory_space<vmem_shared>>)
        %add3A_329 = arith.constant 6 : i32
        %add3A_330 = arith.addi %mul3A_18, %add3A_329 : i32
        %add3A_331 = arith.constant 0 : i32
        %add3A_332 = arith.addi %add3A_330, %add3A_331 : i32
        %dma_start3A_333 = arith.constant 0 : i32
        %dma_start3A_334 = arith.constant 0 : i32
        %dma_start3A_335 = arith.constant 0 : i32
        %dma_start3A_336 = tpu.memref_slice %arg10[%dma_start3A_333, %dma_start3A_334, %dma_start3A_335] : memref<2x128x128xf32, #tpu.memory_space<vmem>> -> memref<1x128x128xf32, #tpu.memory_space<vmem>>
        %dma_start3A_337 = tpu.memref_squeeze %dma_start3A_336 : memref<1x128x128xf32, #tpu.memory_space<vmem>> -> memref<128x128xf32, #tpu.memory_space<vmem>>
        %dma_start3A_338 = arith.constant 0 : i32
        %dma_start3A_339 = tpu.memref_slice %arg8[%add3A_332, %dma_start3A_338] : memref<120x128xi32, #tpu.memory_space<vmem>> -> memref<1x128xi32, #tpu.memory_space<vmem>>
        %dma_start3A_340 = tpu.memref_squeeze %dma_start3A_339 : memref<1x128xi32, #tpu.memory_space<vmem>> -> memref<128xi32, #tpu.memory_space<vmem>>
        %dma_start3A_341 = arith.constant 0 : i32
        %dma_start3A_342 = arith.constant 0 : i32
        %dma_start3A_343 = tpu.memref_slice %arg2[%dma_start3A_341, %dma_start3A_342] : memref<10000x128xf32, #tpu.memory_space<hbm>> -> memref<10000x128xf32, #tpu.memory_space<hbm>>
        tpu.enqueue_indirect_dma source(%dma_start3A_343 : memref<10000x128xf32, #tpu.memory_space<hbm>>) target(%dma_start3A_337 : memref<128x128xf32, #tpu.memory_space<vmem>>) offsets(%dma_start3A_340 : memref<128xi32, #tpu.memory_space<vmem>>) semaphore(%arg12 : memref<!tpu.dma_semaphore, #tpu.memory_space<semaphore_mem>>)
        %add3A_344 = arith.constant 6 : i32
        %add3A_345 = arith.addi %mul3A_18, %add3A_344 : i32
        %add3A_346 = arith.constant 1 : i32
        %add3A_347 = arith.addi %add3A_345, %add3A_346 : i32
        %dma_start3A_348 = arith.constant 1 : i32
        %dma_start3A_349 = arith.constant 0 : i32
        %dma_start3A_350 = arith.constant 0 : i32
        %dma_start3A_351 = tpu.memref_slice %arg10[%dma_start3A_348, %dma_start3A_349, %dma_start3A_350] : memref<2x128x128xf32, #tpu.memory_space<vmem>> -> memref<1x128x128xf32, #tpu.memory_space<vmem>>
        %dma_start3A_352 = tpu.memref_squeeze %dma_start3A_351 : memref<1x128x128xf32, #tpu.memory_space<vmem>> -> memref<128x128xf32, #tpu.memory_space<vmem>>
        %dma_start3A_353 = arith.constant 0 : i32
        %dma_start3A_354 = tpu.memref_slice %arg8[%add3A_347, %dma_start3A_353] : memref<120x128xi32, #tpu.memory_space<vmem>> -> memref<1x128xi32, #tpu.memory_space<vmem>>
        %dma_start3A_355 = tpu.memref_squeeze %dma_start3A_354 : memref<1x128xi32, #tpu.memory_space<vmem>> -> memref<128xi32, #tpu.memory_space<vmem>>
        %dma_start3A_356 = arith.constant 0 : i32
        %dma_start3A_357 = arith.constant 0 : i32
        %dma_start3A_358 = tpu.memref_slice %arg2[%dma_start3A_356, %dma_start3A_357] : memref<10000x128xf32, #tpu.memory_space<hbm>> -> memref<10000x128xf32, #tpu.memory_space<hbm>>
        tpu.enqueue_indirect_dma source(%dma_start3A_358 : memref<10000x128xf32, #tpu.memory_space<hbm>>) target(%dma_start3A_352 : memref<128x128xf32, #tpu.memory_space<vmem>>) offsets(%dma_start3A_355 : memref<128xi32, #tpu.memory_space<vmem>>) semaphore(%arg12 : memref<!tpu.dma_semaphore, #tpu.memory_space<semaphore_mem>>)
        %dma_wait3A_359 = arith.constant 0 : i32
        %dma_wait3A_360 = arith.constant 0 : i32
        %dma_wait3A_361 = arith.constant 0 : i32
        %dma_wait3A_362 = tpu.memref_slice %arg10[%dma_wait3A_359, %dma_wait3A_360, %dma_wait3A_361] : memref<2x128x128xf32, #tpu.memory_space<vmem>> -> memref<1x128x128xf32, #tpu.memory_space<vmem>>
        %dma_wait3A_363 = tpu.memref_squeeze %dma_wait3A_362 : memref<1x128x128xf32, #tpu.memory_space<vmem>> -> memref<128x128xf32, #tpu.memory_space<vmem>>
        %dma_wait3A_364 = arith.constant 0 : i32
        %dma_wait3A_365 = tpu.memref_slice %arg8[%add3A_332, %dma_wait3A_364] : memref<120x128xi32, #tpu.memory_space<vmem>> -> memref<1x128xi32, #tpu.memory_space<vmem>>
        %dma_wait3A_366 = tpu.memref_squeeze %dma_wait3A_365 : memref<1x128xi32, #tpu.memory_space<vmem>> -> memref<128xi32, #tpu.memory_space<vmem>>
        %dma_wait3A_367 = arith.constant 0 : i32
        %dma_wait3A_368 = arith.constant 0 : i32
        %dma_wait3A_369 = tpu.memref_slice %arg2[%dma_wait3A_367, %dma_wait3A_368] : memref<10000x128xf32, #tpu.memory_space<hbm>> -> memref<10000x128xf32, #tpu.memory_space<hbm>>
        tpu.wait_indirect_dma semaphore(%arg12 : memref<!tpu.dma_semaphore, #tpu.memory_space<semaphore_mem>>) src(%dma_wait3A_369 : memref<10000x128xf32, #tpu.memory_space<hbm>>) dst(%dma_wait3A_363 : memref<128x128xf32, #tpu.memory_space<vmem>>)
        %dma_start3A_370 = arith.constant 0 : i32
        %dma_start3A_371 = arith.constant 6 : i32
        %dma_start3A_372 = arith.constant 0 : i32
        %dma_start3A_373 = arith.constant 0 : i32
        %dma_start3A_374 = tpu.memref_slice %arg10[%dma_start3A_370, %dma_start3A_372, %dma_start3A_373] : memref<2x128x128xf32, #tpu.memory_space<vmem>> -> memref<1x128x128xf32, #tpu.memory_space<vmem>>
        %dma_start3A_375 = tpu.memref_squeeze %dma_start3A_374 : memref<1x128x128xf32, #tpu.memory_space<vmem>> -> memref<128x128xf32, #tpu.memory_space<vmem>>
        %dma_start3A_376 = arith.constant 0 : i32
        %dma_start3A_377 = tpu.memref_slice %arg9[%dma_start3A_371, %dma_start3A_376] : memref<8x128xi32, #tpu.memory_space<vmem>> -> memref<1x128xi32, #tpu.memory_space<vmem>>
        %dma_start3A_378 = tpu.memref_squeeze %dma_start3A_377 : memref<1x128xi32, #tpu.memory_space<vmem>> -> memref<128xi32, #tpu.memory_space<vmem>>
        %dma_start3A_379 = arith.constant 0 : i32
        %dma_start3A_380 = arith.constant 0 : i32
        %dma_start3A_381 = tpu.memref_slice %arg11[%dma_start3A_379, %dma_start3A_380] : memref<10112x128xf32, #tpu.memory_space<vmem_shared>> -> memref<10112x128xf32, #tpu.memory_space<vmem_shared>>
        tpu.enqueue_indirect_dma source(%dma_start3A_375 : memref<128x128xf32, #tpu.memory_space<vmem>>) target(%dma_start3A_381 : memref<10112x128xf32, #tpu.memory_space<vmem_shared>>) offsets(%dma_start3A_378 : memref<128xi32, #tpu.memory_space<vmem>>) semaphore(%arg13 : memref<!tpu.dma_semaphore, #tpu.memory_space<semaphore_mem>>) {add = true}
        %dma_wait3A_382 = arith.constant 1 : i32
        %dma_wait3A_383 = arith.constant 0 : i32
        %dma_wait3A_384 = arith.constant 0 : i32
        %dma_wait3A_385 = tpu.memref_slice %arg10[%dma_wait3A_382, %dma_wait3A_383, %dma_wait3A_384] : memref<2x128x128xf32, #tpu.memory_space<vmem>> -> memref<1x128x128xf32, #tpu.memory_space<vmem>>
        %dma_wait3A_386 = tpu.memref_squeeze %dma_wait3A_385 : memref<1x128x128xf32, #tpu.memory_space<vmem>> -> memref<128x128xf32, #tpu.memory_space<vmem>>
        %dma_wait3A_387 = arith.constant 0 : i32
        %dma_wait3A_388 = tpu.memref_slice %arg8[%add3A_347, %dma_wait3A_387] : memref<120x128xi32, #tpu.memory_space<vmem>> -> memref<1x128xi32, #tpu.memory_space<vmem>>
        %dma_wait3A_389 = tpu.memref_squeeze %dma_wait3A_388 : memref<1x128xi32, #tpu.memory_space<vmem>> -> memref<128xi32, #tpu.memory_space<vmem>>
        %dma_wait3A_390 = arith.constant 0 : i32
        %dma_wait3A_391 = arith.constant 0 : i32
        %dma_wait3A_392 = tpu.memref_slice %arg2[%dma_wait3A_390, %dma_wait3A_391] : memref<10000x128xf32, #tpu.memory_space<hbm>> -> memref<10000x128xf32, #tpu.memory_space<hbm>>
        tpu.wait_indirect_dma semaphore(%arg12 : memref<!tpu.dma_semaphore, #tpu.memory_space<semaphore_mem>>) src(%dma_wait3A_392 : memref<10000x128xf32, #tpu.memory_space<hbm>>) dst(%dma_wait3A_386 : memref<128x128xf32, #tpu.memory_space<vmem>>)
        %dma_start3A_393 = arith.constant 1 : i32
        %dma_start3A_394 = arith.constant 7 : i32
        %dma_start3A_395 = arith.constant 0 : i32
        %dma_start3A_396 = arith.constant 0 : i32
        %dma_start3A_397 = tpu.memref_slice %arg10[%dma_start3A_393, %dma_start3A_395, %dma_start3A_396] : memref<2x128x128xf32, #tpu.memory_space<vmem>> -> memref<1x128x128xf32, #tpu.memory_space<vmem>>
        %dma_start3A_398 = tpu.memref_squeeze %dma_start3A_397 : memref<1x128x128xf32, #tpu.memory_space<vmem>> -> memref<128x128xf32, #tpu.memory_space<vmem>>
        %dma_start3A_399 = arith.constant 0 : i32
        %dma_start3A_400 = tpu.memref_slice %arg9[%dma_start3A_394, %dma_start3A_399] : memref<8x128xi32, #tpu.memory_space<vmem>> -> memref<1x128xi32, #tpu.memory_space<vmem>>
        %dma_start3A_401 = tpu.memref_squeeze %dma_start3A_400 : memref<1x128xi32, #tpu.memory_space<vmem>> -> memref<128xi32, #tpu.memory_space<vmem>>
        %dma_start3A_402 = arith.constant 0 : i32
        %dma_start3A_403 = arith.constant 0 : i32
        %dma_start3A_404 = tpu.memref_slice %arg11[%dma_start3A_402, %dma_start3A_403] : memref<10112x128xf32, #tpu.memory_space<vmem_shared>> -> memref<10112x128xf32, #tpu.memory_space<vmem_shared>>
        tpu.enqueue_indirect_dma source(%dma_start3A_398 : memref<128x128xf32, #tpu.memory_space<vmem>>) target(%dma_start3A_404 : memref<10112x128xf32, #tpu.memory_space<vmem_shared>>) offsets(%dma_start3A_401 : memref<128xi32, #tpu.memory_space<vmem>>) semaphore(%arg13 : memref<!tpu.dma_semaphore, #tpu.memory_space<semaphore_mem>>) {add = true}
        %dma_wait3A_405 = arith.constant 0 : i32
        %dma_wait3A_406 = arith.constant 6 : i32
        %dma_wait3A_407 = arith.constant 0 : i32
        %dma_wait3A_408 = arith.constant 0 : i32
        %dma_wait3A_409 = tpu.memref_slice %arg10[%dma_wait3A_405, %dma_wait3A_407, %dma_wait3A_408] : memref<2x128x128xf32, #tpu.memory_space<vmem>> -> memref<1x128x128xf32, #tpu.memory_space<vmem>>
        %dma_wait3A_410 = tpu.memref_squeeze %dma_wait3A_409 : memref<1x128x128xf32, #tpu.memory_space<vmem>> -> memref<128x128xf32, #tpu.memory_space<vmem>>
        %dma_wait3A_411 = arith.constant 0 : i32
        %dma_wait3A_412 = tpu.memref_slice %arg9[%dma_wait3A_406, %dma_wait3A_411] : memref<8x128xi32, #tpu.memory_space<vmem>> -> memref<1x128xi32, #tpu.memory_space<vmem>>
        %dma_wait3A_413 = tpu.memref_squeeze %dma_wait3A_412 : memref<1x128xi32, #tpu.memory_space<vmem>> -> memref<128xi32, #tpu.memory_space<vmem>>
        %dma_wait3A_414 = arith.constant 0 : i32
        %dma_wait3A_415 = arith.constant 0 : i32
        %dma_wait3A_416 = tpu.memref_slice %arg11[%dma_wait3A_414, %dma_wait3A_415] : memref<10112x128xf32, #tpu.memory_space<vmem_shared>> -> memref<10112x128xf32, #tpu.memory_space<vmem_shared>>
        tpu.wait_indirect_dma semaphore(%arg13 : memref<!tpu.dma_semaphore, #tpu.memory_space<semaphore_mem>>) src(%dma_wait3A_410 : memref<128x128xf32, #tpu.memory_space<vmem>>) dst(%dma_wait3A_416 : memref<10112x128xf32, #tpu.memory_space<vmem_shared>>)
        %dma_wait3A_417 = arith.constant 1 : i32
        %dma_wait3A_418 = arith.constant 7 : i32
        %dma_wait3A_419 = arith.constant 0 : i32
        %dma_wait3A_420 = arith.constant 0 : i32
        %dma_wait3A_421 = tpu.memref_slice %arg10[%dma_wait3A_417, %dma_wait3A_419, %dma_wait3A_420] : memref<2x128x128xf32, #tpu.memory_space<vmem>> -> memref<1x128x128xf32, #tpu.memory_space<vmem>>
        %dma_wait3A_422 = tpu.memref_squeeze %dma_wait3A_421 : memref<1x128x128xf32, #tpu.memory_space<vmem>> -> memref<128x128xf32, #tpu.memory_space<vmem>>
        %dma_wait3A_423 = arith.constant 0 : i32
        %dma_wait3A_424 = tpu.memref_slice %arg9[%dma_wait3A_418, %dma_wait3A_423] : memref<8x128xi32, #tpu.memory_space<vmem>> -> memref<1x128xi32, #tpu.memory_space<vmem>>
        %dma_wait3A_425 = tpu.memref_squeeze %dma_wait3A_424 : memref<1x128xi32, #tpu.memory_space<vmem>> -> memref<128xi32, #tpu.memory_space<vmem>>
        %dma_wait3A_426 = arith.constant 0 : i32
        %dma_wait3A_427 = arith.constant 0 : i32
        %dma_wait3A_428 = tpu.memref_slice %arg11[%dma_wait3A_426, %dma_wait3A_427] : memref<10112x128xf32, #tpu.memory_space<vmem_shared>> -> memref<10112x128xf32, #tpu.memory_space<vmem_shared>>
        tpu.wait_indirect_dma semaphore(%arg13 : memref<!tpu.dma_semaphore, #tpu.memory_space<semaphore_mem>>) src(%dma_wait3A_422 : memref<128x128xf32, #tpu.memory_space<vmem>>) dst(%dma_wait3A_428 : memref<10112x128xf32, #tpu.memory_space<vmem_shared>>)
      }
      %scan3A_15 = arith.constant 15 : i32
    } else {
    }
    %eq3A_5 = arith.constant 1 : i32
    %eq3A_6 = arith.cmpi eq, %arg0, %eq3A_5 : i32
    %convert_element_type3A_7 = arith.extui %eq3A_6 : i1 to i32
    %cond3A_8 = arith.constant 0 : i32
    %cond3A_9 = arith.cmpi ne, %convert_element_type3A_7, %cond3A_8 : i32
    scf.if %cond3A_9 {
      %scan3A = arith.constant 0 : i32
      %scan3A_11 = arith.constant 0 : i32
      %scan3A_12 = arith.constant 5 : i32
      %scan3A_13 = arith.addi %scan3A_11, %scan3A_12 : i32
      %scan3A_14 = arith.constant 1 : i32
      scf.for %scan3A_16 = %scan3A_11 to %scan3A_13 step %scan3A_14  : i32 {
        %mul3A_17 = arith.constant 8 : i32
        %mul3A_18 = arith.muli %scan3A_16, %mul3A_17 : i32
        %multiple_of3A = tpu.assume_multiple %mul3A_18, 8 : i32
        %dma_start3A = arith.constant 0 : i32
        %dma_start3A_19 = tpu.memref_slice %arg5[%add3A, %multiple_of3A, %dma_start3A] : memref<32x120x128xi32, #tpu.memory_space<hbm>> -> memref<1x8x128xi32, #tpu.memory_space<hbm>>
        %dma_start3A_20 = tpu.memref_squeeze %dma_start3A_19 : memref<1x8x128xi32, #tpu.memory_space<hbm>> -> memref<8x128xi32, #tpu.memory_space<hbm>>
        %dma_start3A_21 = arith.constant 0 : i32
        %dma_start3A_22 = tpu.memref_slice %arg5[%add3A, %multiple_of3A, %dma_start3A_21] : memref<32x120x128xi32, #tpu.memory_space<hbm>> -> memref<1x8x128xi32, #tpu.memory_space<hbm>>
        %dma_start3A_23 = tpu.memref_squeeze %dma_start3A_22 : memref<1x8x128xi32, #tpu.memory_space<hbm>> -> memref<8x128xi32, #tpu.memory_space<hbm>>
        tpu.enqueue_dma source(%dma_start3A_23 : memref<8x128xi32, #tpu.memory_space<hbm>>) target(%arg9 : memref<8x128xi32, #tpu.memory_space<vmem>>) target_semaphore(%arg14 : memref<!tpu.dma_semaphore, #tpu.memory_space<semaphore_mem>>)
        %add3A_24 = arith.constant 0 : i32
        %add3A_25 = arith.addi %mul3A_18, %add3A_24 : i32
        %add3A_26 = arith.constant 0 : i32
        %add3A_27 = arith.addi %add3A_25, %add3A_26 : i32
        %dma_start3A_28 = arith.constant 0 : i32
        %dma_start3A_29 = arith.constant 0 : i32
        %dma_start3A_30 = arith.constant 0 : i32
        %dma_start3A_31 = tpu.memref_slice %arg10[%dma_start3A_28, %dma_start3A_29, %dma_start3A_30] : memref<2x128x128xf32, #tpu.memory_space<vmem>> -> memref<1x128x128xf32, #tpu.memory_space<vmem>>
        %dma_start3A_32 = tpu.memref_squeeze %dma_start3A_31 : memref<1x128x128xf32, #tpu.memory_space<vmem>> -> memref<128x128xf32, #tpu.memory_space<vmem>>
        %dma_start3A_33 = arith.constant 0 : i32
        %dma_start3A_34 = tpu.memref_slice %arg8[%add3A_27, %dma_start3A_33] : memref<120x128xi32, #tpu.memory_space<vmem>> -> memref<1x128xi32, #tpu.memory_space<vmem>>
        %dma_start3A_35 = tpu.memref_squeeze %dma_start3A_34 : memref<1x128xi32, #tpu.memory_space<vmem>> -> memref<128xi32, #tpu.memory_space<vmem>>
        %dma_start3A_36 = arith.constant 0 : i32
        %dma_start3A_37 = arith.constant 0 : i32
        %dma_start3A_38 = tpu.memref_slice %arg3[%dma_start3A_36, %dma_start3A_37] : memref<10000x128xf32, #tpu.memory_space<hbm>> -> memref<10000x128xf32, #tpu.memory_space<hbm>>
        tpu.enqueue_indirect_dma source(%dma_start3A_38 : memref<10000x128xf32, #tpu.memory_space<hbm>>) target(%dma_start3A_32 : memref<128x128xf32, #tpu.memory_space<vmem>>) offsets(%dma_start3A_35 : memref<128xi32, #tpu.memory_space<vmem>>) semaphore(%arg12 : memref<!tpu.dma_semaphore, #tpu.memory_space<semaphore_mem>>)
        %add3A_39 = arith.constant 0 : i32
        %add3A_40 = arith.addi %mul3A_18, %add3A_39 : i32
        %add3A_41 = arith.constant 1 : i32
        %add3A_42 = arith.addi %add3A_40, %add3A_41 : i32
        %dma_start3A_43 = arith.constant 1 : i32
        %dma_start3A_44 = arith.constant 0 : i32
        %dma_start3A_45 = arith.constant 0 : i32
        %dma_start3A_46 = tpu.memref_slice %arg10[%dma_start3A_43, %dma_start3A_44, %dma_start3A_45] : memref<2x128x128xf32, #tpu.memory_space<vmem>> -> memref<1x128x128xf32, #tpu.memory_space<vmem>>
        %dma_start3A_47 = tpu.memref_squeeze %dma_start3A_46 : memref<1x128x128xf32, #tpu.memory_space<vmem>> -> memref<128x128xf32, #tpu.memory_space<vmem>>
        %dma_start3A_48 = arith.constant 0 : i32
        %dma_start3A_49 = tpu.memref_slice %arg8[%add3A_42, %dma_start3A_48] : memref<120x128xi32, #tpu.memory_space<vmem>> -> memref<1x128xi32, #tpu.memory_space<vmem>>
        %dma_start3A_50 = tpu.memref_squeeze %dma_start3A_49 : memref<1x128xi32, #tpu.memory_space<vmem>> -> memref<128xi32, #tpu.memory_space<vmem>>
        %dma_start3A_51 = arith.constant 0 : i32
        %dma_start3A_52 = arith.constant 0 : i32
        %dma_start3A_53 = tpu.memref_slice %arg3[%dma_start3A_51, %dma_start3A_52] : memref<10000x128xf32, #tpu.memory_space<hbm>> -> memref<10000x128xf32, #tpu.memory_space<hbm>>
        tpu.enqueue_indirect_dma source(%dma_start3A_53 : memref<10000x128xf32, #tpu.memory_space<hbm>>) target(%dma_start3A_47 : memref<128x128xf32, #tpu.memory_space<vmem>>) offsets(%dma_start3A_50 : memref<128xi32, #tpu.memory_space<vmem>>) semaphore(%arg12 : memref<!tpu.dma_semaphore, #tpu.memory_space<semaphore_mem>>)
        %dma_wait3A = arith.constant 0 : i32
        %dma_wait3A_54 = tpu.memref_slice %arg5[%add3A, %multiple_of3A, %dma_wait3A] : memref<32x120x128xi32, #tpu.memory_space<hbm>> -> memref<1x8x128xi32, #tpu.memory_space<hbm>>
        %dma_wait3A_55 = tpu.memref_squeeze %dma_wait3A_54 : memref<1x8x128xi32, #tpu.memory_space<hbm>> -> memref<8x128xi32, #tpu.memory_space<hbm>>
        %dma_wait3A_56 = arith.constant 0 : i32
        %dma_wait3A_57 = tpu.memref_slice %arg5[%add3A, %multiple_of3A, %dma_wait3A_56] : memref<32x120x128xi32, #tpu.memory_space<hbm>> -> memref<1x8x128xi32, #tpu.memory_space<hbm>>
        %dma_wait3A_58 = tpu.memref_squeeze %dma_wait3A_57 : memref<1x8x128xi32, #tpu.memory_space<hbm>> -> memref<8x128xi32, #tpu.memory_space<hbm>>
        tpu.wait_dma2 semaphore(%arg14 : memref<!tpu.dma_semaphore, #tpu.memory_space<semaphore_mem>>) src(%dma_wait3A_58 : memref<8x128xi32, #tpu.memory_space<hbm>>) dst(%arg9 : memref<8x128xi32, #tpu.memory_space<vmem>>)
        %dma_wait3A_59 = arith.constant 0 : i32
        %dma_wait3A_60 = arith.constant 0 : i32
        %dma_wait3A_61 = arith.constant 0 : i32
        %dma_wait3A_62 = tpu.memref_slice %arg10[%dma_wait3A_59, %dma_wait3A_60, %dma_wait3A_61] : memref<2x128x128xf32, #tpu.memory_space<vmem>> -> memref<1x128x128xf32, #tpu.memory_space<vmem>>
        %dma_wait3A_63 = tpu.memref_squeeze %dma_wait3A_62 : memref<1x128x128xf32, #tpu.memory_space<vmem>> -> memref<128x128xf32, #tpu.memory_space<vmem>>
        %dma_wait3A_64 = arith.constant 0 : i32
        %dma_wait3A_65 = tpu.memref_slice %arg8[%add3A_27, %dma_wait3A_64] : memref<120x128xi32, #tpu.memory_space<vmem>> -> memref<1x128xi32, #tpu.memory_space<vmem>>
        %dma_wait3A_66 = tpu.memref_squeeze %dma_wait3A_65 : memref<1x128xi32, #tpu.memory_space<vmem>> -> memref<128xi32, #tpu.memory_space<vmem>>
        %dma_wait3A_67 = arith.constant 0 : i32
        %dma_wait3A_68 = arith.constant 0 : i32
        %dma_wait3A_69 = tpu.memref_slice %arg3[%dma_wait3A_67, %dma_wait3A_68] : memref<10000x128xf32, #tpu.memory_space<hbm>> -> memref<10000x128xf32, #tpu.memory_space<hbm>>
        tpu.wait_indirect_dma semaphore(%arg12 : memref<!tpu.dma_semaphore, #tpu.memory_space<semaphore_mem>>) src(%dma_wait3A_69 : memref<10000x128xf32, #tpu.memory_space<hbm>>) dst(%dma_wait3A_63 : memref<128x128xf32, #tpu.memory_space<vmem>>)
        %dma_start3A_70 = arith.constant 0 : i32
        %dma_start3A_71 = arith.constant 0 : i32
        %dma_start3A_72 = arith.constant 0 : i32
        %dma_start3A_73 = arith.constant 0 : i32
        %dma_start3A_74 = tpu.memref_slice %arg10[%dma_start3A_70, %dma_start3A_72, %dma_start3A_73] : memref<2x128x128xf32, #tpu.memory_space<vmem>> -> memref<1x128x128xf32, #tpu.memory_space<vmem>>
        %dma_start3A_75 = tpu.memref_squeeze %dma_start3A_74 : memref<1x128x128xf32, #tpu.memory_space<vmem>> -> memref<128x128xf32, #tpu.memory_space<vmem>>
        %dma_start3A_76 = arith.constant 0 : i32
        %dma_start3A_77 = tpu.memref_slice %arg9[%dma_start3A_71, %dma_start3A_76] : memref<8x128xi32, #tpu.memory_space<vmem>> -> memref<1x128xi32, #tpu.memory_space<vmem>>
        %dma_start3A_78 = tpu.memref_squeeze %dma_start3A_77 : memref<1x128xi32, #tpu.memory_space<vmem>> -> memref<128xi32, #tpu.memory_space<vmem>>
        %dma_start3A_79 = arith.constant 0 : i32
        %dma_start3A_80 = arith.constant 0 : i32
        %dma_start3A_81 = tpu.memref_slice %arg11[%dma_start3A_79, %dma_start3A_80] : memref<10112x128xf32, #tpu.memory_space<vmem_shared>> -> memref<10112x128xf32, #tpu.memory_space<vmem_shared>>
        tpu.enqueue_indirect_dma source(%dma_start3A_75 : memref<128x128xf32, #tpu.memory_space<vmem>>) target(%dma_start3A_81 : memref<10112x128xf32, #tpu.memory_space<vmem_shared>>) offsets(%dma_start3A_78 : memref<128xi32, #tpu.memory_space<vmem>>) semaphore(%arg13 : memref<!tpu.dma_semaphore, #tpu.memory_space<semaphore_mem>>) {add = true}
        %dma_wait3A_82 = arith.constant 1 : i32
        %dma_wait3A_83 = arith.constant 0 : i32
        %dma_wait3A_84 = arith.constant 0 : i32
        %dma_wait3A_85 = tpu.memref_slice %arg10[%dma_wait3A_82, %dma_wait3A_83, %dma_wait3A_84] : memref<2x128x128xf32, #tpu.memory_space<vmem>> -> memref<1x128x128xf32, #tpu.memory_space<vmem>>
        %dma_wait3A_86 = tpu.memref_squeeze %dma_wait3A_85 : memref<1x128x128xf32, #tpu.memory_space<vmem>> -> memref<128x128xf32, #tpu.memory_space<vmem>>
        %dma_wait3A_87 = arith.constant 0 : i32
        %dma_wait3A_88 = tpu.memref_slice %arg8[%add3A_42, %dma_wait3A_87] : memref<120x128xi32, #tpu.memory_space<vmem>> -> memref<1x128xi32, #tpu.memory_space<vmem>>
        %dma_wait3A_89 = tpu.memref_squeeze %dma_wait3A_88 : memref<1x128xi32, #tpu.memory_space<vmem>> -> memref<128xi32, #tpu.memory_space<vmem>>
        %dma_wait3A_90 = arith.constant 0 : i32
        %dma_wait3A_91 = arith.constant 0 : i32
        %dma_wait3A_92 = tpu.memref_slice %arg3[%dma_wait3A_90, %dma_wait3A_91] : memref<10000x128xf32, #tpu.memory_space<hbm>> -> memref<10000x128xf32, #tpu.memory_space<hbm>>
        tpu.wait_indirect_dma semaphore(%arg12 : memref<!tpu.dma_semaphore, #tpu.memory_space<semaphore_mem>>) src(%dma_wait3A_92 : memref<10000x128xf32, #tpu.memory_space<hbm>>) dst(%dma_wait3A_86 : memref<128x128xf32, #tpu.memory_space<vmem>>)
        %dma_start3A_93 = arith.constant 1 : i32
        %dma_start3A_94 = arith.constant 1 : i32
        %dma_start3A_95 = arith.constant 0 : i32
        %dma_start3A_96 = arith.constant 0 : i32
        %dma_start3A_97 = tpu.memref_slice %arg10[%dma_start3A_93, %dma_start3A_95, %dma_start3A_96] : memref<2x128x128xf32, #tpu.memory_space<vmem>> -> memref<1x128x128xf32, #tpu.memory_space<vmem>>
        %dma_start3A_98 = tpu.memref_squeeze %dma_start3A_97 : memref<1x128x128xf32, #tpu.memory_space<vmem>> -> memref<128x128xf32, #tpu.memory_space<vmem>>
        %dma_start3A_99 = arith.constant 0 : i32
        %dma_start3A_100 = tpu.memref_slice %arg9[%dma_start3A_94, %dma_start3A_99] : memref<8x128xi32, #tpu.memory_space<vmem>> -> memref<1x128xi32, #tpu.memory_space<vmem>>
        %dma_start3A_101 = tpu.memref_squeeze %dma_start3A_100 : memref<1x128xi32, #tpu.memory_space<vmem>> -> memref<128xi32, #tpu.memory_space<vmem>>
        %dma_start3A_102 = arith.constant 0 : i32
        %dma_start3A_103 = arith.constant 0 : i32
        %dma_start3A_104 = tpu.memref_slice %arg11[%dma_start3A_102, %dma_start3A_103] : memref<10112x128xf32, #tpu.memory_space<vmem_shared>> -> memref<10112x128xf32, #tpu.memory_space<vmem_shared>>
        tpu.enqueue_indirect_dma source(%dma_start3A_98 : memref<128x128xf32, #tpu.memory_space<vmem>>) target(%dma_start3A_104 : memref<10112x128xf32, #tpu.memory_space<vmem_shared>>) offsets(%dma_start3A_101 : memref<128xi32, #tpu.memory_space<vmem>>) semaphore(%arg13 : memref<!tpu.dma_semaphore, #tpu.memory_space<semaphore_mem>>) {add = true}
        %dma_wait3A_105 = arith.constant 0 : i32
        %dma_wait3A_106 = arith.constant 0 : i32
        %dma_wait3A_107 = arith.constant 0 : i32
        %dma_wait3A_108 = arith.constant 0 : i32
        %dma_wait3A_109 = tpu.memref_slice %arg10[%dma_wait3A_105, %dma_wait3A_107, %dma_wait3A_108] : memref<2x128x128xf32, #tpu.memory_space<vmem>> -> memref<1x128x128xf32, #tpu.memory_space<vmem>>
        %dma_wait3A_110 = tpu.memref_squeeze %dma_wait3A_109 : memref<1x128x128xf32, #tpu.memory_space<vmem>> -> memref<128x128xf32, #tpu.memory_space<vmem>>
        %dma_wait3A_111 = arith.constant 0 : i32
        %dma_wait3A_112 = tpu.memref_slice %arg9[%dma_wait3A_106, %dma_wait3A_111] : memref<8x128xi32, #tpu.memory_space<vmem>> -> memref<1x128xi32, #tpu.memory_space<vmem>>
        %dma_wait3A_113 = tpu.memref_squeeze %dma_wait3A_112 : memref<1x128xi32, #tpu.memory_space<vmem>> -> memref<128xi32, #tpu.memory_space<vmem>>
        %dma_wait3A_114 = arith.constant 0 : i32
        %dma_wait3A_115 = arith.constant 0 : i32
        %dma_wait3A_116 = tpu.memref_slice %arg11[%dma_wait3A_114, %dma_wait3A_115] : memref<10112x128xf32, #tpu.memory_space<vmem_shared>> -> memref<10112x128xf32, #tpu.memory_space<vmem_shared>>
        tpu.wait_indirect_dma semaphore(%arg13 : memref<!tpu.dma_semaphore, #tpu.memory_space<semaphore_mem>>) src(%dma_wait3A_110 : memref<128x128xf32, #tpu.memory_space<vmem>>) dst(%dma_wait3A_116 : memref<10112x128xf32, #tpu.memory_space<vmem_shared>>)
        %dma_wait3A_117 = arith.constant 1 : i32
        %dma_wait3A_118 = arith.constant 1 : i32
        %dma_wait3A_119 = arith.constant 0 : i32
        %dma_wait3A_120 = arith.constant 0 : i32
        %dma_wait3A_121 = tpu.memref_slice %arg10[%dma_wait3A_117, %dma_wait3A_119, %dma_wait3A_120] : memref<2x128x128xf32, #tpu.memory_space<vmem>> -> memref<1x128x128xf32, #tpu.memory_space<vmem>>
        %dma_wait3A_122 = tpu.memref_squeeze %dma_wait3A_121 : memref<1x128x128xf32, #tpu.memory_space<vmem>> -> memref<128x128xf32, #tpu.memory_space<vmem>>
        %dma_wait3A_123 = arith.constant 0 : i32
        %dma_wait3A_124 = tpu.memref_slice %arg9[%dma_wait3A_118, %dma_wait3A_123] : memref<8x128xi32, #tpu.memory_space<vmem>> -> memref<1x128xi32, #tpu.memory_space<vmem>>
        %dma_wait3A_125 = tpu.memref_squeeze %dma_wait3A_124 : memref<1x128xi32, #tpu.memory_space<vmem>> -> memref<128xi32, #tpu.memory_space<vmem>>
        %dma_wait3A_126 = arith.constant 0 : i32
        %dma_wait3A_127 = arith.constant 0 : i32
        %dma_wait3A_128 = tpu.memref_slice %arg11[%dma_wait3A_126, %dma_wait3A_127] : memref<10112x128xf32, #tpu.memory_space<vmem_shared>> -> memref<10112x128xf32, #tpu.memory_space<vmem_shared>>
        tpu.wait_indirect_dma semaphore(%arg13 : memref<!tpu.dma_semaphore, #tpu.memory_space<semaphore_mem>>) src(%dma_wait3A_122 : memref<128x128xf32, #tpu.memory_space<vmem>>) dst(%dma_wait3A_128 : memref<10112x128xf32, #tpu.memory_space<vmem_shared>>)
        %add3A_129 = arith.constant 2 : i32
        %add3A_130 = arith.addi %mul3A_18, %add3A_129 : i32
        %add3A_131 = arith.constant 0 : i32
        %add3A_132 = arith.addi %add3A_130, %add3A_131 : i32
        %dma_start3A_133 = arith.constant 0 : i32
        %dma_start3A_134 = arith.constant 0 : i32
        %dma_start3A_135 = arith.constant 0 : i32
        %dma_start3A_136 = tpu.memref_slice %arg10[%dma_start3A_133, %dma_start3A_134, %dma_start3A_135] : memref<2x128x128xf32, #tpu.memory_space<vmem>> -> memref<1x128x128xf32, #tpu.memory_space<vmem>>
        %dma_start3A_137 = tpu.memref_squeeze %dma_start3A_136 : memref<1x128x128xf32, #tpu.memory_space<vmem>> -> memref<128x128xf32, #tpu.memory_space<vmem>>
        %dma_start3A_138 = arith.constant 0 : i32
        %dma_start3A_139 = tpu.memref_slice %arg8[%add3A_132, %dma_start3A_138] : memref<120x128xi32, #tpu.memory_space<vmem>> -> memref<1x128xi32, #tpu.memory_space<vmem>>
        %dma_start3A_140 = tpu.memref_squeeze %dma_start3A_139 : memref<1x128xi32, #tpu.memory_space<vmem>> -> memref<128xi32, #tpu.memory_space<vmem>>
        %dma_start3A_141 = arith.constant 0 : i32
        %dma_start3A_142 = arith.constant 0 : i32
        %dma_start3A_143 = tpu.memref_slice %arg3[%dma_start3A_141, %dma_start3A_142] : memref<10000x128xf32, #tpu.memory_space<hbm>> -> memref<10000x128xf32, #tpu.memory_space<hbm>>
        tpu.enqueue_indirect_dma source(%dma_start3A_143 : memref<10000x128xf32, #tpu.memory_space<hbm>>) target(%dma_start3A_137 : memref<128x128xf32, #tpu.memory_space<vmem>>) offsets(%dma_start3A_140 : memref<128xi32, #tpu.memory_space<vmem>>) semaphore(%arg12 : memref<!tpu.dma_semaphore, #tpu.memory_space<semaphore_mem>>)
        %add3A_144 = arith.constant 2 : i32
        %add3A_145 = arith.addi %mul3A_18, %add3A_144 : i32
        %add3A_146 = arith.constant 1 : i32
        %add3A_147 = arith.addi %add3A_145, %add3A_146 : i32
        %dma_start3A_148 = arith.constant 1 : i32
        %dma_start3A_149 = arith.constant 0 : i32
        %dma_start3A_150 = arith.constant 0 : i32
        %dma_start3A_151 = tpu.memref_slice %arg10[%dma_start3A_148, %dma_start3A_149, %dma_start3A_150] : memref<2x128x128xf32, #tpu.memory_space<vmem>> -> memref<1x128x128xf32, #tpu.memory_space<vmem>>
        %dma_start3A_152 = tpu.memref_squeeze %dma_start3A_151 : memref<1x128x128xf32, #tpu.memory_space<vmem>> -> memref<128x128xf32, #tpu.memory_space<vmem>>
        %dma_start3A_153 = arith.constant 0 : i32
        %dma_start3A_154 = tpu.memref_slice %arg8[%add3A_147, %dma_start3A_153] : memref<120x128xi32, #tpu.memory_space<vmem>> -> memref<1x128xi32, #tpu.memory_space<vmem>>
        %dma_start3A_155 = tpu.memref_squeeze %dma_start3A_154 : memref<1x128xi32, #tpu.memory_space<vmem>> -> memref<128xi32, #tpu.memory_space<vmem>>
        %dma_start3A_156 = arith.constant 0 : i32
        %dma_start3A_157 = arith.constant 0 : i32
        %dma_start3A_158 = tpu.memref_slice %arg3[%dma_start3A_156, %dma_start3A_157] : memref<10000x128xf32, #tpu.memory_space<hbm>> -> memref<10000x128xf32, #tpu.memory_space<hbm>>
        tpu.enqueue_indirect_dma source(%dma_start3A_158 : memref<10000x128xf32, #tpu.memory_space<hbm>>) target(%dma_start3A_152 : memref<128x128xf32, #tpu.memory_space<vmem>>) offsets(%dma_start3A_155 : memref<128xi32, #tpu.memory_space<vmem>>) semaphore(%arg12 : memref<!tpu.dma_semaphore, #tpu.memory_space<semaphore_mem>>)
        %dma_wait3A_159 = arith.constant 0 : i32
        %dma_wait3A_160 = arith.constant 0 : i32
        %dma_wait3A_161 = arith.constant 0 : i32
        %dma_wait3A_162 = tpu.memref_slice %arg10[%dma_wait3A_159, %dma_wait3A_160, %dma_wait3A_161] : memref<2x128x128xf32, #tpu.memory_space<vmem>> -> memref<1x128x128xf32, #tpu.memory_space<vmem>>
        %dma_wait3A_163 = tpu.memref_squeeze %dma_wait3A_162 : memref<1x128x128xf32, #tpu.memory_space<vmem>> -> memref<128x128xf32, #tpu.memory_space<vmem>>
        %dma_wait3A_164 = arith.constant 0 : i32
        %dma_wait3A_165 = tpu.memref_slice %arg8[%add3A_132, %dma_wait3A_164] : memref<120x128xi32, #tpu.memory_space<vmem>> -> memref<1x128xi32, #tpu.memory_space<vmem>>
        %dma_wait3A_166 = tpu.memref_squeeze %dma_wait3A_165 : memref<1x128xi32, #tpu.memory_space<vmem>> -> memref<128xi32, #tpu.memory_space<vmem>>
        %dma_wait3A_167 = arith.constant 0 : i32
        %dma_wait3A_168 = arith.constant 0 : i32
        %dma_wait3A_169 = tpu.memref_slice %arg3[%dma_wait3A_167, %dma_wait3A_168] : memref<10000x128xf32, #tpu.memory_space<hbm>> -> memref<10000x128xf32, #tpu.memory_space<hbm>>
        tpu.wait_indirect_dma semaphore(%arg12 : memref<!tpu.dma_semaphore, #tpu.memory_space<semaphore_mem>>) src(%dma_wait3A_169 : memref<10000x128xf32, #tpu.memory_space<hbm>>) dst(%dma_wait3A_163 : memref<128x128xf32, #tpu.memory_space<vmem>>)
        %dma_start3A_170 = arith.constant 0 : i32
        %dma_start3A_171 = arith.constant 2 : i32
        %dma_start3A_172 = arith.constant 0 : i32
        %dma_start3A_173 = arith.constant 0 : i32
        %dma_start3A_174 = tpu.memref_slice %arg10[%dma_start3A_170, %dma_start3A_172, %dma_start3A_173] : memref<2x128x128xf32, #tpu.memory_space<vmem>> -> memref<1x128x128xf32, #tpu.memory_space<vmem>>
        %dma_start3A_175 = tpu.memref_squeeze %dma_start3A_174 : memref<1x128x128xf32, #tpu.memory_space<vmem>> -> memref<128x128xf32, #tpu.memory_space<vmem>>
        %dma_start3A_176 = arith.constant 0 : i32
        %dma_start3A_177 = tpu.memref_slice %arg9[%dma_start3A_171, %dma_start3A_176] : memref<8x128xi32, #tpu.memory_space<vmem>> -> memref<1x128xi32, #tpu.memory_space<vmem>>
        %dma_start3A_178 = tpu.memref_squeeze %dma_start3A_177 : memref<1x128xi32, #tpu.memory_space<vmem>> -> memref<128xi32, #tpu.memory_space<vmem>>
        %dma_start3A_179 = arith.constant 0 : i32
        %dma_start3A_180 = arith.constant 0 : i32
        %dma_start3A_181 = tpu.memref_slice %arg11[%dma_start3A_179, %dma_start3A_180] : memref<10112x128xf32, #tpu.memory_space<vmem_shared>> -> memref<10112x128xf32, #tpu.memory_space<vmem_shared>>
        tpu.enqueue_indirect_dma source(%dma_start3A_175 : memref<128x128xf32, #tpu.memory_space<vmem>>) target(%dma_start3A_181 : memref<10112x128xf32, #tpu.memory_space<vmem_shared>>) offsets(%dma_start3A_178 : memref<128xi32, #tpu.memory_space<vmem>>) semaphore(%arg13 : memref<!tpu.dma_semaphore, #tpu.memory_space<semaphore_mem>>) {add = true}
        %dma_wait3A_182 = arith.constant 1 : i32
        %dma_wait3A_183 = arith.constant 0 : i32
        %dma_wait3A_184 = arith.constant 0 : i32
        %dma_wait3A_185 = tpu.memref_slice %arg10[%dma_wait3A_182, %dma_wait3A_183, %dma_wait3A_184] : memref<2x128x128xf32, #tpu.memory_space<vmem>> -> memref<1x128x128xf32, #tpu.memory_space<vmem>>
        %dma_wait3A_186 = tpu.memref_squeeze %dma_wait3A_185 : memref<1x128x128xf32, #tpu.memory_space<vmem>> -> memref<128x128xf32, #tpu.memory_space<vmem>>
        %dma_wait3A_187 = arith.constant 0 : i32
        %dma_wait3A_188 = tpu.memref_slice %arg8[%add3A_147, %dma_wait3A_187] : memref<120x128xi32, #tpu.memory_space<vmem>> -> memref<1x128xi32, #tpu.memory_space<vmem>>
        %dma_wait3A_189 = tpu.memref_squeeze %dma_wait3A_188 : memref<1x128xi32, #tpu.memory_space<vmem>> -> memref<128xi32, #tpu.memory_space<vmem>>
        %dma_wait3A_190 = arith.constant 0 : i32
        %dma_wait3A_191 = arith.constant 0 : i32
        %dma_wait3A_192 = tpu.memref_slice %arg3[%dma_wait3A_190, %dma_wait3A_191] : memref<10000x128xf32, #tpu.memory_space<hbm>> -> memref<10000x128xf32, #tpu.memory_space<hbm>>
        tpu.wait_indirect_dma semaphore(%arg12 : memref<!tpu.dma_semaphore, #tpu.memory_space<semaphore_mem>>) src(%dma_wait3A_192 : memref<10000x128xf32, #tpu.memory_space<hbm>>) dst(%dma_wait3A_186 : memref<128x128xf32, #tpu.memory_space<vmem>>)
        %dma_start3A_193 = arith.constant 1 : i32
        %dma_start3A_194 = arith.constant 3 : i32
        %dma_start3A_195 = arith.constant 0 : i32
        %dma_start3A_196 = arith.constant 0 : i32
        %dma_start3A_197 = tpu.memref_slice %arg10[%dma_start3A_193, %dma_start3A_195, %dma_start3A_196] : memref<2x128x128xf32, #tpu.memory_space<vmem>> -> memref<1x128x128xf32, #tpu.memory_space<vmem>>
        %dma_start3A_198 = tpu.memref_squeeze %dma_start3A_197 : memref<1x128x128xf32, #tpu.memory_space<vmem>> -> memref<128x128xf32, #tpu.memory_space<vmem>>
        %dma_start3A_199 = arith.constant 0 : i32
        %dma_start3A_200 = tpu.memref_slice %arg9[%dma_start3A_194, %dma_start3A_199] : memref<8x128xi32, #tpu.memory_space<vmem>> -> memref<1x128xi32, #tpu.memory_space<vmem>>
        %dma_start3A_201 = tpu.memref_squeeze %dma_start3A_200 : memref<1x128xi32, #tpu.memory_space<vmem>> -> memref<128xi32, #tpu.memory_space<vmem>>
        %dma_start3A_202 = arith.constant 0 : i32
        %dma_start3A_203 = arith.constant 0 : i32
        %dma_start3A_204 = tpu.memref_slice %arg11[%dma_start3A_202, %dma_start3A_203] : memref<10112x128xf32, #tpu.memory_space<vmem_shared>> -> memref<10112x128xf32, #tpu.memory_space<vmem_shared>>
        tpu.enqueue_indirect_dma source(%dma_start3A_198 : memref<128x128xf32, #tpu.memory_space<vmem>>) target(%dma_start3A_204 : memref<10112x128xf32, #tpu.memory_space<vmem_shared>>) offsets(%dma_start3A_201 : memref<128xi32, #tpu.memory_space<vmem>>) semaphore(%arg13 : memref<!tpu.dma_semaphore, #tpu.memory_space<semaphore_mem>>) {add = true}
        %dma_wait3A_205 = arith.constant 0 : i32
        %dma_wait3A_206 = arith.constant 2 : i32
        %dma_wait3A_207 = arith.constant 0 : i32
        %dma_wait3A_208 = arith.constant 0 : i32
        %dma_wait3A_209 = tpu.memref_slice %arg10[%dma_wait3A_205, %dma_wait3A_207, %dma_wait3A_208] : memref<2x128x128xf32, #tpu.memory_space<vmem>> -> memref<1x128x128xf32, #tpu.memory_space<vmem>>
        %dma_wait3A_210 = tpu.memref_squeeze %dma_wait3A_209 : memref<1x128x128xf32, #tpu.memory_space<vmem>> -> memref<128x128xf32, #tpu.memory_space<vmem>>
        %dma_wait3A_211 = arith.constant 0 : i32
        %dma_wait3A_212 = tpu.memref_slice %arg9[%dma_wait3A_206, %dma_wait3A_211] : memref<8x128xi32, #tpu.memory_space<vmem>> -> memref<1x128xi32, #tpu.memory_space<vmem>>
        %dma_wait3A_213 = tpu.memref_squeeze %dma_wait3A_212 : memref<1x128xi32, #tpu.memory_space<vmem>> -> memref<128xi32, #tpu.memory_space<vmem>>
        %dma_wait3A_214 = arith.constant 0 : i32
        %dma_wait3A_215 = arith.constant 0 : i32
        %dma_wait3A_216 = tpu.memref_slice %arg11[%dma_wait3A_214, %dma_wait3A_215] : memref<10112x128xf32, #tpu.memory_space<vmem_shared>> -> memref<10112x128xf32, #tpu.memory_space<vmem_shared>>
        tpu.wait_indirect_dma semaphore(%arg13 : memref<!tpu.dma_semaphore, #tpu.memory_space<semaphore_mem>>) src(%dma_wait3A_210 : memref<128x128xf32, #tpu.memory_space<vmem>>) dst(%dma_wait3A_216 : memref<10112x128xf32, #tpu.memory_space<vmem_shared>>)
        %dma_wait3A_217 = arith.constant 1 : i32
        %dma_wait3A_218 = arith.constant 3 : i32
        %dma_wait3A_219 = arith.constant 0 : i32
        %dma_wait3A_220 = arith.constant 0 : i32
        %dma_wait3A_221 = tpu.memref_slice %arg10[%dma_wait3A_217, %dma_wait3A_219, %dma_wait3A_220] : memref<2x128x128xf32, #tpu.memory_space<vmem>> -> memref<1x128x128xf32, #tpu.memory_space<vmem>>
        %dma_wait3A_222 = tpu.memref_squeeze %dma_wait3A_221 : memref<1x128x128xf32, #tpu.memory_space<vmem>> -> memref<128x128xf32, #tpu.memory_space<vmem>>
        %dma_wait3A_223 = arith.constant 0 : i32
        %dma_wait3A_224 = tpu.memref_slice %arg9[%dma_wait3A_218, %dma_wait3A_223] : memref<8x128xi32, #tpu.memory_space<vmem>> -> memref<1x128xi32, #tpu.memory_space<vmem>>
        %dma_wait3A_225 = tpu.memref_squeeze %dma_wait3A_224 : memref<1x128xi32, #tpu.memory_space<vmem>> -> memref<128xi32, #tpu.memory_space<vmem>>
        %dma_wait3A_226 = arith.constant 0 : i32
        %dma_wait3A_227 = arith.constant 0 : i32
        %dma_wait3A_228 = tpu.memref_slice %arg11[%dma_wait3A_226, %dma_wait3A_227] : memref<10112x128xf32, #tpu.memory_space<vmem_shared>> -> memref<10112x128xf32, #tpu.memory_space<vmem_shared>>
        tpu.wait_indirect_dma semaphore(%arg13 : memref<!tpu.dma_semaphore, #tpu.memory_space<semaphore_mem>>) src(%dma_wait3A_222 : memref<128x128xf32, #tpu.memory_space<vmem>>) dst(%dma_wait3A_228 : memref<10112x128xf32, #tpu.memory_space<vmem_shared>>)
        %add3A_229 = arith.constant 4 : i32
        %add3A_230 = arith.addi %mul3A_18, %add3A_229 : i32
        %add3A_231 = arith.constant 0 : i32
        %add3A_232 = arith.addi %add3A_230, %add3A_231 : i32
        %dma_start3A_233 = arith.constant 0 : i32
        %dma_start3A_234 = arith.constant 0 : i32
        %dma_start3A_235 = arith.constant 0 : i32
        %dma_start3A_236 = tpu.memref_slice %arg10[%dma_start3A_233, %dma_start3A_234, %dma_start3A_235] : memref<2x128x128xf32, #tpu.memory_space<vmem>> -> memref<1x128x128xf32, #tpu.memory_space<vmem>>
        %dma_start3A_237 = tpu.memref_squeeze %dma_start3A_236 : memref<1x128x128xf32, #tpu.memory_space<vmem>> -> memref<128x128xf32, #tpu.memory_space<vmem>>
        %dma_start3A_238 = arith.constant 0 : i32
        %dma_start3A_239 = tpu.memref_slice %arg8[%add3A_232, %dma_start3A_238] : memref<120x128xi32, #tpu.memory_space<vmem>> -> memref<1x128xi32, #tpu.memory_space<vmem>>
        %dma_start3A_240 = tpu.memref_squeeze %dma_start3A_239 : memref<1x128xi32, #tpu.memory_space<vmem>> -> memref<128xi32, #tpu.memory_space<vmem>>
        %dma_start3A_241 = arith.constant 0 : i32
        %dma_start3A_242 = arith.constant 0 : i32
        %dma_start3A_243 = tpu.memref_slice %arg3[%dma_start3A_241, %dma_start3A_242] : memref<10000x128xf32, #tpu.memory_space<hbm>> -> memref<10000x128xf32, #tpu.memory_space<hbm>>
        tpu.enqueue_indirect_dma source(%dma_start3A_243 : memref<10000x128xf32, #tpu.memory_space<hbm>>) target(%dma_start3A_237 : memref<128x128xf32, #tpu.memory_space<vmem>>) offsets(%dma_start3A_240 : memref<128xi32, #tpu.memory_space<vmem>>) semaphore(%arg12 : memref<!tpu.dma_semaphore, #tpu.memory_space<semaphore_mem>>)
        %add3A_244 = arith.constant 4 : i32
        %add3A_245 = arith.addi %mul3A_18, %add3A_244 : i32
        %add3A_246 = arith.constant 1 : i32
        %add3A_247 = arith.addi %add3A_245, %add3A_246 : i32
        %dma_start3A_248 = arith.constant 1 : i32
        %dma_start3A_249 = arith.constant 0 : i32
        %dma_start3A_250 = arith.constant 0 : i32
        %dma_start3A_251 = tpu.memref_slice %arg10[%dma_start3A_248, %dma_start3A_249, %dma_start3A_250] : memref<2x128x128xf32, #tpu.memory_space<vmem>> -> memref<1x128x128xf32, #tpu.memory_space<vmem>>
        %dma_start3A_252 = tpu.memref_squeeze %dma_start3A_251 : memref<1x128x128xf32, #tpu.memory_space<vmem>> -> memref<128x128xf32, #tpu.memory_space<vmem>>
        %dma_start3A_253 = arith.constant 0 : i32
        %dma_start3A_254 = tpu.memref_slice %arg8[%add3A_247, %dma_start3A_253] : memref<120x128xi32, #tpu.memory_space<vmem>> -> memref<1x128xi32, #tpu.memory_space<vmem>>
        %dma_start3A_255 = tpu.memref_squeeze %dma_start3A_254 : memref<1x128xi32, #tpu.memory_space<vmem>> -> memref<128xi32, #tpu.memory_space<vmem>>
        %dma_start3A_256 = arith.constant 0 : i32
        %dma_start3A_257 = arith.constant 0 : i32
        %dma_start3A_258 = tpu.memref_slice %arg3[%dma_start3A_256, %dma_start3A_257] : memref<10000x128xf32, #tpu.memory_space<hbm>> -> memref<10000x128xf32, #tpu.memory_space<hbm>>
        tpu.enqueue_indirect_dma source(%dma_start3A_258 : memref<10000x128xf32, #tpu.memory_space<hbm>>) target(%dma_start3A_252 : memref<128x128xf32, #tpu.memory_space<vmem>>) offsets(%dma_start3A_255 : memref<128xi32, #tpu.memory_space<vmem>>) semaphore(%arg12 : memref<!tpu.dma_semaphore, #tpu.memory_space<semaphore_mem>>)
        %dma_wait3A_259 = arith.constant 0 : i32
        %dma_wait3A_260 = arith.constant 0 : i32
        %dma_wait3A_261 = arith.constant 0 : i32
        %dma_wait3A_262 = tpu.memref_slice %arg10[%dma_wait3A_259, %dma_wait3A_260, %dma_wait3A_261] : memref<2x128x128xf32, #tpu.memory_space<vmem>> -> memref<1x128x128xf32, #tpu.memory_space<vmem>>
        %dma_wait3A_263 = tpu.memref_squeeze %dma_wait3A_262 : memref<1x128x128xf32, #tpu.memory_space<vmem>> -> memref<128x128xf32, #tpu.memory_space<vmem>>
        %dma_wait3A_264 = arith.constant 0 : i32
        %dma_wait3A_265 = tpu.memref_slice %arg8[%add3A_232, %dma_wait3A_264] : memref<120x128xi32, #tpu.memory_space<vmem>> -> memref<1x128xi32, #tpu.memory_space<vmem>>
        %dma_wait3A_266 = tpu.memref_squeeze %dma_wait3A_265 : memref<1x128xi32, #tpu.memory_space<vmem>> -> memref<128xi32, #tpu.memory_space<vmem>>
        %dma_wait3A_267 = arith.constant 0 : i32
        %dma_wait3A_268 = arith.constant 0 : i32
        %dma_wait3A_269 = tpu.memref_slice %arg3[%dma_wait3A_267, %dma_wait3A_268] : memref<10000x128xf32, #tpu.memory_space<hbm>> -> memref<10000x128xf32, #tpu.memory_space<hbm>>
        tpu.wait_indirect_dma semaphore(%arg12 : memref<!tpu.dma_semaphore, #tpu.memory_space<semaphore_mem>>) src(%dma_wait3A_269 : memref<10000x128xf32, #tpu.memory_space<hbm>>) dst(%dma_wait3A_263 : memref<128x128xf32, #tpu.memory_space<vmem>>)
        %dma_start3A_270 = arith.constant 0 : i32
        %dma_start3A_271 = arith.constant 4 : i32
        %dma_start3A_272 = arith.constant 0 : i32
        %dma_start3A_273 = arith.constant 0 : i32
        %dma_start3A_274 = tpu.memref_slice %arg10[%dma_start3A_270, %dma_start3A_272, %dma_start3A_273] : memref<2x128x128xf32, #tpu.memory_space<vmem>> -> memref<1x128x128xf32, #tpu.memory_space<vmem>>
        %dma_start3A_275 = tpu.memref_squeeze %dma_start3A_274 : memref<1x128x128xf32, #tpu.memory_space<vmem>> -> memref<128x128xf32, #tpu.memory_space<vmem>>
        %dma_start3A_276 = arith.constant 0 : i32
        %dma_start3A_277 = tpu.memref_slice %arg9[%dma_start3A_271, %dma_start3A_276] : memref<8x128xi32, #tpu.memory_space<vmem>> -> memref<1x128xi32, #tpu.memory_space<vmem>>
        %dma_start3A_278 = tpu.memref_squeeze %dma_start3A_277 : memref<1x128xi32, #tpu.memory_space<vmem>> -> memref<128xi32, #tpu.memory_space<vmem>>
        %dma_start3A_279 = arith.constant 0 : i32
        %dma_start3A_280 = arith.constant 0 : i32
        %dma_start3A_281 = tpu.memref_slice %arg11[%dma_start3A_279, %dma_start3A_280] : memref<10112x128xf32, #tpu.memory_space<vmem_shared>> -> memref<10112x128xf32, #tpu.memory_space<vmem_shared>>
        tpu.enqueue_indirect_dma source(%dma_start3A_275 : memref<128x128xf32, #tpu.memory_space<vmem>>) target(%dma_start3A_281 : memref<10112x128xf32, #tpu.memory_space<vmem_shared>>) offsets(%dma_start3A_278 : memref<128xi32, #tpu.memory_space<vmem>>) semaphore(%arg13 : memref<!tpu.dma_semaphore, #tpu.memory_space<semaphore_mem>>) {add = true}
        %dma_wait3A_282 = arith.constant 1 : i32
        %dma_wait3A_283 = arith.constant 0 : i32
        %dma_wait3A_284 = arith.constant 0 : i32
        %dma_wait3A_285 = tpu.memref_slice %arg10[%dma_wait3A_282, %dma_wait3A_283, %dma_wait3A_284] : memref<2x128x128xf32, #tpu.memory_space<vmem>> -> memref<1x128x128xf32, #tpu.memory_space<vmem>>
        %dma_wait3A_286 = tpu.memref_squeeze %dma_wait3A_285 : memref<1x128x128xf32, #tpu.memory_space<vmem>> -> memref<128x128xf32, #tpu.memory_space<vmem>>
        %dma_wait3A_287 = arith.constant 0 : i32
        %dma_wait3A_288 = tpu.memref_slice %arg8[%add3A_247, %dma_wait3A_287] : memref<120x128xi32, #tpu.memory_space<vmem>> -> memref<1x128xi32, #tpu.memory_space<vmem>>
        %dma_wait3A_289 = tpu.memref_squeeze %dma_wait3A_288 : memref<1x128xi32, #tpu.memory_space<vmem>> -> memref<128xi32, #tpu.memory_space<vmem>>
        %dma_wait3A_290 = arith.constant 0 : i32
        %dma_wait3A_291 = arith.constant 0 : i32
        %dma_wait3A_292 = tpu.memref_slice %arg3[%dma_wait3A_290, %dma_wait3A_291] : memref<10000x128xf32, #tpu.memory_space<hbm>> -> memref<10000x128xf32, #tpu.memory_space<hbm>>
        tpu.wait_indirect_dma semaphore(%arg12 : memref<!tpu.dma_semaphore, #tpu.memory_space<semaphore_mem>>) src(%dma_wait3A_292 : memref<10000x128xf32, #tpu.memory_space<hbm>>) dst(%dma_wait3A_286 : memref<128x128xf32, #tpu.memory_space<vmem>>)
        %dma_start3A_293 = arith.constant 1 : i32
        %dma_start3A_294 = arith.constant 5 : i32
        %dma_start3A_295 = arith.constant 0 : i32
        %dma_start3A_296 = arith.constant 0 : i32
        %dma_start3A_297 = tpu.memref_slice %arg10[%dma_start3A_293, %dma_start3A_295, %dma_start3A_296] : memref<2x128x128xf32, #tpu.memory_space<vmem>> -> memref<1x128x128xf32, #tpu.memory_space<vmem>>
        %dma_start3A_298 = tpu.memref_squeeze %dma_start3A_297 : memref<1x128x128xf32, #tpu.memory_space<vmem>> -> memref<128x128xf32, #tpu.memory_space<vmem>>
        %dma_start3A_299 = arith.constant 0 : i32
        %dma_start3A_300 = tpu.memref_slice %arg9[%dma_start3A_294, %dma_start3A_299] : memref<8x128xi32, #tpu.memory_space<vmem>> -> memref<1x128xi32, #tpu.memory_space<vmem>>
        %dma_start3A_301 = tpu.memref_squeeze %dma_start3A_300 : memref<1x128xi32, #tpu.memory_space<vmem>> -> memref<128xi32, #tpu.memory_space<vmem>>
        %dma_start3A_302 = arith.constant 0 : i32
        %dma_start3A_303 = arith.constant 0 : i32
        %dma_start3A_304 = tpu.memref_slice %arg11[%dma_start3A_302, %dma_start3A_303] : memref<10112x128xf32, #tpu.memory_space<vmem_shared>> -> memref<10112x128xf32, #tpu.memory_space<vmem_shared>>
        tpu.enqueue_indirect_dma source(%dma_start3A_298 : memref<128x128xf32, #tpu.memory_space<vmem>>) target(%dma_start3A_304 : memref<10112x128xf32, #tpu.memory_space<vmem_shared>>) offsets(%dma_start3A_301 : memref<128xi32, #tpu.memory_space<vmem>>) semaphore(%arg13 : memref<!tpu.dma_semaphore, #tpu.memory_space<semaphore_mem>>) {add = true}
        %dma_wait3A_305 = arith.constant 0 : i32
        %dma_wait3A_306 = arith.constant 4 : i32
        %dma_wait3A_307 = arith.constant 0 : i32
        %dma_wait3A_308 = arith.constant 0 : i32
        %dma_wait3A_309 = tpu.memref_slice %arg10[%dma_wait3A_305, %dma_wait3A_307, %dma_wait3A_308] : memref<2x128x128xf32, #tpu.memory_space<vmem>> -> memref<1x128x128xf32, #tpu.memory_space<vmem>>
        %dma_wait3A_310 = tpu.memref_squeeze %dma_wait3A_309 : memref<1x128x128xf32, #tpu.memory_space<vmem>> -> memref<128x128xf32, #tpu.memory_space<vmem>>
        %dma_wait3A_311 = arith.constant 0 : i32
        %dma_wait3A_312 = tpu.memref_slice %arg9[%dma_wait3A_306, %dma_wait3A_311] : memref<8x128xi32, #tpu.memory_space<vmem>> -> memref<1x128xi32, #tpu.memory_space<vmem>>
        %dma_wait3A_313 = tpu.memref_squeeze %dma_wait3A_312 : memref<1x128xi32, #tpu.memory_space<vmem>> -> memref<128xi32, #tpu.memory_space<vmem>>
        %dma_wait3A_314 = arith.constant 0 : i32
        %dma_wait3A_315 = arith.constant 0 : i32
        %dma_wait3A_316 = tpu.memref_slice %arg11[%dma_wait3A_314, %dma_wait3A_315] : memref<10112x128xf32, #tpu.memory_space<vmem_shared>> -> memref<10112x128xf32, #tpu.memory_space<vmem_shared>>
        tpu.wait_indirect_dma semaphore(%arg13 : memref<!tpu.dma_semaphore, #tpu.memory_space<semaphore_mem>>) src(%dma_wait3A_310 : memref<128x128xf32, #tpu.memory_space<vmem>>) dst(%dma_wait3A_316 : memref<10112x128xf32, #tpu.memory_space<vmem_shared>>)
        %dma_wait3A_317 = arith.constant 1 : i32
        %dma_wait3A_318 = arith.constant 5 : i32
        %dma_wait3A_319 = arith.constant 0 : i32
        %dma_wait3A_320 = arith.constant 0 : i32
        %dma_wait3A_321 = tpu.memref_slice %arg10[%dma_wait3A_317, %dma_wait3A_319, %dma_wait3A_320] : memref<2x128x128xf32, #tpu.memory_space<vmem>> -> memref<1x128x128xf32, #tpu.memory_space<vmem>>
        %dma_wait3A_322 = tpu.memref_squeeze %dma_wait3A_321 : memref<1x128x128xf32, #tpu.memory_space<vmem>> -> memref<128x128xf32, #tpu.memory_space<vmem>>
        %dma_wait3A_323 = arith.constant 0 : i32
        %dma_wait3A_324 = tpu.memref_slice %arg9[%dma_wait3A_318, %dma_wait3A_323] : memref<8x128xi32, #tpu.memory_space<vmem>> -> memref<1x128xi32, #tpu.memory_space<vmem>>
        %dma_wait3A_325 = tpu.memref_squeeze %dma_wait3A_324 : memref<1x128xi32, #tpu.memory_space<vmem>> -> memref<128xi32, #tpu.memory_space<vmem>>
        %dma_wait3A_326 = arith.constant 0 : i32
        %dma_wait3A_327 = arith.constant 0 : i32
        %dma_wait3A_328 = tpu.memref_slice %arg11[%dma_wait3A_326, %dma_wait3A_327] : memref<10112x128xf32, #tpu.memory_space<vmem_shared>> -> memref<10112x128xf32, #tpu.memory_space<vmem_shared>>
        tpu.wait_indirect_dma semaphore(%arg13 : memref<!tpu.dma_semaphore, #tpu.memory_space<semaphore_mem>>) src(%dma_wait3A_322 : memref<128x128xf32, #tpu.memory_space<vmem>>) dst(%dma_wait3A_328 : memref<10112x128xf32, #tpu.memory_space<vmem_shared>>)
        %add3A_329 = arith.constant 6 : i32
        %add3A_330 = arith.addi %mul3A_18, %add3A_329 : i32
        %add3A_331 = arith.constant 0 : i32
        %add3A_332 = arith.addi %add3A_330, %add3A_331 : i32
        %dma_start3A_333 = arith.constant 0 : i32
        %dma_start3A_334 = arith.constant 0 : i32
        %dma_start3A_335 = arith.constant 0 : i32
        %dma_start3A_336 = tpu.memref_slice %arg10[%dma_start3A_333, %dma_start3A_334, %dma_start3A_335] : memref<2x128x128xf32, #tpu.memory_space<vmem>> -> memref<1x128x128xf32, #tpu.memory_space<vmem>>
        %dma_start3A_337 = tpu.memref_squeeze %dma_start3A_336 : memref<1x128x128xf32, #tpu.memory_space<vmem>> -> memref<128x128xf32, #tpu.memory_space<vmem>>
        %dma_start3A_338 = arith.constant 0 : i32
        %dma_start3A_339 = tpu.memref_slice %arg8[%add3A_332, %dma_start3A_338] : memref<120x128xi32, #tpu.memory_space<vmem>> -> memref<1x128xi32, #tpu.memory_space<vmem>>
        %dma_start3A_340 = tpu.memref_squeeze %dma_start3A_339 : memref<1x128xi32, #tpu.memory_space<vmem>> -> memref<128xi32, #tpu.memory_space<vmem>>
        %dma_start3A_341 = arith.constant 0 : i32
        %dma_start3A_342 = arith.constant 0 : i32
        %dma_start3A_343 = tpu.memref_slice %arg3[%dma_start3A_341, %dma_start3A_342] : memref<10000x128xf32, #tpu.memory_space<hbm>> -> memref<10000x128xf32, #tpu.memory_space<hbm>>
        tpu.enqueue_indirect_dma source(%dma_start3A_343 : memref<10000x128xf32, #tpu.memory_space<hbm>>) target(%dma_start3A_337 : memref<128x128xf32, #tpu.memory_space<vmem>>) offsets(%dma_start3A_340 : memref<128xi32, #tpu.memory_space<vmem>>) semaphore(%arg12 : memref<!tpu.dma_semaphore, #tpu.memory_space<semaphore_mem>>)
        %add3A_344 = arith.constant 6 : i32
        %add3A_345 = arith.addi %mul3A_18, %add3A_344 : i32
        %add3A_346 = arith.constant 1 : i32
        %add3A_347 = arith.addi %add3A_345, %add3A_346 : i32
        %dma_start3A_348 = arith.constant 1 : i32
        %dma_start3A_349 = arith.constant 0 : i32
        %dma_start3A_350 = arith.constant 0 : i32
        %dma_start3A_351 = tpu.memref_slice %arg10[%dma_start3A_348, %dma_start3A_349, %dma_start3A_350] : memref<2x128x128xf32, #tpu.memory_space<vmem>> -> memref<1x128x128xf32, #tpu.memory_space<vmem>>
        %dma_start3A_352 = tpu.memref_squeeze %dma_start3A_351 : memref<1x128x128xf32, #tpu.memory_space<vmem>> -> memref<128x128xf32, #tpu.memory_space<vmem>>
        %dma_start3A_353 = arith.constant 0 : i32
        %dma_start3A_354 = tpu.memref_slice %arg8[%add3A_347, %dma_start3A_353] : memref<120x128xi32, #tpu.memory_space<vmem>> -> memref<1x128xi32, #tpu.memory_space<vmem>>
        %dma_start3A_355 = tpu.memref_squeeze %dma_start3A_354 : memref<1x128xi32, #tpu.memory_space<vmem>> -> memref<128xi32, #tpu.memory_space<vmem>>
        %dma_start3A_356 = arith.constant 0 : i32
        %dma_start3A_357 = arith.constant 0 : i32
        %dma_start3A_358 = tpu.memref_slice %arg3[%dma_start3A_356, %dma_start3A_357] : memref<10000x128xf32, #tpu.memory_space<hbm>> -> memref<10000x128xf32, #tpu.memory_space<hbm>>
        tpu.enqueue_indirect_dma source(%dma_start3A_358 : memref<10000x128xf32, #tpu.memory_space<hbm>>) target(%dma_start3A_352 : memref<128x128xf32, #tpu.memory_space<vmem>>) offsets(%dma_start3A_355 : memref<128xi32, #tpu.memory_space<vmem>>) semaphore(%arg12 : memref<!tpu.dma_semaphore, #tpu.memory_space<semaphore_mem>>)
        %dma_wait3A_359 = arith.constant 0 : i32
        %dma_wait3A_360 = arith.constant 0 : i32
        %dma_wait3A_361 = arith.constant 0 : i32
        %dma_wait3A_362 = tpu.memref_slice %arg10[%dma_wait3A_359, %dma_wait3A_360, %dma_wait3A_361] : memref<2x128x128xf32, #tpu.memory_space<vmem>> -> memref<1x128x128xf32, #tpu.memory_space<vmem>>
        %dma_wait3A_363 = tpu.memref_squeeze %dma_wait3A_362 : memref<1x128x128xf32, #tpu.memory_space<vmem>> -> memref<128x128xf32, #tpu.memory_space<vmem>>
        %dma_wait3A_364 = arith.constant 0 : i32
        %dma_wait3A_365 = tpu.memref_slice %arg8[%add3A_332, %dma_wait3A_364] : memref<120x128xi32, #tpu.memory_space<vmem>> -> memref<1x128xi32, #tpu.memory_space<vmem>>
        %dma_wait3A_366 = tpu.memref_squeeze %dma_wait3A_365 : memref<1x128xi32, #tpu.memory_space<vmem>> -> memref<128xi32, #tpu.memory_space<vmem>>
        %dma_wait3A_367 = arith.constant 0 : i32
        %dma_wait3A_368 = arith.constant 0 : i32
        %dma_wait3A_369 = tpu.memref_slice %arg3[%dma_wait3A_367, %dma_wait3A_368] : memref<10000x128xf32, #tpu.memory_space<hbm>> -> memref<10000x128xf32, #tpu.memory_space<hbm>>
        tpu.wait_indirect_dma semaphore(%arg12 : memref<!tpu.dma_semaphore, #tpu.memory_space<semaphore_mem>>) src(%dma_wait3A_369 : memref<10000x128xf32, #tpu.memory_space<hbm>>) dst(%dma_wait3A_363 : memref<128x128xf32, #tpu.memory_space<vmem>>)
        %dma_start3A_370 = arith.constant 0 : i32
        %dma_start3A_371 = arith.constant 6 : i32
        %dma_start3A_372 = arith.constant 0 : i32
        %dma_start3A_373 = arith.constant 0 : i32
        %dma_start3A_374 = tpu.memref_slice %arg10[%dma_start3A_370, %dma_start3A_372, %dma_start3A_373] : memref<2x128x128xf32, #tpu.memory_space<vmem>> -> memref<1x128x128xf32, #tpu.memory_space<vmem>>
        %dma_start3A_375 = tpu.memref_squeeze %dma_start3A_374 : memref<1x128x128xf32, #tpu.memory_space<vmem>> -> memref<128x128xf32, #tpu.memory_space<vmem>>
        %dma_start3A_376 = arith.constant 0 : i32
        %dma_start3A_377 = tpu.memref_slice %arg9[%dma_start3A_371, %dma_start3A_376] : memref<8x128xi32, #tpu.memory_space<vmem>> -> memref<1x128xi32, #tpu.memory_space<vmem>>
        %dma_start3A_378 = tpu.memref_squeeze %dma_start3A_377 : memref<1x128xi32, #tpu.memory_space<vmem>> -> memref<128xi32, #tpu.memory_space<vmem>>
        %dma_start3A_379 = arith.constant 0 : i32
        %dma_start3A_380 = arith.constant 0 : i32
        %dma_start3A_381 = tpu.memref_slice %arg11[%dma_start3A_379, %dma_start3A_380] : memref<10112x128xf32, #tpu.memory_space<vmem_shared>> -> memref<10112x128xf32, #tpu.memory_space<vmem_shared>>
        tpu.enqueue_indirect_dma source(%dma_start3A_375 : memref<128x128xf32, #tpu.memory_space<vmem>>) target(%dma_start3A_381 : memref<10112x128xf32, #tpu.memory_space<vmem_shared>>) offsets(%dma_start3A_378 : memref<128xi32, #tpu.memory_space<vmem>>) semaphore(%arg13 : memref<!tpu.dma_semaphore, #tpu.memory_space<semaphore_mem>>) {add = true}
        %dma_wait3A_382 = arith.constant 1 : i32
        %dma_wait3A_383 = arith.constant 0 : i32
        %dma_wait3A_384 = arith.constant 0 : i32
        %dma_wait3A_385 = tpu.memref_slice %arg10[%dma_wait3A_382, %dma_wait3A_383, %dma_wait3A_384] : memref<2x128x128xf32, #tpu.memory_space<vmem>> -> memref<1x128x128xf32, #tpu.memory_space<vmem>>
        %dma_wait3A_386 = tpu.memref_squeeze %dma_wait3A_385 : memref<1x128x128xf32, #tpu.memory_space<vmem>> -> memref<128x128xf32, #tpu.memory_space<vmem>>
        %dma_wait3A_387 = arith.constant 0 : i32
        %dma_wait3A_388 = tpu.memref_slice %arg8[%add3A_347, %dma_wait3A_387] : memref<120x128xi32, #tpu.memory_space<vmem>> -> memref<1x128xi32, #tpu.memory_space<vmem>>
        %dma_wait3A_389 = tpu.memref_squeeze %dma_wait3A_388 : memref<1x128xi32, #tpu.memory_space<vmem>> -> memref<128xi32, #tpu.memory_space<vmem>>
        %dma_wait3A_390 = arith.constant 0 : i32
        %dma_wait3A_391 = arith.constant 0 : i32
        %dma_wait3A_392 = tpu.memref_slice %arg3[%dma_wait3A_390, %dma_wait3A_391] : memref<10000x128xf32, #tpu.memory_space<hbm>> -> memref<10000x128xf32, #tpu.memory_space<hbm>>
        tpu.wait_indirect_dma semaphore(%arg12 : memref<!tpu.dma_semaphore, #tpu.memory_space<semaphore_mem>>) src(%dma_wait3A_392 : memref<10000x128xf32, #tpu.memory_space<hbm>>) dst(%dma_wait3A_386 : memref<128x128xf32, #tpu.memory_space<vmem>>)
        %dma_start3A_393 = arith.constant 1 : i32
        %dma_start3A_394 = arith.constant 7 : i32
        %dma_start3A_395 = arith.constant 0 : i32
        %dma_start3A_396 = arith.constant 0 : i32
        %dma_start3A_397 = tpu.memref_slice %arg10[%dma_start3A_393, %dma_start3A_395, %dma_start3A_396] : memref<2x128x128xf32, #tpu.memory_space<vmem>> -> memref<1x128x128xf32, #tpu.memory_space<vmem>>
        %dma_start3A_398 = tpu.memref_squeeze %dma_start3A_397 : memref<1x128x128xf32, #tpu.memory_space<vmem>> -> memref<128x128xf32, #tpu.memory_space<vmem>>
        %dma_start3A_399 = arith.constant 0 : i32
        %dma_start3A_400 = tpu.memref_slice %arg9[%dma_start3A_394, %dma_start3A_399] : memref<8x128xi32, #tpu.memory_space<vmem>> -> memref<1x128xi32, #tpu.memory_space<vmem>>
        %dma_start3A_401 = tpu.memref_squeeze %dma_start3A_400 : memref<1x128xi32, #tpu.memory_space<vmem>> -> memref<128xi32, #tpu.memory_space<vmem>>
        %dma_start3A_402 = arith.constant 0 : i32
        %dma_start3A_403 = arith.constant 0 : i32
        %dma_start3A_404 = tpu.memref_slice %arg11[%dma_start3A_402, %dma_start3A_403] : memref<10112x128xf32, #tpu.memory_space<vmem_shared>> -> memref<10112x128xf32, #tpu.memory_space<vmem_shared>>
        tpu.enqueue_indirect_dma source(%dma_start3A_398 : memref<128x128xf32, #tpu.memory_space<vmem>>) target(%dma_start3A_404 : memref<10112x128xf32, #tpu.memory_space<vmem_shared>>) offsets(%dma_start3A_401 : memref<128xi32, #tpu.memory_space<vmem>>) semaphore(%arg13 : memref<!tpu.dma_semaphore, #tpu.memory_space<semaphore_mem>>) {add = true}
        %dma_wait3A_405 = arith.constant 0 : i32
        %dma_wait3A_406 = arith.constant 6 : i32
        %dma_wait3A_407 = arith.constant 0 : i32
        %dma_wait3A_408 = arith.constant 0 : i32
        %dma_wait3A_409 = tpu.memref_slice %arg10[%dma_wait3A_405, %dma_wait3A_407, %dma_wait3A_408] : memref<2x128x128xf32, #tpu.memory_space<vmem>> -> memref<1x128x128xf32, #tpu.memory_space<vmem>>
        %dma_wait3A_410 = tpu.memref_squeeze %dma_wait3A_409 : memref<1x128x128xf32, #tpu.memory_space<vmem>> -> memref<128x128xf32, #tpu.memory_space<vmem>>
        %dma_wait3A_411 = arith.constant 0 : i32
        %dma_wait3A_412 = tpu.memref_slice %arg9[%dma_wait3A_406, %dma_wait3A_411] : memref<8x128xi32, #tpu.memory_space<vmem>> -> memref<1x128xi32, #tpu.memory_space<vmem>>
        %dma_wait3A_413 = tpu.memref_squeeze %dma_wait3A_412 : memref<1x128xi32, #tpu.memory_space<vmem>> -> memref<128xi32, #tpu.memory_space<vmem>>
        %dma_wait3A_414 = arith.constant 0 : i32
        %dma_wait3A_415 = arith.constant 0 : i32
        %dma_wait3A_416 = tpu.memref_slice %arg11[%dma_wait3A_414, %dma_wait3A_415] : memref<10112x128xf32, #tpu.memory_space<vmem_shared>> -> memref<10112x128xf32, #tpu.memory_space<vmem_shared>>
        tpu.wait_indirect_dma semaphore(%arg13 : memref<!tpu.dma_semaphore, #tpu.memory_space<semaphore_mem>>) src(%dma_wait3A_410 : memref<128x128xf32, #tpu.memory_space<vmem>>) dst(%dma_wait3A_416 : memref<10112x128xf32, #tpu.memory_space<vmem_shared>>)
        %dma_wait3A_417 = arith.constant 1 : i32
        %dma_wait3A_418 = arith.constant 7 : i32
        %dma_wait3A_419 = arith.constant 0 : i32
        %dma_wait3A_420 = arith.constant 0 : i32
        %dma_wait3A_421 = tpu.memref_slice %arg10[%dma_wait3A_417, %dma_wait3A_419, %dma_wait3A_420] : memref<2x128x128xf32, #tpu.memory_space<vmem>> -> memref<1x128x128xf32, #tpu.memory_space<vmem>>
        %dma_wait3A_422 = tpu.memref_squeeze %dma_wait3A_421 : memref<1x128x128xf32, #tpu.memory_space<vmem>> -> memref<128x128xf32, #tpu.memory_space<vmem>>
        %dma_wait3A_423 = arith.constant 0 : i32
        %dma_wait3A_424 = tpu.memref_slice %arg9[%dma_wait3A_418, %dma_wait3A_423] : memref<8x128xi32, #tpu.memory_space<vmem>> -> memref<1x128xi32, #tpu.memory_space<vmem>>
        %dma_wait3A_425 = tpu.memref_squeeze %dma_wait3A_424 : memref<1x128xi32, #tpu.memory_space<vmem>> -> memref<128xi32, #tpu.memory_space<vmem>>
        %dma_wait3A_426 = arith.constant 0 : i32
        %dma_wait3A_427 = arith.constant 0 : i32
        %dma_wait3A_428 = tpu.memref_slice %arg11[%dma_wait3A_426, %dma_wait3A_427] : memref<10112x128xf32, #tpu.memory_space<vmem_shared>> -> memref<10112x128xf32, #tpu.memory_space<vmem_shared>>
        tpu.wait_indirect_dma semaphore(%arg13 : memref<!tpu.dma_semaphore, #tpu.memory_space<semaphore_mem>>) src(%dma_wait3A_422 : memref<128x128xf32, #tpu.memory_space<vmem>>) dst(%dma_wait3A_428 : memref<10112x128xf32, #tpu.memory_space<vmem_shared>>)
      }
      %scan3A_15 = arith.constant 5 : i32
    } else {
    }
    %barrier3A_10 = arith.constant 0 : index
    tpu.barrier barrier_id(%barrier3A_10)
    "tpu.region"() ({
      %run_scoped3A = tpu.sem_alloc : memref<!tpu.dma_semaphore, #tpu.memory_space<semaphore_mem>>
      %dma_start3A = arith.constant 0 : i32
      %dma_start3A_11 = tpu.memref_slice %arg7[%arg0, %mul3A_2, %dma_start3A] : memref<2x10112x128xf32, #tpu.memory_space<hbm>> -> memref<1x632x128xf32, #tpu.memory_space<hbm>>
      %dma_start3A_12 = tpu.memref_squeeze %dma_start3A_11 : memref<1x632x128xf32, #tpu.memory_space<hbm>> -> memref<632x128xf32, #tpu.memory_space<hbm>>
      %dma_start3A_13 = arith.constant 0 : i32
      %dma_start3A_14 = tpu.memref_slice %arg11[%mul3A_2, %dma_start3A_13] : memref<10112x128xf32, #tpu.memory_space<vmem_shared>> -> memref<632x128xf32, #tpu.memory_space<vmem_shared>>
      tpu.enqueue_dma source(%dma_start3A_14 : memref<632x128xf32, #tpu.memory_space<vmem_shared>>) target(%dma_start3A_12 : memref<632x128xf32, #tpu.memory_space<hbm>>) target_semaphore(%run_scoped3A : memref<!tpu.dma_semaphore, #tpu.memory_space<semaphore_mem>>)
      %dma_wait3A = arith.constant 0 : i32
      %dma_wait3A_15 = tpu.memref_slice %arg7[%arg0, %mul3A_2, %dma_wait3A] : memref<2x10112x128xf32, #tpu.memory_space<hbm>> -> memref<1x632x128xf32, #tpu.memory_space<hbm>>
      %dma_wait3A_16 = tpu.memref_squeeze %dma_wait3A_15 : memref<1x632x128xf32, #tpu.memory_space<hbm>> -> memref<632x128xf32, #tpu.memory_space<hbm>>
      %dma_wait3A_17 = arith.constant 0 : i32
      %dma_wait3A_18 = tpu.memref_slice %arg11[%mul3A_2, %dma_wait3A_17] : memref<10112x128xf32, #tpu.memory_space<vmem_shared>> -> memref<632x128xf32, #tpu.memory_space<vmem_shared>>
      tpu.wait_dma2 semaphore(%run_scoped3A : memref<!tpu.dma_semaphore, #tpu.memory_space<semaphore_mem>>) src(%dma_wait3A_18 : memref<632x128xf32, #tpu.memory_space<vmem_shared>>) dst(%dma_wait3A_16 : memref<632x128xf32, #tpu.memory_space<hbm>>)
      tpu.yield
    }) : () -> ()
    return
  }
}

module attributes {stable_mosaic.version = 14 : i64} {
  func.func @_mm_body(%arg0: i32, %arg1: memref<1000x128xf32, #tpu.memory_space<vmem>>, %arg2: memref<128x128xf32, #tpu.memory_space<vmem>>, %arg3: memref<1000x128xf32, #tpu.memory_space<vmem>>, %arg4: memref<1000x128xf32, #tpu.memory_space<vmem>>) attributes {dimension_semantics = [#tpu.dimension_semantics<arbitrary>], iteration_bounds = array<i64: 10>, scalar_prefetch = 0 : i64, scratch_operands = 0 : i64, tpu.core_type = #tpu.core_type<tc>, window_params = [{transform_indices = @transform_0, window_bounds = array<i64: 1000, 128>}, {pipeline_mode = #tpu.pipeline_mode<synchronous>, transform_indices = @transform_1, window_bounds = array<i64: 128, 128>}, {transform_indices = @transform_2, window_bounds = array<i64: 1000, 128>}, {transform_indices = @transform_3, window_bounds = array<i64: 1000, 128>}]} {
    %get3A = arith.constant 0 : index
    %get3A_0 = arith.constant 0 : index
    %get3A_1 = vector.load %arg1[%get3A, %get3A_0] : memref<1000x128xf32, #tpu.memory_space<vmem>>, vector<1000x128xf32>
    %get3A_2 = arith.constant 0 : index
    %get3A_3 = arith.constant 0 : index
    %get3A_4 = vector.load %arg2[%get3A_2, %get3A_3] : memref<128x128xf32, #tpu.memory_space<vmem>>, vector<128x128xf32>
    %dot_general3A = arith.constant dense<0.000000e+00> : vector<1000x128xf32>
    %dot_general3A_5 = tpu.matmul %get3A_1, %get3A_4, %dot_general3A {dimension_numbers = #tpu.dot_dimension_numbers<[1], [0], [0], [1], [0, 0, 1, 1], [], []>, transpose_lhs_hint = false} : vector<1000x128xf32>, vector<128x128xf32>, vector<1000x128xf32> -> vector<1000x128xf32>
    %swap3A = arith.constant 0 : index
    %swap3A_6 = arith.constant 0 : index
    %swap3A_7 = vector.load %arg3[%swap3A, %swap3A_6] : memref<1000x128xf32, #tpu.memory_space<vmem>>, vector<1000x128xf32>
    tpu.vector_store %arg3[%swap3A, %swap3A_6], %dot_general3A_5 {strides = array<i32>} : memref<1000x128xf32, #tpu.memory_space<vmem>>, vector<1000x128xf32>,
    %swap3A_8 = arith.constant 0 : index
    %swap3A_9 = arith.constant 0 : index
    %swap3A_10 = vector.load %arg4[%swap3A_8, %swap3A_9] : memref<1000x128xf32, #tpu.memory_space<vmem>>, vector<1000x128xf32>
    tpu.vector_store %arg4[%swap3A_8, %swap3A_9], %dot_general3A_5 {strides = array<i32>} : memref<1000x128xf32, #tpu.memory_space<vmem>>, vector<1000x128xf32>,
    return
  }
  func.func @transform_0(%arg0: i32) -> (i32, i32) {
    %c0_i32 = arith.constant 0 : i32
    %c0_i32_0 = arith.constant 0 : i32
    return %arg0, %c0_i32 : i32, i32
  }
  func.func @transform_1(%arg0: i32) -> (i32, i32) {
    %c0_i32 = arith.constant 0 : i32
    %c0_i32_0 = arith.constant 0 : i32
    %c0_i32_1 = arith.constant 0 : i32
    return %c0_i32, %c0_i32_0 : i32, i32
  }
  func.func @transform_2(%arg0: i32) -> (i32, i32) {
    %c0_i32 = arith.constant 0 : i32
    %c0_i32_0 = arith.constant 0 : i32
    return %arg0, %c0_i32 : i32, i32
  }
  func.func @transform_3(%arg0: i32) -> (i32, i32) {
    %c0_i32 = arith.constant 0 : i32
    %c0_i32_0 = arith.constant 0 : i32
    return %arg0, %c0_i32 : i32, i32
  }
}

module attributes {stable_mosaic.version = 14 : i64} {
  func.func @_gru_mm_body(%arg0: i32, %arg1: memref<2x1000x128xf32, #tpu.memory_space<vmem>>, %arg2: memref<2x1000x128xf32, #tpu.memory_space<vmem>>, %arg3: memref<1000x128xf32, #tpu.memory_space<vmem>>, %arg4: memref<128x384xf32, #tpu.memory_space<vmem>>, %arg5: memref<128x384xf32, #tpu.memory_space<vmem>>, %arg6: memref<1x384xf32, #tpu.memory_space<vmem>>, %arg7: memref<1x384xf32, #tpu.memory_space<vmem>>, %arg8: memref<128x128xf32, #tpu.memory_space<vmem>>, %arg9: memref<1000x128xf32, #tpu.memory_space<vmem>>, %arg10: memref<1000x128xf32, #tpu.memory_space<vmem>>, %arg11: memref<1000x128xf32, #tpu.memory_space<vmem>>) attributes {dimension_semantics = [#tpu.dimension_semantics<arbitrary>], iteration_bounds = array<i64: 10>, scalar_prefetch = 0 : i64, scratch_operands = 0 : i64, tpu.core_type = #tpu.core_type<tc>, window_params = [{transform_indices = @transform_0, window_bounds = array<i64: 2, 1000, 128>}, {transform_indices = @transform_1, window_bounds = array<i64: 2, 1000, 128>}, {transform_indices = @transform_2, window_bounds = array<i64: 1000, 128>}, {pipeline_mode = #tpu.pipeline_mode<synchronous>, transform_indices = @transform_3, window_bounds = array<i64: 128, 384>}, {pipeline_mode = #tpu.pipeline_mode<synchronous>, transform_indices = @transform_4, window_bounds = array<i64: 128, 384>}, {pipeline_mode = #tpu.pipeline_mode<synchronous>, transform_indices = @transform_5, window_bounds = array<i64: 1, 384>}, {pipeline_mode = #tpu.pipeline_mode<synchronous>, transform_indices = @transform_6, window_bounds = array<i64: 1, 384>}, {pipeline_mode = #tpu.pipeline_mode<synchronous>, transform_indices = @transform_7, window_bounds = array<i64: 128, 128>}, {transform_indices = @transform_8, window_bounds = array<i64: 1000, 128>}, {transform_indices = @transform_9, window_bounds = array<i64: 1000, 128>}, {transform_indices = @transform_10, window_bounds = array<i64: 1000, 128>}]} {
    %get3A = arith.constant 0 : index
    %get3A_0 = arith.constant 0 : index
    %get3A_1 = arith.constant 0 : index
    %get3A_2 = vector.load %arg1[%get3A, %get3A_0, %get3A_1] : memref<2x1000x128xf32, #tpu.memory_space<vmem>>, vector<2x1000x128xf32>
    %get3A_3 = arith.constant 0 : index
    %get3A_4 = arith.constant 0 : index
    %get3A_5 = arith.constant 0 : index
    %get3A_6 = vector.load %arg2[%get3A_3, %get3A_4, %get3A_5] : memref<2x1000x128xf32, #tpu.memory_space<vmem>>, vector<2x1000x128xf32>
    %get3A_7 = arith.constant 0 : index
    %get3A_8 = arith.constant 0 : index
    %get3A_9 = vector.load %arg3[%get3A_7, %get3A_8] : memref<1000x128xf32, #tpu.memory_space<vmem>>, vector<1000x128xf32>
    %get3A_10 = arith.constant 0 : index
    %get3A_11 = arith.constant 0 : index
    %get3A_12 = vector.load %arg4[%get3A_10, %get3A_11] : memref<128x384xf32, #tpu.memory_space<vmem>>, vector<128x384xf32>
    %get3A_13 = arith.constant 0 : index
    %get3A_14 = arith.constant 0 : index
    %get3A_15 = vector.load %arg5[%get3A_13, %get3A_14] : memref<128x384xf32, #tpu.memory_space<vmem>>, vector<128x384xf32>
    %get3A_16 = arith.constant 0 : index
    %get3A_17 = arith.constant 0 : index
    %get3A_18 = vector.load %arg6[%get3A_16, %get3A_17] : memref<1x384xf32, #tpu.memory_space<vmem>>, vector<1x384xf32>
    %get3A_19 = arith.constant 0 : index
    %get3A_20 = arith.constant 0 : index
    %get3A_21 = vector.load %arg7[%get3A_19, %get3A_20] : memref<1x384xf32, #tpu.memory_space<vmem>>, vector<1x384xf32>
    %slice3A = vector.extract_strided_slice %get3A_6 {offsets = [0, 0, 0], sizes = [1, 1000, 1], strides = [1, 1, 1]} : vector<2x1000x128xf32> to vector<1x1000x1xf32>
    %squeeze3A = vector.shape_cast %slice3A : vector<1x1000x1xf32> to vector<1000x1xf32>
    %slice3A_22 = vector.extract_strided_slice %get3A_6 {offsets = [1, 0, 0], sizes = [1, 1000, 1], strides = [1, 1, 1]} : vector<2x1000x128xf32> to vector<1x1000x1xf32>
    %squeeze3A_23 = vector.shape_cast %slice3A_22 : vector<1x1000x1xf32> to vector<1000x1xf32>
    %add3A = arith.addf %squeeze3A, %squeeze3A_23 : vector<1000x1xf32>
    %max3A = arith.constant 1.000000e+00 : f32
    %max3A_24 = vector.broadcast %max3A : f32 to vector<1000x1xf32>
    %max3A_25 = arith.maximumf %add3A, %max3A_24 : vector<1000x1xf32>
    %slice3A_26 = vector.extract_strided_slice %get3A_2 {offsets = [0, 0, 0], sizes = [1, 1000, 128], strides = [1, 1, 1]} : vector<2x1000x128xf32> to vector<1x1000x128xf32>
    %squeeze3A_27 = vector.shape_cast %slice3A_26 : vector<1x1000x128xf32> to vector<1000x128xf32>
    %slice3A_28 = vector.extract_strided_slice %get3A_2 {offsets = [1, 0, 0], sizes = [1, 1000, 128], strides = [1, 1, 1]} : vector<2x1000x128xf32> to vector<1x1000x128xf32>
    %squeeze3A_29 = vector.shape_cast %slice3A_28 : vector<1x1000x128xf32> to vector<1000x128xf32>
    %add3A_30 = arith.addf %squeeze3A_27, %squeeze3A_29 : vector<1000x128xf32>
    %div3A = vector.broadcast %max3A_25 : vector<1000x1xf32> to vector<1000x128xf32>
    %div3A_31 = arith.divf %add3A_30, %div3A : vector<1000x128xf32>
    %dot_general3A = arith.constant dense<0.000000e+00> : vector<1000x384xf32>
    %dot_general3A_32 = tpu.matmul %div3A_31, %get3A_12, %dot_general3A {dimension_numbers = #tpu.dot_dimension_numbers<[1], [0], [0], [1], [0, 0, 1, 1], [], []>, transpose_lhs_hint = false} : vector<1000x128xf32>, vector<128x384xf32>, vector<1000x384xf32> -> vector<1000x384xf32>
    %add3A_33 = vector.broadcast %get3A_18 : vector<1x384xf32> to vector<1000x384xf32>
    %add3A_34 = arith.addf %dot_general3A_32, %add3A_33 : vector<1000x384xf32>
    %dot_general3A_35 = arith.constant dense<0.000000e+00> : vector<1000x384xf32>
    %dot_general3A_36 = tpu.matmul %get3A_9, %get3A_15, %dot_general3A_35 {dimension_numbers = #tpu.dot_dimension_numbers<[1], [0], [0], [1], [0, 0, 1, 1], [], []>, transpose_lhs_hint = false} : vector<1000x128xf32>, vector<128x384xf32>, vector<1000x384xf32> -> vector<1000x384xf32>
    %add3A_37 = vector.broadcast %get3A_21 : vector<1x384xf32> to vector<1000x384xf32>
    %add3A_38 = arith.addf %dot_general3A_36, %add3A_37 : vector<1000x384xf32>
    %slice3A_39 = vector.extract_strided_slice %add3A_34 {offsets = [0, 0], sizes = [1000, 128], strides = [1, 1]} : vector<1000x384xf32> to vector<1000x128xf32>
    %slice3A_40 = vector.extract_strided_slice %add3A_38 {offsets = [0, 0], sizes = [1000, 128], strides = [1, 1]} : vector<1000x384xf32> to vector<1000x128xf32>
    %add3A_41 = arith.addf %slice3A_39, %slice3A_40 : vector<1000x128xf32>
    %logistic3A = arith.negf %add3A_41 : vector<1000x128xf32>
    %logistic3A_42 = math.exp %logistic3A : vector<1000x128xf32>
    %logistic3A_43 = arith.constant 1.000000e+00 : f32
    %logistic3A_44 = vector.broadcast %logistic3A_43 : f32 to vector<1000x128xf32>
    %logistic3A_45 = arith.addf %logistic3A_44, %logistic3A_42 : vector<1000x128xf32>
    %logistic3A_46 = arith.divf %logistic3A_44, %logistic3A_45 : vector<1000x128xf32>
    %slice3A_47 = vector.extract_strided_slice %add3A_34 {offsets = [0, 128], sizes = [1000, 128], strides = [1, 1]} : vector<1000x384xf32> to vector<1000x128xf32>
    %slice3A_48 = vector.extract_strided_slice %add3A_38 {offsets = [0, 128], sizes = [1000, 128], strides = [1, 1]} : vector<1000x384xf32> to vector<1000x128xf32>
    %add3A_49 = arith.addf %slice3A_47, %slice3A_48 : vector<1000x128xf32>
    %logistic3A_50 = arith.negf %add3A_49 : vector<1000x128xf32>
    %logistic3A_51 = math.exp %logistic3A_50 : vector<1000x128xf32>
    %logistic3A_52 = arith.constant 1.000000e+00 : f32
    %logistic3A_53 = vector.broadcast %logistic3A_52 : f32 to vector<1000x128xf32>
    %logistic3A_54 = arith.addf %logistic3A_53, %logistic3A_51 : vector<1000x128xf32>
    %logistic3A_55 = arith.divf %logistic3A_53, %logistic3A_54 : vector<1000x128xf32>
    %slice3A_56 = vector.extract_strided_slice %add3A_34 {offsets = [0, 256], sizes = [1000, 128], strides = [1, 1]} : vector<1000x384xf32> to vector<1000x128xf32>
    %slice3A_57 = vector.extract_strided_slice %add3A_38 {offsets = [0, 256], sizes = [1000, 128], strides = [1, 1]} : vector<1000x384xf32> to vector<1000x128xf32>
    %mul3A = arith.mulf %logistic3A_46, %slice3A_57 : vector<1000x128xf32>
    %add3A_58 = arith.addf %slice3A_56, %mul3A : vector<1000x128xf32>
    %tanh3A = math.tanh %add3A_58 : vector<1000x128xf32>
    %sub3A = arith.constant 1.000000e+00 : f32
    %sub3A_59 = vector.broadcast %sub3A : f32 to vector<1000x128xf32>
    %sub3A_60 = arith.subf %sub3A_59, %logistic3A_55 : vector<1000x128xf32>
    %mul3A_61 = arith.mulf %sub3A_60, %tanh3A : vector<1000x128xf32>
    %mul3A_62 = arith.mulf %logistic3A_55, %get3A_9 : vector<1000x128xf32>
    %add3A_63 = arith.addf %mul3A_61, %mul3A_62 : vector<1000x128xf32>
    %swap3A = arith.constant 0 : index
    %swap3A_64 = arith.constant 0 : index
    %swap3A_65 = vector.load %arg9[%swap3A, %swap3A_64] : memref<1000x128xf32, #tpu.memory_space<vmem>>, vector<1000x128xf32>
    tpu.vector_store %arg9[%swap3A, %swap3A_64], %add3A_63 {strides = array<i32>} : memref<1000x128xf32, #tpu.memory_space<vmem>>, vector<1000x128xf32>,
    %get3A_66 = arith.constant 0 : index
    %get3A_67 = arith.constant 0 : index
    %get3A_68 = vector.load %arg8[%get3A_66, %get3A_67] : memref<128x128xf32, #tpu.memory_space<vmem>>, vector<128x128xf32>
    %dot_general3A_69 = arith.constant dense<0.000000e+00> : vector<1000x128xf32>
    %dot_general3A_70 = tpu.matmul %add3A_63, %get3A_68, %dot_general3A_69 {dimension_numbers = #tpu.dot_dimension_numbers<[1], [0], [0], [1], [0, 0, 1, 1], [], []>, transpose_lhs_hint = false} : vector<1000x128xf32>, vector<128x128xf32>, vector<1000x128xf32> -> vector<1000x128xf32>
    %swap3A_71 = arith.constant 0 : index
    %swap3A_72 = arith.constant 0 : index
    %swap3A_73 = vector.load %arg10[%swap3A_71, %swap3A_72] : memref<1000x128xf32, #tpu.memory_space<vmem>>, vector<1000x128xf32>
    tpu.vector_store %arg10[%swap3A_71, %swap3A_72], %dot_general3A_70 {strides = array<i32>} : memref<1000x128xf32, #tpu.memory_space<vmem>>, vector<1000x128xf32>,
    %swap3A_74 = arith.constant 0 : index
    %swap3A_75 = arith.constant 0 : index
    %swap3A_76 = vector.load %arg11[%swap3A_74, %swap3A_75] : memref<1000x128xf32, #tpu.memory_space<vmem>>, vector<1000x128xf32>
    tpu.vector_store %arg11[%swap3A_74, %swap3A_75], %dot_general3A_70 {strides = array<i32>} : memref<1000x128xf32, #tpu.memory_space<vmem>>, vector<1000x128xf32>,
    return
  }
  func.func @transform_0(%arg0: i32) -> (i32, i32, i32) {
    %c0_i32 = arith.constant 0 : i32
    %c0_i32_0 = arith.constant 0 : i32
    %c0_i32_1 = arith.constant 0 : i32
    return %c0_i32, %arg0, %c0_i32_0 : i32, i32, i32
  }
  func.func @transform_1(%arg0: i32) -> (i32, i32, i32) {
    %c0_i32 = arith.constant 0 : i32
    %c0_i32_0 = arith.constant 0 : i32
    %c0_i32_1 = arith.constant 0 : i32
    return %c0_i32, %arg0, %c0_i32_0 : i32, i32, i32
  }
  func.func @transform_2(%arg0: i32) -> (i32, i32) {
    %c0_i32 = arith.constant 0 : i32
    %c0_i32_0 = arith.constant 0 : i32
    return %arg0, %c0_i32 : i32, i32
  }
  func.func @transform_3(%arg0: i32) -> (i32, i32) {
    %c0_i32 = arith.constant 0 : i32
    %c0_i32_0 = arith.constant 0 : i32
    %c0_i32_1 = arith.constant 0 : i32
    return %c0_i32, %c0_i32_0 : i32, i32
  }
  func.func @transform_4(%arg0: i32) -> (i32, i32) {
    %c0_i32 = arith.constant 0 : i32
    %c0_i32_0 = arith.constant 0 : i32
    %c0_i32_1 = arith.constant 0 : i32
    return %c0_i32, %c0_i32_0 : i32, i32
  }
  func.func @transform_5(%arg0: i32) -> (i32, i32) {
    %c0_i32 = arith.constant 0 : i32
    %c0_i32_0 = arith.constant 0 : i32
    %c0_i32_1 = arith.constant 0 : i32
    return %c0_i32, %c0_i32_0 : i32, i32
  }
  func.func @transform_6(%arg0: i32) -> (i32, i32) {
    %c0_i32 = arith.constant 0 : i32
    %c0_i32_0 = arith.constant 0 : i32
    %c0_i32_1 = arith.constant 0 : i32
    return %c0_i32, %c0_i32_0 : i32, i32
  }
  func.func @transform_7(%arg0: i32) -> (i32, i32) {
    %c0_i32 = arith.constant 0 : i32
    %c0_i32_0 = arith.constant 0 : i32
    %c0_i32_1 = arith.constant 0 : i32
    return %c0_i32, %c0_i32_0 : i32, i32
  }
  func.func @transform_8(%arg0: i32) -> (i32, i32) {
    %c0_i32 = arith.constant 0 : i32
    %c0_i32_0 = arith.constant 0 : i32
    return %arg0, %c0_i32 : i32, i32
  }
  func.func @transform_9(%arg0: i32) -> (i32, i32) {
    %c0_i32 = arith.constant 0 : i32
    %c0_i32_0 = arith.constant 0 : i32
    return %arg0, %c0_i32 : i32, i32
  }
  func.func @transform_10(%arg0: i32) -> (i32, i32) {
    %c0_i32 = arith.constant 0 : i32
    %c0_i32_0 = arith.constant 0 : i32
    return %arg0, %c0_i32 : i32, i32
  }
}

module attributes {stable_mosaic.version = 14 : i64} {
  func.func @_gru_pool_body(%arg0: i32, %arg1: memref<2x1000x128xf32, #tpu.memory_space<vmem>>, %arg2: memref<2x1000x128xf32, #tpu.memory_space<vmem>>, %arg3: memref<1000x128xf32, #tpu.memory_space<vmem>>, %arg4: memref<128x384xf32, #tpu.memory_space<vmem>>, %arg5: memref<128x384xf32, #tpu.memory_space<vmem>>, %arg6: memref<1x384xf32, #tpu.memory_space<vmem>>, %arg7: memref<1x384xf32, #tpu.memory_space<vmem>>, %arg8: memref<1000x1xi32, #tpu.memory_space<vmem>>, %arg9: memref<64x128xf32, #tpu.memory_space<vmem>>, %arg10: memref<64x128xf32, #tpu.memory_space<vmem>>) attributes {dimension_semantics = [#tpu.dimension_semantics<arbitrary>], iteration_bounds = array<i64: 10>, scalar_prefetch = 0 : i64, scratch_operands = 0 : i64, tpu.core_type = #tpu.core_type<tc>, window_params = [{transform_indices = @transform_0, window_bounds = array<i64: 2, 1000, 128>}, {transform_indices = @transform_1, window_bounds = array<i64: 2, 1000, 128>}, {transform_indices = @transform_2, window_bounds = array<i64: 1000, 128>}, {pipeline_mode = #tpu.pipeline_mode<synchronous>, transform_indices = @transform_3, window_bounds = array<i64: 128, 384>}, {pipeline_mode = #tpu.pipeline_mode<synchronous>, transform_indices = @transform_4, window_bounds = array<i64: 128, 384>}, {pipeline_mode = #tpu.pipeline_mode<synchronous>, transform_indices = @transform_5, window_bounds = array<i64: 1, 384>}, {pipeline_mode = #tpu.pipeline_mode<synchronous>, transform_indices = @transform_6, window_bounds = array<i64: 1, 384>}, {transform_indices = @transform_7, window_bounds = array<i64: 1000, 1>}, {pipeline_mode = #tpu.pipeline_mode<synchronous>, transform_indices = @transform_8, window_bounds = array<i64: 64, 128>}, {pipeline_mode = #tpu.pipeline_mode<synchronous>, transform_indices = @transform_9, window_bounds = array<i64: 64, 128>}]} {
    %get3A = arith.constant 0 : index
    %get3A_0 = arith.constant 0 : index
    %get3A_1 = arith.constant 0 : index
    %get3A_2 = vector.load %arg1[%get3A, %get3A_0, %get3A_1] : memref<2x1000x128xf32, #tpu.memory_space<vmem>>, vector<2x1000x128xf32>
    %get3A_3 = arith.constant 0 : index
    %get3A_4 = arith.constant 0 : index
    %get3A_5 = arith.constant 0 : index
    %get3A_6 = vector.load %arg2[%get3A_3, %get3A_4, %get3A_5] : memref<2x1000x128xf32, #tpu.memory_space<vmem>>, vector<2x1000x128xf32>
    %get3A_7 = arith.constant 0 : index
    %get3A_8 = arith.constant 0 : index
    %get3A_9 = vector.load %arg3[%get3A_7, %get3A_8] : memref<1000x128xf32, #tpu.memory_space<vmem>>, vector<1000x128xf32>
    %get3A_10 = arith.constant 0 : index
    %get3A_11 = arith.constant 0 : index
    %get3A_12 = vector.load %arg4[%get3A_10, %get3A_11] : memref<128x384xf32, #tpu.memory_space<vmem>>, vector<128x384xf32>
    %get3A_13 = arith.constant 0 : index
    %get3A_14 = arith.constant 0 : index
    %get3A_15 = vector.load %arg5[%get3A_13, %get3A_14] : memref<128x384xf32, #tpu.memory_space<vmem>>, vector<128x384xf32>
    %get3A_16 = arith.constant 0 : index
    %get3A_17 = arith.constant 0 : index
    %get3A_18 = vector.load %arg6[%get3A_16, %get3A_17] : memref<1x384xf32, #tpu.memory_space<vmem>>, vector<1x384xf32>
    %get3A_19 = arith.constant 0 : index
    %get3A_20 = arith.constant 0 : index
    %get3A_21 = vector.load %arg7[%get3A_19, %get3A_20] : memref<1x384xf32, #tpu.memory_space<vmem>>, vector<1x384xf32>
    %slice3A = vector.extract_strided_slice %get3A_6 {offsets = [0, 0, 0], sizes = [1, 1000, 1], strides = [1, 1, 1]} : vector<2x1000x128xf32> to vector<1x1000x1xf32>
    %squeeze3A = vector.shape_cast %slice3A : vector<1x1000x1xf32> to vector<1000x1xf32>
    %slice3A_22 = vector.extract_strided_slice %get3A_6 {offsets = [1, 0, 0], sizes = [1, 1000, 1], strides = [1, 1, 1]} : vector<2x1000x128xf32> to vector<1x1000x1xf32>
    %squeeze3A_23 = vector.shape_cast %slice3A_22 : vector<1x1000x1xf32> to vector<1000x1xf32>
    %add3A = arith.addf %squeeze3A, %squeeze3A_23 : vector<1000x1xf32>
    %max3A = arith.constant 1.000000e+00 : f32
    %max3A_24 = vector.broadcast %max3A : f32 to vector<1000x1xf32>
    %max3A_25 = arith.maximumf %add3A, %max3A_24 : vector<1000x1xf32>
    %slice3A_26 = vector.extract_strided_slice %get3A_2 {offsets = [0, 0, 0], sizes = [1, 1000, 128], strides = [1, 1, 1]} : vector<2x1000x128xf32> to vector<1x1000x128xf32>
    %squeeze3A_27 = vector.shape_cast %slice3A_26 : vector<1x1000x128xf32> to vector<1000x128xf32>
    %slice3A_28 = vector.extract_strided_slice %get3A_2 {offsets = [1, 0, 0], sizes = [1, 1000, 128], strides = [1, 1, 1]} : vector<2x1000x128xf32> to vector<1x1000x128xf32>
    %squeeze3A_29 = vector.shape_cast %slice3A_28 : vector<1x1000x128xf32> to vector<1000x128xf32>
    %add3A_30 = arith.addf %squeeze3A_27, %squeeze3A_29 : vector<1000x128xf32>
    %div3A = vector.broadcast %max3A_25 : vector<1000x1xf32> to vector<1000x128xf32>
    %div3A_31 = arith.divf %add3A_30, %div3A : vector<1000x128xf32>
    %dot_general3A = arith.constant dense<0.000000e+00> : vector<1000x384xf32>
    %dot_general3A_32 = tpu.matmul %div3A_31, %get3A_12, %dot_general3A {dimension_numbers = #tpu.dot_dimension_numbers<[1], [0], [0], [1], [0, 0, 1, 1], [], []>, transpose_lhs_hint = false} : vector<1000x128xf32>, vector<128x384xf32>, vector<1000x384xf32> -> vector<1000x384xf32>
    %add3A_33 = vector.broadcast %get3A_18 : vector<1x384xf32> to vector<1000x384xf32>
    %add3A_34 = arith.addf %dot_general3A_32, %add3A_33 : vector<1000x384xf32>
    %dot_general3A_35 = arith.constant dense<0.000000e+00> : vector<1000x384xf32>
    %dot_general3A_36 = tpu.matmul %get3A_9, %get3A_15, %dot_general3A_35 {dimension_numbers = #tpu.dot_dimension_numbers<[1], [0], [0], [1], [0, 0, 1, 1], [], []>, transpose_lhs_hint = false} : vector<1000x128xf32>, vector<128x384xf32>, vector<1000x384xf32> -> vector<1000x384xf32>
    %add3A_37 = vector.broadcast %get3A_21 : vector<1x384xf32> to vector<1000x384xf32>
    %add3A_38 = arith.addf %dot_general3A_36, %add3A_37 : vector<1000x384xf32>
    %slice3A_39 = vector.extract_strided_slice %add3A_34 {offsets = [0, 0], sizes = [1000, 128], strides = [1, 1]} : vector<1000x384xf32> to vector<1000x128xf32>
    %slice3A_40 = vector.extract_strided_slice %add3A_38 {offsets = [0, 0], sizes = [1000, 128], strides = [1, 1]} : vector<1000x384xf32> to vector<1000x128xf32>
    %add3A_41 = arith.addf %slice3A_39, %slice3A_40 : vector<1000x128xf32>
    %logistic3A = arith.negf %add3A_41 : vector<1000x128xf32>
    %logistic3A_42 = math.exp %logistic3A : vector<1000x128xf32>
    %logistic3A_43 = arith.constant 1.000000e+00 : f32
    %logistic3A_44 = vector.broadcast %logistic3A_43 : f32 to vector<1000x128xf32>
    %logistic3A_45 = arith.addf %logistic3A_44, %logistic3A_42 : vector<1000x128xf32>
    %logistic3A_46 = arith.divf %logistic3A_44, %logistic3A_45 : vector<1000x128xf32>
    %slice3A_47 = vector.extract_strided_slice %add3A_34 {offsets = [0, 128], sizes = [1000, 128], strides = [1, 1]} : vector<1000x384xf32> to vector<1000x128xf32>
    %slice3A_48 = vector.extract_strided_slice %add3A_38 {offsets = [0, 128], sizes = [1000, 128], strides = [1, 1]} : vector<1000x384xf32> to vector<1000x128xf32>
    %add3A_49 = arith.addf %slice3A_47, %slice3A_48 : vector<1000x128xf32>
    %logistic3A_50 = arith.negf %add3A_49 : vector<1000x128xf32>
    %logistic3A_51 = math.exp %logistic3A_50 : vector<1000x128xf32>
    %logistic3A_52 = arith.constant 1.000000e+00 : f32
    %logistic3A_53 = vector.broadcast %logistic3A_52 : f32 to vector<1000x128xf32>
    %logistic3A_54 = arith.addf %logistic3A_53, %logistic3A_51 : vector<1000x128xf32>
    %logistic3A_55 = arith.divf %logistic3A_53, %logistic3A_54 : vector<1000x128xf32>
    %slice3A_56 = vector.extract_strided_slice %add3A_34 {offsets = [0, 256], sizes = [1000, 128], strides = [1, 1]} : vector<1000x384xf32> to vector<1000x128xf32>
    %slice3A_57 = vector.extract_strided_slice %add3A_38 {offsets = [0, 256], sizes = [1000, 128], strides = [1, 1]} : vector<1000x384xf32> to vector<1000x128xf32>
    %mul3A = arith.mulf %logistic3A_46, %slice3A_57 : vector<1000x128xf32>
    %add3A_58 = arith.addf %slice3A_56, %mul3A : vector<1000x128xf32>
    %tanh3A = math.tanh %add3A_58 : vector<1000x128xf32>
    %sub3A = arith.constant 1.000000e+00 : f32
    %sub3A_59 = vector.broadcast %sub3A : f32 to vector<1000x128xf32>
    %sub3A_60 = arith.subf %sub3A_59, %logistic3A_55 : vector<1000x128xf32>
    %mul3A_61 = arith.mulf %sub3A_60, %tanh3A : vector<1000x128xf32>
    %mul3A_62 = arith.mulf %logistic3A_55, %get3A_9 : vector<1000x128xf32>
    %add3A_63 = arith.addf %mul3A_61, %mul3A_62 : vector<1000x128xf32>
    %max3A_64 = arith.constant 0.000000e+00 : f32
    %max3A_65 = vector.broadcast %max3A_64 : f32 to vector<1000x128xf32>
    %max3A_66 = arith.maximumf %add3A_63, %max3A_65 : vector<1000x128xf32>
    %get3A_67 = arith.constant 0 : index
    %get3A_68 = arith.constant 0 : index
    %get3A_69 = vector.load %arg8[%get3A_67, %get3A_68] : memref<1000x1xi32, #tpu.memory_space<vmem>>, vector<1000x1xi32>
    %iota3A = tpu.iota {dimensions = array<i32: 1>} : vector<1000x64xi32>
    %eq3A = vector.broadcast %get3A_69 : vector<1000x1xi32> to vector<1000x64xi32>
    %eq3A_70 = arith.cmpi eq, %iota3A, %eq3A : vector<1000x64xi32>
    %convert_element_type3A = arith.extui %eq3A_70 : vector<1000x64xi1> to vector<1000x64xi32>
    %convert_element_type3A_71 = arith.sitofp %convert_element_type3A : vector<1000x64xi32> to vector<1000x64xf32>
    %dot_general3A_72 = arith.constant dense<0.000000e+00> : vector<64x128xf32>
    %dot_general3A_73 = tpu.matmul %convert_element_type3A_71, %max3A_66, %dot_general3A_72 {dimension_numbers = #tpu.dot_dimension_numbers<[0], [0], [1], [1], [0, 1, 1, 1], [], []>, transpose_lhs_hint = false} : vector<1000x64xf32>, vector<1000x128xf32>, vector<64x128xf32> -> vector<64x128xf32>
    %reduce_sum3A = arith.constant dense<0.000000e+00> : vector<64xf32>
    %reduce_sum3A_74 = vector.multi_reduction <add>, %convert_element_type3A_71, %reduce_sum3A [0] : vector<1000x64xf32> to vector<64xf32>
    %eq3A_75 = arith.constant 0 : i32
    %eq3A_76 = arith.cmpi eq, %arg0, %eq3A_75 : i32
    %convert_element_type3A_77 = arith.extui %eq3A_76 : i1 to i32
    %cond3A = arith.constant 0 : i32
    %cond3A_78 = arith.cmpi ne, %convert_element_type3A_77, %cond3A : i32
    scf.if %cond3A_78 {
      %broadcast_in_dim3A_93 = arith.constant 0.000000e+00 : f32
      %broadcast_in_dim3A_94 = vector.broadcast %broadcast_in_dim3A_93 : f32 to vector<64x128xf32>
      %swap3A_95 = arith.constant 0 : index
      %swap3A_96 = arith.constant 0 : index
      %swap3A_97 = vector.load %arg9[%swap3A_95, %swap3A_96] : memref<64x128xf32, #tpu.memory_space<vmem>>, vector<64x128xf32>
      tpu.vector_store %arg9[%swap3A_95, %swap3A_96], %broadcast_in_dim3A_94 {strides = array<i32>} : memref<64x128xf32, #tpu.memory_space<vmem>>, vector<64x128xf32>,
      %broadcast_in_dim3A_98 = arith.constant 0.000000e+00 : f32
      %broadcast_in_dim3A_99 = vector.broadcast %broadcast_in_dim3A_98 : f32 to vector<64x128xf32>
      %swap3A_100 = arith.constant 0 : index
      %swap3A_101 = arith.constant 0 : index
      %swap3A_102 = vector.load %arg10[%swap3A_100, %swap3A_101] : memref<64x128xf32, #tpu.memory_space<vmem>>, vector<64x128xf32>
      tpu.vector_store %arg10[%swap3A_100, %swap3A_101], %broadcast_in_dim3A_99 {strides = array<i32>} : memref<64x128xf32, #tpu.memory_space<vmem>>, vector<64x128xf32>,
    } else {
    }
    %get3A_79 = arith.constant 0 : index
    %get3A_80 = arith.constant 0 : index
    %get3A_81 = vector.load %arg9[%get3A_79, %get3A_80] : memref<64x128xf32, #tpu.memory_space<vmem>>, vector<64x128xf32>
    %add3A_82 = arith.addf %get3A_81, %dot_general3A_73 : vector<64x128xf32>
    %swap3A = arith.constant 0 : index
    %swap3A_83 = arith.constant 0 : index
    %swap3A_84 = vector.load %arg9[%swap3A, %swap3A_83] : memref<64x128xf32, #tpu.memory_space<vmem>>, vector<64x128xf32>
    tpu.vector_store %arg9[%swap3A, %swap3A_83], %add3A_82 {strides = array<i32>} : memref<64x128xf32, #tpu.memory_space<vmem>>, vector<64x128xf32>,
    %get3A_85 = arith.constant 0 : index
    %get3A_86 = arith.constant 0 : index
    %get3A_87 = vector.load %arg10[%get3A_85, %get3A_86] : memref<64x128xf32, #tpu.memory_space<vmem>>, vector<64x128xf32>
    %broadcast_in_dim3A = vector.shape_cast %reduce_sum3A_74 : vector<64xf32> to vector<64x1xf32>
    %add3A_88 = vector.broadcast %broadcast_in_dim3A : vector<64x1xf32> to vector<64x128xf32>
    %add3A_89 = arith.addf %get3A_87, %add3A_88 : vector<64x128xf32>
    %swap3A_90 = arith.constant 0 : index
    %swap3A_91 = arith.constant 0 : index
    %swap3A_92 = vector.load %arg10[%swap3A_90, %swap3A_91] : memref<64x128xf32, #tpu.memory_space<vmem>>, vector<64x128xf32>
    tpu.vector_store %arg10[%swap3A_90, %swap3A_91], %add3A_89 {strides = array<i32>} : memref<64x128xf32, #tpu.memory_space<vmem>>, vector<64x128xf32>,
    return
  }
  func.func @transform_0(%arg0: i32) -> (i32, i32, i32) {
    %c0_i32 = arith.constant 0 : i32
    %c0_i32_0 = arith.constant 0 : i32
    %c0_i32_1 = arith.constant 0 : i32
    return %c0_i32, %arg0, %c0_i32_0 : i32, i32, i32
  }
  func.func @transform_1(%arg0: i32) -> (i32, i32, i32) {
    %c0_i32 = arith.constant 0 : i32
    %c0_i32_0 = arith.constant 0 : i32
    %c0_i32_1 = arith.constant 0 : i32
    return %c0_i32, %arg0, %c0_i32_0 : i32, i32, i32
  }
  func.func @transform_2(%arg0: i32) -> (i32, i32) {
    %c0_i32 = arith.constant 0 : i32
    %c0_i32_0 = arith.constant 0 : i32
    return %arg0, %c0_i32 : i32, i32
  }
  func.func @transform_3(%arg0: i32) -> (i32, i32) {
    %c0_i32 = arith.constant 0 : i32
    %c0_i32_0 = arith.constant 0 : i32
    %c0_i32_1 = arith.constant 0 : i32
    return %c0_i32, %c0_i32_0 : i32, i32
  }
  func.func @transform_4(%arg0: i32) -> (i32, i32) {
    %c0_i32 = arith.constant 0 : i32
    %c0_i32_0 = arith.constant 0 : i32
    %c0_i32_1 = arith.constant 0 : i32
    return %c0_i32, %c0_i32_0 : i32, i32
  }
  func.func @transform_5(%arg0: i32) -> (i32, i32) {
    %c0_i32 = arith.constant 0 : i32
    %c0_i32_0 = arith.constant 0 : i32
    %c0_i32_1 = arith.constant 0 : i32
    return %c0_i32, %c0_i32_0 : i32, i32
  }
  func.func @transform_6(%arg0: i32) -> (i32, i32) {
    %c0_i32 = arith.constant 0 : i32
    %c0_i32_0 = arith.constant 0 : i32
    %c0_i32_1 = arith.constant 0 : i32
    return %c0_i32, %c0_i32_0 : i32, i32
  }
  func.func @transform_7(%arg0: i32) -> (i32, i32) {
    %c0_i32 = arith.constant 0 : i32
    %c0_i32_0 = arith.constant 0 : i32
    return %arg0, %c0_i32 : i32, i32
  }
  func.func @transform_8(%arg0: i32) -> (i32, i32) {
    %c0_i32 = arith.constant 0 : i32
    %c0_i32_0 = arith.constant 0 : i32
    %c0_i32_1 = arith.constant 0 : i32
    return %c0_i32, %c0_i32_0 : i32, i32
  }
  func.func @transform_9(%arg0: i32) -> (i32, i32) {
    %c0_i32 = arith.constant 0 : i32
    %c0_i32_0 = arith.constant 0 : i32
    %c0_i32_1 = arith.constant 0 : i32
    return %c0_i32, %c0_i32_0 : i32, i32
  }
}

module attributes {stable_mosaic.version = 14 : i64} {
  func.func @_head_body(%arg0: memref<64x128xf32, #tpu.memory_space<vmem>>, %arg1: memref<64x128xf32, #tpu.memory_space<vmem>>, %arg2: memref<128x64xf32, #tpu.memory_space<vmem>>, %arg3: memref<1x64xf32, #tpu.memory_space<vmem>>, %arg4: memref<64x32xf32, #tpu.memory_space<vmem>>, %arg5: memref<1x32xf32, #tpu.memory_space<vmem>>, %arg6: memref<32x32xf32, #tpu.memory_space<vmem>>, %arg7: memref<1x32xf32, #tpu.memory_space<vmem>>, %arg8: memref<32x6xf32, #tpu.memory_space<vmem>>, %arg9: memref<1x6xf32, #tpu.memory_space<vmem>>, %arg10: memref<64x6xf32, #tpu.memory_space<vmem>>) attributes {dimension_semantics = [], scalar_prefetch = 0 : i64, scratch_operands = 0 : i64, tpu.core_type = #tpu.core_type<tc>} {
    %get3A = arith.constant 0 : index
    %get3A_0 = arith.constant 0 : index
    %get3A_1 = vector.load %arg0[%get3A, %get3A_0] : memref<64x128xf32, #tpu.memory_space<vmem>>, vector<64x128xf32>
    %get3A_2 = arith.constant 0 : index
    %get3A_3 = arith.constant 0 : index
    %get3A_4 = vector.load %arg1[%get3A_2, %get3A_3] : memref<64x128xf32, #tpu.memory_space<vmem>>, vector<64x128xf32>
    %max3A = arith.constant 1.000000e+00 : f32
    %max3A_5 = vector.broadcast %max3A : f32 to vector<64x128xf32>
    %max3A_6 = arith.maximumf %get3A_4, %max3A_5 : vector<64x128xf32>
    %div3A = arith.divf %get3A_1, %max3A_6 : vector<64x128xf32>
    %get3A_7 = arith.constant 0 : index
    %get3A_8 = arith.constant 0 : index
    %get3A_9 = vector.load %arg2[%get3A_7, %get3A_8] : memref<128x64xf32, #tpu.memory_space<vmem>>, vector<128x64xf32>
    %dot_general3A = arith.constant dense<0.000000e+00> : vector<64x64xf32>
    %dot_general3A_10 = tpu.matmul %div3A, %get3A_9, %dot_general3A {dimension_numbers = #tpu.dot_dimension_numbers<[1], [0], [0], [1], [0, 0, 1, 1], [], []>, transpose_lhs_hint = false} : vector<64x128xf32>, vector<128x64xf32>, vector<64x64xf32> -> vector<64x64xf32>
    %get3A_11 = arith.constant 0 : index
    %get3A_12 = arith.constant 0 : index
    %get3A_13 = vector.load %arg3[%get3A_11, %get3A_12] : memref<1x64xf32, #tpu.memory_space<vmem>>, vector<1x64xf32>
    %add3A = vector.broadcast %get3A_13 : vector<1x64xf32> to vector<64x64xf32>
    %add3A_14 = arith.addf %dot_general3A_10, %add3A : vector<64x64xf32>
    %max3A_15 = arith.constant 0.000000e+00 : f32
    %max3A_16 = vector.broadcast %max3A_15 : f32 to vector<64x64xf32>
    %max3A_17 = arith.maximumf %add3A_14, %max3A_16 : vector<64x64xf32>
    %get3A_18 = arith.constant 0 : index
    %get3A_19 = arith.constant 0 : index
    %get3A_20 = vector.load %arg4[%get3A_18, %get3A_19] : memref<64x32xf32, #tpu.memory_space<vmem>>, vector<64x32xf32>
    %dot_general3A_21 = arith.constant dense<0.000000e+00> : vector<64x32xf32>
    %dot_general3A_22 = tpu.matmul %max3A_17, %get3A_20, %dot_general3A_21 {dimension_numbers = #tpu.dot_dimension_numbers<[1], [0], [0], [1], [0, 0, 1, 1], [], []>, transpose_lhs_hint = false} : vector<64x64xf32>, vector<64x32xf32>, vector<64x32xf32> -> vector<64x32xf32>
    %get3A_23 = arith.constant 0 : index
    %get3A_24 = arith.constant 0 : index
    %get3A_25 = vector.load %arg5[%get3A_23, %get3A_24] : memref<1x32xf32, #tpu.memory_space<vmem>>, vector<1x32xf32>
    %add3A_26 = vector.broadcast %get3A_25 : vector<1x32xf32> to vector<64x32xf32>
    %add3A_27 = arith.addf %dot_general3A_22, %add3A_26 : vector<64x32xf32>
    %max3A_28 = arith.constant 0.000000e+00 : f32
    %max3A_29 = vector.broadcast %max3A_28 : f32 to vector<64x32xf32>
    %max3A_30 = arith.maximumf %add3A_27, %max3A_29 : vector<64x32xf32>
    %get3A_31 = arith.constant 0 : index
    %get3A_32 = arith.constant 0 : index
    %get3A_33 = vector.load %arg6[%get3A_31, %get3A_32] : memref<32x32xf32, #tpu.memory_space<vmem>>, vector<32x32xf32>
    %dot_general3A_34 = arith.constant dense<0.000000e+00> : vector<64x32xf32>
    %dot_general3A_35 = tpu.matmul %max3A_30, %get3A_33, %dot_general3A_34 {dimension_numbers = #tpu.dot_dimension_numbers<[1], [0], [0], [1], [0, 0, 1, 1], [], []>, transpose_lhs_hint = false} : vector<64x32xf32>, vector<32x32xf32>, vector<64x32xf32> -> vector<64x32xf32>
    %get3A_36 = arith.constant 0 : index
    %get3A_37 = arith.constant 0 : index
    %get3A_38 = vector.load %arg7[%get3A_36, %get3A_37] : memref<1x32xf32, #tpu.memory_space<vmem>>, vector<1x32xf32>
    %add3A_39 = vector.broadcast %get3A_38 : vector<1x32xf32> to vector<64x32xf32>
    %add3A_40 = arith.addf %dot_general3A_35, %add3A_39 : vector<64x32xf32>
    %max3A_41 = arith.constant 0.000000e+00 : f32
    %max3A_42 = vector.broadcast %max3A_41 : f32 to vector<64x32xf32>
    %max3A_43 = arith.maximumf %add3A_40, %max3A_42 : vector<64x32xf32>
    %get3A_44 = arith.constant 0 : index
    %get3A_45 = arith.constant 0 : index
    %get3A_46 = vector.load %arg8[%get3A_44, %get3A_45] : memref<32x6xf32, #tpu.memory_space<vmem>>, vector<32x6xf32>
    %dot_general3A_47 = arith.constant dense<0.000000e+00> : vector<64x6xf32>
    %dot_general3A_48 = tpu.matmul %max3A_43, %get3A_46, %dot_general3A_47 {dimension_numbers = #tpu.dot_dimension_numbers<[1], [0], [0], [1], [0, 0, 1, 1], [], []>, transpose_lhs_hint = false} : vector<64x32xf32>, vector<32x6xf32>, vector<64x6xf32> -> vector<64x6xf32>
    %get3A_49 = arith.constant 0 : index
    %get3A_50 = arith.constant 0 : index
    %get3A_51 = vector.load %arg9[%get3A_49, %get3A_50] : memref<1x6xf32, #tpu.memory_space<vmem>>, vector<1x6xf32>
    %add3A_52 = vector.broadcast %get3A_51 : vector<1x6xf32> to vector<64x6xf32>
    %add3A_53 = arith.addf %dot_general3A_48, %add3A_52 : vector<64x6xf32>
    %reduce_max3A = arith.constant dense<0xFF800000> : vector<64xf32>
    %reduce_max3A_54 = vector.multi_reduction <maximumf>, %add3A_53, %reduce_max3A [1] : vector<64x6xf32> to vector<64xf32>
    %broadcast_in_dim3A = vector.shape_cast %reduce_max3A_54 : vector<64xf32> to vector<64x1xf32>
    %sub3A = vector.broadcast %broadcast_in_dim3A : vector<64x1xf32> to vector<64x6xf32>
    %sub3A_55 = arith.subf %add3A_53, %sub3A : vector<64x6xf32>
    %exp3A = math.exp %sub3A_55 : vector<64x6xf32>
    %reduce_sum3A = arith.constant dense<0.000000e+00> : vector<64xf32>
    %reduce_sum3A_56 = vector.multi_reduction <add>, %exp3A, %reduce_sum3A [1] : vector<64x6xf32> to vector<64xf32>
    %broadcast_in_dim3A_57 = vector.shape_cast %reduce_sum3A_56 : vector<64xf32> to vector<64x1xf32>
    %log3A = math.log %broadcast_in_dim3A_57 : vector<64x1xf32>
    %add3A_58 = arith.addf %log3A, %broadcast_in_dim3A : vector<64x1xf32>
    %sub3A_59 = vector.broadcast %add3A_58 : vector<64x1xf32> to vector<64x6xf32>
    %sub3A_60 = arith.subf %add3A_53, %sub3A_59 : vector<64x6xf32>
    %swap3A = arith.constant 0 : index
    %swap3A_61 = arith.constant 0 : index
    %swap3A_62 = vector.load %arg10[%swap3A, %swap3A_61] : memref<64x6xf32, #tpu.memory_space<vmem>>, vector<64x6xf32>
    tpu.vector_store %arg10[%swap3A, %swap3A_61], %sub3A_60 {strides = array<i32>} : memref<64x6xf32, #tpu.memory_space<vmem>>, vector<64x6xf32>,
    return
  }
}

</mosaic_0001>

<sc_bundles>
// kernel: kernel.12.cloned.1.call-start
scs
__scs_entry_jumppad:
0x0: {  	(pc) =	sbr.rel $0x88, $3  }
0x1: {  	(tag) =	ssettag $0x0;
	lr =	simm.s32 $0x1  }
0x2: {  	[smem:$0x3F8D] =	sst lr;
	_ =	strace $0xD0000000  }
0x3: {  	_ = 	snop  }
0x4: {  	_ = 	snop  }
0x5: {  	_ = 	snop  }
0x6: {  	_ = 	snop  }
0x7: {  	_ = 	snop  }
__scs_overlays_trampoline_lowered:
0x8: {  	[smem:$0x3F9C] =	sst s0  }
0x9: {  	[smem:$0x3F9D] =	sst s1  }
0xa: {  	[smem:$0x3F9E] =	sst s2  }
0xb: {  	[smem:$0x3F9F] =	sst s3  }
0xc: {  	[smem:$0x3FA0] =	sst s4  }
0xd: {  	[smem:$0x3FA1] =	sst s5  }
0xe: {  	[smem:$0x3FA2] =	sst s6  }
0xf: {  	[smem:$0x3FA3] =	sst s7  }
0x10: {  	[smem:$0x3FA4] =	sst s8  }
0x11: {  	[smem:$0x3FA5] =	sst s9;
	s0 =	simm.s32 @!p0 $0x0  }
0x12: {  	s1 =	sld [smem:$0x3F8B];
	s0 =	simm.s32 @p0 $0x1  }
0x13: {  	[smem:$0x3FA6] =	sst s0;
	s0 =	simm.s32 @!p1 $0x0  }
0x14: {  	s2 =	sld [smem:$0x3F8A];
	s0 =	simm.s32 @p1 $0x1  }
0x15: {  	[smem:$0x3FA7] =	sst s0;
	s0 =	simm.s32 @!p2 $0x0  }
0x16: {  	s3 =	sld [smem:$0x3FDB];
	s0 =	simm.s32 @p2 $0x1  }
0x17: {  	s4 =	simm.s32 $0x1BF5;
	[smem:$0x3FA9] =	sst s0  }
0x18: {  	s0 =	sld [smem:$0x3F8C];
	_ =	swait.ge [sflag:s4], $0x0  }
0x19: {  	s7 =	sld [smem:$0x3F8D]  }
0x1a: {  	s8 =	sadd.s32 $0xFFFFE003, lr  }
0x1b: {  	s9 =	sadd.s32 $0xFFFFFEF7, lr;
	s5 =	simm.s32 $0xFFFFFFFF;
	p2 =	slt.u32 s8, $0xFFFFF086  }
0x1c: {  	p1 =	slt.u32 s9, $0xF7A;
	s5 =	simm.s32 @!p2 $0x0  }
0x1d: {  	s5 =	simm.s32 @p1 $0x1;
	p0 =	seq.s32 s7, s2  }
0x1e: {  	s7 =	smul.u32 @!p0 $0xF7A, s2;
	p2 =	seq.s32 @!p0 s5, $0x0  }
0x1f: {  	s9 =	smul.u32 $0xF7A, s1;
	s8 =	simm.s32 @!p0 $0x1BF5;
	p2 =	por !p2, p0  }
0x20: {  	[sflag:s8] =	ssyncset.s32 @!p0 $0xFFFFF086;
	s6 =	sadd.s32 @!p0 s3, s7;
	s7 =	simm.s32 @!p0 $0x108  }
0x21: {  	s3 =	sadd.s32 s3, s9;
	s6 =	sadd.s32 @!p0 $0x88, s6;
	s7 =	simm.s32 @p2 $0x1082  }
0x22: {  	[simem:s7], [sflag:s8] =	dma.local @!p0 [hbm:s6], $0xF7A  }
0x23: {  	s9 =	sor.u32 $0xD0000000, s2;
	s6 =	simm.s32 $0x108;
	_ =	swait.ge @!p0 [sflag:s8], $0x0  }
0x24: {  	s3 =	sadd.s32 $0x88, s3;
	s6 =	simm.s32 @!p1 $0x1082;
	[sflag:s4] =	ssyncset.s32 $0xFFFFF086  }
0x25: {  	[simem:s6], [sflag:s4] =	dma.local [hbm:s3], $0xF7A  }
0x26: {  	[smem:$0x3F8D] =	sst s1;
	(tag) =	ssettag s2;
	_ =	strace s9  }
0x27: {  	s1 =	sld [smem:$0x3F9D]  }
0x28: {  	s2 =	sld [smem:$0x3F9E]  }
0x29: {  	s4 =	sld [smem:$0x3FA0]  }
0x2a: {  	p0 =	seq.s32 s5, $0x0;
	s5 =	sld [smem:$0x3FA1]  }
0x2b: {  	s6 =	sld [smem:$0x3FA2]  }
0x2c: {  	s7 =	sld [smem:$0x3FA3]  }
0x2d: {  	s3 =	simm.s32 $0x108;
	s8 =	sld [smem:$0x3FA4]  }
0x2e: {  	s3 =	simm.s32 @!p0 $0x1082;
	s9 =	sld [smem:$0x3FA5]  }
0x2f: {  	lr =	sadd.s32 s0, s3;
	s0 =	sld [smem:$0x3F9C]  }
0x30: {  	s3 =	sld [smem:$0x3F9F]  }
0x31: {  	[smem:$0x3FA8] =	sst s10  }
0x32: {  	s10 =	sld [smem:$0x3FA6];
	_ =	sdelay $0x3  }
0x33: {  	p0 =	seq.s32 s10, $0x1;
	s10 =	sld [smem:$0x3FA8];
	_ =	sdelay $0x3  }
0x34: {  	[smem:$0x3FA8] =	sst s10  }
0x35: {  	s10 =	sld [smem:$0x3FA7];
	_ =	sdelay $0x3  }
0x36: {  	p1 =	seq.s32 s10, $0x1;
	s10 =	sld [smem:$0x3FA8];
	_ =	sdelay $0x3  }
0x37: {  	[smem:$0x3FA8] =	sst s10  }
0x38: {  	s10 =	sld [smem:$0x3FA9]  }
0x39: {  	_ = 	snop;
	(pc) =	sbr.ind lr, $3  }
0x3a: {  	_ = 	snop  }
0x3b: {  	_ = 	snop  }
0x3c: {  	p2 =	seq.s32 s10, $0x1;
	s10 =	sld [smem:$0x3FA8]  }
0x3d: {  	_ =	shalt  }
0x3e: {  	_ =	shalt  }
0x3f: {  	_ =	shalt  }
0x40: {  	_ =	shalt  }
0x41: {  	_ =	shalt  }
0x42: {  	_ =	shalt  }
0x43: {  	_ =	shalt  }
0x44: {  	_ =	shalt  }
0x45: {  	_ =	shalt  }
0x46: {  	_ =	shalt  }
0x47: {  	_ =	shalt  }
0x48: {  	_ =	shalt  }
0x49: {  	_ =	shalt  }
0x4a: {  	_ =	shalt  }
0x4b: {  	_ =	shalt  }
0x4c: {  	_ =	shalt  }
0x4d: {  	_ =	shalt  }
0x4e: {  	_ =	shalt  }
0x4f: {  	_ =	shalt  }
0x50: {  	_ =	shalt  }
0x51: {  	_ =	shalt  }
0x52: {  	_ =	shalt  }
0x53: {  	_ =	shalt  }
0x54: {  	_ =	shalt  }
0x55: {  	_ =	shalt  }
0x56: {  	_ =	shalt  }
0x57: {  	_ =	shalt  }
0x58: {  	_ =	shalt  }
0x59: {  	_ =	shalt  }
0x5a: {  	_ =	shalt  }
0x5b: {  	_ =	shalt  }
0x5c: {  	_ =	shalt  }
0x5d: {  	_ =	shalt  }
0x5e: {  	_ =	shalt  }
0x5f: {  	_ =	shalt  }
0x60: {  	_ =	shalt  }
0x61: {  	_ =	shalt  }
0x62: {  	_ =	shalt  }
0x63: {  	_ =	shalt  }
0x64: {  	_ =	shalt  }
0x65: {  	_ =	shalt  }
0x66: {  	_ =	shalt  }
0x67: {  	_ =	shalt  }
0x68: {  	_ =	shalt  }
0x69: {  	_ =	shalt  }
0x6a: {  	_ =	shalt  }
0x6b: {  	_ =	shalt  }
0x6c: {  	_ =	shalt  }
0x6d: {  	_ =	shalt  }
0x6e: {  	_ =	shalt  }
0x6f: {  	_ =	shalt  }
0x70: {  	_ =	shalt  }
0x71: {  	_ =	shalt  }
0x72: {  	_ =	shalt  }
0x73: {  	_ =	shalt  }
0x74: {  	_ =	shalt  }
0x75: {  	_ =	shalt  }
0x76: {  	_ =	shalt  }
0x77: {  	_ =	shalt  }
0x78: {  	_ =	shalt  }
0x79: {  	_ =	shalt  }
0x7a: {  	_ =	shalt  }
0x7b: {  	_ =	shalt  }
0x7c: {  	_ =	shalt  }
0x7d: {  	_ =	shalt  }
0x7e: {  	_ =	shalt  }
0x7f: {  	_ =	shalt  }
0x80: {  	_ =	shalt  }
0x81: {  	_ =	shalt  }
0x82: {  	_ =	shalt  }
0x83: {  	_ =	shalt  }
0x84: {  	_ =	shalt  }
0x85: {  	_ =	shalt  }
0x86: {  	_ =	shalt  }
0x87: {  	_ =	shalt  }
.Lfunc_end0:
.L_simem_size_0:
called_computation.1_lowered:
.L_overlay_start_0:
0x88: {  	s2 =	sld [smem:$0x3FD9]  }
0x89: {  	s3 =	sld [smem:$0x3FFE];
	_ =	sdelay $0x1  }
0x8a: {  	s1 =	srdreg.scid  }
0x8b: {  	s0 =	sand.u32 $0x1, s1  }
0x8c: {  	s16 =	sshll.u32 s0, $0xA;
	s2 =	sadd.s32 s3, s2  }
0x8d: {  	s2 =	sadd.s32 s2, s16  }
0x8e: {  	[smem:$0x3FB4] =	sst s2  }
0x8f: {  	_ = 	snop  }
0x90: {  	(tm) =	ssettm $0x1  }
0x91: {  	s17 =	sld [smem:$0x3FFB];
	_ =	sdelay $0x3  }
0x92: {  	_ =	strace s17  }
0x93: {  	s2 =	sld [smem:$0x3FFC];
	_ =	sdelay $0x3  }
0x94: {  	_ =	strace s2  }
0x95: {  	s2 =	sld [smem:$0x3FFD];
	_ =	sdelay $0x3  }
0x96: {  	_ =	strace s2  }
0x97: {  	_ =	strace $0x8FFFFFFF  }
0x98: {  	s18 =	sld [smem:$0x3FDB];
	_ =	sdelay $0x1  }
0x99: {  	s19 =	simm.s32 $_scs_section_size  }
0x9a: {  	s4 =	simm.s32 $_size__tile_overlayer_lowered;
	s5 =	simm.s32 $_tile_overlayer_lowered  }
0x9b: {  	s22 =	simm.s32 $0x1BFF;
	s21 =	sshll.u32 s5, $0x1;
	s2 =	sadd.s32 s19, s18  }
0x9c: {  	s6 =	simm.s32 $0x0;
	s20 =	sshll.u32 s4, $0x1;
	s4 =	sadd.s32 s21, s2  }
0x9d: {  	[timem:s6], [sflag:s22] =	dma.local [hbm:s4], s20  }
0x9e: {  	_ =	swait.ge [sflag:s22], s20  }
0x9f: {  	s3 =	ssub.s32 $0x0, s20;
	[sflag:s22] =	ssyncset.done $0x0  }
0xa0: {  	[sflag:s22] =	ssyncadd.s32 s3;
	_ =	sdelay $0x1  }
0xa1: {  	s23 =	simm.s32 $0x1B8B  }
0xa2: {  	_ =	swait.ge [sflag:s23], $0x1  }
0xa3: {  	[sflag:s23] =	ssyncset.done $0x0  }
0xa4: {  	s25 =	simm.s32 $0x1B8E;
	s24 =	sld [smem:$0x3FFE];
	[sflag:s23] =	ssyncadd.s32 $0xFFFFFFFF  }
0xa5: {  	s26 =	simm.s32 $execute0_lowered;
	[smem:$0x3FD2] =	sst s25  }
0xa6: {  	s4 =	sshll.u32 s26, $0x1;
	_ =	strace $0x80000046;
	[dreg:$0x1] =	wrdreg $0xFFFFFFFF  }
0xa7: {  	s28 =	simm.s32 $_size_execute0_lowered;
	s2 =	sadd.s32 s2, s4;
	[dreg:$0x0] =	wrdreg $0x0  }
0xa8: {  	s4 =	sshll.u32 s28, $0x1;
	[dreg:$0x2] =	wrdreg s2  }
0xa9: {  	[dreg:$0x3] =	wrdreg s4  }
0xaa: {  	[dreg:$0x4] =	wrdreg $0xC0  }
0xab: {  	_ =	task [dreg:s6], $0x5FFFF  }
0xac: {  	[dreg:$0x1] =	wrdreg $0xFFFFFFFF  }
0xad: {  	[dreg:$0x0] =	wrdreg $0x60  }
0xae: {  	[dreg:$0x2] =	wrdreg s24  }
0xaf: {  	[dreg:$0x3] =	wrdreg $0xC0000  }
0xb0: {  	[dreg:$0x4] =	wrdreg $0xA  }
0xb1: {  	_ =	task.clear_ibuf [dreg:s6], $0x5FFFF;
	_ =	strace $0x90000046  }
0xb2: {  	s29 =	simm.s32 $0xA;
	_ =	strace $0x80000048  }
0xb3: {  	_ =	swait.ge [sflag:s29], $0x1  }
0xb4: {  	[sflag:s29] =	ssyncadd.s32 $0xFFFFFFFF  }
0xb5: {  	_ =	strace $0x90000048  }
0xb6: {  	_ =	sfence  }
0xb7: {  	s30 =	sld [smem:$0x0];
	_ =	sdelay $0x2  }
0xb8: {  	s31 =	sshll.u32 s1, $0xD;
	s1 =	sshrl.u32 s1, $0x2  }
0xb9: {  	s3 =	sand.u32 $0x4000, s31;
	s1 =	sadd.s32 s1, s30  }
0xba: {  	s0 =	sor.u32 s3, s0;
	s1 =	sshll.u32 s1, $0x11  }
0xbb: {  	s0 =	sor.u32 s1, s0  }
0xbc: {  	s0 =	sadd.s32 $0x8F2B, s0  }
0xbd: {  	[sflag:s0] =	ssyncadd.remote.s32 $0x1  }
0xbe: {  	_ =	sfence.sel $0xFFFF  }
0xbf: {  	[dreg:$0x0] =	wrdreg $0xFFFFFFFF;
	(pc) =	sbr.abs _section_cstart, $3  }
0xc0: {  	[dreg:$0x1] =	wrdreg $0xFFFFFFFF  }
0xc1: {  	_ =	task.clear_ibuf [dreg:s6], $0x2FFFF;
	_ =	strace $0x9FFFFFFF  }
0xc2: {  	(tm) =	ssettm $0x7FFFFFFF  }
0xc3: {  	_ =	shalt  }
tec
execute0_lowered:
.L_overlay_start_1:
0x0: {  	(tag) =	ssettag $0x1  }
0x1: {  	s0 =	rddreg [dreg:$0x0]  }
0x2: {  	s2 =	rddreg [dreg:$0x1]  }
0x3: {  	s3 =	simm.s32 $0x0;
	s4 =	srdreg.scid;
	s1 =	stileid.u32  }
0x4: {  	s14 =	simm.s32 $0x3C00;
	s15 =	simm.s32 $0x80;
	s16 =	simm.s32 $0x4000  }
0x5: {  	s17 =	simm.s32 $0x8000;
	s18 =	simm.s32 $0x3;
	s19 =	simm.s32 $0x1  }
0x6: {  	s20 =	simm.s32 $0x3C80;
	s21 =	simm.s32 $0x2;
	s5 =	smul.u32 $0x7800, s1  }
0x7: {  	s28 =	simm.s32 $0x3F80;
	s29 =	simm.s32 $0x0;
	s23 =	smul.u32 $0x13C00, s1  }
0x8: {  	s9 =	sand.u32 $0x1, s4;
	s22 =	sshll.u32 s1, $0x1;
	s25 =	smul.u32 $0x4F000, s1  }
0x9: {  	[smem:$0x7FF] =	sst s3;
	s31 =	sshll.u32 s1, $0x6;
	s6 =	smul.u32 $0x3C00, s9  }
0xa: {  	s4 =	sor.u32 s9, s22;
	_ =	strace $0x80000047;
	s10 =	smul.u32 $0x13C000, s9  }
0xb: {  	s26 =	ssub.s32 $0x2, s9;
	p0 =	seq.s32 s9, $0x1;
	s22 =	simm.s32 $0x3D00  }
0xc: {  	s7 =	smul.u32 $0x3C00, s4;
	s4 =	sadd.s32 $0x53E00, s0;
	s24 =	sshrl.u32 s23, $0x3  }
0xd: {  	s30 =	sshrl.u32 s26, $0x1;
	s5 =	sadd.s32 s6, s5;
	s6 =	sadd.s32 s23, s10  }
0xe: {  	s10 =	ssub.s32 s26, s30;
	s23 =	simm.s32 $0x3D80;
	s26 =	simm.s32 $0x3F00  }
0xf: {  	s7 =	sshrl.u32 s7, $0x3;
	s8 =	sshrl.u32 s5, $0x3;
	s5 =	sadd.s32 $0x2CC00, s0  }
0x10: {  	s6 =	sshrl.u32 s6, $0x3;
	s10 =	smax.u32 s10, $0x1;
	s11 =	sadd.s32 s7, s0  }
.Ltmp0:
0x11: {  	s12 =	sadd.s32 s8, s0;
	s7 =	sadd.s32 s24, s0;
	(pc) =	sbr.rel .LBB2_1-.Ltmp0, $4  }
0x12: {  	s0 =	sadd.s32 s6, s0;
	s8 =	sshrl.u32 s25, $0x2;
	s24 =	simm.s32 $0x3E00  }
0x13: {  	s25 =	simm.s32 $0x3E80;
	s13 =	sadd.s32 s8, s2;
	s6 =	sadd.s32 $0x7B000, s7  }
0x14: {  	s7 =	sor.u32 $0x1C04, s31;
	s8 =	sadd.s32 $0x1DC00, s11;
	s9 =	sadd.s32 $0xA2800, s0  }
0x15: {  	s11 =	sadd.s32 $0xEC00, s12;
	s12 =	sshrl.u32 s13, $0x3;
	s13 =	simm.s32 $0x4  }
.LBB2_7:
0x16: {  	[sflag:s21] =	ssyncadd.s32 $0xFFFFC000  }
.LBB2_8:
0x17: {  	s29 =	sadd.s32 $0x1, s29  }
0x18: {  	p1 =	sne.s32 s29, s10  }
.Ltmp1:
0x19: {  	[bflag:$0x0] =	sbarrier.arrive $0xFFFF;
	(pc) =	sbr.rel @!p1 .LBB2_9-.Ltmp1, $4  }
0x1a: {  	[hbm:s9], [sflag:s7] =	dma.local [spmem:s12], $0x2780  }
0x1b: {  	_ =	swait.ge [sflag:s13], $0x2780  }
0x1c: {  	[sflag:s13] =	ssyncset.done $0x0  }
0x1d: {  	[sflag:s13] =	ssyncadd.s32 $0xFFFFD880  }
.LBB2_1:
0x1e: {  	[spmem:s12], [sflag:s7] =	dma.local [hbm:s6], $0x2780  }
0x1f: {  	_ =	swait.ge [sflag:s13], $0x2780  }
0x20: {  	[sflag:s13] =	ssyncset.done $0x0  }
0x21: {  	[sflag:s13] =	ssyncadd.s32 $0xFFFFD880  }
0x22: {  	[tilespmem:s3], [sflag:$0x4] =	stream.linear.gather [hbm4b:s8+s3], $0x3C00, $0x38;
	[tilespmem:$0x1FC00] =	vst v63  }
.Ltmp2:
0x23: {  	_ =	swait.ge [sflag:s13], $0x3C00;
	(pc) =	sbr.rel @!p0 .LBB2_2-.Ltmp2, $3  }
0x24: {  	[sflag:s13] =	ssyncset.done $0x0  }
0x25: {  	[sflag:s13] =	ssyncadd.s32 $0xFFFFC400  }
0x26: {  	[bflag:$0x0] =	sbarrier.arrive $0xFFFF;
	_ =	sdelay $0x1  }
0x27: {  	[tilespmem:s14], [sflag:$0x3] =	stream.linear.gather [hbm4b:s11+s3], $0x400, $0x38;
	[tilespmem:$0x1FC00] =	vst v63  }
0x28: {  	s0 =	sshra.s32 s3, $0x2  }
0x29: {  	[tilespmem:s16], [sflag:$0x1] =	stream.indirect.gather [hbm4b:s5+s15], $0x80, s0, s15, $0xb8;
	[tilespmem:$0x1FC00] =	vst v63  }
0x2a: {  	s1 =	sadd.s32 $0x80, s0  }
0x2b: {  	[tilespmem:s17], [sflag:$0x1] =	stream.indirect.gather [hbm4b:s5+s15], $0x80, s1, s15, $0xb8;
	[tilespmem:$0x1FC00] =	vst v63  }
0x2c: {  	_ =	swait.ge [sflag:s18], $0x400  }
0x2d: {  	[sflag:s18] =	ssyncset.done $0x0  }
0x2e: {  	[sflag:s18] =	ssyncadd.s32 $0xFFFFFC00  }
0x2f: {  	_ =	swait.ge [sflag:s19], $0x4000  }
0x30: {  	[sflag:s19] =	ssyncset.done $0x0  }
0x31: {  	[sflag:s19] =	ssyncadd.s32 $0xFFFFC000  }
0x32: {  	[spmem:s2] =	stream.indirect.scatter.add.f32 [tilespmem:s16], [sflag:$0x2], $0x80, s14, s15, $0xb8;
	[tilespmem:$0x1FC00] =	vst v63  }
0x33: {  	_ =	swait.ge [sflag:s19], $0x4000  }
0x34: {  	[sflag:s19] =	ssyncset.done $0x0  }
0x35: {  	[sflag:s19] =	ssyncadd.s32 $0xFFFFC000  }
0x36: {  	[spmem:s2] =	stream.indirect.scatter.add.f32 [tilespmem:s17], [sflag:$0x2], $0x80, s20, s15, $0xb8;
	[tilespmem:$0x1FC00] =	vst v63  }
0x37: {  	_ =	swait.ge [sflag:s21], $0x4000  }
0x38: {  	[sflag:s21] =	ssyncset.done $0x0  }
0x39: {  	[sflag:s21] =	ssyncadd.s32 $0xFFFFC000  }
0x3a: {  	_ =	swait.ge [sflag:s21], $0x4000  }
0x3b: {  	[sflag:s21] =	ssyncset.done $0x0  }
0x3c: {  	s1 =	sadd.s32 $0x100, s0;
	[sflag:s21] =	ssyncadd.s32 $0xFFFFC000  }
0x3d: {  	[tilespmem:s16], [sflag:$0x1] =	stream.indirect.gather [hbm4b:s5+s15], $0x80, s1, s15, $0xb8;
	[tilespmem:$0x1FC00] =	vst v63  }
0x3e: {  	s1 =	sadd.s32 $0x180, s0  }
0x3f: {  	[tilespmem:s17], [sflag:$0x1] =	stream.indirect.gather [hbm4b:s5+s15], $0x80, s1, s15, $0xb8;
	[tilespmem:$0x1FC00] =	vst v63  }
0x40: {  	_ =	swait.ge [sflag:s19], $0x4000  }
0x41: {  	[sflag:s19] =	ssyncset.done $0x0  }
0x42: {  	[sflag:s19] =	ssyncadd.s32 $0xFFFFC000  }
0x43: {  	[spmem:s2] =	stream.indirect.scatter.add.f32 [tilespmem:s16], [sflag:$0x2], $0x80, s22, s15, $0xb8;
	[tilespmem:$0x1FC00] =	vst v63  }
0x44: {  	_ =	swait.ge [sflag:s19], $0x4000  }
0x45: {  	[sflag:s19] =	ssyncset.done $0x0  }
0x46: {  	[sflag:s19] =	ssyncadd.s32 $0xFFFFC000  }
0x47: {  	[spmem:s2] =	stream.indirect.scatter.add.f32 [tilespmem:s17], [sflag:$0x2], $0x80, s23, s15, $0xb8;
	[tilespmem:$0x1FC00] =	vst v63  }
0x48: {  	_ =	swait.ge [sflag:s21], $0x4000  }
0x49: {  	[sflag:s21] =	ssyncset.done $0x0  }
0x4a: {  	[sflag:s21] =	ssyncadd.s32 $0xFFFFC000  }
0x4b: {  	_ =	swait.ge [sflag:s21], $0x4000  }
0x4c: {  	[sflag:s21] =	ssyncset.done $0x0  }
0x4d: {  	s1 =	sadd.s32 $0x200, s0;
	[sflag:s21] =	ssyncadd.s32 $0xFFFFC000  }
0x4e: {  	[tilespmem:s16], [sflag:$0x1] =	stream.indirect.gather [hbm4b:s5+s15], $0x80, s1, s15, $0xb8;
	[tilespmem:$0x1FC00] =	vst v63  }
0x4f: {  	s1 =	sadd.s32 $0x280, s0  }
0x50: {  	[tilespmem:s17], [sflag:$0x1] =	stream.indirect.gather [hbm4b:s5+s15], $0x80, s1, s15, $0xb8;
	[tilespmem:$0x1FC00] =	vst v63  }
0x51: {  	_ =	swait.ge [sflag:s19], $0x4000  }
0x52: {  	[sflag:s19] =	ssyncset.done $0x0  }
0x53: {  	[sflag:s19] =	ssyncadd.s32 $0xFFFFC000  }
0x54: {  	[spmem:s2] =	stream.indirect.scatter.add.f32 [tilespmem:s16], [sflag:$0x2], $0x80, s24, s15, $0xb8;
	[tilespmem:$0x1FC00] =	vst v63  }
0x55: {  	_ =	swait.ge [sflag:s19], $0x4000  }
0x56: {  	[sflag:s19] =	ssyncset.done $0x0  }
0x57: {  	[sflag:s19] =	ssyncadd.s32 $0xFFFFC000  }
0x58: {  	[spmem:s2] =	stream.indirect.scatter.add.f32 [tilespmem:s17], [sflag:$0x2], $0x80, s25, s15, $0xb8;
	[tilespmem:$0x1FC00] =	vst v63  }
0x59: {  	_ =	swait.ge [sflag:s21], $0x4000  }
0x5a: {  	[sflag:s21] =	ssyncset.done $0x0  }
0x5b: {  	[sflag:s21] =	ssyncadd.s32 $0xFFFFC000  }
0x5c: {  	_ =	swait.ge [sflag:s21], $0x4000  }
0x5d: {  	[sflag:s21] =	ssyncset.done $0x0  }
0x5e: {  	s1 =	sadd.s32 $0x300, s0;
	[sflag:s21] =	ssyncadd.s32 $0xFFFFC000  }
0x5f: {  	[tilespmem:s16], [sflag:$0x1] =	stream.indirect.gather [hbm4b:s5+s15], $0x80, s1, s15, $0xb8;
	[tilespmem:$0x1FC00] =	vst v63  }
0x60: {  	s0 =	sadd.s32 $0x380, s0  }
0x61: {  	[tilespmem:s17], [sflag:$0x1] =	stream.indirect.gather [hbm4b:s5+s15], $0x80, s0, s15, $0xb8;
	[tilespmem:$0x1FC00] =	vst v63  }
0x62: {  	_ =	swait.ge [sflag:s19], $0x4000  }
0x63: {  	[sflag:s19] =	ssyncset.done $0x0  }
0x64: {  	[sflag:s19] =	ssyncadd.s32 $0xFFFFC000  }
0x65: {  	[spmem:s2] =	stream.indirect.scatter.add.f32 [tilespmem:s16], [sflag:$0x2], $0x80, s26, s15, $0xb8;
	[tilespmem:$0x1FC00] =	vst v63  }
0x66: {  	_ =	swait.ge [sflag:s19], $0x4000  }
0x67: {  	[sflag:s19] =	ssyncset.done $0x0  }
0x68: {  	[sflag:s19] =	ssyncadd.s32 $0xFFFFC000  }
0x69: {  	[spmem:s2] =	stream.indirect.scatter.add.f32 [tilespmem:s17], [sflag:$0x2], $0x80, s28, s15, $0xb8;
	[tilespmem:$0x1FC00] =	vst v63  }
0x6a: {  	_ =	swait.ge [sflag:s21], $0x4000  }
0x6b: {  	[sflag:s21] =	ssyncset.done $0x0  }
0x6c: {  	[sflag:s21] =	ssyncadd.s32 $0xFFFFC000  }
0x6d: {  	_ =	swait.ge [sflag:s21], $0x4000  }
0x6e: {  	s30 =	sadd.s32 $0x1000, s3;
	s31 =	smov.u32 s11;
	[sflag:s21] =	ssyncset.done $0x0  }
.LBB2_6:
0x6f: {  	p1 =	sne.s32 s30, $0x4000;
	[sflag:s21] =	ssyncadd.s32 $0xFFFFC000;
	s31 =	sadd.s32 $0x80, s31  }
0x70: {  	[tilespmem:s14], [sflag:$0x3] =	stream.linear.gather [hbm4b:s31+s3], $0x400, $0x38;
	[tilespmem:$0x1FC00] =	vst v63  }
0x71: {  	s0 =	sshra.s32 s30, $0x2;
	s30 =	sadd.s32 $0x1000, s30  }
0x72: {  	[tilespmem:s16], [sflag:$0x1] =	stream.indirect.gather [hbm4b:s5+s15], $0x80, s0, s15, $0xb8;
	[tilespmem:$0x1FC00] =	vst v63  }
0x73: {  	s1 =	sadd.s32 $0x80, s0  }
0x74: {  	[tilespmem:s17], [sflag:$0x1] =	stream.indirect.gather [hbm4b:s5+s15], $0x80, s1, s15, $0xb8;
	[tilespmem:$0x1FC00] =	vst v63  }
0x75: {  	_ =	swait.ge [sflag:s18], $0x400  }
0x76: {  	[sflag:s18] =	ssyncset.done $0x0  }
0x77: {  	[sflag:s18] =	ssyncadd.s32 $0xFFFFFC00  }
0x78: {  	_ =	swait.ge [sflag:s19], $0x4000  }
0x79: {  	[sflag:s19] =	ssyncset.done $0x0  }
0x7a: {  	[sflag:s19] =	ssyncadd.s32 $0xFFFFC000  }
0x7b: {  	[spmem:s2] =	stream.indirect.scatter.add.f32 [tilespmem:s16], [sflag:$0x2], $0x80, s14, s15, $0xb8;
	[tilespmem:$0x1FC00] =	vst v63  }
0x7c: {  	_ =	swait.ge [sflag:s19], $0x4000  }
0x7d: {  	[sflag:s19] =	ssyncset.done $0x0  }
0x7e: {  	[sflag:s19] =	ssyncadd.s32 $0xFFFFC000  }
0x7f: {  	[spmem:s2] =	stream.indirect.scatter.add.f32 [tilespmem:s17], [sflag:$0x2], $0x80, s20, s15, $0xb8;
	[tilespmem:$0x1FC00] =	vst v63  }
0x80: {  	_ =	swait.ge [sflag:s21], $0x4000  }
0x81: {  	[sflag:s21] =	ssyncset.done $0x0  }
0x82: {  	[sflag:s21] =	ssyncadd.s32 $0xFFFFC000  }
0x83: {  	_ =	swait.ge [sflag:s21], $0x4000  }
0x84: {  	[sflag:s21] =	ssyncset.done $0x0  }
0x85: {  	s1 =	sadd.s32 $0x100, s0;
	[sflag:s21] =	ssyncadd.s32 $0xFFFFC000  }
0x86: {  	[tilespmem:s16], [sflag:$0x1] =	stream.indirect.gather [hbm4b:s5+s15], $0x80, s1, s15, $0xb8;
	[tilespmem:$0x1FC00] =	vst v63  }
0x87: {  	s1 =	sadd.s32 $0x180, s0  }
0x88: {  	[tilespmem:s17], [sflag:$0x1] =	stream.indirect.gather [hbm4b:s5+s15], $0x80, s1, s15, $0xb8;
	[tilespmem:$0x1FC00] =	vst v63  }
0x89: {  	_ =	swait.ge [sflag:s19], $0x4000  }
0x8a: {  	[sflag:s19] =	ssyncset.done $0x0  }
0x8b: {  	[sflag:s19] =	ssyncadd.s32 $0xFFFFC000  }
0x8c: {  	[spmem:s2] =	stream.indirect.scatter.add.f32 [tilespmem:s16], [sflag:$0x2], $0x80, s22, s15, $0xb8;
	[tilespmem:$0x1FC00] =	vst v63  }
0x8d: {  	_ =	swait.ge [sflag:s19], $0x4000  }
0x8e: {  	[sflag:s19] =	ssyncset.done $0x0  }
0x8f: {  	[sflag:s19] =	ssyncadd.s32 $0xFFFFC000  }
0x90: {  	[spmem:s2] =	stream.indirect.scatter.add.f32 [tilespmem:s17], [sflag:$0x2], $0x80, s23, s15, $0xb8;
	[tilespmem:$0x1FC00] =	vst v63  }
0x91: {  	_ =	swait.ge [sflag:s21], $0x4000  }
0x92: {  	[sflag:s21] =	ssyncset.done $0x0  }
0x93: {  	[sflag:s21] =	ssyncadd.s32 $0xFFFFC000  }
0x94: {  	_ =	swait.ge [sflag:s21], $0x4000  }
0x95: {  	[sflag:s21] =	ssyncset.done $0x0  }
0x96: {  	s1 =	sadd.s32 $0x200, s0;
	[sflag:s21] =	ssyncadd.s32 $0xFFFFC000  }
0x97: {  	[tilespmem:s16], [sflag:$0x1] =	stream.indirect.gather [hbm4b:s5+s15], $0x80, s1, s15, $0xb8;
	[tilespmem:$0x1FC00] =	vst v63  }
0x98: {  	s1 =	sadd.s32 $0x280, s0  }
0x99: {  	[tilespmem:s17], [sflag:$0x1] =	stream.indirect.gather [hbm4b:s5+s15], $0x80, s1, s15, $0xb8;
	[tilespmem:$0x1FC00] =	vst v63  }
0x9a: {  	_ =	swait.ge [sflag:s19], $0x4000  }
0x9b: {  	[sflag:s19] =	ssyncset.done $0x0  }
0x9c: {  	[sflag:s19] =	ssyncadd.s32 $0xFFFFC000  }
0x9d: {  	[spmem:s2] =	stream.indirect.scatter.add.f32 [tilespmem:s16], [sflag:$0x2], $0x80, s24, s15, $0xb8;
	[tilespmem:$0x1FC00] =	vst v63  }
0x9e: {  	_ =	swait.ge [sflag:s19], $0x4000  }
0x9f: {  	[sflag:s19] =	ssyncset.done $0x0  }
0xa0: {  	[sflag:s19] =	ssyncadd.s32 $0xFFFFC000  }
0xa1: {  	[spmem:s2] =	stream.indirect.scatter.add.f32 [tilespmem:s17], [sflag:$0x2], $0x80, s25, s15, $0xb8;
	[tilespmem:$0x1FC00] =	vst v63  }
0xa2: {  	_ =	swait.ge [sflag:s21], $0x4000  }
0xa3: {  	[sflag:s21] =	ssyncset.done $0x0  }
0xa4: {  	[sflag:s21] =	ssyncadd.s32 $0xFFFFC000  }
0xa5: {  	_ =	swait.ge [sflag:s21], $0x4000  }
0xa6: {  	[sflag:s21] =	ssyncset.done $0x0  }
0xa7: {  	s1 =	sadd.s32 $0x300, s0;
	[sflag:s21] =	ssyncadd.s32 $0xFFFFC000  }
0xa8: {  	[tilespmem:s16], [sflag:$0x1] =	stream.indirect.gather [hbm4b:s5+s15], $0x80, s1, s15, $0xb8;
	[tilespmem:$0x1FC00] =	vst v63  }
0xa9: {  	s0 =	sadd.s32 $0x380, s0  }
0xaa: {  	[tilespmem:s17], [sflag:$0x1] =	stream.indirect.gather [hbm4b:s5+s15], $0x80, s0, s15, $0xb8;
	[tilespmem:$0x1FC00] =	vst v63  }
0xab: {  	_ =	swait.ge [sflag:s19], $0x4000  }
0xac: {  	[sflag:s19] =	ssyncset.done $0x0  }
0xad: {  	[sflag:s19] =	ssyncadd.s32 $0xFFFFC000  }
0xae: {  	[spmem:s2] =	stream.indirect.scatter.add.f32 [tilespmem:s16], [sflag:$0x2], $0x80, s26, s15, $0xb8;
	[tilespmem:$0x1FC00] =	vst v63  }
0xaf: {  	_ =	swait.ge [sflag:s19], $0x4000  }
0xb0: {  	[sflag:s19] =	ssyncset.done $0x0  }
0xb1: {  	[sflag:s19] =	ssyncadd.s32 $0xFFFFC000  }
0xb2: {  	[spmem:s2] =	stream.indirect.scatter.add.f32 [tilespmem:s17], [sflag:$0x2], $0x80, s28, s15, $0xb8;
	[tilespmem:$0x1FC00] =	vst v63  }
.Ltmp3:
0xb3: {  	_ =	swait.ge [sflag:s21], $0x4000;
	(pc) =	sbr.rel @p1 .LBB2_6-.Ltmp3, $4  }
0xb4: {  	[sflag:s21] =	ssyncset.done $0x0  }
0xb5: {  	[sflag:s21] =	ssyncadd.s32 $0xFFFFC000  }
0xb6: {  	_ =	swait.ge [sflag:s21], $0x4000  }
0xb7: {  	[sflag:s21] =	ssyncset.done $0x0  }
.Ltmp4:
0xb8: {  	_ = 	snop;
	(pc) =	sbr.rel .LBB2_7-.Ltmp4, $1  }
0xb9: {  	_ =	sdelay $0x3  }
.LBB2_2:
0xba: {  	[tilespmem:s14], [sflag:$0x3] =	stream.linear.gather [hbm4b:s11+s3], $0x400, $0x38;
	[tilespmem:$0x1FC00] =	vst v63  }
0xbb: {  	s0 =	sshra.s32 s3, $0x2  }
0xbc: {  	[tilespmem:s16], [sflag:$0x1] =	stream.indirect.gather [hbm4b:s4+s15], $0x80, s0, s15, $0xb8;
	[tilespmem:$0x1FC00] =	vst v63  }
0xbd: {  	s30 =	sadd.s32 $0x80, s0  }
0xbe: {  	[tilespmem:s17], [sflag:$0x1] =	stream.indirect.gather [hbm4b:s4+s15], $0x80, s30, s15, $0xb8;
	[tilespmem:$0x1FC00] =	vst v63  }
0xbf: {  	_ =	swait.ge [sflag:s18], $0x400  }
0xc0: {  	[sflag:s18] =	ssyncset.done $0x0  }
0xc1: {  	[sflag:s18] =	ssyncadd.s32 $0xFFFFFC00  }
0xc2: {  	_ =	swait.ge [sflag:s19], $0x4000  }
0xc3: {  	[sflag:s19] =	ssyncset.done $0x0  }
0xc4: {  	[sflag:s19] =	ssyncadd.s32 $0xFFFFC000  }
0xc5: {  	[spmem:s2] =	stream.indirect.scatter.add.f32 [tilespmem:s16], [sflag:$0x2], $0x80, s14, s15, $0xb8;
	[tilespmem:$0x1FC00] =	vst v63  }
0xc6: {  	_ =	swait.ge [sflag:s19], $0x4000  }
0xc7: {  	[sflag:s19] =	ssyncset.done $0x0  }
0xc8: {  	[sflag:s19] =	ssyncadd.s32 $0xFFFFC000  }
0xc9: {  	[spmem:s2] =	stream.indirect.scatter.add.f32 [tilespmem:s17], [sflag:$0x2], $0x80, s20, s15, $0xb8;
	[tilespmem:$0x1FC00] =	vst v63  }
0xca: {  	_ =	swait.ge [sflag:s21], $0x4000  }
0xcb: {  	[sflag:s21] =	ssyncset.done $0x0  }
0xcc: {  	[sflag:s21] =	ssyncadd.s32 $0xFFFFC000  }
0xcd: {  	_ =	swait.ge [sflag:s21], $0x4000  }
0xce: {  	[sflag:s21] =	ssyncset.done $0x0  }
0xcf: {  	s30 =	sadd.s32 $0x100, s0;
	[sflag:s21] =	ssyncadd.s32 $0xFFFFC000  }
0xd0: {  	[tilespmem:s16], [sflag:$0x1] =	stream.indirect.gather [hbm4b:s4+s15], $0x80, s30, s15, $0xb8;
	[tilespmem:$0x1FC00] =	vst v63  }
0xd1: {  	s30 =	sadd.s32 $0x180, s0  }
0xd2: {  	[tilespmem:s17], [sflag:$0x1] =	stream.indirect.gather [hbm4b:s4+s15], $0x80, s30, s15, $0xb8;
	[tilespmem:$0x1FC00] =	vst v63  }
0xd3: {  	_ =	swait.ge [sflag:s19], $0x4000  }
0xd4: {  	[sflag:s19] =	ssyncset.done $0x0  }
0xd5: {  	[sflag:s19] =	ssyncadd.s32 $0xFFFFC000  }
0xd6: {  	[spmem:s2] =	stream.indirect.scatter.add.f32 [tilespmem:s16], [sflag:$0x2], $0x80, s22, s15, $0xb8;
	[tilespmem:$0x1FC00] =	vst v63  }
0xd7: {  	_ =	swait.ge [sflag:s19], $0x4000  }
0xd8: {  	[sflag:s19] =	ssyncset.done $0x0  }
0xd9: {  	[sflag:s19] =	ssyncadd.s32 $0xFFFFC000  }
0xda: {  	[spmem:s2] =	stream.indirect.scatter.add.f32 [tilespmem:s17], [sflag:$0x2], $0x80, s23, s15, $0xb8;
	[tilespmem:$0x1FC00] =	vst v63  }
0xdb: {  	_ =	swait.ge [sflag:s21], $0x4000  }
0xdc: {  	[sflag:s21] =	ssyncset.done $0x0  }
0xdd: {  	[sflag:s21] =	ssyncadd.s32 $0xFFFFC000  }
0xde: {  	_ =	swait.ge [sflag:s21], $0x4000  }
0xdf: {  	[sflag:s21] =	ssyncset.done $0x0  }
0xe0: {  	s30 =	sadd.s32 $0x200, s0;
	[sflag:s21] =	ssyncadd.s32 $0xFFFFC000  }
0xe1: {  	[tilespmem:s16], [sflag:$0x1] =	stream.indirect.gather [hbm4b:s4+s15], $0x80, s30, s15, $0xb8;
	[tilespmem:$0x1FC00] =	vst v63  }
0xe2: {  	s30 =	sadd.s32 $0x280, s0  }
0xe3: {  	[tilespmem:s17], [sflag:$0x1] =	stream.indirect.gather [hbm4b:s4+s15], $0x80, s30, s15, $0xb8;
	[tilespmem:$0x1FC00] =	vst v63  }
0xe4: {  	_ =	swait.ge [sflag:s19], $0x4000  }
0xe5: {  	[sflag:s19] =	ssyncset.done $0x0  }
0xe6: {  	[sflag:s19] =	ssyncadd.s32 $0xFFFFC000  }
0xe7: {  	[spmem:s2] =	stream.indirect.scatter.add.f32 [tilespmem:s16], [sflag:$0x2], $0x80, s24, s15, $0xb8;
	[tilespmem:$0x1FC00] =	vst v63  }
0xe8: {  	_ =	swait.ge [sflag:s19], $0x4000  }
0xe9: {  	[sflag:s19] =	ssyncset.done $0x0  }
0xea: {  	[sflag:s19] =	ssyncadd.s32 $0xFFFFC000  }
0xeb: {  	[spmem:s2] =	stream.indirect.scatter.add.f32 [tilespmem:s17], [sflag:$0x2], $0x80, s25, s15, $0xb8;
	[tilespmem:$0x1FC00] =	vst v63  }
0xec: {  	_ =	swait.ge [sflag:s21], $0x4000  }
0xed: {  	[sflag:s21] =	ssyncset.done $0x0  }
0xee: {  	[sflag:s21] =	ssyncadd.s32 $0xFFFFC000  }
0xef: {  	_ =	swait.ge [sflag:s21], $0x4000  }
0xf0: {  	[sflag:s21] =	ssyncset.done $0x0  }
0xf1: {  	s30 =	sadd.s32 $0x300, s0;
	[sflag:s21] =	ssyncadd.s32 $0xFFFFC000  }
0xf2: {  	[tilespmem:s16], [sflag:$0x1] =	stream.indirect.gather [hbm4b:s4+s15], $0x80, s30, s15, $0xb8;
	[tilespmem:$0x1FC00] =	vst v63  }
0xf3: {  	s0 =	sadd.s32 $0x380, s0  }
0xf4: {  	[tilespmem:s17], [sflag:$0x1] =	stream.indirect.gather [hbm4b:s4+s15], $0x80, s0, s15, $0xb8;
	[tilespmem:$0x1FC00] =	vst v63  }
0xf5: {  	_ =	swait.ge [sflag:s19], $0x4000  }
0xf6: {  	[sflag:s19] =	ssyncset.done $0x0  }
0xf7: {  	[sflag:s19] =	ssyncadd.s32 $0xFFFFC000  }
0xf8: {  	[spmem:s2] =	stream.indirect.scatter.add.f32 [tilespmem:s16], [sflag:$0x2], $0x80, s26, s15, $0xb8;
	[tilespmem:$0x1FC00] =	vst v63  }
0xf9: {  	_ =	swait.ge [sflag:s19], $0x4000  }
0xfa: {  	[sflag:s19] =	ssyncset.done $0x0  }
0xfb: {  	[sflag:s19] =	ssyncadd.s32 $0xFFFFC000  }
0xfc: {  	[spmem:s2] =	stream.indirect.scatter.add.f32 [tilespmem:s17], [sflag:$0x2], $0x80, s28, s15, $0xb8;
	[tilespmem:$0x1FC00] =	vst v63  }
0xfd: {  	_ =	swait.ge [sflag:s21], $0x4000  }
0xfe: {  	[sflag:s21] =	ssyncset.done $0x0  }
0xff: {  	[sflag:s21] =	ssyncadd.s32 $0xFFFFC000  }
0x100: {  	_ =	swait.ge [sflag:s21], $0x4000  }
0x101: {  	s31 =	smov.u32 s11;
	s30 =	sadd.s32 $0x1000, s3;
	[sflag:s21] =	ssyncset.done $0x0  }
.LBB2_3:
0x102: {  	p1 =	seq.s32 s30, $0xE000;
	[sflag:s21] =	ssyncadd.s32 $0xFFFFC000;
	s31 =	sadd.s32 $0x80, s31  }
0x103: {  	[tilespmem:s14], [sflag:$0x3] =	stream.linear.gather [hbm4b:s31+s3], $0x400, $0x38;
	[tilespmem:$0x1FC00] =	vst v63  }
0x104: {  	s0 =	sshra.s32 s30, $0x2;
	s30 =	sadd.s32 $0x1000, s30  }
0x105: {  	[tilespmem:s16], [sflag:$0x1] =	stream.indirect.gather [hbm4b:s4+s15], $0x80, s0, s15, $0xb8;
	[tilespmem:$0x1FC00] =	vst v63  }
0x106: {  	s1 =	sadd.s32 $0x80, s0  }
0x107: {  	[tilespmem:s17], [sflag:$0x1] =	stream.indirect.gather [hbm4b:s4+s15], $0x80, s1, s15, $0xb8;
	[tilespmem:$0x1FC00] =	vst v63  }
0x108: {  	_ =	swait.ge [sflag:s18], $0x400  }
0x109: {  	[sflag:s18] =	ssyncset.done $0x0  }
0x10a: {  	[sflag:s18] =	ssyncadd.s32 $0xFFFFFC00  }
0x10b: {  	_ =	swait.ge [sflag:s19], $0x4000  }
0x10c: {  	[sflag:s19] =	ssyncset.done $0x0  }
0x10d: {  	[sflag:s19] =	ssyncadd.s32 $0xFFFFC000  }
0x10e: {  	[spmem:s2] =	stream.indirect.scatter.add.f32 [tilespmem:s16], [sflag:$0x2], $0x80, s14, s15, $0xb8;
	[tilespmem:$0x1FC00] =	vst v63  }
0x10f: {  	_ =	swait.ge [sflag:s19], $0x4000  }
0x110: {  	[sflag:s19] =	ssyncset.done $0x0  }
0x111: {  	[sflag:s19] =	ssyncadd.s32 $0xFFFFC000  }
0x112: {  	[spmem:s2] =	stream.indirect.scatter.add.f32 [tilespmem:s17], [sflag:$0x2], $0x80, s20, s15, $0xb8;
	[tilespmem:$0x1FC00] =	vst v63  }
0x113: {  	_ =	swait.ge [sflag:s21], $0x4000  }
0x114: {  	[sflag:s21] =	ssyncset.done $0x0  }
0x115: {  	[sflag:s21] =	ssyncadd.s32 $0xFFFFC000  }
0x116: {  	_ =	swait.ge [sflag:s21], $0x4000  }
0x117: {  	[sflag:s21] =	ssyncset.done $0x0  }
0x118: {  	s1 =	sadd.s32 $0x100, s0;
	[sflag:s21] =	ssyncadd.s32 $0xFFFFC000  }
0x119: {  	[tilespmem:s16], [sflag:$0x1] =	stream.indirect.gather [hbm4b:s4+s15], $0x80, s1, s15, $0xb8;
	[tilespmem:$0x1FC00] =	vst v63  }
0x11a: {  	s1 =	sadd.s32 $0x180, s0  }
0x11b: {  	[tilespmem:s17], [sflag:$0x1] =	stream.indirect.gather [hbm4b:s4+s15], $0x80, s1, s15, $0xb8;
	[tilespmem:$0x1FC00] =	vst v63  }
0x11c: {  	_ =	swait.ge [sflag:s19], $0x4000  }
0x11d: {  	[sflag:s19] =	ssyncset.done $0x0  }
0x11e: {  	[sflag:s19] =	ssyncadd.s32 $0xFFFFC000  }
0x11f: {  	[spmem:s2] =	stream.indirect.scatter.add.f32 [tilespmem:s16], [sflag:$0x2], $0x80, s22, s15, $0xb8;
	[tilespmem:$0x1FC00] =	vst v63  }
0x120: {  	_ =	swait.ge [sflag:s19], $0x4000  }
0x121: {  	[sflag:s19] =	ssyncset.done $0x0  }
0x122: {  	[sflag:s19] =	ssyncadd.s32 $0xFFFFC000  }
0x123: {  	[spmem:s2] =	stream.indirect.scatter.add.f32 [tilespmem:s17], [sflag:$0x2], $0x80, s23, s15, $0xb8;
	[tilespmem:$0x1FC00] =	vst v63  }
0x124: {  	_ =	swait.ge [sflag:s21], $0x4000  }
0x125: {  	[sflag:s21] =	ssyncset.done $0x0  }
0x126: {  	[sflag:s21] =	ssyncadd.s32 $0xFFFFC000  }
0x127: {  	_ =	swait.ge [sflag:s21], $0x4000  }
0x128: {  	[sflag:s21] =	ssyncset.done $0x0  }
0x129: {  	s1 =	sadd.s32 $0x200, s0;
	[sflag:s21] =	ssyncadd.s32 $0xFFFFC000  }
0x12a: {  	[tilespmem:s16], [sflag:$0x1] =	stream.indirect.gather [hbm4b:s4+s15], $0x80, s1, s15, $0xb8;
	[tilespmem:$0x1FC00] =	vst v63  }
0x12b: {  	s1 =	sadd.s32 $0x280, s0  }
0x12c: {  	[tilespmem:s17], [sflag:$0x1] =	stream.indirect.gather [hbm4b:s4+s15], $0x80, s1, s15, $0xb8;
	[tilespmem:$0x1FC00] =	vst v63  }
0x12d: {  	_ =	swait.ge [sflag:s19], $0x4000  }
0x12e: {  	[sflag:s19] =	ssyncset.done $0x0  }
0x12f: {  	[sflag:s19] =	ssyncadd.s32 $0xFFFFC000  }
0x130: {  	[spmem:s2] =	stream.indirect.scatter.add.f32 [tilespmem:s16], [sflag:$0x2], $0x80, s24, s15, $0xb8;
	[tilespmem:$0x1FC00] =	vst v63  }
0x131: {  	_ =	swait.ge [sflag:s19], $0x4000  }
0x132: {  	[sflag:s19] =	ssyncset.done $0x0  }
0x133: {  	[sflag:s19] =	ssyncadd.s32 $0xFFFFC000  }
0x134: {  	[spmem:s2] =	stream.indirect.scatter.add.f32 [tilespmem:s17], [sflag:$0x2], $0x80, s25, s15, $0xb8;
	[tilespmem:$0x1FC00] =	vst v63  }
0x135: {  	_ =	swait.ge [sflag:s21], $0x4000  }
0x136: {  	[sflag:s21] =	ssyncset.done $0x0  }
0x137: {  	[sflag:s21] =	ssyncadd.s32 $0xFFFFC000  }
0x138: {  	_ =	swait.ge [sflag:s21], $0x4000  }
0x139: {  	[sflag:s21] =	ssyncset.done $0x0  }
0x13a: {  	s1 =	sadd.s32 $0x300, s0;
	[sflag:s21] =	ssyncadd.s32 $0xFFFFC000  }
0x13b: {  	[tilespmem:s16], [sflag:$0x1] =	stream.indirect.gather [hbm4b:s4+s15], $0x80, s1, s15, $0xb8;
	[tilespmem:$0x1FC00] =	vst v63  }
0x13c: {  	s0 =	sadd.s32 $0x380, s0  }
0x13d: {  	[tilespmem:s17], [sflag:$0x1] =	stream.indirect.gather [hbm4b:s4+s15], $0x80, s0, s15, $0xb8;
	[tilespmem:$0x1FC00] =	vst v63  }
0x13e: {  	_ =	swait.ge [sflag:s19], $0x4000  }
0x13f: {  	[sflag:s19] =	ssyncset.done $0x0  }
0x140: {  	[sflag:s19] =	ssyncadd.s32 $0xFFFFC000  }
0x141: {  	[spmem:s2] =	stream.indirect.scatter.add.f32 [tilespmem:s16], [sflag:$0x2], $0x80, s26, s15, $0xb8;
	[tilespmem:$0x1FC00] =	vst v63  }
0x142: {  	_ =	swait.ge [sflag:s19], $0x4000  }
0x143: {  	[sflag:s19] =	ssyncset.done $0x0  }
0x144: {  	[sflag:s19] =	ssyncadd.s32 $0xFFFFC000  }
0x145: {  	[spmem:s2] =	stream.indirect.scatter.add.f32 [tilespmem:s17], [sflag:$0x2], $0x80, s28, s15, $0xb8;
	[tilespmem:$0x1FC00] =	vst v63  }
.Ltmp5:
0x146: {  	_ =	swait.ge [sflag:s21], $0x4000;
	(pc) =	sbr.rel @!p1 .LBB2_3-.Ltmp5, $4  }
0x147: {  	[sflag:s21] =	ssyncset.done $0x0  }
0x148: {  	[sflag:s21] =	ssyncadd.s32 $0xFFFFC000  }
0x149: {  	_ =	swait.ge [sflag:s21], $0x4000  }
0x14a: {  	[sflag:s21] =	ssyncset.done $0x0  }
.Ltmp6:
0x14b: {  	(pc) =	sbr.rel .LBB2_8-.Ltmp6, $2  }
0x14c: {  	_ =	sdelay $0x2  }
0x14d: {  	[sflag:s21] =	ssyncadd.s32 $0xFFFFC000  }
.LBB2_9:
0x14e: {  	_ =	sfence.sel $0x180000  }
0x14f: {  	[bflag:$0x0] =	sbarrier.arrive $0xFFFF  }
0x150: {  	_ =	strace $0x90000047  }
0x151: {  	s0 =	stileid.u32;
	[bflag:$0x2] =	sbarrier.arrive $0xFFFF  }
0x152: {  	p0 =	sne.s32 s0, $0x0;
	s0 =	rddreg [dreg:$0x2]  }
0x153: {  	s0 =	sadd.s32 @!p0 $0x100000, s0  }
0x154: {  	[sflag:s0] =	ssyncadd.tile.s32 @!p0 $0x1;
	_ =	shalt  }
.Lfunc_end2:
_tile_overlayer_lowered:
.L_overlay_start_2:
0x155: {  	(tag) =	ssettag $0x2  }
0x156: {  	s0 =	rddreg [dreg:$0x0];
	s2 =	stileid.u32  }
0x157: {  	s1 =	rddreg [dreg:$0x1];
	p0 =	sne.s32 s2, $0x0  }
0x158: {  	s3 =	rddreg [dreg:$0x2];
	[bflag:$0x3] =	sbarrier.arrive $0xFFFF;
	s2 =	simm.s32 @!p0 $0x1C04  }
0x159: {  	[timem:s3], [sflag:s2] =	dma.local @!p0 [hbm:s0], s1  }
0x15a: {  	s0 =	simm.s32 @!p0 $0x4  }
0x15b: {  	_ =	swait.ge @!p0 [sflag:s0], s1  }
0x15c: {  	s1 =	ssub.s32 @!p0 $0x0, s1;
	[sflag:s0] =	ssyncset.done @!p0 $0x0  }
0x15d: {  	[sflag:s0] =	ssyncadd.s32 @!p0 s1  }
0x15e: {  	[bflag:$0x3] =	sbarrier.arrive $0xFFFF  }
0x15f: {  	_ =	shalt  }

// kernel: kernel.15.cloned.1.call-start
scs
__scs_entry_jumppad:
0x0: {  	(pc) =	sbr.rel $0x88, $3  }
0x1: {  	(tag) =	ssettag $0x0;
	lr =	simm.s32 $0x1  }
0x2: {  	[smem:$0x3F8D] =	sst lr;
	_ =	strace $0xD0000000  }
0x3: {  	_ = 	snop  }
0x4: {  	_ = 	snop  }
0x5: {  	_ = 	snop  }
0x6: {  	_ = 	snop  }
0x7: {  	_ = 	snop  }
__scs_overlays_trampoline_lowered:
0x8: {  	[smem:$0x3F9C] =	sst s0  }
0x9: {  	[smem:$0x3F9D] =	sst s1  }
0xa: {  	[smem:$0x3F9E] =	sst s2  }
0xb: {  	[smem:$0x3F9F] =	sst s3  }
0xc: {  	[smem:$0x3FA0] =	sst s4  }
0xd: {  	[smem:$0x3FA1] =	sst s5  }
0xe: {  	[smem:$0x3FA2] =	sst s6  }
0xf: {  	[smem:$0x3FA3] =	sst s7  }
0x10: {  	[smem:$0x3FA4] =	sst s8  }
0x11: {  	[smem:$0x3FA5] =	sst s9;
	s0 =	simm.s32 @!p0 $0x0  }
0x12: {  	s1 =	sld [smem:$0x3F8B];
	s0 =	simm.s32 @p0 $0x1  }
0x13: {  	[smem:$0x3FA6] =	sst s0;
	s0 =	simm.s32 @!p1 $0x0  }
0x14: {  	s2 =	sld [smem:$0x3F8A];
	s0 =	simm.s32 @p1 $0x1  }
0x15: {  	[smem:$0x3FA7] =	sst s0;
	s0 =	simm.s32 @!p2 $0x0  }
0x16: {  	s3 =	sld [smem:$0x3FDB];
	s0 =	simm.s32 @p2 $0x1  }
0x17: {  	s4 =	simm.s32 $0x1BF5;
	[smem:$0x3FA9] =	sst s0  }
0x18: {  	s0 =	sld [smem:$0x3F8C];
	_ =	swait.ge [sflag:s4], $0x0  }
0x19: {  	s7 =	sld [smem:$0x3F8D]  }
0x1a: {  	s8 =	sadd.s32 $0xFFFFE003, lr  }
0x1b: {  	s9 =	sadd.s32 $0xFFFFFEF7, lr;
	s5 =	simm.s32 $0xFFFFFFFF;
	p2 =	slt.u32 s8, $0xFFFFF086  }
0x1c: {  	p1 =	slt.u32 s9, $0xF7A;
	s5 =	simm.s32 @!p2 $0x0  }
0x1d: {  	s5 =	simm.s32 @p1 $0x1;
	p0 =	seq.s32 s7, s2  }
0x1e: {  	s7 =	smul.u32 @!p0 $0xF7A, s2;
	p2 =	seq.s32 @!p0 s5, $0x0  }
0x1f: {  	s9 =	smul.u32 $0xF7A, s1;
	s8 =	simm.s32 @!p0 $0x1BF5;
	p2 =	por !p2, p0  }
0x20: {  	[sflag:s8] =	ssyncset.s32 @!p0 $0xFFFFF086;
	s6 =	sadd.s32 @!p0 s3, s7;
	s7 =	simm.s32 @!p0 $0x108  }
0x21: {  	s3 =	sadd.s32 s3, s9;
	s6 =	sadd.s32 @!p0 $0x88, s6;
	s7 =	simm.s32 @p2 $0x1082  }
0x22: {  	[simem:s7], [sflag:s8] =	dma.local @!p0 [hbm:s6], $0xF7A  }
0x23: {  	s9 =	sor.u32 $0xD0000000, s2;
	s6 =	simm.s32 $0x108;
	_ =	swait.ge @!p0 [sflag:s8], $0x0  }
0x24: {  	s3 =	sadd.s32 $0x88, s3;
	s6 =	simm.s32 @!p1 $0x1082;
	[sflag:s4] =	ssyncset.s32 $0xFFFFF086  }
0x25: {  	[simem:s6], [sflag:s4] =	dma.local [hbm:s3], $0xF7A  }
0x26: {  	[smem:$0x3F8D] =	sst s1;
	(tag) =	ssettag s2;
	_ =	strace s9  }
0x27: {  	s1 =	sld [smem:$0x3F9D]  }
0x28: {  	s2 =	sld [smem:$0x3F9E]  }
0x29: {  	s4 =	sld [smem:$0x3FA0]  }
0x2a: {  	p0 =	seq.s32 s5, $0x0;
	s5 =	sld [smem:$0x3FA1]  }
0x2b: {  	s6 =	sld [smem:$0x3FA2]  }
0x2c: {  	s7 =	sld [smem:$0x3FA3]  }
0x2d: {  	s3 =	simm.s32 $0x108;
	s8 =	sld [smem:$0x3FA4]  }
0x2e: {  	s3 =	simm.s32 @!p0 $0x1082;
	s9 =	sld [smem:$0x3FA5]  }
0x2f: {  	lr =	sadd.s32 s0, s3;
	s0 =	sld [smem:$0x3F9C]  }
0x30: {  	s3 =	sld [smem:$0x3F9F]  }
0x31: {  	[smem:$0x3FA8] =	sst s10  }
0x32: {  	s10 =	sld [smem:$0x3FA6];
	_ =	sdelay $0x3  }
0x33: {  	p0 =	seq.s32 s10, $0x1;
	s10 =	sld [smem:$0x3FA8];
	_ =	sdelay $0x3  }
0x34: {  	[smem:$0x3FA8] =	sst s10  }
0x35: {  	s10 =	sld [smem:$0x3FA7];
	_ =	sdelay $0x3  }
0x36: {  	p1 =	seq.s32 s10, $0x1;
	s10 =	sld [smem:$0x3FA8];
	_ =	sdelay $0x3  }
0x37: {  	[smem:$0x3FA8] =	sst s10  }
0x38: {  	s10 =	sld [smem:$0x3FA9]  }
0x39: {  	_ = 	snop;
	(pc) =	sbr.ind lr, $3  }
0x3a: {  	_ = 	snop  }
0x3b: {  	_ = 	snop  }
0x3c: {  	p2 =	seq.s32 s10, $0x1;
	s10 =	sld [smem:$0x3FA8]  }
0x3d: {  	_ =	shalt  }
0x3e: {  	_ =	shalt  }
0x3f: {  	_ =	shalt  }
0x40: {  	_ =	shalt  }
0x41: {  	_ =	shalt  }
0x42: {  	_ =	shalt  }
0x43: {  	_ =	shalt  }
0x44: {  	_ =	shalt  }
0x45: {  	_ =	shalt  }
0x46: {  	_ =	shalt  }
0x47: {  	_ =	shalt  }
0x48: {  	_ =	shalt  }
0x49: {  	_ =	shalt  }
0x4a: {  	_ =	shalt  }
0x4b: {  	_ =	shalt  }
0x4c: {  	_ =	shalt  }
0x4d: {  	_ =	shalt  }
0x4e: {  	_ =	shalt  }
0x4f: {  	_ =	shalt  }
0x50: {  	_ =	shalt  }
0x51: {  	_ =	shalt  }
0x52: {  	_ =	shalt  }
0x53: {  	_ =	shalt  }
0x54: {  	_ =	shalt  }
0x55: {  	_ =	shalt  }
0x56: {  	_ =	shalt  }
0x57: {  	_ =	shalt  }
0x58: {  	_ =	shalt  }
0x59: {  	_ =	shalt  }
0x5a: {  	_ =	shalt  }
0x5b: {  	_ =	shalt  }
0x5c: {  	_ =	shalt  }
0x5d: {  	_ =	shalt  }
0x5e: {  	_ =	shalt  }
0x5f: {  	_ =	shalt  }
0x60: {  	_ =	shalt  }
0x61: {  	_ =	shalt  }
0x62: {  	_ =	shalt  }
0x63: {  	_ =	shalt  }
0x64: {  	_ =	shalt  }
0x65: {  	_ =	shalt  }
0x66: {  	_ =	shalt  }
0x67: {  	_ =	shalt  }
0x68: {  	_ =	shalt  }
0x69: {  	_ =	shalt  }
0x6a: {  	_ =	shalt  }
0x6b: {  	_ =	shalt  }
0x6c: {  	_ =	shalt  }
0x6d: {  	_ =	shalt  }
0x6e: {  	_ =	shalt  }
0x6f: {  	_ =	shalt  }
0x70: {  	_ =	shalt  }
0x71: {  	_ =	shalt  }
0x72: {  	_ =	shalt  }
0x73: {  	_ =	shalt  }
0x74: {  	_ =	shalt  }
0x75: {  	_ =	shalt  }
0x76: {  	_ =	shalt  }
0x77: {  	_ =	shalt  }
0x78: {  	_ =	shalt  }
0x79: {  	_ =	shalt  }
0x7a: {  	_ =	shalt  }
0x7b: {  	_ =	shalt  }
0x7c: {  	_ =	shalt  }
0x7d: {  	_ =	shalt  }
0x7e: {  	_ =	shalt  }
0x7f: {  	_ =	shalt  }
0x80: {  	_ =	shalt  }
0x81: {  	_ =	shalt  }
0x82: {  	_ =	shalt  }
0x83: {  	_ =	shalt  }
0x84: {  	_ =	shalt  }
0x85: {  	_ =	shalt  }
0x86: {  	_ =	shalt  }
0x87: {  	_ =	shalt  }
.Lfunc_end0:
.L_simem_size_0:
called_computation.2_lowered:
.L_overlay_start_0:
0x88: {  	s2 =	sld [smem:$0x3FD9]  }
0x89: {  	s3 =	sld [smem:$0x3FFE];
	_ =	sdelay $0x1  }
0x8a: {  	s1 =	srdreg.scid  }
0x8b: {  	s0 =	sand.u32 $0x1, s1  }
0x8c: {  	s16 =	sshll.u32 s0, $0xA;
	s2 =	sadd.s32 s3, s2  }
0x8d: {  	s2 =	sadd.s32 s2, s16  }
0x8e: {  	[smem:$0x3FB4] =	sst s2  }
0x8f: {  	_ = 	snop  }
0x90: {  	(tm) =	ssettm $0x1  }
0x91: {  	s17 =	sld [smem:$0x3FFB];
	_ =	sdelay $0x3  }
0x92: {  	_ =	strace s17  }
0x93: {  	s2 =	sld [smem:$0x3FFC];
	_ =	sdelay $0x3  }
0x94: {  	_ =	strace s2  }
0x95: {  	s2 =	sld [smem:$0x3FFD];
	_ =	sdelay $0x3  }
0x96: {  	_ =	strace s2  }
0x97: {  	_ =	strace $0x8FFFFFFF  }
0x98: {  	s18 =	sld [smem:$0x3FDB];
	_ =	sdelay $0x1  }
0x99: {  	s19 =	simm.s32 $_scs_section_size  }
0x9a: {  	s4 =	simm.s32 $_size__tile_overlayer_lowered;
	s5 =	simm.s32 $_tile_overlayer_lowered  }
0x9b: {  	s22 =	simm.s32 $0x1BFF;
	s21 =	sshll.u32 s5, $0x1;
	s2 =	sadd.s32 s19, s18  }
0x9c: {  	s6 =	simm.s32 $0x0;
	s20 =	sshll.u32 s4, $0x1;
	s4 =	sadd.s32 s21, s2  }
0x9d: {  	[timem:s6], [sflag:s22] =	dma.local [hbm:s4], s20  }
0x9e: {  	_ =	swait.ge [sflag:s22], s20  }
0x9f: {  	s3 =	ssub.s32 $0x0, s20;
	[sflag:s22] =	ssyncset.done $0x0  }
0xa0: {  	[sflag:s22] =	ssyncadd.s32 s3;
	_ =	sdelay $0x1  }
0xa1: {  	s23 =	simm.s32 $0x1B8B  }
0xa2: {  	_ =	swait.ge [sflag:s23], $0x1  }
0xa3: {  	[sflag:s23] =	ssyncset.done $0x0  }
0xa4: {  	s25 =	simm.s32 $0x1B8E;
	s24 =	sld [smem:$0x3FFE];
	[sflag:s23] =	ssyncadd.s32 $0xFFFFFFFF  }
0xa5: {  	s26 =	simm.s32 $execute0_lowered;
	[smem:$0x3FD2] =	sst s25  }
0xa6: {  	s4 =	sshll.u32 s26, $0x1;
	_ =	strace $0x8000004C;
	[dreg:$0x1] =	wrdreg $0xFFFFFFFF  }
0xa7: {  	s28 =	simm.s32 $_size_execute0_lowered;
	s2 =	sadd.s32 s2, s4;
	[dreg:$0x0] =	wrdreg $0x0  }
0xa8: {  	s4 =	sshll.u32 s28, $0x1;
	[dreg:$0x2] =	wrdreg s2  }
0xa9: {  	[dreg:$0x3] =	wrdreg s4  }
0xaa: {  	[dreg:$0x4] =	wrdreg $0xC0  }
0xab: {  	_ =	task [dreg:s6], $0x5FFFF  }
0xac: {  	[dreg:$0x1] =	wrdreg $0xFFFFFFFF  }
0xad: {  	[dreg:$0x0] =	wrdreg $0x60  }
0xae: {  	[dreg:$0x2] =	wrdreg s24  }
0xaf: {  	[dreg:$0x3] =	wrdreg $0xC0000  }
0xb0: {  	[dreg:$0x4] =	wrdreg $0x9  }
0xb1: {  	_ =	task.clear_ibuf [dreg:s6], $0x5FFFF;
	_ =	strace $0x9000004C  }
0xb2: {  	s29 =	simm.s32 $0x9;
	_ =	strace $0x8000004E  }
0xb3: {  	_ =	swait.ge [sflag:s29], $0x1  }
0xb4: {  	[sflag:s29] =	ssyncadd.s32 $0xFFFFFFFF  }
0xb5: {  	_ =	strace $0x9000004E  }
0xb6: {  	_ =	sfence  }
0xb7: {  	s30 =	sld [smem:$0x0];
	_ =	sdelay $0x2  }
0xb8: {  	s31 =	sshll.u32 s1, $0xD;
	s1 =	sshrl.u32 s1, $0x2  }
0xb9: {  	s3 =	sand.u32 $0x4000, s31;
	s1 =	sadd.s32 s1, s30  }
0xba: {  	s0 =	sor.u32 s3, s0;
	s1 =	sshll.u32 s1, $0x11  }
0xbb: {  	s0 =	sor.u32 s1, s0  }
0xbc: {  	s0 =	sadd.s32 $0x8F2B, s0  }
0xbd: {  	[sflag:s0] =	ssyncadd.remote.s32 $0x1  }
0xbe: {  	_ =	sfence.sel $0xFFFF  }
0xbf: {  	[dreg:$0x0] =	wrdreg $0xFFFFFFFF;
	(pc) =	sbr.abs _section_cstart, $3  }
0xc0: {  	[dreg:$0x1] =	wrdreg $0xFFFFFFFF  }
0xc1: {  	_ =	task.clear_ibuf [dreg:s6], $0x2FFFF;
	_ =	strace $0x9FFFFFFF  }
0xc2: {  	(tm) =	ssettm $0x7FFFFFFF  }
0xc3: {  	_ =	shalt  }
tec
execute0_lowered:
.L_overlay_start_1:
0x0: {  	(tag) =	ssettag $0x1  }
0x1: {  	s0 =	rddreg [dreg:$0x0]  }
0x2: {  	s2 =	rddreg [dreg:$0x1]  }
0x3: {  	s3 =	simm.s32 $0x0;
	s4 =	srdreg.scid;
	s1 =	stileid.u32  }
0x4: {  	s14 =	simm.s32 $0x3C00;
	s15 =	simm.s32 $0x80;
	s16 =	simm.s32 $0x4000  }
0x5: {  	s17 =	simm.s32 $0x8000;
	s18 =	simm.s32 $0x3;
	s19 =	simm.s32 $0x1  }
0x6: {  	s20 =	simm.s32 $0x3C80;
	s21 =	simm.s32 $0x2;
	s5 =	smul.u32 $0x7800, s1  }
0x7: {  	s28 =	simm.s32 $0x3F80;
	s29 =	simm.s32 $0x0;
	s23 =	smul.u32 $0x13C00, s1  }
0x8: {  	s9 =	sand.u32 $0x1, s4;
	s22 =	sshll.u32 s1, $0x1;
	s25 =	smul.u32 $0x4F000, s1  }
0x9: {  	[smem:$0x7FF] =	sst s3;
	s31 =	sshll.u32 s1, $0x6;
	s6 =	smul.u32 $0x3C00, s9  }
0xa: {  	s4 =	sor.u32 s9, s22;
	_ =	strace $0x8000004D;
	s10 =	smul.u32 $0x13C000, s9  }
0xb: {  	s26 =	ssub.s32 $0x2, s9;
	p0 =	seq.s32 s9, $0x1;
	s22 =	simm.s32 $0x3D00  }
0xc: {  	s7 =	smul.u32 $0x3C00, s4;
	s4 =	sadd.s32 $0x2CC00, s0;
	s24 =	sshrl.u32 s23, $0x3  }
0xd: {  	s30 =	sshrl.u32 s26, $0x1;
	s5 =	sadd.s32 s6, s5;
	s6 =	sadd.s32 s23, s10  }
0xe: {  	s10 =	ssub.s32 s26, s30;
	s23 =	simm.s32 $0x3D80;
	s26 =	simm.s32 $0x3F00  }
0xf: {  	s7 =	sshrl.u32 s7, $0x3;
	s8 =	sshrl.u32 s5, $0x3;
	s5 =	sadd.s32 $0x53E00, s0  }
0x10: {  	s6 =	sshrl.u32 s6, $0x3;
	s10 =	smax.u32 s10, $0x1;
	s11 =	sadd.s32 s7, s0  }
.Ltmp0:
0x11: {  	s12 =	sadd.s32 s8, s0;
	s7 =	sadd.s32 s24, s0;
	(pc) =	sbr.rel .LBB2_1-.Ltmp0, $4  }
0x12: {  	s0 =	sadd.s32 s6, s0;
	s8 =	sshrl.u32 s25, $0x2;
	s24 =	simm.s32 $0x3E00  }
0x13: {  	s25 =	simm.s32 $0x3E80;
	s13 =	sadd.s32 s8, s2;
	s6 =	sadd.s32 $0x7B000, s7  }
0x14: {  	s7 =	sor.u32 $0x1C04, s31;
	s8 =	sadd.s32 $0x1DC00, s11;
	s9 =	sadd.s32 $0xA2800, s0  }
0x15: {  	s11 =	sadd.s32 $0xEC00, s12;
	s12 =	sshrl.u32 s13, $0x3;
	s13 =	simm.s32 $0x4  }
.LBB2_7:
0x16: {  	[sflag:s21] =	ssyncadd.s32 $0xFFFFC000  }
.LBB2_8:
0x17: {  	s29 =	sadd.s32 $0x1, s29  }
0x18: {  	p1 =	sne.s32 s29, s10  }
.Ltmp1:
0x19: {  	[bflag:$0x0] =	sbarrier.arrive $0xFFFF;
	(pc) =	sbr.rel @!p1 .LBB2_9-.Ltmp1, $4  }
0x1a: {  	[hbm:s9], [sflag:s7] =	dma.local [spmem:s12], $0x2780  }
0x1b: {  	_ =	swait.ge [sflag:s13], $0x2780  }
0x1c: {  	[sflag:s13] =	ssyncset.done $0x0  }
0x1d: {  	[sflag:s13] =	ssyncadd.s32 $0xFFFFD880  }
.LBB2_1:
0x1e: {  	[spmem:s12], [sflag:s7] =	dma.local [hbm:s6], $0x2780  }
0x1f: {  	_ =	swait.ge [sflag:s13], $0x2780  }
0x20: {  	[sflag:s13] =	ssyncset.done $0x0  }
0x21: {  	[sflag:s13] =	ssyncadd.s32 $0xFFFFD880  }
0x22: {  	[tilespmem:s3], [sflag:$0x4] =	stream.linear.gather [hbm4b:s8+s3], $0x3C00, $0x38;
	[tilespmem:$0x1FC00] =	vst v63  }
.Ltmp2:
0x23: {  	_ =	swait.ge [sflag:s13], $0x3C00;
	(pc) =	sbr.rel @!p0 .LBB2_2-.Ltmp2, $3  }
0x24: {  	[sflag:s13] =	ssyncset.done $0x0  }
0x25: {  	[sflag:s13] =	ssyncadd.s32 $0xFFFFC400  }
0x26: {  	[bflag:$0x0] =	sbarrier.arrive $0xFFFF;
	_ =	sdelay $0x1  }
0x27: {  	[tilespmem:s14], [sflag:$0x3] =	stream.linear.gather [hbm4b:s11+s3], $0x400, $0x38;
	[tilespmem:$0x1FC00] =	vst v63  }
0x28: {  	s0 =	sshra.s32 s3, $0x2  }
0x29: {  	[tilespmem:s16], [sflag:$0x1] =	stream.indirect.gather [hbm4b:s5+s15], $0x80, s0, s15, $0xb8;
	[tilespmem:$0x1FC00] =	vst v63  }
0x2a: {  	s1 =	sadd.s32 $0x80, s0  }
0x2b: {  	[tilespmem:s17], [sflag:$0x1] =	stream.indirect.gather [hbm4b:s5+s15], $0x80, s1, s15, $0xb8;
	[tilespmem:$0x1FC00] =	vst v63  }
0x2c: {  	_ =	swait.ge [sflag:s18], $0x400  }
0x2d: {  	[sflag:s18] =	ssyncset.done $0x0  }
0x2e: {  	[sflag:s18] =	ssyncadd.s32 $0xFFFFFC00  }
0x2f: {  	_ =	swait.ge [sflag:s19], $0x4000  }
0x30: {  	[sflag:s19] =	ssyncset.done $0x0  }
0x31: {  	[sflag:s19] =	ssyncadd.s32 $0xFFFFC000  }
0x32: {  	[spmem:s2] =	stream.indirect.scatter.add.f32 [tilespmem:s16], [sflag:$0x2], $0x80, s14, s15, $0xb8;
	[tilespmem:$0x1FC00] =	vst v63  }
0x33: {  	_ =	swait.ge [sflag:s19], $0x4000  }
0x34: {  	[sflag:s19] =	ssyncset.done $0x0  }
0x35: {  	[sflag:s19] =	ssyncadd.s32 $0xFFFFC000  }
0x36: {  	[spmem:s2] =	stream.indirect.scatter.add.f32 [tilespmem:s17], [sflag:$0x2], $0x80, s20, s15, $0xb8;
	[tilespmem:$0x1FC00] =	vst v63  }
0x37: {  	_ =	swait.ge [sflag:s21], $0x4000  }
0x38: {  	[sflag:s21] =	ssyncset.done $0x0  }
0x39: {  	[sflag:s21] =	ssyncadd.s32 $0xFFFFC000  }
0x3a: {  	_ =	swait.ge [sflag:s21], $0x4000  }
0x3b: {  	[sflag:s21] =	ssyncset.done $0x0  }
0x3c: {  	s1 =	sadd.s32 $0x100, s0;
	[sflag:s21] =	ssyncadd.s32 $0xFFFFC000  }
0x3d: {  	[tilespmem:s16], [sflag:$0x1] =	stream.indirect.gather [hbm4b:s5+s15], $0x80, s1, s15, $0xb8;
	[tilespmem:$0x1FC00] =	vst v63  }
0x3e: {  	s1 =	sadd.s32 $0x180, s0  }
0x3f: {  	[tilespmem:s17], [sflag:$0x1] =	stream.indirect.gather [hbm4b:s5+s15], $0x80, s1, s15, $0xb8;
	[tilespmem:$0x1FC00] =	vst v63  }
0x40: {  	_ =	swait.ge [sflag:s19], $0x4000  }
0x41: {  	[sflag:s19] =	ssyncset.done $0x0  }
0x42: {  	[sflag:s19] =	ssyncadd.s32 $0xFFFFC000  }
0x43: {  	[spmem:s2] =	stream.indirect.scatter.add.f32 [tilespmem:s16], [sflag:$0x2], $0x80, s22, s15, $0xb8;
	[tilespmem:$0x1FC00] =	vst v63  }
0x44: {  	_ =	swait.ge [sflag:s19], $0x4000  }
0x45: {  	[sflag:s19] =	ssyncset.done $0x0  }
0x46: {  	[sflag:s19] =	ssyncadd.s32 $0xFFFFC000  }
0x47: {  	[spmem:s2] =	stream.indirect.scatter.add.f32 [tilespmem:s17], [sflag:$0x2], $0x80, s23, s15, $0xb8;
	[tilespmem:$0x1FC00] =	vst v63  }
0x48: {  	_ =	swait.ge [sflag:s21], $0x4000  }
0x49: {  	[sflag:s21] =	ssyncset.done $0x0  }
0x4a: {  	[sflag:s21] =	ssyncadd.s32 $0xFFFFC000  }
0x4b: {  	_ =	swait.ge [sflag:s21], $0x4000  }
0x4c: {  	[sflag:s21] =	ssyncset.done $0x0  }
0x4d: {  	s1 =	sadd.s32 $0x200, s0;
	[sflag:s21] =	ssyncadd.s32 $0xFFFFC000  }
0x4e: {  	[tilespmem:s16], [sflag:$0x1] =	stream.indirect.gather [hbm4b:s5+s15], $0x80, s1, s15, $0xb8;
	[tilespmem:$0x1FC00] =	vst v63  }
0x4f: {  	s1 =	sadd.s32 $0x280, s0  }
0x50: {  	[tilespmem:s17], [sflag:$0x1] =	stream.indirect.gather [hbm4b:s5+s15], $0x80, s1, s15, $0xb8;
	[tilespmem:$0x1FC00] =	vst v63  }
0x51: {  	_ =	swait.ge [sflag:s19], $0x4000  }
0x52: {  	[sflag:s19] =	ssyncset.done $0x0  }
0x53: {  	[sflag:s19] =	ssyncadd.s32 $0xFFFFC000  }
0x54: {  	[spmem:s2] =	stream.indirect.scatter.add.f32 [tilespmem:s16], [sflag:$0x2], $0x80, s24, s15, $0xb8;
	[tilespmem:$0x1FC00] =	vst v63  }
0x55: {  	_ =	swait.ge [sflag:s19], $0x4000  }
0x56: {  	[sflag:s19] =	ssyncset.done $0x0  }
0x57: {  	[sflag:s19] =	ssyncadd.s32 $0xFFFFC000  }
0x58: {  	[spmem:s2] =	stream.indirect.scatter.add.f32 [tilespmem:s17], [sflag:$0x2], $0x80, s25, s15, $0xb8;
	[tilespmem:$0x1FC00] =	vst v63  }
0x59: {  	_ =	swait.ge [sflag:s21], $0x4000  }
0x5a: {  	[sflag:s21] =	ssyncset.done $0x0  }
0x5b: {  	[sflag:s21] =	ssyncadd.s32 $0xFFFFC000  }
0x5c: {  	_ =	swait.ge [sflag:s21], $0x4000  }
0x5d: {  	[sflag:s21] =	ssyncset.done $0x0  }
0x5e: {  	s1 =	sadd.s32 $0x300, s0;
	[sflag:s21] =	ssyncadd.s32 $0xFFFFC000  }
0x5f: {  	[tilespmem:s16], [sflag:$0x1] =	stream.indirect.gather [hbm4b:s5+s15], $0x80, s1, s15, $0xb8;
	[tilespmem:$0x1FC00] =	vst v63  }
0x60: {  	s0 =	sadd.s32 $0x380, s0  }
0x61: {  	[tilespmem:s17], [sflag:$0x1] =	stream.indirect.gather [hbm4b:s5+s15], $0x80, s0, s15, $0xb8;
	[tilespmem:$0x1FC00] =	vst v63  }
0x62: {  	_ =	swait.ge [sflag:s19], $0x4000  }
0x63: {  	[sflag:s19] =	ssyncset.done $0x0  }
0x64: {  	[sflag:s19] =	ssyncadd.s32 $0xFFFFC000  }
0x65: {  	[spmem:s2] =	stream.indirect.scatter.add.f32 [tilespmem:s16], [sflag:$0x2], $0x80, s26, s15, $0xb8;
	[tilespmem:$0x1FC00] =	vst v63  }
0x66: {  	_ =	swait.ge [sflag:s19], $0x4000  }
0x67: {  	[sflag:s19] =	ssyncset.done $0x0  }
0x68: {  	[sflag:s19] =	ssyncadd.s32 $0xFFFFC000  }
0x69: {  	[spmem:s2] =	stream.indirect.scatter.add.f32 [tilespmem:s17], [sflag:$0x2], $0x80, s28, s15, $0xb8;
	[tilespmem:$0x1FC00] =	vst v63  }
0x6a: {  	_ =	swait.ge [sflag:s21], $0x4000  }
0x6b: {  	[sflag:s21] =	ssyncset.done $0x0  }
0x6c: {  	[sflag:s21] =	ssyncadd.s32 $0xFFFFC000  }
0x6d: {  	_ =	swait.ge [sflag:s21], $0x4000  }
0x6e: {  	s30 =	sadd.s32 $0x1000, s3;
	s31 =	smov.u32 s11;
	[sflag:s21] =	ssyncset.done $0x0  }
.LBB2_6:
0x6f: {  	p1 =	sne.s32 s30, $0x4000;
	[sflag:s21] =	ssyncadd.s32 $0xFFFFC000;
	s31 =	sadd.s32 $0x80, s31  }
0x70: {  	[tilespmem:s14], [sflag:$0x3] =	stream.linear.gather [hbm4b:s31+s3], $0x400, $0x38;
	[tilespmem:$0x1FC00] =	vst v63  }
0x71: {  	s0 =	sshra.s32 s30, $0x2;
	s30 =	sadd.s32 $0x1000, s30  }
0x72: {  	[tilespmem:s16], [sflag:$0x1] =	stream.indirect.gather [hbm4b:s5+s15], $0x80, s0, s15, $0xb8;
	[tilespmem:$0x1FC00] =	vst v63  }
0x73: {  	s1 =	sadd.s32 $0x80, s0  }
0x74: {  	[tilespmem:s17], [sflag:$0x1] =	stream.indirect.gather [hbm4b:s5+s15], $0x80, s1, s15, $0xb8;
	[tilespmem:$0x1FC00] =	vst v63  }
0x75: {  	_ =	swait.ge [sflag:s18], $0x400  }
0x76: {  	[sflag:s18] =	ssyncset.done $0x0  }
0x77: {  	[sflag:s18] =	ssyncadd.s32 $0xFFFFFC00  }
0x78: {  	_ =	swait.ge [sflag:s19], $0x4000  }
0x79: {  	[sflag:s19] =	ssyncset.done $0x0  }
0x7a: {  	[sflag:s19] =	ssyncadd.s32 $0xFFFFC000  }
0x7b: {  	[spmem:s2] =	stream.indirect.scatter.add.f32 [tilespmem:s16], [sflag:$0x2], $0x80, s14, s15, $0xb8;
	[tilespmem:$0x1FC00] =	vst v63  }
0x7c: {  	_ =	swait.ge [sflag:s19], $0x4000  }
0x7d: {  	[sflag:s19] =	ssyncset.done $0x0  }
0x7e: {  	[sflag:s19] =	ssyncadd.s32 $0xFFFFC000  }
0x7f: {  	[spmem:s2] =	stream.indirect.scatter.add.f32 [tilespmem:s17], [sflag:$0x2], $0x80, s20, s15, $0xb8;
	[tilespmem:$0x1FC00] =	vst v63  }
0x80: {  	_ =	swait.ge [sflag:s21], $0x4000  }
0x81: {  	[sflag:s21] =	ssyncset.done $0x0  }
0x82: {  	[sflag:s21] =	ssyncadd.s32 $0xFFFFC000  }
0x83: {  	_ =	swait.ge [sflag:s21], $0x4000  }
0x84: {  	[sflag:s21] =	ssyncset.done $0x0  }
0x85: {  	s1 =	sadd.s32 $0x100, s0;
	[sflag:s21] =	ssyncadd.s32 $0xFFFFC000  }
0x86: {  	[tilespmem:s16], [sflag:$0x1] =	stream.indirect.gather [hbm4b:s5+s15], $0x80, s1, s15, $0xb8;
	[tilespmem:$0x1FC00] =	vst v63  }
0x87: {  	s1 =	sadd.s32 $0x180, s0  }
0x88: {  	[tilespmem:s17], [sflag:$0x1] =	stream.indirect.gather [hbm4b:s5+s15], $0x80, s1, s15, $0xb8;
	[tilespmem:$0x1FC00] =	vst v63  }
0x89: {  	_ =	swait.ge [sflag:s19], $0x4000  }
0x8a: {  	[sflag:s19] =	ssyncset.done $0x0  }
0x8b: {  	[sflag:s19] =	ssyncadd.s32 $0xFFFFC000  }
0x8c: {  	[spmem:s2] =	stream.indirect.scatter.add.f32 [tilespmem:s16], [sflag:$0x2], $0x80, s22, s15, $0xb8;
	[tilespmem:$0x1FC00] =	vst v63  }
0x8d: {  	_ =	swait.ge [sflag:s19], $0x4000  }
0x8e: {  	[sflag:s19] =	ssyncset.done $0x0  }
0x8f: {  	[sflag:s19] =	ssyncadd.s32 $0xFFFFC000  }
0x90: {  	[spmem:s2] =	stream.indirect.scatter.add.f32 [tilespmem:s17], [sflag:$0x2], $0x80, s23, s15, $0xb8;
	[tilespmem:$0x1FC00] =	vst v63  }
0x91: {  	_ =	swait.ge [sflag:s21], $0x4000  }
0x92: {  	[sflag:s21] =	ssyncset.done $0x0  }
0x93: {  	[sflag:s21] =	ssyncadd.s32 $0xFFFFC000  }
0x94: {  	_ =	swait.ge [sflag:s21], $0x4000  }
0x95: {  	[sflag:s21] =	ssyncset.done $0x0  }
0x96: {  	s1 =	sadd.s32 $0x200, s0;
	[sflag:s21] =	ssyncadd.s32 $0xFFFFC000  }
0x97: {  	[tilespmem:s16], [sflag:$0x1] =	stream.indirect.gather [hbm4b:s5+s15], $0x80, s1, s15, $0xb8;
	[tilespmem:$0x1FC00] =	vst v63  }
0x98: {  	s1 =	sadd.s32 $0x280, s0  }
0x99: {  	[tilespmem:s17], [sflag:$0x1] =	stream.indirect.gather [hbm4b:s5+s15], $0x80, s1, s15, $0xb8;
	[tilespmem:$0x1FC00] =	vst v63  }
0x9a: {  	_ =	swait.ge [sflag:s19], $0x4000  }
0x9b: {  	[sflag:s19] =	ssyncset.done $0x0  }
0x9c: {  	[sflag:s19] =	ssyncadd.s32 $0xFFFFC000  }
0x9d: {  	[spmem:s2] =	stream.indirect.scatter.add.f32 [tilespmem:s16], [sflag:$0x2], $0x80, s24, s15, $0xb8;
	[tilespmem:$0x1FC00] =	vst v63  }
0x9e: {  	_ =	swait.ge [sflag:s19], $0x4000  }
0x9f: {  	[sflag:s19] =	ssyncset.done $0x0  }
0xa0: {  	[sflag:s19] =	ssyncadd.s32 $0xFFFFC000  }
0xa1: {  	[spmem:s2] =	stream.indirect.scatter.add.f32 [tilespmem:s17], [sflag:$0x2], $0x80, s25, s15, $0xb8;
	[tilespmem:$0x1FC00] =	vst v63  }
0xa2: {  	_ =	swait.ge [sflag:s21], $0x4000  }
0xa3: {  	[sflag:s21] =	ssyncset.done $0x0  }
0xa4: {  	[sflag:s21] =	ssyncadd.s32 $0xFFFFC000  }
0xa5: {  	_ =	swait.ge [sflag:s21], $0x4000  }
0xa6: {  	[sflag:s21] =	ssyncset.done $0x0  }
0xa7: {  	s1 =	sadd.s32 $0x300, s0;
	[sflag:s21] =	ssyncadd.s32 $0xFFFFC000  }
0xa8: {  	[tilespmem:s16], [sflag:$0x1] =	stream.indirect.gather [hbm4b:s5+s15], $0x80, s1, s15, $0xb8;
	[tilespmem:$0x1FC00] =	vst v63  }
0xa9: {  	s0 =	sadd.s32 $0x380, s0  }
0xaa: {  	[tilespmem:s17], [sflag:$0x1] =	stream.indirect.gather [hbm4b:s5+s15], $0x80, s0, s15, $0xb8;
	[tilespmem:$0x1FC00] =	vst v63  }
0xab: {  	_ =	swait.ge [sflag:s19], $0x4000  }
0xac: {  	[sflag:s19] =	ssyncset.done $0x0  }
0xad: {  	[sflag:s19] =	ssyncadd.s32 $0xFFFFC000  }
0xae: {  	[spmem:s2] =	stream.indirect.scatter.add.f32 [tilespmem:s16], [sflag:$0x2], $0x80, s26, s15, $0xb8;
	[tilespmem:$0x1FC00] =	vst v63  }
0xaf: {  	_ =	swait.ge [sflag:s19], $0x4000  }
0xb0: {  	[sflag:s19] =	ssyncset.done $0x0  }
0xb1: {  	[sflag:s19] =	ssyncadd.s32 $0xFFFFC000  }
0xb2: {  	[spmem:s2] =	stream.indirect.scatter.add.f32 [tilespmem:s17], [sflag:$0x2], $0x80, s28, s15, $0xb8;
	[tilespmem:$0x1FC00] =	vst v63  }
.Ltmp3:
0xb3: {  	_ =	swait.ge [sflag:s21], $0x4000;
	(pc) =	sbr.rel @p1 .LBB2_6-.Ltmp3, $4  }
0xb4: {  	[sflag:s21] =	ssyncset.done $0x0  }
0xb5: {  	[sflag:s21] =	ssyncadd.s32 $0xFFFFC000  }
0xb6: {  	_ =	swait.ge [sflag:s21], $0x4000  }
0xb7: {  	[sflag:s21] =	ssyncset.done $0x0  }
.Ltmp4:
0xb8: {  	_ = 	snop;
	(pc) =	sbr.rel .LBB2_7-.Ltmp4, $1  }
0xb9: {  	_ =	sdelay $0x3  }
.LBB2_2:
0xba: {  	[tilespmem:s14], [sflag:$0x3] =	stream.linear.gather [hbm4b:s11+s3], $0x400, $0x38;
	[tilespmem:$0x1FC00] =	vst v63  }
0xbb: {  	s0 =	sshra.s32 s3, $0x2  }
0xbc: {  	[tilespmem:s16], [sflag:$0x1] =	stream.indirect.gather [hbm4b:s4+s15], $0x80, s0, s15, $0xb8;
	[tilespmem:$0x1FC00] =	vst v63  }
0xbd: {  	s30 =	sadd.s32 $0x80, s0  }
0xbe: {  	[tilespmem:s17], [sflag:$0x1] =	stream.indirect.gather [hbm4b:s4+s15], $0x80, s30, s15, $0xb8;
	[tilespmem:$0x1FC00] =	vst v63  }
0xbf: {  	_ =	swait.ge [sflag:s18], $0x400  }
0xc0: {  	[sflag:s18] =	ssyncset.done $0x0  }
0xc1: {  	[sflag:s18] =	ssyncadd.s32 $0xFFFFFC00  }
0xc2: {  	_ =	swait.ge [sflag:s19], $0x4000  }
0xc3: {  	[sflag:s19] =	ssyncset.done $0x0  }
0xc4: {  	[sflag:s19] =	ssyncadd.s32 $0xFFFFC000  }
0xc5: {  	[spmem:s2] =	stream.indirect.scatter.add.f32 [tilespmem:s16], [sflag:$0x2], $0x80, s14, s15, $0xb8;
	[tilespmem:$0x1FC00] =	vst v63  }
0xc6: {  	_ =	swait.ge [sflag:s19], $0x4000  }
0xc7: {  	[sflag:s19] =	ssyncset.done $0x0  }
0xc8: {  	[sflag:s19] =	ssyncadd.s32 $0xFFFFC000  }
0xc9: {  	[spmem:s2] =	stream.indirect.scatter.add.f32 [tilespmem:s17], [sflag:$0x2], $0x80, s20, s15, $0xb8;
	[tilespmem:$0x1FC00] =	vst v63  }
0xca: {  	_ =	swait.ge [sflag:s21], $0x4000  }
0xcb: {  	[sflag:s21] =	ssyncset.done $0x0  }
0xcc: {  	[sflag:s21] =	ssyncadd.s32 $0xFFFFC000  }
0xcd: {  	_ =	swait.ge [sflag:s21], $0x4000  }
0xce: {  	[sflag:s21] =	ssyncset.done $0x0  }
0xcf: {  	s30 =	sadd.s32 $0x100, s0;
	[sflag:s21] =	ssyncadd.s32 $0xFFFFC000  }
0xd0: {  	[tilespmem:s16], [sflag:$0x1] =	stream.indirect.gather [hbm4b:s4+s15], $0x80, s30, s15, $0xb8;
	[tilespmem:$0x1FC00] =	vst v63  }
0xd1: {  	s30 =	sadd.s32 $0x180, s0  }
0xd2: {  	[tilespmem:s17], [sflag:$0x1] =	stream.indirect.gather [hbm4b:s4+s15], $0x80, s30, s15, $0xb8;
	[tilespmem:$0x1FC00] =	vst v63  }
0xd3: {  	_ =	swait.ge [sflag:s19], $0x4000  }
0xd4: {  	[sflag:s19] =	ssyncset.done $0x0  }
0xd5: {  	[sflag:s19] =	ssyncadd.s32 $0xFFFFC000  }
0xd6: {  	[spmem:s2] =	stream.indirect.scatter.add.f32 [tilespmem:s16], [sflag:$0x2], $0x80, s22, s15, $0xb8;
	[tilespmem:$0x1FC00] =	vst v63  }
0xd7: {  	_ =	swait.ge [sflag:s19], $0x4000  }
0xd8: {  	[sflag:s19] =	ssyncset.done $0x0  }
0xd9: {  	[sflag:s19] =	ssyncadd.s32 $0xFFFFC000  }
0xda: {  	[spmem:s2] =	stream.indirect.scatter.add.f32 [tilespmem:s17], [sflag:$0x2], $0x80, s23, s15, $0xb8;
	[tilespmem:$0x1FC00] =	vst v63  }
0xdb: {  	_ =	swait.ge [sflag:s21], $0x4000  }
0xdc: {  	[sflag:s21] =	ssyncset.done $0x0  }
0xdd: {  	[sflag:s21] =	ssyncadd.s32 $0xFFFFC000  }
0xde: {  	_ =	swait.ge [sflag:s21], $0x4000  }
0xdf: {  	[sflag:s21] =	ssyncset.done $0x0  }
0xe0: {  	s30 =	sadd.s32 $0x200, s0;
	[sflag:s21] =	ssyncadd.s32 $0xFFFFC000  }
0xe1: {  	[tilespmem:s16], [sflag:$0x1] =	stream.indirect.gather [hbm4b:s4+s15], $0x80, s30, s15, $0xb8;
	[tilespmem:$0x1FC00] =	vst v63  }
0xe2: {  	s30 =	sadd.s32 $0x280, s0  }
0xe3: {  	[tilespmem:s17], [sflag:$0x1] =	stream.indirect.gather [hbm4b:s4+s15], $0x80, s30, s15, $0xb8;
	[tilespmem:$0x1FC00] =	vst v63  }
0xe4: {  	_ =	swait.ge [sflag:s19], $0x4000  }
0xe5: {  	[sflag:s19] =	ssyncset.done $0x0  }
0xe6: {  	[sflag:s19] =	ssyncadd.s32 $0xFFFFC000  }
0xe7: {  	[spmem:s2] =	stream.indirect.scatter.add.f32 [tilespmem:s16], [sflag:$0x2], $0x80, s24, s15, $0xb8;
	[tilespmem:$0x1FC00] =	vst v63  }
0xe8: {  	_ =	swait.ge [sflag:s19], $0x4000  }
0xe9: {  	[sflag:s19] =	ssyncset.done $0x0  }
0xea: {  	[sflag:s19] =	ssyncadd.s32 $0xFFFFC000  }
0xeb: {  	[spmem:s2] =	stream.indirect.scatter.add.f32 [tilespmem:s17], [sflag:$0x2], $0x80, s25, s15, $0xb8;
	[tilespmem:$0x1FC00] =	vst v63  }
0xec: {  	_ =	swait.ge [sflag:s21], $0x4000  }
0xed: {  	[sflag:s21] =	ssyncset.done $0x0  }
0xee: {  	[sflag:s21] =	ssyncadd.s32 $0xFFFFC000  }
0xef: {  	_ =	swait.ge [sflag:s21], $0x4000  }
0xf0: {  	[sflag:s21] =	ssyncset.done $0x0  }
0xf1: {  	s30 =	sadd.s32 $0x300, s0;
	[sflag:s21] =	ssyncadd.s32 $0xFFFFC000  }
0xf2: {  	[tilespmem:s16], [sflag:$0x1] =	stream.indirect.gather [hbm4b:s4+s15], $0x80, s30, s15, $0xb8;
	[tilespmem:$0x1FC00] =	vst v63  }
0xf3: {  	s0 =	sadd.s32 $0x380, s0  }
0xf4: {  	[tilespmem:s17], [sflag:$0x1] =	stream.indirect.gather [hbm4b:s4+s15], $0x80, s0, s15, $0xb8;
	[tilespmem:$0x1FC00] =	vst v63  }
0xf5: {  	_ =	swait.ge [sflag:s19], $0x4000  }
0xf6: {  	[sflag:s19] =	ssyncset.done $0x0  }
0xf7: {  	[sflag:s19] =	ssyncadd.s32 $0xFFFFC000  }
0xf8: {  	[spmem:s2] =	stream.indirect.scatter.add.f32 [tilespmem:s16], [sflag:$0x2], $0x80, s26, s15, $0xb8;
	[tilespmem:$0x1FC00] =	vst v63  }
0xf9: {  	_ =	swait.ge [sflag:s19], $0x4000  }
0xfa: {  	[sflag:s19] =	ssyncset.done $0x0  }
0xfb: {  	[sflag:s19] =	ssyncadd.s32 $0xFFFFC000  }
0xfc: {  	[spmem:s2] =	stream.indirect.scatter.add.f32 [tilespmem:s17], [sflag:$0x2], $0x80, s28, s15, $0xb8;
	[tilespmem:$0x1FC00] =	vst v63  }
0xfd: {  	_ =	swait.ge [sflag:s21], $0x4000  }
0xfe: {  	[sflag:s21] =	ssyncset.done $0x0  }
0xff: {  	[sflag:s21] =	ssyncadd.s32 $0xFFFFC000  }
0x100: {  	_ =	swait.ge [sflag:s21], $0x4000  }
0x101: {  	s31 =	smov.u32 s11;
	s30 =	sadd.s32 $0x1000, s3;
	[sflag:s21] =	ssyncset.done $0x0  }
.LBB2_3:
0x102: {  	p1 =	seq.s32 s30, $0xE000;
	[sflag:s21] =	ssyncadd.s32 $0xFFFFC000;
	s31 =	sadd.s32 $0x80, s31  }
0x103: {  	[tilespmem:s14], [sflag:$0x3] =	stream.linear.gather [hbm4b:s31+s3], $0x400, $0x38;
	[tilespmem:$0x1FC00] =	vst v63  }
0x104: {  	s0 =	sshra.s32 s30, $0x2;
	s30 =	sadd.s32 $0x1000, s30  }
0x105: {  	[tilespmem:s16], [sflag:$0x1] =	stream.indirect.gather [hbm4b:s4+s15], $0x80, s0, s15, $0xb8;
	[tilespmem:$0x1FC00] =	vst v63  }
0x106: {  	s1 =	sadd.s32 $0x80, s0  }
0x107: {  	[tilespmem:s17], [sflag:$0x1] =	stream.indirect.gather [hbm4b:s4+s15], $0x80, s1, s15, $0xb8;
	[tilespmem:$0x1FC00] =	vst v63  }
0x108: {  	_ =	swait.ge [sflag:s18], $0x400  }
0x109: {  	[sflag:s18] =	ssyncset.done $0x0  }
0x10a: {  	[sflag:s18] =	ssyncadd.s32 $0xFFFFFC00  }
0x10b: {  	_ =	swait.ge [sflag:s19], $0x4000  }
0x10c: {  	[sflag:s19] =	ssyncset.done $0x0  }
0x10d: {  	[sflag:s19] =	ssyncadd.s32 $0xFFFFC000  }
0x10e: {  	[spmem:s2] =	stream.indirect.scatter.add.f32 [tilespmem:s16], [sflag:$0x2], $0x80, s14, s15, $0xb8;
	[tilespmem:$0x1FC00] =	vst v63  }
0x10f: {  	_ =	swait.ge [sflag:s19], $0x4000  }
0x110: {  	[sflag:s19] =	ssyncset.done $0x0  }
0x111: {  	[sflag:s19] =	ssyncadd.s32 $0xFFFFC000  }
0x112: {  	[spmem:s2] =	stream.indirect.scatter.add.f32 [tilespmem:s17], [sflag:$0x2], $0x80, s20, s15, $0xb8;
	[tilespmem:$0x1FC00] =	vst v63  }
0x113: {  	_ =	swait.ge [sflag:s21], $0x4000  }
0x114: {  	[sflag:s21] =	ssyncset.done $0x0  }
0x115: {  	[sflag:s21] =	ssyncadd.s32 $0xFFFFC000  }
0x116: {  	_ =	swait.ge [sflag:s21], $0x4000  }
0x117: {  	[sflag:s21] =	ssyncset.done $0x0  }
0x118: {  	s1 =	sadd.s32 $0x100, s0;
	[sflag:s21] =	ssyncadd.s32 $0xFFFFC000  }
0x119: {  	[tilespmem:s16], [sflag:$0x1] =	stream.indirect.gather [hbm4b:s4+s15], $0x80, s1, s15, $0xb8;
	[tilespmem:$0x1FC00] =	vst v63  }
0x11a: {  	s1 =	sadd.s32 $0x180, s0  }
0x11b: {  	[tilespmem:s17], [sflag:$0x1] =	stream.indirect.gather [hbm4b:s4+s15], $0x80, s1, s15, $0xb8;
	[tilespmem:$0x1FC00] =	vst v63  }
0x11c: {  	_ =	swait.ge [sflag:s19], $0x4000  }
0x11d: {  	[sflag:s19] =	ssyncset.done $0x0  }
0x11e: {  	[sflag:s19] =	ssyncadd.s32 $0xFFFFC000  }
0x11f: {  	[spmem:s2] =	stream.indirect.scatter.add.f32 [tilespmem:s16], [sflag:$0x2], $0x80, s22, s15, $0xb8;
	[tilespmem:$0x1FC00] =	vst v63  }
0x120: {  	_ =	swait.ge [sflag:s19], $0x4000  }
0x121: {  	[sflag:s19] =	ssyncset.done $0x0  }
0x122: {  	[sflag:s19] =	ssyncadd.s32 $0xFFFFC000  }
0x123: {  	[spmem:s2] =	stream.indirect.scatter.add.f32 [tilespmem:s17], [sflag:$0x2], $0x80, s23, s15, $0xb8;
	[tilespmem:$0x1FC00] =	vst v63  }
0x124: {  	_ =	swait.ge [sflag:s21], $0x4000  }
0x125: {  	[sflag:s21] =	ssyncset.done $0x0  }
0x126: {  	[sflag:s21] =	ssyncadd.s32 $0xFFFFC000  }
0x127: {  	_ =	swait.ge [sflag:s21], $0x4000  }
0x128: {  	[sflag:s21] =	ssyncset.done $0x0  }
0x129: {  	s1 =	sadd.s32 $0x200, s0;
	[sflag:s21] =	ssyncadd.s32 $0xFFFFC000  }
0x12a: {  	[tilespmem:s16], [sflag:$0x1] =	stream.indirect.gather [hbm4b:s4+s15], $0x80, s1, s15, $0xb8;
	[tilespmem:$0x1FC00] =	vst v63  }
0x12b: {  	s1 =	sadd.s32 $0x280, s0  }
0x12c: {  	[tilespmem:s17], [sflag:$0x1] =	stream.indirect.gather [hbm4b:s4+s15], $0x80, s1, s15, $0xb8;
	[tilespmem:$0x1FC00] =	vst v63  }
0x12d: {  	_ =	swait.ge [sflag:s19], $0x4000  }
0x12e: {  	[sflag:s19] =	ssyncset.done $0x0  }
0x12f: {  	[sflag:s19] =	ssyncadd.s32 $0xFFFFC000  }
0x130: {  	[spmem:s2] =	stream.indirect.scatter.add.f32 [tilespmem:s16], [sflag:$0x2], $0x80, s24, s15, $0xb8;
	[tilespmem:$0x1FC00] =	vst v63  }
0x131: {  	_ =	swait.ge [sflag:s19], $0x4000  }
0x132: {  	[sflag:s19] =	ssyncset.done $0x0  }
0x133: {  	[sflag:s19] =	ssyncadd.s32 $0xFFFFC000  }
0x134: {  	[spmem:s2] =	stream.indirect.scatter.add.f32 [tilespmem:s17], [sflag:$0x2], $0x80, s25, s15, $0xb8;
	[tilespmem:$0x1FC00] =	vst v63  }
0x135: {  	_ =	swait.ge [sflag:s21], $0x4000  }
0x136: {  	[sflag:s21] =	ssyncset.done $0x0  }
0x137: {  	[sflag:s21] =	ssyncadd.s32 $0xFFFFC000  }
0x138: {  	_ =	swait.ge [sflag:s21], $0x4000  }
0x139: {  	[sflag:s21] =	ssyncset.done $0x0  }
0x13a: {  	s1 =	sadd.s32 $0x300, s0;
	[sflag:s21] =	ssyncadd.s32 $0xFFFFC000  }
0x13b: {  	[tilespmem:s16], [sflag:$0x1] =	stream.indirect.gather [hbm4b:s4+s15], $0x80, s1, s15, $0xb8;
	[tilespmem:$0x1FC00] =	vst v63  }
0x13c: {  	s0 =	sadd.s32 $0x380, s0  }
0x13d: {  	[tilespmem:s17], [sflag:$0x1] =	stream.indirect.gather [hbm4b:s4+s15], $0x80, s0, s15, $0xb8;
	[tilespmem:$0x1FC00] =	vst v63  }
0x13e: {  	_ =	swait.ge [sflag:s19], $0x4000  }
0x13f: {  	[sflag:s19] =	ssyncset.done $0x0  }
0x140: {  	[sflag:s19] =	ssyncadd.s32 $0xFFFFC000  }
0x141: {  	[spmem:s2] =	stream.indirect.scatter.add.f32 [tilespmem:s16], [sflag:$0x2], $0x80, s26, s15, $0xb8;
	[tilespmem:$0x1FC00] =	vst v63  }
0x142: {  	_ =	swait.ge [sflag:s19], $0x4000  }
0x143: {  	[sflag:s19] =	ssyncset.done $0x0  }
0x144: {  	[sflag:s19] =	ssyncadd.s32 $0xFFFFC000  }
0x145: {  	[spmem:s2] =	stream.indirect.scatter.add.f32 [tilespmem:s17], [sflag:$0x2], $0x80, s28, s15, $0xb8;
	[tilespmem:$0x1FC00] =	vst v63  }
.Ltmp5:
0x146: {  	_ =	swait.ge [sflag:s21], $0x4000;
	(pc) =	sbr.rel @!p1 .LBB2_3-.Ltmp5, $4  }
0x147: {  	[sflag:s21] =	ssyncset.done $0x0  }
0x148: {  	[sflag:s21] =	ssyncadd.s32 $0xFFFFC000  }
0x149: {  	_ =	swait.ge [sflag:s21], $0x4000  }
0x14a: {  	[sflag:s21] =	ssyncset.done $0x0  }
.Ltmp6:
0x14b: {  	(pc) =	sbr.rel .LBB2_8-.Ltmp6, $2  }
0x14c: {  	_ =	sdelay $0x2  }
0x14d: {  	[sflag:s21] =	ssyncadd.s32 $0xFFFFC000  }
.LBB2_9:
0x14e: {  	_ =	sfence.sel $0x180000  }
0x14f: {  	[bflag:$0x0] =	sbarrier.arrive $0xFFFF  }
0x150: {  	_ =	strace $0x9000004D  }
0x151: {  	s0 =	stileid.u32;
	[bflag:$0x2] =	sbarrier.arrive $0xFFFF  }
0x152: {  	p0 =	sne.s32 s0, $0x0;
	s0 =	rddreg [dreg:$0x2]  }
0x153: {  	s0 =	sadd.s32 @!p0 $0x100000, s0  }
0x154: {  	[sflag:s0] =	ssyncadd.tile.s32 @!p0 $0x1;
	_ =	shalt  }
.Lfunc_end2:
_tile_overlayer_lowered:
.L_overlay_start_2:
0x155: {  	(tag) =	ssettag $0x2  }
0x156: {  	s0 =	rddreg [dreg:$0x0];
	s2 =	stileid.u32  }
0x157: {  	s1 =	rddreg [dreg:$0x1];
	p0 =	sne.s32 s2, $0x0  }
0x158: {  	s3 =	rddreg [dreg:$0x2];
	[bflag:$0x3] =	sbarrier.arrive $0xFFFF;
	s2 =	simm.s32 @!p0 $0x1C04  }
0x159: {  	[timem:s3], [sflag:s2] =	dma.local @!p0 [hbm:s0], s1  }
0x15a: {  	s0 =	simm.s32 @!p0 $0x4  }
0x15b: {  	_ =	swait.ge @!p0 [sflag:s0], s1  }
0x15c: {  	s1 =	ssub.s32 @!p0 $0x0, s1;
	[sflag:s0] =	ssyncset.done @!p0 $0x0  }
0x15d: {  	[sflag:s0] =	ssyncadd.s32 @!p0 s1  }
0x15e: {  	[bflag:$0x3] =	sbarrier.arrive $0xFFFF  }
0x15f: {  	_ =	shalt  }

// kernel: kernel.9.cloned.1.call-start
scs
__scs_entry_jumppad:
0x0: {  	(pc) =	sbr.rel $0x88, $3  }
0x1: {  	(tag) =	ssettag $0x0;
	lr =	simm.s32 $0x1  }
0x2: {  	[smem:$0x3F8D] =	sst lr;
	_ =	strace $0xD0000000  }
0x3: {  	_ = 	snop  }
0x4: {  	_ = 	snop  }
0x5: {  	_ = 	snop  }
0x6: {  	_ = 	snop  }
0x7: {  	_ = 	snop  }
__scs_overlays_trampoline_lowered:
0x8: {  	[smem:$0x3F9C] =	sst s0  }
0x9: {  	[smem:$0x3F9D] =	sst s1  }
0xa: {  	[smem:$0x3F9E] =	sst s2  }
0xb: {  	[smem:$0x3F9F] =	sst s3  }
0xc: {  	[smem:$0x3FA0] =	sst s4  }
0xd: {  	[smem:$0x3FA1] =	sst s5  }
0xe: {  	[smem:$0x3FA2] =	sst s6  }
0xf: {  	[smem:$0x3FA3] =	sst s7  }
0x10: {  	[smem:$0x3FA4] =	sst s8  }
0x11: {  	[smem:$0x3FA5] =	sst s9;
	s0 =	simm.s32 @!p0 $0x0  }
0x12: {  	s1 =	sld [smem:$0x3F8B];
	s0 =	simm.s32 @p0 $0x1  }
0x13: {  	[smem:$0x3FA6] =	sst s0;
	s0 =	simm.s32 @!p1 $0x0  }
0x14: {  	s2 =	sld [smem:$0x3F8A];
	s0 =	simm.s32 @p1 $0x1  }
0x15: {  	[smem:$0x3FA7] =	sst s0;
	s0 =	simm.s32 @!p2 $0x0  }
0x16: {  	s3 =	sld [smem:$0x3FDB];
	s0 =	simm.s32 @p2 $0x1  }
0x17: {  	s4 =	simm.s32 $0x1BF5;
	[smem:$0x3FA9] =	sst s0  }
0x18: {  	s0 =	sld [smem:$0x3F8C];
	_ =	swait.ge [sflag:s4], $0x0  }
0x19: {  	s7 =	sld [smem:$0x3F8D]  }
0x1a: {  	s8 =	sadd.s32 $0xFFFFE003, lr  }
0x1b: {  	s9 =	sadd.s32 $0xFFFFFEF7, lr;
	s5 =	simm.s32 $0xFFFFFFFF;
	p2 =	slt.u32 s8, $0xFFFFF086  }
0x1c: {  	p1 =	slt.u32 s9, $0xF7A;
	s5 =	simm.s32 @!p2 $0x0  }
0x1d: {  	s5 =	simm.s32 @p1 $0x1;
	p0 =	seq.s32 s7, s2  }
0x1e: {  	s7 =	smul.u32 @!p0 $0xF7A, s2;
	p2 =	seq.s32 @!p0 s5, $0x0  }
0x1f: {  	s9 =	smul.u32 $0xF7A, s1;
	s8 =	simm.s32 @!p0 $0x1BF5;
	p2 =	por !p2, p0  }
0x20: {  	[sflag:s8] =	ssyncset.s32 @!p0 $0xFFFFF086;
	s6 =	sadd.s32 @!p0 s3, s7;
	s7 =	simm.s32 @!p0 $0x108  }
0x21: {  	s3 =	sadd.s32 s3, s9;
	s6 =	sadd.s32 @!p0 $0x88, s6;
	s7 =	simm.s32 @p2 $0x1082  }
0x22: {  	[simem:s7], [sflag:s8] =	dma.local @!p0 [hbm:s6], $0xF7A  }
0x23: {  	s9 =	sor.u32 $0xD0000000, s2;
	s6 =	simm.s32 $0x108;
	_ =	swait.ge @!p0 [sflag:s8], $0x0  }
0x24: {  	s3 =	sadd.s32 $0x88, s3;
	s6 =	simm.s32 @!p1 $0x1082;
	[sflag:s4] =	ssyncset.s32 $0xFFFFF086  }
0x25: {  	[simem:s6], [sflag:s4] =	dma.local [hbm:s3], $0xF7A  }
0x26: {  	[smem:$0x3F8D] =	sst s1;
	(tag) =	ssettag s2;
	_ =	strace s9  }
0x27: {  	s1 =	sld [smem:$0x3F9D]  }
0x28: {  	s2 =	sld [smem:$0x3F9E]  }
0x29: {  	s4 =	sld [smem:$0x3FA0]  }
0x2a: {  	p0 =	seq.s32 s5, $0x0;
	s5 =	sld [smem:$0x3FA1]  }
0x2b: {  	s6 =	sld [smem:$0x3FA2]  }
0x2c: {  	s7 =	sld [smem:$0x3FA3]  }
0x2d: {  	s3 =	simm.s32 $0x108;
	s8 =	sld [smem:$0x3FA4]  }
0x2e: {  	s3 =	simm.s32 @!p0 $0x1082;
	s9 =	sld [smem:$0x3FA5]  }
0x2f: {  	lr =	sadd.s32 s0, s3;
	s0 =	sld [smem:$0x3F9C]  }
0x30: {  	s3 =	sld [smem:$0x3F9F]  }
0x31: {  	[smem:$0x3FA8] =	sst s10  }
0x32: {  	s10 =	sld [smem:$0x3FA6];
	_ =	sdelay $0x3  }
0x33: {  	p0 =	seq.s32 s10, $0x1;
	s10 =	sld [smem:$0x3FA8];
	_ =	sdelay $0x3  }
0x34: {  	[smem:$0x3FA8] =	sst s10  }
0x35: {  	s10 =	sld [smem:$0x3FA7];
	_ =	sdelay $0x3  }
0x36: {  	p1 =	seq.s32 s10, $0x1;
	s10 =	sld [smem:$0x3FA8];
	_ =	sdelay $0x3  }
0x37: {  	[smem:$0x3FA8] =	sst s10  }
0x38: {  	s10 =	sld [smem:$0x3FA9]  }
0x39: {  	_ = 	snop;
	(pc) =	sbr.ind lr, $3  }
0x3a: {  	_ = 	snop  }
0x3b: {  	_ = 	snop  }
0x3c: {  	p2 =	seq.s32 s10, $0x1;
	s10 =	sld [smem:$0x3FA8]  }
0x3d: {  	_ =	shalt  }
0x3e: {  	_ =	shalt  }
0x3f: {  	_ =	shalt  }
0x40: {  	_ =	shalt  }
0x41: {  	_ =	shalt  }
0x42: {  	_ =	shalt  }
0x43: {  	_ =	shalt  }
0x44: {  	_ =	shalt  }
0x45: {  	_ =	shalt  }
0x46: {  	_ =	shalt  }
0x47: {  	_ =	shalt  }
0x48: {  	_ =	shalt  }
0x49: {  	_ =	shalt  }
0x4a: {  	_ =	shalt  }
0x4b: {  	_ =	shalt  }
0x4c: {  	_ =	shalt  }
0x4d: {  	_ =	shalt  }
0x4e: {  	_ =	shalt  }
0x4f: {  	_ =	shalt  }
0x50: {  	_ =	shalt  }
0x51: {  	_ =	shalt  }
0x52: {  	_ =	shalt  }
0x53: {  	_ =	shalt  }
0x54: {  	_ =	shalt  }
0x55: {  	_ =	shalt  }
0x56: {  	_ =	shalt  }
0x57: {  	_ =	shalt  }
0x58: {  	_ =	shalt  }
0x59: {  	_ =	shalt  }
0x5a: {  	_ =	shalt  }
0x5b: {  	_ =	shalt  }
0x5c: {  	_ =	shalt  }
0x5d: {  	_ =	shalt  }
0x5e: {  	_ =	shalt  }
0x5f: {  	_ =	shalt  }
0x60: {  	_ =	shalt  }
0x61: {  	_ =	shalt  }
0x62: {  	_ =	shalt  }
0x63: {  	_ =	shalt  }
0x64: {  	_ =	shalt  }
0x65: {  	_ =	shalt  }
0x66: {  	_ =	shalt  }
0x67: {  	_ =	shalt  }
0x68: {  	_ =	shalt  }
0x69: {  	_ =	shalt  }
0x6a: {  	_ =	shalt  }
0x6b: {  	_ =	shalt  }
0x6c: {  	_ =	shalt  }
0x6d: {  	_ =	shalt  }
0x6e: {  	_ =	shalt  }
0x6f: {  	_ =	shalt  }
0x70: {  	_ =	shalt  }
0x71: {  	_ =	shalt  }
0x72: {  	_ =	shalt  }
0x73: {  	_ =	shalt  }
0x74: {  	_ =	shalt  }
0x75: {  	_ =	shalt  }
0x76: {  	_ =	shalt  }
0x77: {  	_ =	shalt  }
0x78: {  	_ =	shalt  }
0x79: {  	_ =	shalt  }
0x7a: {  	_ =	shalt  }
0x7b: {  	_ =	shalt  }
0x7c: {  	_ =	shalt  }
0x7d: {  	_ =	shalt  }
0x7e: {  	_ =	shalt  }
0x7f: {  	_ =	shalt  }
0x80: {  	_ =	shalt  }
0x81: {  	_ =	shalt  }
0x82: {  	_ =	shalt  }
0x83: {  	_ =	shalt  }
0x84: {  	_ =	shalt  }
0x85: {  	_ =	shalt  }
0x86: {  	_ =	shalt  }
0x87: {  	_ =	shalt  }
.Lfunc_end0:
.L_simem_size_0:
called_computation_lowered:
.L_overlay_start_0:
0x88: {  	s2 =	sld [smem:$0x3FD9]  }
0x89: {  	s3 =	sld [smem:$0x3FFE];
	_ =	sdelay $0x1  }
0x8a: {  	s1 =	srdreg.scid  }
0x8b: {  	s0 =	sand.u32 $0x1, s1  }
0x8c: {  	s17 =	sshll.u32 s0, $0xA;
	s2 =	sadd.s32 s3, s2  }
0x8d: {  	s2 =	sadd.s32 s2, s17  }
0x8e: {  	[smem:$0x3FB4] =	sst s2  }
0x8f: {  	_ = 	snop  }
0x90: {  	(tm) =	ssettm $0x1  }
0x91: {  	s18 =	sld [smem:$0x3FFB];
	_ =	sdelay $0x3  }
0x92: {  	_ =	strace s18  }
0x93: {  	s2 =	sld [smem:$0x3FFC];
	_ =	sdelay $0x3  }
0x94: {  	_ =	strace s2  }
0x95: {  	s2 =	sld [smem:$0x3FFD];
	_ =	sdelay $0x3  }
0x96: {  	_ =	strace s2  }
0x97: {  	_ =	strace $0x8FFFFFFF  }
0x98: {  	s19 =	sld [smem:$0x3FDB];
	_ =	sdelay $0x1  }
0x99: {  	s20 =	simm.s32 $_scs_section_size  }
0x9a: {  	s4 =	simm.s32 $_size__tile_overlayer_lowered;
	s5 =	simm.s32 $_tile_overlayer_lowered  }
0x9b: {  	s6 =	simm.s32 $0x1BFF;
	s21 =	sshll.u32 s5, $0x1;
	s3 =	sadd.s32 s20, s19  }
0x9c: {  	s22 =	simm.s32 $0x0;
	s4 =	sshll.u32 s4, $0x1;
	s5 =	sadd.s32 s21, s3  }
0x9d: {  	[timem:s22], [sflag:s6] =	dma.local [hbm:s5], s4  }
0x9e: {  	_ =	swait.ge [sflag:s6], s4  }
0x9f: {  	s4 =	ssub.s32 $0x0, s4;
	[sflag:s6] =	ssyncset.done $0x0  }
0xa0: {  	[sflag:s6] =	ssyncadd.s32 s4;
	_ =	sdelay $0x1  }
0xa1: {  	s23 =	simm.s32 $0x1B8B  }
0xa2: {  	_ =	swait.ge [sflag:s23], $0x1  }
0xa3: {  	[sflag:s23] =	ssyncset.done $0x0  }
0xa4: {  	[sflag:s23] =	ssyncadd.s32 $0xFFFFFFFF  }
0xa5: {  	s4 =	sld [smem:$0x0]  }
0xa6: {  	s5 =	sand.u32 $0xFFFFFFFE, s1  }
0xa7: {  	p0 =	sne.s32 s1, s5  }
0xa8: {  	s5 =	sshll.u32 @p0 s5, $0xE  }
0xa9: {  	s5 =	sadd.s32 @p0 $0x11B8D, s5;
	s6 =	sshll.u32 @p0 s4, $0x11  }
0xaa: {  	s5 =	sor.u32 @p0 s6, s5  }
0xab: {  	[sflag:s5] =	ssyncadd.remote.s32 @p0 $0x1;
	_ =	sdelay $0x1  }
0xac: {  	s5 =	simm.s32 @p0 $0x1B8D  }
0xad: {  	_ =	swait.eq @p0 [sflag:s5], $0x1  }
0xae: {  	[sflag:s5] =	ssyncadd.s32 @p0 $0xFFFFFFFF  }
0xaf: {  	s6 =	sshll.u32 @!p0 s1, $0xE  }
0xb0: {  	s6 =	sor.u32 @!p0 $0x4000, s6;
	s5 =	simm.s32 @!p0 $0x1B8D  }
0xb1: {  	s4 =	sshll.u32 @!p0 s4, $0x11;
	s6 =	sadd.s32 @!p0 $0x11B8D, s6;
	_ =	swait.eq @!p0 [sflag:s5], $0x1  }
0xb2: {  	s4 =	sor.u32 @!p0 s4, s6;
	[sflag:s5] =	ssyncadd.s32 @!p0 $0xFFFFFFFF  }
0xb3: {  	s25 =	simm.s32 $0x1B8E;
	s24 =	sld [smem:$0x3FFE];
	[sflag:s4] =	ssyncadd.remote.s32 @!p0 $0x1  }
0xb4: {  	s26 =	simm.s32 $execute0_lowered;
	[smem:$0x3FD2] =	sst s25  }
0xb5: {  	s5 =	sshll.u32 s26, $0x1;
	_ =	strace $0x80000049;
	[dreg:$0x1] =	wrdreg $0xFFFFFFFF  }
0xb6: {  	s28 =	simm.s32 $_size_execute0_lowered;
	s3 =	sadd.s32 s3, s5;
	[dreg:$0x0] =	wrdreg $0x0  }
0xb7: {  	s5 =	sshll.u32 s28, $0x1;
	[dreg:$0x2] =	wrdreg s3  }
0xb8: {  	[dreg:$0x3] =	wrdreg s5  }
0xb9: {  	[dreg:$0x4] =	wrdreg $0xC0  }
0xba: {  	_ =	task [dreg:s22], $0x5FFFF  }
0xbb: {  	[dreg:$0x1] =	wrdreg $0xFFFFFFFF  }
0xbc: {  	[dreg:$0x0] =	wrdreg $0x60  }
0xbd: {  	[dreg:$0x2] =	wrdreg s24  }
0xbe: {  	[dreg:$0x3] =	wrdreg $0xA8000  }
0xbf: {  	[dreg:$0x4] =	wrdreg $0x9  }
0xc0: {  	_ =	task.clear_ibuf [dreg:s22], $0x5FFFF;
	_ =	strace $0x90000049  }
0xc1: {  	s29 =	simm.s32 $0x9;
	_ =	strace $0x8000004B  }
0xc2: {  	_ =	swait.ge [sflag:s29], $0x1  }
0xc3: {  	[sflag:s29] =	ssyncadd.s32 $0xFFFFFFFF  }
0xc4: {  	_ =	strace $0x9000004B  }
0xc5: {  	_ =	sfence  }
0xc6: {  	s30 =	sld [smem:$0x0];
	_ =	sdelay $0x2  }
0xc7: {  	s31 =	sshll.u32 s1, $0xD;
	s1 =	sshrl.u32 s1, $0x2  }
0xc8: {  	s4 =	sand.u32 $0x4000, s31;
	s1 =	sadd.s32 s1, s30  }
0xc9: {  	s0 =	sor.u32 s4, s0;
	s1 =	sshll.u32 s1, $0x11  }
0xca: {  	s0 =	sor.u32 s1, s0  }
0xcb: {  	s0 =	sadd.s32 $0x8F2B, s0  }
0xcc: {  	[sflag:s0] =	ssyncadd.remote.s32 $0x1  }
0xcd: {  	_ =	sfence.sel $0xFFFF  }
0xce: {  	[dreg:$0x0] =	wrdreg $0xFFFFFFFF;
	(pc) =	sbr.abs _section_cstart, $3  }
0xcf: {  	[dreg:$0x1] =	wrdreg $0xFFFFFFFF  }
0xd0: {  	_ =	task.clear_ibuf [dreg:s22], $0x2FFFF;
	_ =	strace $0x9FFFFFFF  }
0xd1: {  	(tm) =	ssettm $0x7FFFFFFF  }
tec
execute0_lowered:
.L_overlay_start_1:
0x0: {  	(tag) =	ssettag $0x1  }
0x1: {  	s1 =	srdreg.scid  }
0x2: {  	s0 =	stileid.u32;
	s5 =	rddreg [dreg:$0x0]  }
0x3: {  	s2 =	rddreg [dreg:$0x1];
	s3 =	simm.s32 $0x0;
	s14 =	simm.s32 $0x1  }
0x4: {  	s15 =	simm.s32 $0x0;
	s4 =	sand.u32 $0x1, s1;
	s7 =	smul.u32 $0x13C00, s0  }
0x5: {  	s24 =	sshll.u32 s0, $0x1;
	[smem:$0x7FF] =	sst s3;
	s28 =	smul.u32 $0x4F000, s0  }
0x6: {  	s31 =	sshll.u32 s0, $0x6;
	s1 =	sor.u32 s4, s24;
	s8 =	smul.u32 $0x13C000, s4  }
0x7: {  	s26 =	ssub.s32 $0x2, s4;
	s4 =	sadd.s32 $0xF1800, s5;
	s6 =	smul.u32 $0x500, s1  }
0x8: {  	s1 =	rddreg [dreg:$0x2];
	_ =	strace $0x8000004A;
	s9 =	sshrl.u32 s7, $0x3  }
0x9: {  	s29 =	sshrl.u32 s26, $0x1;
	s30 =	sshrl.u32 s28, $0x2;
	s25 =	sadd.s32 s9, s5  }
0xa: {  	s7 =	sadd.s32 s7, s8;
	s12 =	ssub.s32 s26, s29;
	s13 =	sadd.s32 s30, s2  }
0xb: {  	s10 =	sadd.s32 s6, s5;
	s7 =	sshrl.u32 s7, $0x3;
	s6 =	sor.u32 $0x1C02, s31  }
0xc: {  	s9 =	smax.u32 s12, $0x1;
	s12 =	simm.s32 $0x2800;
	s11 =	sadd.s32 s7, s5  }
0xd: {  	s5 =	sadd.s32 $0x7B000, s25;
	s7 =	sadd.s32 $0x4C00, s10;
	s10 =	sshrl.u32 s13, $0x3  }
0xe: {  	s13 =	simm.s32 $0x80;
	s8 =	sadd.s32 $0xF2000, s11;
	s11 =	simm.s32 $0x2  }
.LBB2_1:
0xf: {  	[spmem:s10], [sflag:s6] =	dma.local [hbm:s5], $0x2780  }
0x10: {  	_ =	swait.ge [sflag:s11], $0x2780  }
0x11: {  	[sflag:s11] =	ssyncset.done $0x0  }
0x12: {  	[sflag:s11] =	ssyncadd.s32 $0xFFFFD880  }
0x13: {  	[tilespmem:s12], [sflag:$0x2] =	stream.linear.gather [hbm4b:s4+s3], $0x4000, $0x38;
	[tilespmem:$0x1E400] =	vst v63  }
0x14: {  	_ =	swait.ge [sflag:s11], $0x4000  }
0x15: {  	[sflag:s11] =	ssyncset.done $0x0  }
0x16: {  	[sflag:s11] =	ssyncadd.s32 $0xFFFFC000  }
0x17: {  	[tilespmem:s3], [sflag:$0x2] =	stream.linear.gather [hbm4b:s7+s3], $0x2800, $0x38;
	[tilespmem:$0x1E400] =	vst v63  }
0x18: {  	_ =	swait.ge [sflag:s11], $0x2800  }
0x19: {  	[sflag:s11] =	ssyncset.done $0x0  }
0x1a: {  	[sflag:s11] =	ssyncadd.s32 $0xFFFFD800  }
0x1b: {  	s16 =	simm.s32 $0x0;
	[bflag:$0x0] =	sbarrier.arrive $0xFFFF  }
0x1c: {  	[spmem:s2] =	stream.indirect.scatter.add.f32 [tilespmem:s12], [sflag:$0x1], $0x80, s16, s13, $0xb8;
	[tilespmem:$0x1E400] =	vst v63  }
0x1d: {  	s24 =	simm.s32 $0x80  }
0x1e: {  	[spmem:s2] =	stream.indirect.scatter.add.f32 [tilespmem:s12], [sflag:$0x1], $0x80, s24, s13, $0xb8;
	[tilespmem:$0x1E400] =	vst v63  }
0x1f: {  	_ =	swait.ge [sflag:s14], $0x4000  }
0x20: {  	[sflag:s14] =	ssyncset.done $0x0  }
0x21: {  	[sflag:s14] =	ssyncadd.s32 $0xFFFFC000  }
0x22: {  	_ =	swait.ge [sflag:s14], $0x4000  }
0x23: {  	[sflag:s14] =	ssyncset.done $0x0  }
0x24: {  	s25 =	simm.s32 $0x100;
	[sflag:s14] =	ssyncadd.s32 $0xFFFFC000  }
0x25: {  	[spmem:s2] =	stream.indirect.scatter.add.f32 [tilespmem:s12], [sflag:$0x1], $0x80, s25, s13, $0xb8;
	[tilespmem:$0x1E400] =	vst v63  }
0x26: {  	s26 =	simm.s32 $0x180  }
0x27: {  	[spmem:s2] =	stream.indirect.scatter.add.f32 [tilespmem:s12], [sflag:$0x1], $0x80, s26, s13, $0xb8;
	[tilespmem:$0x1E400] =	vst v63  }
0x28: {  	_ =	swait.ge [sflag:s14], $0x4000  }
0x29: {  	[sflag:s14] =	ssyncset.done $0x0  }
0x2a: {  	[sflag:s14] =	ssyncadd.s32 $0xFFFFC000  }
0x2b: {  	_ =	swait.ge [sflag:s14], $0x4000  }
0x2c: {  	[sflag:s14] =	ssyncset.done $0x0  }
0x2d: {  	s28 =	simm.s32 $0x200;
	[sflag:s14] =	ssyncadd.s32 $0xFFFFC000  }
0x2e: {  	[spmem:s2] =	stream.indirect.scatter.add.f32 [tilespmem:s12], [sflag:$0x1], $0x80, s28, s13, $0xb8;
	[tilespmem:$0x1E400] =	vst v63  }
0x2f: {  	s29 =	simm.s32 $0x280  }
0x30: {  	[spmem:s2] =	stream.indirect.scatter.add.f32 [tilespmem:s12], [sflag:$0x1], $0x80, s29, s13, $0xb8;
	[tilespmem:$0x1E400] =	vst v63  }
0x31: {  	_ =	swait.ge [sflag:s14], $0x4000  }
0x32: {  	[sflag:s14] =	ssyncset.done $0x0  }
0x33: {  	[sflag:s14] =	ssyncadd.s32 $0xFFFFC000  }
0x34: {  	_ =	swait.ge [sflag:s14], $0x4000  }
0x35: {  	[sflag:s14] =	ssyncset.done $0x0  }
0x36: {  	s30 =	simm.s32 $0x300;
	[sflag:s14] =	ssyncadd.s32 $0xFFFFC000  }
0x37: {  	[spmem:s2] =	stream.indirect.scatter.add.f32 [tilespmem:s12], [sflag:$0x1], $0x80, s30, s13, $0xb8;
	[tilespmem:$0x1E400] =	vst v63  }
0x38: {  	s31 =	simm.s32 $0x380  }
0x39: {  	[spmem:s2] =	stream.indirect.scatter.add.f32 [tilespmem:s12], [sflag:$0x1], $0x80, s31, s13, $0xb8;
	[tilespmem:$0x1E400] =	vst v63  }
0x3a: {  	_ =	swait.ge [sflag:s14], $0x4000  }
0x3b: {  	[sflag:s14] =	ssyncset.done $0x0  }
0x3c: {  	[sflag:s14] =	ssyncadd.s32 $0xFFFFC000  }
0x3d: {  	_ =	swait.ge [sflag:s14], $0x4000  }
0x3e: {  	s19 =	simm.s32 $0x2000;
	s16 =	simm.s32 $0x1000;
	[sflag:s14] =	ssyncset.done $0x0  }
.LBB2_2:
0x3f: {  	s18 =	sshra.s32 s16, $0x2  }
0x40: {  	[sflag:s14] =	ssyncadd.s32 $0xFFFFC000;
	s16 =	smov.u32 s19;
	s17 =	sadd.s32 $0x1000, s19  }
0x41: {  	[spmem:s2] =	stream.indirect.scatter.add.f32 [tilespmem:s12], [sflag:$0x1], $0x80, s18, s13, $0xb8;
	[tilespmem:$0x1E400] =	vst v63  }
0x42: {  	p0 =	sne.s32 s19, $0x9000;
	s19 =	sadd.s32 $0x80, s18  }
0x43: {  	[spmem:s2] =	stream.indirect.scatter.add.f32 [tilespmem:s12], [sflag:$0x1], $0x80, s19, s13, $0xb8;
	[tilespmem:$0x1E400] =	vst v63  }
0x44: {  	_ =	swait.ge [sflag:s14], $0x4000  }
0x45: {  	[sflag:s14] =	ssyncset.done $0x0  }
0x46: {  	[sflag:s14] =	ssyncadd.s32 $0xFFFFC000  }
0x47: {  	_ =	swait.ge [sflag:s14], $0x4000  }
0x48: {  	[sflag:s14] =	ssyncset.done $0x0  }
0x49: {  	s19 =	sadd.s32 $0x100, s18;
	[sflag:s14] =	ssyncadd.s32 $0xFFFFC000  }
0x4a: {  	[spmem:s2] =	stream.indirect.scatter.add.f32 [tilespmem:s12], [sflag:$0x1], $0x80, s19, s13, $0xb8;
	[tilespmem:$0x1E400] =	vst v63  }
0x4b: {  	s19 =	sadd.s32 $0x180, s18  }
0x4c: {  	[spmem:s2] =	stream.indirect.scatter.add.f32 [tilespmem:s12], [sflag:$0x1], $0x80, s19, s13, $0xb8;
	[tilespmem:$0x1E400] =	vst v63  }
0x4d: {  	_ =	swait.ge [sflag:s14], $0x4000  }
0x4e: {  	[sflag:s14] =	ssyncset.done $0x0  }
0x4f: {  	[sflag:s14] =	ssyncadd.s32 $0xFFFFC000  }
0x50: {  	_ =	swait.ge [sflag:s14], $0x4000  }
0x51: {  	[sflag:s14] =	ssyncset.done $0x0  }
0x52: {  	s19 =	sadd.s32 $0x200, s18;
	[sflag:s14] =	ssyncadd.s32 $0xFFFFC000  }
0x53: {  	[spmem:s2] =	stream.indirect.scatter.add.f32 [tilespmem:s12], [sflag:$0x1], $0x80, s19, s13, $0xb8;
	[tilespmem:$0x1E400] =	vst v63  }
0x54: {  	s19 =	sadd.s32 $0x280, s18  }
0x55: {  	[spmem:s2] =	stream.indirect.scatter.add.f32 [tilespmem:s12], [sflag:$0x1], $0x80, s19, s13, $0xb8;
	[tilespmem:$0x1E400] =	vst v63  }
0x56: {  	_ =	swait.ge [sflag:s14], $0x4000  }
0x57: {  	[sflag:s14] =	ssyncset.done $0x0  }
0x58: {  	[sflag:s14] =	ssyncadd.s32 $0xFFFFC000  }
0x59: {  	_ =	swait.ge [sflag:s14], $0x4000  }
0x5a: {  	[sflag:s14] =	ssyncset.done $0x0  }
0x5b: {  	s19 =	sadd.s32 $0x300, s18;
	[sflag:s14] =	ssyncadd.s32 $0xFFFFC000  }
0x5c: {  	[spmem:s2] =	stream.indirect.scatter.add.f32 [tilespmem:s12], [sflag:$0x1], $0x80, s19, s13, $0xb8;
	[tilespmem:$0x1E400] =	vst v63  }
0x5d: {  	s18 =	sadd.s32 $0x380, s18  }
0x5e: {  	[spmem:s2] =	stream.indirect.scatter.add.f32 [tilespmem:s12], [sflag:$0x1], $0x80, s18, s13, $0xb8;
	[tilespmem:$0x1E400] =	vst v63  }
.Ltmp0:
0x5f: {  	_ =	swait.ge [sflag:s14], $0x4000;
	(pc) =	sbr.rel @p0 .LBB2_2-.Ltmp0, $4  }
0x60: {  	[sflag:s14] =	ssyncset.done $0x0  }
0x61: {  	[sflag:s14] =	ssyncadd.s32 $0xFFFFC000  }
0x62: {  	_ =	swait.ge [sflag:s14], $0x4000  }
0x63: {  	s19 =	smov.u32 s17;
	[sflag:s14] =	ssyncset.done $0x0  }
0x64: {  	s16 =	sshra.s32 s16, $0x2;
	[sflag:s14] =	ssyncadd.s32 $0xFFFFC000  }
0x65: {  	[spmem:s2] =	stream.indirect.scatter.add.f32 [tilespmem:s12], [sflag:$0x1], $0x80, s16, s13, $0xb8;
	[tilespmem:$0x1E400] =	vst v63  }
0x66: {  	s17 =	sadd.s32 $0x80, s16  }
0x67: {  	[spmem:s2] =	stream.indirect.scatter.add.f32 [tilespmem:s12], [sflag:$0x1], $0x80, s17, s13, $0xb8;
	[tilespmem:$0x1E400] =	vst v63  }
0x68: {  	_ =	swait.ge [sflag:s14], $0x4000  }
0x69: {  	[sflag:s14] =	ssyncset.done $0x0  }
0x6a: {  	[sflag:s14] =	ssyncadd.s32 $0xFFFFC000  }
0x6b: {  	_ =	swait.ge [sflag:s14], $0x4000  }
0x6c: {  	[sflag:s14] =	ssyncset.done $0x0  }
0x6d: {  	s26 =	sadd.s32 $0x100, s16;
	[sflag:s14] =	ssyncadd.s32 $0xFFFFC000  }
0x6e: {  	[spmem:s2] =	stream.indirect.scatter.add.f32 [tilespmem:s12], [sflag:$0x1], $0x80, s26, s13, $0xb8;
	[tilespmem:$0x1E400] =	vst v63  }
0x6f: {  	s28 =	sadd.s32 $0x180, s16  }
0x70: {  	[spmem:s2] =	stream.indirect.scatter.add.f32 [tilespmem:s12], [sflag:$0x1], $0x80, s28, s13, $0xb8;
	[tilespmem:$0x1E400] =	vst v63  }
0x71: {  	_ =	swait.ge [sflag:s14], $0x4000  }
0x72: {  	[sflag:s14] =	ssyncset.done $0x0  }
0x73: {  	[sflag:s14] =	ssyncadd.s32 $0xFFFFC000  }
0x74: {  	_ =	swait.ge [sflag:s14], $0x4000  }
0x75: {  	[sflag:s14] =	ssyncset.done $0x0  }
0x76: {  	s29 =	sadd.s32 $0x200, s16;
	[sflag:s14] =	ssyncadd.s32 $0xFFFFC000  }
0x77: {  	[spmem:s2] =	stream.indirect.scatter.add.f32 [tilespmem:s12], [sflag:$0x1], $0x80, s29, s13, $0xb8;
	[tilespmem:$0x1E400] =	vst v63  }
0x78: {  	s30 =	sadd.s32 $0x280, s16  }
0x79: {  	[spmem:s2] =	stream.indirect.scatter.add.f32 [tilespmem:s12], [sflag:$0x1], $0x80, s30, s13, $0xb8;
	[tilespmem:$0x1E400] =	vst v63  }
0x7a: {  	_ =	swait.ge [sflag:s14], $0x4000  }
0x7b: {  	[sflag:s14] =	ssyncset.done $0x0  }
0x7c: {  	[sflag:s14] =	ssyncadd.s32 $0xFFFFC000  }
0x7d: {  	_ =	swait.ge [sflag:s14], $0x4000  }
0x7e: {  	[sflag:s14] =	ssyncset.done $0x0  }
0x7f: {  	s31 =	sadd.s32 $0x300, s16;
	[sflag:s14] =	ssyncadd.s32 $0xFFFFC000  }
0x80: {  	[spmem:s2] =	stream.indirect.scatter.add.f32 [tilespmem:s12], [sflag:$0x1], $0x80, s31, s13, $0xb8;
	[tilespmem:$0x1E400] =	vst v63  }
0x81: {  	s16 =	sadd.s32 $0x380, s16  }
0x82: {  	[spmem:s2] =	stream.indirect.scatter.add.f32 [tilespmem:s12], [sflag:$0x1], $0x80, s16, s13, $0xb8;
	[tilespmem:$0x1E400] =	vst v63  }
0x83: {  	_ =	swait.ge [sflag:s14], $0x4000  }
0x84: {  	[sflag:s14] =	ssyncset.done $0x0  }
0x85: {  	[sflag:s14] =	ssyncadd.s32 $0xFFFFC000  }
0x86: {  	_ =	swait.ge [sflag:s14], $0x4000  }
0x87: {  	s15 =	sadd.s32 $0x1, s15;
	[sflag:s14] =	ssyncset.done $0x0  }
0x88: {  	p0 =	sne.s32 s15, s9;
	[sflag:s14] =	ssyncadd.s32 $0xFFFFC000  }
.Ltmp1:
0x89: {  	[bflag:$0x0] =	sbarrier.arrive $0xFFFF;
	(pc) =	sbr.rel @p0 .LBB2_1-.Ltmp1, $4  }
0x8a: {  	[hbm:s8], [sflag:s6] =	dma.local [spmem:s10], $0x2780  }
0x8b: {  	_ =	swait.ge [sflag:s11], $0x2780  }
0x8c: {  	[sflag:s11] =	ssyncset.done $0x0  }
0x8d: {  	[sflag:s11] =	ssyncadd.s32 $0xFFFFD880  }
0x8e: {  	_ =	sfence.sel $0x180000  }
0x8f: {  	[bflag:$0x0] =	sbarrier.arrive $0xFFFF  }
0x90: {  	p0 =	sne.s32 s0, $0x0;
	_ =	strace $0x9000004A  }
0x91: {  	s0 =	sadd.s32 @!p0 $0x100000, s1;
	[bflag:$0x2] =	sbarrier.arrive $0xFFFF  }
0x92: {  	[sflag:s0] =	ssyncadd.tile.s32 @!p0 $0x1;
	_ =	shalt  }
.Lfunc_end2:
_tile_overlayer_lowered:
.L_overlay_start_2:
0x93: {  	(tag) =	ssettag $0x2  }
0x94: {  	s0 =	rddreg [dreg:$0x0];
	s2 =	stileid.u32  }
0x95: {  	s1 =	rddreg [dreg:$0x1];
	p0 =	sne.s32 s2, $0x0  }
0x96: {  	s3 =	rddreg [dreg:$0x2];
	[bflag:$0x3] =	sbarrier.arrive $0xFFFF;
	s2 =	simm.s32 @!p0 $0x1C02  }
0x97: {  	[timem:s3], [sflag:s2] =	dma.local @!p0 [hbm:s0], s1  }
0x98: {  	s0 =	simm.s32 @!p0 $0x2  }
0x99: {  	_ =	swait.ge @!p0 [sflag:s0], s1  }
0x9a: {  	s1 =	ssub.s32 @!p0 $0x0, s1;
	[sflag:s0] =	ssyncset.done @!p0 $0x0  }
0x9b: {  	[sflag:s0] =	ssyncadd.s32 @!p0 s1  }
0x9c: {  	[bflag:$0x3] =	sbarrier.arrive $0xFFFF  }
0x9d: {  	_ =	shalt  }

</sc_bundles>
